<compile_context>
chip_gen: v7x
topology: tpu7x:2x2x1
jax: 0.10.2.dev20260603
libtpu: 0.0.44.dev20260713+nightly
codegen_flags: <defaults>
</compile_context>

<pallas_src>
import functools

import jax
import jax.numpy as jnp
from jax import lax
from jax.experimental import pallas as pl
from jax.experimental.pallas import tpu as pltpu
from jax.experimental.pallas import tpu_sc as plsc

D = 128
B = 4096
L = 50
LPAD = 56
NW = 32
SEQ_PER_W = B // NW
CHUNK_SEQ = 4
NCHUNK = SEQ_PER_W // CHUNK_SEQ
NVEC = D // 16
NBUF = 4


def _issue_chunk(x_hbm, tok_hbm, idx_v, rows_v, gsem, kb, b0):
    pltpu.sync_copy(x_hbm.at[pl.ds(b0, CHUNK_SEQ)], idx_v.at[kb])
    for s in range(CHUNK_SEQ):
        pltpu.async_copy(
            tok_hbm.at[idx_v.at[kb].at[s]],
            rows_v.at[kb].at[s],
            gsem[kb],
        )


def _wait_gather(tok_hbm, idx_v, rows_v, gsem, kb):
    for s in range(CHUNK_SEQ):
        pltpu.make_async_copy(
            tok_hbm.at[idx_v.at[kb].at[s]],
            rows_v.at[kb].at[s],
            gsem[kb],
        ).wait()


def _wait_ocopy(rows_v, out_hbm, osem, kb):
    pltpu.make_async_copy(
        rows_v.at[kb], out_hbm.at[pl.ds(0, CHUNK_SEQ)], osem[kb]
    ).wait()


def _add_pos(rows_v, pos_v, kb):
    @plsc.parallel_loop(0, L, unroll=2)
    def l_body(l):
        pv = [pos_v[l, pl.ds(jj * 16, 16)] for jj in range(NVEC)]
        for s in range(CHUNK_SEQ):
            for jj in range(NVEC):
                sl = pl.ds(jj * 16, 16)
                rows_v[kb, s, l, sl] = rows_v[kb, s, l, sl] + pv[jj]


def _emb_body(x_hbm, tok_hbm, pos_hbm, out_hbm, idx_v, rows_v, pos_v,
              gs0, gs1, gs2, gs3, os0, os1, os2, os3):
    gsem = [gs0, gs1, gs2, gs3]
    osem = [os0, os1, os2, os3]
    wid = lax.axis_index("s") * 2 + lax.axis_index("c")
    base = wid * NCHUNK
    pltpu.sync_copy(pos_hbm, pos_v)

    for c in range(NBUF - 1):
        _issue_chunk(x_hbm, tok_hbm, idx_v, rows_v, gsem, c,
                     (base + c) * CHUNK_SEQ)

    def group_body(g, carry):
        for k in range(NBUF):
            c = g * NBUF + k
            b0 = (base + c) * CHUNK_SEQ
            _wait_gather(tok_hbm, idx_v, rows_v, gsem, k)
            _add_pos(rows_v, pos_v, k)
            pltpu.async_copy(
                rows_v.at[k], out_hbm.at[pl.ds(b0, CHUNK_SEQ)], osem[k]
            )
            kn = (k + NBUF - 1) % NBUF
            cn = c + NBUF - 1

            @pl.when(cn < NCHUNK)
            def _issue_next():
                @pl.when(c >= 1)
                def _drain_prev():
                    _wait_ocopy(rows_v, out_hbm, osem, kn)

                _issue_chunk(x_hbm, tok_hbm, idx_v, rows_v, gsem, kn,
                             (base + cn) * CHUNK_SEQ)

        return carry

    lax.fori_loop(0, NCHUNK // NBUF, group_body, 0)
    for k in range(NBUF):
        _wait_ocopy(rows_v, out_hbm, osem, k)


_emb = functools.partial(
    pl.kernel,
    out_type=jax.ShapeDtypeStruct((B, L, D), jnp.float32),
    mesh=plsc.VectorSubcoreMesh(core_axis_name="c", subcore_axis_name="s"),
    scratch_types=[
        pltpu.VMEM((NBUF, CHUNK_SEQ, L), jnp.int32),
        pltpu.VMEM((NBUF, CHUNK_SEQ, L, D), jnp.float32),
        pltpu.VMEM((L, D), jnp.float32),
    ] + [pltpu.SemaphoreType.DMA] * (2 * NBUF),
    compiler_params=pltpu.CompilerParams(use_tc_tiling_on_sc=True),
)(_emb_body)


def kernel(x, token_table, pos_table):
    return _emb(x.astype(jnp.int32), token_table, pos_table)

# --- scband reference (transcript-rebuilt; emitter-appended) ---
"""Pipeline reference for scband-embeddings-block-22625887715473 (READ-ONLY COPY).

The authoritative reference and input builder live on the scoring server;
editing this copy changes nothing except your own understanding.
"""

import jax, jax.numpy as jnp
import numpy as np

VOCAB_SIZE = 52000
D_MODEL = 128
CONTEXT_WINDOW = 50
BATCH = 4096
SEQ_LEN = 50


def setup_inputs(seed: int = 0) -> dict:
    key = jax.random.key(seed)
    k1, k2, k3 = jax.random.split(key, 3)
    x = jax.random.randint(k1, (BATCH, SEQ_LEN), 0, VOCAB_SIZE, dtype=jnp.int64 if jax.config.jax_enable_x64 else jnp.int32)
    token_table = jax.random.normal(k2, (VOCAB_SIZE, D_MODEL), dtype=jnp.float32)
    pos_table = jax.random.normal(k3, (CONTEXT_WINDOW, D_MODEL), dtype=jnp.float32)
    return {"x": x, "token_table": token_table, "pos_table": pos_table}


def reference(x, token_table, pos_table):
    # token embedding lookup (gather)
    token_embds = jnp.take(token_table, x, axis=0)  # [B, L, D]
    seq_length = x.shape[1]
    pos_ids = jnp.arange(seq_length)
    pos_embds = jnp.take(pos_table, pos_ids, axis=0)  # [L, D]
    out = token_embds + pos_embds[None, :, :]
    # dropout with p=0.0 is identity
    return out

if __name__ == "__main__":
    import jax
    _d = setup_inputs()
    print(jax.jit(kernel)(*tuple(_d.values())))

</pallas_src>

<mosaic_0001>
#map = affine_map<(d0, d1) -> (0, 0)>
#map1 = affine_map<(d0, d1) -> (0, 0, 0)>
module attributes {stable_mosaic.version = 14 : i64} {
  func.func @_emb_body(%arg0: i32, %arg1: i32, %arg2: memref<4096x50xi32, #tpu.memory_space<hbm>>, %arg3: memref<52000x128xf32, #tpu.memory_space<hbm>>, %arg4: memref<50x128xf32, #tpu.memory_space<hbm>>, %arg5: memref<4096x50x128xf32, #tpu.memory_space<hbm>>, %arg6: memref<4x4x50xi32, #tpu.memory_space<vmem>>, %arg7: memref<4x4x50x128xf32, #tpu.memory_space<vmem>>, %arg8: memref<50x128xf32, #tpu.memory_space<vmem>>, %arg9: memref<!tpu.dma_semaphore, #tpu.memory_space<semaphore_mem>>, %arg10: memref<!tpu.dma_semaphore, #tpu.memory_space<semaphore_mem>>, %arg11: memref<!tpu.dma_semaphore, #tpu.memory_space<semaphore_mem>>, %arg12: memref<!tpu.dma_semaphore, #tpu.memory_space<semaphore_mem>>, %arg13: memref<!tpu.dma_semaphore, #tpu.memory_space<semaphore_mem>>, %arg14: memref<!tpu.dma_semaphore, #tpu.memory_space<semaphore_mem>>, %arg15: memref<!tpu.dma_semaphore, #tpu.memory_space<semaphore_mem>>, %arg16: memref<!tpu.dma_semaphore, #tpu.memory_space<semaphore_mem>>) attributes {dimension_semantics = [#tpu.dimension_semantics<core_parallel>, #tpu.dimension_semantics<subcore_parallel>], iteration_bounds = array<i64: 2, 16>, scalar_prefetch = 0 : i64, scratch_operands = 11 : i64, tpu.core_type = #tpu.core_type<sc_vector_subcore>, window_params = [{transform_indices = #map}, {transform_indices = #map}, {transform_indices = #map}, {transform_indices = #map1}]} {
    %mul3A = arith.constant 2 : i32
    %mul3A_0 = arith.muli %arg1, %mul3A : i32
    %add3A = arith.addi %mul3A_0, %arg0 : i32
    %mul3A_1 = arith.constant 32 : i32
    %mul3A_2 = arith.muli %add3A, %mul3A_1 : i32
    "tpu.region"() ({
      %run_scoped3A_372 = tpu.sem_alloc : memref<!tpu.dma_semaphore, #tpu.memory_space<semaphore_mem>>
      tpu.enqueue_dma source(%arg4 : memref<50x128xf32, #tpu.memory_space<hbm>>) target(%arg8 : memref<50x128xf32, #tpu.memory_space<vmem>>) target_semaphore(%run_scoped3A_372 : memref<!tpu.dma_semaphore, #tpu.memory_space<semaphore_mem>>)
      tpu.wait_dma2 semaphore(%run_scoped3A_372 : memref<!tpu.dma_semaphore, #tpu.memory_space<semaphore_mem>>) src(%arg4 : memref<50x128xf32, #tpu.memory_space<hbm>>) dst(%arg8 : memref<50x128xf32, #tpu.memory_space<vmem>>)
      tpu.yield
    }) : () -> ()
    %add3A_3 = arith.constant 0 : i32
    %add3A_4 = arith.addi %mul3A_2, %add3A_3 : i32
    %mul3A_5 = arith.constant 4 : i32
    %mul3A_6 = arith.muli %add3A_4, %mul3A_5 : i32
    %run_scoped3A = arith.constant 0 : i32
    "tpu.region"() ({
      %run_scoped3A_372 = tpu.sem_alloc : memref<!tpu.dma_semaphore, #tpu.memory_space<semaphore_mem>>
      %dma_start3A_373 = arith.constant 0 : i32
      %dma_start3A_374 = arith.constant 0 : i32
      %dma_start3A_375 = tpu.memref_slice %arg6[%run_scoped3A, %dma_start3A_373, %dma_start3A_374] : memref<4x4x50xi32, #tpu.memory_space<vmem>> -> memref<1x4x50xi32, #tpu.memory_space<vmem>>
      %dma_start3A_376 = tpu.memref_squeeze %dma_start3A_375 : memref<1x4x50xi32, #tpu.memory_space<vmem>> -> memref<4x50xi32, #tpu.memory_space<vmem>>
      %dma_start3A_377 = arith.constant 0 : i32
      %dma_start3A_378 = tpu.memref_slice %arg2[%mul3A_6, %dma_start3A_377] : memref<4096x50xi32, #tpu.memory_space<hbm>> -> memref<4x50xi32, #tpu.memory_space<hbm>>
      %dma_start3A_379 = arith.constant 0 : i32
      %dma_start3A_380 = arith.constant 0 : i32
      %dma_start3A_381 = tpu.memref_slice %arg6[%run_scoped3A, %dma_start3A_379, %dma_start3A_380] : memref<4x4x50xi32, #tpu.memory_space<vmem>> -> memref<1x4x50xi32, #tpu.memory_space<vmem>>
      %dma_start3A_382 = tpu.memref_squeeze %dma_start3A_381 : memref<1x4x50xi32, #tpu.memory_space<vmem>> -> memref<4x50xi32, #tpu.memory_space<vmem>>
      %dma_start3A_383 = arith.constant 0 : i32
      %dma_start3A_384 = tpu.memref_slice %arg2[%mul3A_6, %dma_start3A_383] : memref<4096x50xi32, #tpu.memory_space<hbm>> -> memref<4x50xi32, #tpu.memory_space<hbm>>
      tpu.enqueue_dma source(%dma_start3A_384 : memref<4x50xi32, #tpu.memory_space<hbm>>) target(%dma_start3A_382 : memref<4x50xi32, #tpu.memory_space<vmem>>) target_semaphore(%run_scoped3A_372 : memref<!tpu.dma_semaphore, #tpu.memory_space<semaphore_mem>>)
      %dma_wait3A_385 = arith.constant 0 : i32
      %dma_wait3A_386 = arith.constant 0 : i32
      %dma_wait3A_387 = tpu.memref_slice %arg6[%run_scoped3A, %dma_wait3A_385, %dma_wait3A_386] : memref<4x4x50xi32, #tpu.memory_space<vmem>> -> memref<1x4x50xi32, #tpu.memory_space<vmem>>
      %dma_wait3A_388 = tpu.memref_squeeze %dma_wait3A_387 : memref<1x4x50xi32, #tpu.memory_space<vmem>> -> memref<4x50xi32, #tpu.memory_space<vmem>>
      %dma_wait3A_389 = arith.constant 0 : i32
      %dma_wait3A_390 = tpu.memref_slice %arg2[%mul3A_6, %dma_wait3A_389] : memref<4096x50xi32, #tpu.memory_space<hbm>> -> memref<4x50xi32, #tpu.memory_space<hbm>>
      %dma_wait3A_391 = arith.constant 0 : i32
      %dma_wait3A_392 = arith.constant 0 : i32
      %dma_wait3A_393 = tpu.memref_slice %arg6[%run_scoped3A, %dma_wait3A_391, %dma_wait3A_392] : memref<4x4x50xi32, #tpu.memory_space<vmem>> -> memref<1x4x50xi32, #tpu.memory_space<vmem>>
      %dma_wait3A_394 = tpu.memref_squeeze %dma_wait3A_393 : memref<1x4x50xi32, #tpu.memory_space<vmem>> -> memref<4x50xi32, #tpu.memory_space<vmem>>
      %dma_wait3A_395 = arith.constant 0 : i32
      %dma_wait3A_396 = tpu.memref_slice %arg2[%mul3A_6, %dma_wait3A_395] : memref<4096x50xi32, #tpu.memory_space<hbm>> -> memref<4x50xi32, #tpu.memory_space<hbm>>
      tpu.wait_dma2 semaphore(%run_scoped3A_372 : memref<!tpu.dma_semaphore, #tpu.memory_space<semaphore_mem>>) src(%dma_wait3A_396 : memref<4x50xi32, #tpu.memory_space<hbm>>) dst(%dma_wait3A_394 : memref<4x50xi32, #tpu.memory_space<vmem>>)
      tpu.yield
    }) : () -> ()
    %dma_start3A = arith.constant 0 : i32
    %dma_start3A_7 = arith.constant 0 : i32
    %dma_start3A_8 = arith.constant 0 : i32
    %dma_start3A_9 = arith.constant 0 : i32
    %dma_start3A_10 = arith.constant 0 : i32
    %dma_start3A_11 = arith.constant 0 : i32
    %dma_start3A_12 = arith.constant 0 : i32
    %dma_start3A_13 = tpu.memref_slice %arg7[%dma_start3A_8, %dma_start3A_10, %dma_start3A_11, %dma_start3A_12] : memref<4x4x50x128xf32, #tpu.memory_space<vmem>> -> memref<1x4x50x128xf32, #tpu.memory_space<vmem>>
    %dma_start3A_14 = tpu.memref_squeeze %dma_start3A_13 : memref<1x4x50x128xf32, #tpu.memory_space<vmem>> -> memref<4x50x128xf32, #tpu.memory_space<vmem>>
    %dma_start3A_15 = arith.constant 0 : i32
    %dma_start3A_16 = arith.constant 0 : i32
    %dma_start3A_17 = tpu.memref_slice %dma_start3A_14[%dma_start3A_9, %dma_start3A_15, %dma_start3A_16] : memref<4x50x128xf32, #tpu.memory_space<vmem>> -> memref<1x50x128xf32, #tpu.memory_space<vmem>>
    %dma_start3A_18 = tpu.memref_squeeze %dma_start3A_17 : memref<1x50x128xf32, #tpu.memory_space<vmem>> -> memref<50x128xf32, #tpu.memory_space<vmem>>
    %dma_start3A_19 = arith.constant 0 : i32
    %dma_start3A_20 = arith.constant 0 : i32
    %dma_start3A_21 = tpu.memref_slice %arg6[%dma_start3A, %dma_start3A_19, %dma_start3A_20] : memref<4x4x50xi32, #tpu.memory_space<vmem>> -> memref<1x4x50xi32, #tpu.memory_space<vmem>>
    %dma_start3A_22 = tpu.memref_squeeze %dma_start3A_21 : memref<1x4x50xi32, #tpu.memory_space<vmem>> -> memref<4x50xi32, #tpu.memory_space<vmem>>
    %dma_start3A_23 = arith.constant 0 : i32
    %dma_start3A_24 = tpu.memref_slice %dma_start3A_22[%dma_start3A_7, %dma_start3A_23] : memref<4x50xi32, #tpu.memory_space<vmem>> -> memref<1x50xi32, #tpu.memory_space<vmem>>
    %dma_start3A_25 = tpu.memref_squeeze %dma_start3A_24 : memref<1x50xi32, #tpu.memory_space<vmem>> -> memref<50xi32, #tpu.memory_space<vmem>>
    %dma_start3A_26 = arith.constant 0 : i32
    %dma_start3A_27 = arith.constant 0 : i32
    %dma_start3A_28 = tpu.memref_slice %arg3[%dma_start3A_26, %dma_start3A_27] : memref<52000x128xf32, #tpu.memory_space<hbm>> -> memref<52000x128xf32, #tpu.memory_space<hbm>>
    tpu.enqueue_indirect_dma source(%dma_start3A_28 : memref<52000x128xf32, #tpu.memory_space<hbm>>) target(%dma_start3A_18 : memref<50x128xf32, #tpu.memory_space<vmem>>) offsets(%dma_start3A_25 : memref<50xi32, #tpu.memory_space<vmem>>) semaphore(%arg9 : memref<!tpu.dma_semaphore, #tpu.memory_space<semaphore_mem>>)
    %dma_start3A_29 = arith.constant 0 : i32
    %dma_start3A_30 = arith.constant 1 : i32
    %dma_start3A_31 = arith.constant 0 : i32
    %dma_start3A_32 = arith.constant 1 : i32
    %dma_start3A_33 = arith.constant 0 : i32
    %dma_start3A_34 = arith.constant 0 : i32
    %dma_start3A_35 = arith.constant 0 : i32
    %dma_start3A_36 = tpu.memref_slice %arg7[%dma_start3A_31, %dma_start3A_33, %dma_start3A_34, %dma_start3A_35] : memref<4x4x50x128xf32, #tpu.memory_space<vmem>> -> memref<1x4x50x128xf32, #tpu.memory_space<vmem>>
    %dma_start3A_37 = tpu.memref_squeeze %dma_start3A_36 : memref<1x4x50x128xf32, #tpu.memory_space<vmem>> -> memref<4x50x128xf32, #tpu.memory_space<vmem>>
    %dma_start3A_38 = arith.constant 0 : i32
    %dma_start3A_39 = arith.constant 0 : i32
    %dma_start3A_40 = tpu.memref_slice %dma_start3A_37[%dma_start3A_32, %dma_start3A_38, %dma_start3A_39] : memref<4x50x128xf32, #tpu.memory_space<vmem>> -> memref<1x50x128xf32, #tpu.memory_space<vmem>>
    %dma_start3A_41 = tpu.memref_squeeze %dma_start3A_40 : memref<1x50x128xf32, #tpu.memory_space<vmem>> -> memref<50x128xf32, #tpu.memory_space<vmem>>
    %dma_start3A_42 = arith.constant 0 : i32
    %dma_start3A_43 = arith.constant 0 : i32
    %dma_start3A_44 = tpu.memref_slice %arg6[%dma_start3A_29, %dma_start3A_42, %dma_start3A_43] : memref<4x4x50xi32, #tpu.memory_space<vmem>> -> memref<1x4x50xi32, #tpu.memory_space<vmem>>
    %dma_start3A_45 = tpu.memref_squeeze %dma_start3A_44 : memref<1x4x50xi32, #tpu.memory_space<vmem>> -> memref<4x50xi32, #tpu.memory_space<vmem>>
    %dma_start3A_46 = arith.constant 0 : i32
    %dma_start3A_47 = tpu.memref_slice %dma_start3A_45[%dma_start3A_30, %dma_start3A_46] : memref<4x50xi32, #tpu.memory_space<vmem>> -> memref<1x50xi32, #tpu.memory_space<vmem>>
    %dma_start3A_48 = tpu.memref_squeeze %dma_start3A_47 : memref<1x50xi32, #tpu.memory_space<vmem>> -> memref<50xi32, #tpu.memory_space<vmem>>
    %dma_start3A_49 = arith.constant 0 : i32
    %dma_start3A_50 = arith.constant 0 : i32
    %dma_start3A_51 = tpu.memref_slice %arg3[%dma_start3A_49, %dma_start3A_50] : memref<52000x128xf32, #tpu.memory_space<hbm>> -> memref<52000x128xf32, #tpu.memory_space<hbm>>
    tpu.enqueue_indirect_dma source(%dma_start3A_51 : memref<52000x128xf32, #tpu.memory_space<hbm>>) target(%dma_start3A_41 : memref<50x128xf32, #tpu.memory_space<vmem>>) offsets(%dma_start3A_48 : memref<50xi32, #tpu.memory_space<vmem>>) semaphore(%arg9 : memref<!tpu.dma_semaphore, #tpu.memory_space<semaphore_mem>>)
    %dma_start3A_52 = arith.constant 0 : i32
    %dma_start3A_53 = arith.constant 2 : i32
    %dma_start3A_54 = arith.constant 0 : i32
    %dma_start3A_55 = arith.constant 2 : i32
    %dma_start3A_56 = arith.constant 0 : i32
    %dma_start3A_57 = arith.constant 0 : i32
    %dma_start3A_58 = arith.constant 0 : i32
    %dma_start3A_59 = tpu.memref_slice %arg7[%dma_start3A_54, %dma_start3A_56, %dma_start3A_57, %dma_start3A_58] : memref<4x4x50x128xf32, #tpu.memory_space<vmem>> -> memref<1x4x50x128xf32, #tpu.memory_space<vmem>>
    %dma_start3A_60 = tpu.memref_squeeze %dma_start3A_59 : memref<1x4x50x128xf32, #tpu.memory_space<vmem>> -> memref<4x50x128xf32, #tpu.memory_space<vmem>>
    %dma_start3A_61 = arith.constant 0 : i32
    %dma_start3A_62 = arith.constant 0 : i32
    %dma_start3A_63 = tpu.memref_slice %dma_start3A_60[%dma_start3A_55, %dma_start3A_61, %dma_start3A_62] : memref<4x50x128xf32, #tpu.memory_space<vmem>> -> memref<1x50x128xf32, #tpu.memory_space<vmem>>
    %dma_start3A_64 = tpu.memref_squeeze %dma_start3A_63 : memref<1x50x128xf32, #tpu.memory_space<vmem>> -> memref<50x128xf32, #tpu.memory_space<vmem>>
    %dma_start3A_65 = arith.constant 0 : i32
    %dma_start3A_66 = arith.constant 0 : i32
    %dma_start3A_67 = tpu.memref_slice %arg6[%dma_start3A_52, %dma_start3A_65, %dma_start3A_66] : memref<4x4x50xi32, #tpu.memory_space<vmem>> -> memref<1x4x50xi32, #tpu.memory_space<vmem>>
    %dma_start3A_68 = tpu.memref_squeeze %dma_start3A_67 : memref<1x4x50xi32, #tpu.memory_space<vmem>> -> memref<4x50xi32, #tpu.memory_space<vmem>>
    %dma_start3A_69 = arith.constant 0 : i32
    %dma_start3A_70 = tpu.memref_slice %dma_start3A_68[%dma_start3A_53, %dma_start3A_69] : memref<4x50xi32, #tpu.memory_space<vmem>> -> memref<1x50xi32, #tpu.memory_space<vmem>>
    %dma_start3A_71 = tpu.memref_squeeze %dma_start3A_70 : memref<1x50xi32, #tpu.memory_space<vmem>> -> memref<50xi32, #tpu.memory_space<vmem>>
    %dma_start3A_72 = arith.constant 0 : i32
    %dma_start3A_73 = arith.constant 0 : i32
    %dma_start3A_74 = tpu.memref_slice %arg3[%dma_start3A_72, %dma_start3A_73] : memref<52000x128xf32, #tpu.memory_space<hbm>> -> memref<52000x128xf32, #tpu.memory_space<hbm>>
    tpu.enqueue_indirect_dma source(%dma_start3A_74 : memref<52000x128xf32, #tpu.memory_space<hbm>>) target(%dma_start3A_64 : memref<50x128xf32, #tpu.memory_space<vmem>>) offsets(%dma_start3A_71 : memref<50xi32, #tpu.memory_space<vmem>>) semaphore(%arg9 : memref<!tpu.dma_semaphore, #tpu.memory_space<semaphore_mem>>)
    %dma_start3A_75 = arith.constant 0 : i32
    %dma_start3A_76 = arith.constant 3 : i32
    %dma_start3A_77 = arith.constant 0 : i32
    %dma_start3A_78 = arith.constant 3 : i32
    %dma_start3A_79 = arith.constant 0 : i32
    %dma_start3A_80 = arith.constant 0 : i32
    %dma_start3A_81 = arith.constant 0 : i32
    %dma_start3A_82 = tpu.memref_slice %arg7[%dma_start3A_77, %dma_start3A_79, %dma_start3A_80, %dma_start3A_81] : memref<4x4x50x128xf32, #tpu.memory_space<vmem>> -> memref<1x4x50x128xf32, #tpu.memory_space<vmem>>
    %dma_start3A_83 = tpu.memref_squeeze %dma_start3A_82 : memref<1x4x50x128xf32, #tpu.memory_space<vmem>> -> memref<4x50x128xf32, #tpu.memory_space<vmem>>
    %dma_start3A_84 = arith.constant 0 : i32
    %dma_start3A_85 = arith.constant 0 : i32
    %dma_start3A_86 = tpu.memref_slice %dma_start3A_83[%dma_start3A_78, %dma_start3A_84, %dma_start3A_85] : memref<4x50x128xf32, #tpu.memory_space<vmem>> -> memref<1x50x128xf32, #tpu.memory_space<vmem>>
    %dma_start3A_87 = tpu.memref_squeeze %dma_start3A_86 : memref<1x50x128xf32, #tpu.memory_space<vmem>> -> memref<50x128xf32, #tpu.memory_space<vmem>>
    %dma_start3A_88 = arith.constant 0 : i32
    %dma_start3A_89 = arith.constant 0 : i32
    %dma_start3A_90 = tpu.memref_slice %arg6[%dma_start3A_75, %dma_start3A_88, %dma_start3A_89] : memref<4x4x50xi32, #tpu.memory_space<vmem>> -> memref<1x4x50xi32, #tpu.memory_space<vmem>>
    %dma_start3A_91 = tpu.memref_squeeze %dma_start3A_90 : memref<1x4x50xi32, #tpu.memory_space<vmem>> -> memref<4x50xi32, #tpu.memory_space<vmem>>
    %dma_start3A_92 = arith.constant 0 : i32
    %dma_start3A_93 = tpu.memref_slice %dma_start3A_91[%dma_start3A_76, %dma_start3A_92] : memref<4x50xi32, #tpu.memory_space<vmem>> -> memref<1x50xi32, #tpu.memory_space<vmem>>
    %dma_start3A_94 = tpu.memref_squeeze %dma_start3A_93 : memref<1x50xi32, #tpu.memory_space<vmem>> -> memref<50xi32, #tpu.memory_space<vmem>>
    %dma_start3A_95 = arith.constant 0 : i32
    %dma_start3A_96 = arith.constant 0 : i32
    %dma_start3A_97 = tpu.memref_slice %arg3[%dma_start3A_95, %dma_start3A_96] : memref<52000x128xf32, #tpu.memory_space<hbm>> -> memref<52000x128xf32, #tpu.memory_space<hbm>>
    tpu.enqueue_indirect_dma source(%dma_start3A_97 : memref<52000x128xf32, #tpu.memory_space<hbm>>) target(%dma_start3A_87 : memref<50x128xf32, #tpu.memory_space<vmem>>) offsets(%dma_start3A_94 : memref<50xi32, #tpu.memory_space<vmem>>) semaphore(%arg9 : memref<!tpu.dma_semaphore, #tpu.memory_space<semaphore_mem>>)
    %add3A_98 = arith.constant 1 : i32
    %add3A_99 = arith.addi %mul3A_2, %add3A_98 : i32
    %mul3A_100 = arith.constant 4 : i32
    %mul3A_101 = arith.muli %add3A_99, %mul3A_100 : i32
    %run_scoped3A_102 = arith.constant 1 : i32
    "tpu.region"() ({
      %run_scoped3A_372 = tpu.sem_alloc : memref<!tpu.dma_semaphore, #tpu.memory_space<semaphore_mem>>
      %dma_start3A_373 = arith.constant 0 : i32
      %dma_start3A_374 = arith.constant 0 : i32
      %dma_start3A_375 = tpu.memref_slice %arg6[%run_scoped3A_102, %dma_start3A_373, %dma_start3A_374] : memref<4x4x50xi32, #tpu.memory_space<vmem>> -> memref<1x4x50xi32, #tpu.memory_space<vmem>>
      %dma_start3A_376 = tpu.memref_squeeze %dma_start3A_375 : memref<1x4x50xi32, #tpu.memory_space<vmem>> -> memref<4x50xi32, #tpu.memory_space<vmem>>
      %dma_start3A_377 = arith.constant 0 : i32
      %dma_start3A_378 = tpu.memref_slice %arg2[%mul3A_101, %dma_start3A_377] : memref<4096x50xi32, #tpu.memory_space<hbm>> -> memref<4x50xi32, #tpu.memory_space<hbm>>
      %dma_start3A_379 = arith.constant 0 : i32
      %dma_start3A_380 = arith.constant 0 : i32
      %dma_start3A_381 = tpu.memref_slice %arg6[%run_scoped3A_102, %dma_start3A_379, %dma_start3A_380] : memref<4x4x50xi32, #tpu.memory_space<vmem>> -> memref<1x4x50xi32, #tpu.memory_space<vmem>>
      %dma_start3A_382 = tpu.memref_squeeze %dma_start3A_381 : memref<1x4x50xi32, #tpu.memory_space<vmem>> -> memref<4x50xi32, #tpu.memory_space<vmem>>
      %dma_start3A_383 = arith.constant 0 : i32
      %dma_start3A_384 = tpu.memref_slice %arg2[%mul3A_101, %dma_start3A_383] : memref<4096x50xi32, #tpu.memory_space<hbm>> -> memref<4x50xi32, #tpu.memory_space<hbm>>
      tpu.enqueue_dma source(%dma_start3A_384 : memref<4x50xi32, #tpu.memory_space<hbm>>) target(%dma_start3A_382 : memref<4x50xi32, #tpu.memory_space<vmem>>) target_semaphore(%run_scoped3A_372 : memref<!tpu.dma_semaphore, #tpu.memory_space<semaphore_mem>>)
      %dma_wait3A_385 = arith.constant 0 : i32
      %dma_wait3A_386 = arith.constant 0 : i32
      %dma_wait3A_387 = tpu.memref_slice %arg6[%run_scoped3A_102, %dma_wait3A_385, %dma_wait3A_386] : memref<4x4x50xi32, #tpu.memory_space<vmem>> -> memref<1x4x50xi32, #tpu.memory_space<vmem>>
      %dma_wait3A_388 = tpu.memref_squeeze %dma_wait3A_387 : memref<1x4x50xi32, #tpu.memory_space<vmem>> -> memref<4x50xi32, #tpu.memory_space<vmem>>
      %dma_wait3A_389 = arith.constant 0 : i32
      %dma_wait3A_390 = tpu.memref_slice %arg2[%mul3A_101, %dma_wait3A_389] : memref<4096x50xi32, #tpu.memory_space<hbm>> -> memref<4x50xi32, #tpu.memory_space<hbm>>
      %dma_wait3A_391 = arith.constant 0 : i32
      %dma_wait3A_392 = arith.constant 0 : i32
      %dma_wait3A_393 = tpu.memref_slice %arg6[%run_scoped3A_102, %dma_wait3A_391, %dma_wait3A_392] : memref<4x4x50xi32, #tpu.memory_space<vmem>> -> memref<1x4x50xi32, #tpu.memory_space<vmem>>
      %dma_wait3A_394 = tpu.memref_squeeze %dma_wait3A_393 : memref<1x4x50xi32, #tpu.memory_space<vmem>> -> memref<4x50xi32, #tpu.memory_space<vmem>>
      %dma_wait3A_395 = arith.constant 0 : i32
      %dma_wait3A_396 = tpu.memref_slice %arg2[%mul3A_101, %dma_wait3A_395] : memref<4096x50xi32, #tpu.memory_space<hbm>> -> memref<4x50xi32, #tpu.memory_space<hbm>>
      tpu.wait_dma2 semaphore(%run_scoped3A_372 : memref<!tpu.dma_semaphore, #tpu.memory_space<semaphore_mem>>) src(%dma_wait3A_396 : memref<4x50xi32, #tpu.memory_space<hbm>>) dst(%dma_wait3A_394 : memref<4x50xi32, #tpu.memory_space<vmem>>)
      tpu.yield
    }) : () -> ()
    %dma_start3A_103 = arith.constant 1 : i32
    %dma_start3A_104 = arith.constant 0 : i32
    %dma_start3A_105 = arith.constant 1 : i32
    %dma_start3A_106 = arith.constant 0 : i32
    %dma_start3A_107 = arith.constant 0 : i32
    %dma_start3A_108 = arith.constant 0 : i32
    %dma_start3A_109 = arith.constant 0 : i32
    %dma_start3A_110 = tpu.memref_slice %arg7[%dma_start3A_105, %dma_start3A_107, %dma_start3A_108, %dma_start3A_109] : memref<4x4x50x128xf32, #tpu.memory_space<vmem>> -> memref<1x4x50x128xf32, #tpu.memory_space<vmem>>
    %dma_start3A_111 = tpu.memref_squeeze %dma_start3A_110 : memref<1x4x50x128xf32, #tpu.memory_space<vmem>> -> memref<4x50x128xf32, #tpu.memory_space<vmem>>
    %dma_start3A_112 = arith.constant 0 : i32
    %dma_start3A_113 = arith.constant 0 : i32
    %dma_start3A_114 = tpu.memref_slice %dma_start3A_111[%dma_start3A_106, %dma_start3A_112, %dma_start3A_113] : memref<4x50x128xf32, #tpu.memory_space<vmem>> -> memref<1x50x128xf32, #tpu.memory_space<vmem>>
    %dma_start3A_115 = tpu.memref_squeeze %dma_start3A_114 : memref<1x50x128xf32, #tpu.memory_space<vmem>> -> memref<50x128xf32, #tpu.memory_space<vmem>>
    %dma_start3A_116 = arith.constant 0 : i32
    %dma_start3A_117 = arith.constant 0 : i32
    %dma_start3A_118 = tpu.memref_slice %arg6[%dma_start3A_103, %dma_start3A_116, %dma_start3A_117] : memref<4x4x50xi32, #tpu.memory_space<vmem>> -> memref<1x4x50xi32, #tpu.memory_space<vmem>>
    %dma_start3A_119 = tpu.memref_squeeze %dma_start3A_118 : memref<1x4x50xi32, #tpu.memory_space<vmem>> -> memref<4x50xi32, #tpu.memory_space<vmem>>
    %dma_start3A_120 = arith.constant 0 : i32
    %dma_start3A_121 = tpu.memref_slice %dma_start3A_119[%dma_start3A_104, %dma_start3A_120] : memref<4x50xi32, #tpu.memory_space<vmem>> -> memref<1x50xi32, #tpu.memory_space<vmem>>
    %dma_start3A_122 = tpu.memref_squeeze %dma_start3A_121 : memref<1x50xi32, #tpu.memory_space<vmem>> -> memref<50xi32, #tpu.memory_space<vmem>>
    %dma_start3A_123 = arith.constant 0 : i32
    %dma_start3A_124 = arith.constant 0 : i32
    %dma_start3A_125 = tpu.memref_slice %arg3[%dma_start3A_123, %dma_start3A_124] : memref<52000x128xf32, #tpu.memory_space<hbm>> -> memref<52000x128xf32, #tpu.memory_space<hbm>>
    tpu.enqueue_indirect_dma source(%dma_start3A_125 : memref<52000x128xf32, #tpu.memory_space<hbm>>) target(%dma_start3A_115 : memref<50x128xf32, #tpu.memory_space<vmem>>) offsets(%dma_start3A_122 : memref<50xi32, #tpu.memory_space<vmem>>) semaphore(%arg10 : memref<!tpu.dma_semaphore, #tpu.memory_space<semaphore_mem>>)
    %dma_start3A_126 = arith.constant 1 : i32
    %dma_start3A_127 = arith.constant 1 : i32
    %dma_start3A_128 = arith.constant 1 : i32
    %dma_start3A_129 = arith.constant 1 : i32
    %dma_start3A_130 = arith.constant 0 : i32
    %dma_start3A_131 = arith.constant 0 : i32
    %dma_start3A_132 = arith.constant 0 : i32
    %dma_start3A_133 = tpu.memref_slice %arg7[%dma_start3A_128, %dma_start3A_130, %dma_start3A_131, %dma_start3A_132] : memref<4x4x50x128xf32, #tpu.memory_space<vmem>> -> memref<1x4x50x128xf32, #tpu.memory_space<vmem>>
    %dma_start3A_134 = tpu.memref_squeeze %dma_start3A_133 : memref<1x4x50x128xf32, #tpu.memory_space<vmem>> -> memref<4x50x128xf32, #tpu.memory_space<vmem>>
    %dma_start3A_135 = arith.constant 0 : i32
    %dma_start3A_136 = arith.constant 0 : i32
    %dma_start3A_137 = tpu.memref_slice %dma_start3A_134[%dma_start3A_129, %dma_start3A_135, %dma_start3A_136] : memref<4x50x128xf32, #tpu.memory_space<vmem>> -> memref<1x50x128xf32, #tpu.memory_space<vmem>>
    %dma_start3A_138 = tpu.memref_squeeze %dma_start3A_137 : memref<1x50x128xf32, #tpu.memory_space<vmem>> -> memref<50x128xf32, #tpu.memory_space<vmem>>
    %dma_start3A_139 = arith.constant 0 : i32
    %dma_start3A_140 = arith.constant 0 : i32
    %dma_start3A_141 = tpu.memref_slice %arg6[%dma_start3A_126, %dma_start3A_139, %dma_start3A_140] : memref<4x4x50xi32, #tpu.memory_space<vmem>> -> memref<1x4x50xi32, #tpu.memory_space<vmem>>
    %dma_start3A_142 = tpu.memref_squeeze %dma_start3A_141 : memref<1x4x50xi32, #tpu.memory_space<vmem>> -> memref<4x50xi32, #tpu.memory_space<vmem>>
    %dma_start3A_143 = arith.constant 0 : i32
    %dma_start3A_144 = tpu.memref_slice %dma_start3A_142[%dma_start3A_127, %dma_start3A_143] : memref<4x50xi32, #tpu.memory_space<vmem>> -> memref<1x50xi32, #tpu.memory_space<vmem>>
    %dma_start3A_145 = tpu.memref_squeeze %dma_start3A_144 : memref<1x50xi32, #tpu.memory_space<vmem>> -> memref<50xi32, #tpu.memory_space<vmem>>
    %dma_start3A_146 = arith.constant 0 : i32
    %dma_start3A_147 = arith.constant 0 : i32
    %dma_start3A_148 = tpu.memref_slice %arg3[%dma_start3A_146, %dma_start3A_147] : memref<52000x128xf32, #tpu.memory_space<hbm>> -> memref<52000x128xf32, #tpu.memory_space<hbm>>
    tpu.enqueue_indirect_dma source(%dma_start3A_148 : memref<52000x128xf32, #tpu.memory_space<hbm>>) target(%dma_start3A_138 : memref<50x128xf32, #tpu.memory_space<vmem>>) offsets(%dma_start3A_145 : memref<50xi32, #tpu.memory_space<vmem>>) semaphore(%arg10 : memref<!tpu.dma_semaphore, #tpu.memory_space<semaphore_mem>>)
    %dma_start3A_149 = arith.constant 1 : i32
    %dma_start3A_150 = arith.constant 2 : i32
    %dma_start3A_151 = arith.constant 1 : i32
    %dma_start3A_152 = arith.constant 2 : i32
    %dma_start3A_153 = arith.constant 0 : i32
    %dma_start3A_154 = arith.constant 0 : i32
    %dma_start3A_155 = arith.constant 0 : i32
    %dma_start3A_156 = tpu.memref_slice %arg7[%dma_start3A_151, %dma_start3A_153, %dma_start3A_154, %dma_start3A_155] : memref<4x4x50x128xf32, #tpu.memory_space<vmem>> -> memref<1x4x50x128xf32, #tpu.memory_space<vmem>>
    %dma_start3A_157 = tpu.memref_squeeze %dma_start3A_156 : memref<1x4x50x128xf32, #tpu.memory_space<vmem>> -> memref<4x50x128xf32, #tpu.memory_space<vmem>>
    %dma_start3A_158 = arith.constant 0 : i32
    %dma_start3A_159 = arith.constant 0 : i32
    %dma_start3A_160 = tpu.memref_slice %dma_start3A_157[%dma_start3A_152, %dma_start3A_158, %dma_start3A_159] : memref<4x50x128xf32, #tpu.memory_space<vmem>> -> memref<1x50x128xf32, #tpu.memory_space<vmem>>
    %dma_start3A_161 = tpu.memref_squeeze %dma_start3A_160 : memref<1x50x128xf32, #tpu.memory_space<vmem>> -> memref<50x128xf32, #tpu.memory_space<vmem>>
    %dma_start3A_162 = arith.constant 0 : i32
    %dma_start3A_163 = arith.constant 0 : i32
    %dma_start3A_164 = tpu.memref_slice %arg6[%dma_start3A_149, %dma_start3A_162, %dma_start3A_163] : memref<4x4x50xi32, #tpu.memory_space<vmem>> -> memref<1x4x50xi32, #tpu.memory_space<vmem>>
    %dma_start3A_165 = tpu.memref_squeeze %dma_start3A_164 : memref<1x4x50xi32, #tpu.memory_space<vmem>> -> memref<4x50xi32, #tpu.memory_space<vmem>>
    %dma_start3A_166 = arith.constant 0 : i32
    %dma_start3A_167 = tpu.memref_slice %dma_start3A_165[%dma_start3A_150, %dma_start3A_166] : memref<4x50xi32, #tpu.memory_space<vmem>> -> memref<1x50xi32, #tpu.memory_space<vmem>>
    %dma_start3A_168 = tpu.memref_squeeze %dma_start3A_167 : memref<1x50xi32, #tpu.memory_space<vmem>> -> memref<50xi32, #tpu.memory_space<vmem>>
    %dma_start3A_169 = arith.constant 0 : i32
    %dma_start3A_170 = arith.constant 0 : i32
    %dma_start3A_171 = tpu.memref_slice %arg3[%dma_start3A_169, %dma_start3A_170] : memref<52000x128xf32, #tpu.memory_space<hbm>> -> memref<52000x128xf32, #tpu.memory_space<hbm>>
    tpu.enqueue_indirect_dma source(%dma_start3A_171 : memref<52000x128xf32, #tpu.memory_space<hbm>>) target(%dma_start3A_161 : memref<50x128xf32, #tpu.memory_space<vmem>>) offsets(%dma_start3A_168 : memref<50xi32, #tpu.memory_space<vmem>>) semaphore(%arg10 : memref<!tpu.dma_semaphore, #tpu.memory_space<semaphore_mem>>)
    %dma_start3A_172 = arith.constant 1 : i32
    %dma_start3A_173 = arith.constant 3 : i32
    %dma_start3A_174 = arith.constant 1 : i32
    %dma_start3A_175 = arith.constant 3 : i32
    %dma_start3A_176 = arith.constant 0 : i32
    %dma_start3A_177 = arith.constant 0 : i32
    %dma_start3A_178 = arith.constant 0 : i32
    %dma_start3A_179 = tpu.memref_slice %arg7[%dma_start3A_174, %dma_start3A_176, %dma_start3A_177, %dma_start3A_178] : memref<4x4x50x128xf32, #tpu.memory_space<vmem>> -> memref<1x4x50x128xf32, #tpu.memory_space<vmem>>
    %dma_start3A_180 = tpu.memref_squeeze %dma_start3A_179 : memref<1x4x50x128xf32, #tpu.memory_space<vmem>> -> memref<4x50x128xf32, #tpu.memory_space<vmem>>
    %dma_start3A_181 = arith.constant 0 : i32
    %dma_start3A_182 = arith.constant 0 : i32
    %dma_start3A_183 = tpu.memref_slice %dma_start3A_180[%dma_start3A_175, %dma_start3A_181, %dma_start3A_182] : memref<4x50x128xf32, #tpu.memory_space<vmem>> -> memref<1x50x128xf32, #tpu.memory_space<vmem>>
    %dma_start3A_184 = tpu.memref_squeeze %dma_start3A_183 : memref<1x50x128xf32, #tpu.memory_space<vmem>> -> memref<50x128xf32, #tpu.memory_space<vmem>>
    %dma_start3A_185 = arith.constant 0 : i32
    %dma_start3A_186 = arith.constant 0 : i32
    %dma_start3A_187 = tpu.memref_slice %arg6[%dma_start3A_172, %dma_start3A_185, %dma_start3A_186] : memref<4x4x50xi32, #tpu.memory_space<vmem>> -> memref<1x4x50xi32, #tpu.memory_space<vmem>>
    %dma_start3A_188 = tpu.memref_squeeze %dma_start3A_187 : memref<1x4x50xi32, #tpu.memory_space<vmem>> -> memref<4x50xi32, #tpu.memory_space<vmem>>
    %dma_start3A_189 = arith.constant 0 : i32
    %dma_start3A_190 = tpu.memref_slice %dma_start3A_188[%dma_start3A_173, %dma_start3A_189] : memref<4x50xi32, #tpu.memory_space<vmem>> -> memref<1x50xi32, #tpu.memory_space<vmem>>
    %dma_start3A_191 = tpu.memref_squeeze %dma_start3A_190 : memref<1x50xi32, #tpu.memory_space<vmem>> -> memref<50xi32, #tpu.memory_space<vmem>>
    %dma_start3A_192 = arith.constant 0 : i32
    %dma_start3A_193 = arith.constant 0 : i32
    %dma_start3A_194 = tpu.memref_slice %arg3[%dma_start3A_192, %dma_start3A_193] : memref<52000x128xf32, #tpu.memory_space<hbm>> -> memref<52000x128xf32, #tpu.memory_space<hbm>>
    tpu.enqueue_indirect_dma source(%dma_start3A_194 : memref<52000x128xf32, #tpu.memory_space<hbm>>) target(%dma_start3A_184 : memref<50x128xf32, #tpu.memory_space<vmem>>) offsets(%dma_start3A_191 : memref<50xi32, #tpu.memory_space<vmem>>) semaphore(%arg10 : memref<!tpu.dma_semaphore, #tpu.memory_space<semaphore_mem>>)
    %add3A_195 = arith.constant 2 : i32
    %add3A_196 = arith.addi %mul3A_2, %add3A_195 : i32
    %mul3A_197 = arith.constant 4 : i32
    %mul3A_198 = arith.muli %add3A_196, %mul3A_197 : i32
    %run_scoped3A_199 = arith.constant 2 : i32
    "tpu.region"() ({
      %run_scoped3A_372 = tpu.sem_alloc : memref<!tpu.dma_semaphore, #tpu.memory_space<semaphore_mem>>
      %dma_start3A_373 = arith.constant 0 : i32
      %dma_start3A_374 = arith.constant 0 : i32
      %dma_start3A_375 = tpu.memref_slice %arg6[%run_scoped3A_199, %dma_start3A_373, %dma_start3A_374] : memref<4x4x50xi32, #tpu.memory_space<vmem>> -> memref<1x4x50xi32, #tpu.memory_space<vmem>>
      %dma_start3A_376 = tpu.memref_squeeze %dma_start3A_375 : memref<1x4x50xi32, #tpu.memory_space<vmem>> -> memref<4x50xi32, #tpu.memory_space<vmem>>
      %dma_start3A_377 = arith.constant 0 : i32
      %dma_start3A_378 = tpu.memref_slice %arg2[%mul3A_198, %dma_start3A_377] : memref<4096x50xi32, #tpu.memory_space<hbm>> -> memref<4x50xi32, #tpu.memory_space<hbm>>
      %dma_start3A_379 = arith.constant 0 : i32
      %dma_start3A_380 = arith.constant 0 : i32
      %dma_start3A_381 = tpu.memref_slice %arg6[%run_scoped3A_199, %dma_start3A_379, %dma_start3A_380] : memref<4x4x50xi32, #tpu.memory_space<vmem>> -> memref<1x4x50xi32, #tpu.memory_space<vmem>>
      %dma_start3A_382 = tpu.memref_squeeze %dma_start3A_381 : memref<1x4x50xi32, #tpu.memory_space<vmem>> -> memref<4x50xi32, #tpu.memory_space<vmem>>
      %dma_start3A_383 = arith.constant 0 : i32
      %dma_start3A_384 = tpu.memref_slice %arg2[%mul3A_198, %dma_start3A_383] : memref<4096x50xi32, #tpu.memory_space<hbm>> -> memref<4x50xi32, #tpu.memory_space<hbm>>
      tpu.enqueue_dma source(%dma_start3A_384 : memref<4x50xi32, #tpu.memory_space<hbm>>) target(%dma_start3A_382 : memref<4x50xi32, #tpu.memory_space<vmem>>) target_semaphore(%run_scoped3A_372 : memref<!tpu.dma_semaphore, #tpu.memory_space<semaphore_mem>>)
      %dma_wait3A_385 = arith.constant 0 : i32
      %dma_wait3A_386 = arith.constant 0 : i32
      %dma_wait3A_387 = tpu.memref_slice %arg6[%run_scoped3A_199, %dma_wait3A_385, %dma_wait3A_386] : memref<4x4x50xi32, #tpu.memory_space<vmem>> -> memref<1x4x50xi32, #tpu.memory_space<vmem>>
      %dma_wait3A_388 = tpu.memref_squeeze %dma_wait3A_387 : memref<1x4x50xi32, #tpu.memory_space<vmem>> -> memref<4x50xi32, #tpu.memory_space<vmem>>
      %dma_wait3A_389 = arith.constant 0 : i32
      %dma_wait3A_390 = tpu.memref_slice %arg2[%mul3A_198, %dma_wait3A_389] : memref<4096x50xi32, #tpu.memory_space<hbm>> -> memref<4x50xi32, #tpu.memory_space<hbm>>
      %dma_wait3A_391 = arith.constant 0 : i32
      %dma_wait3A_392 = arith.constant 0 : i32
      %dma_wait3A_393 = tpu.memref_slice %arg6[%run_scoped3A_199, %dma_wait3A_391, %dma_wait3A_392] : memref<4x4x50xi32, #tpu.memory_space<vmem>> -> memref<1x4x50xi32, #tpu.memory_space<vmem>>
      %dma_wait3A_394 = tpu.memref_squeeze %dma_wait3A_393 : memref<1x4x50xi32, #tpu.memory_space<vmem>> -> memref<4x50xi32, #tpu.memory_space<vmem>>
      %dma_wait3A_395 = arith.constant 0 : i32
      %dma_wait3A_396 = tpu.memref_slice %arg2[%mul3A_198, %dma_wait3A_395] : memref<4096x50xi32, #tpu.memory_space<hbm>> -> memref<4x50xi32, #tpu.memory_space<hbm>>
      tpu.wait_dma2 semaphore(%run_scoped3A_372 : memref<!tpu.dma_semaphore, #tpu.memory_space<semaphore_mem>>) src(%dma_wait3A_396 : memref<4x50xi32, #tpu.memory_space<hbm>>) dst(%dma_wait3A_394 : memref<4x50xi32, #tpu.memory_space<vmem>>)
      tpu.yield
    }) : () -> ()
    %dma_start3A_200 = arith.constant 2 : i32
    %dma_start3A_201 = arith.constant 0 : i32
    %dma_start3A_202 = arith.constant 2 : i32
    %dma_start3A_203 = arith.constant 0 : i32
    %dma_start3A_204 = arith.constant 0 : i32
    %dma_start3A_205 = arith.constant 0 : i32
    %dma_start3A_206 = arith.constant 0 : i32
    %dma_start3A_207 = tpu.memref_slice %arg7[%dma_start3A_202, %dma_start3A_204, %dma_start3A_205, %dma_start3A_206] : memref<4x4x50x128xf32, #tpu.memory_space<vmem>> -> memref<1x4x50x128xf32, #tpu.memory_space<vmem>>
    %dma_start3A_208 = tpu.memref_squeeze %dma_start3A_207 : memref<1x4x50x128xf32, #tpu.memory_space<vmem>> -> memref<4x50x128xf32, #tpu.memory_space<vmem>>
    %dma_start3A_209 = arith.constant 0 : i32
    %dma_start3A_210 = arith.constant 0 : i32
    %dma_start3A_211 = tpu.memref_slice %dma_start3A_208[%dma_start3A_203, %dma_start3A_209, %dma_start3A_210] : memref<4x50x128xf32, #tpu.memory_space<vmem>> -> memref<1x50x128xf32, #tpu.memory_space<vmem>>
    %dma_start3A_212 = tpu.memref_squeeze %dma_start3A_211 : memref<1x50x128xf32, #tpu.memory_space<vmem>> -> memref<50x128xf32, #tpu.memory_space<vmem>>
    %dma_start3A_213 = arith.constant 0 : i32
    %dma_start3A_214 = arith.constant 0 : i32
    %dma_start3A_215 = tpu.memref_slice %arg6[%dma_start3A_200, %dma_start3A_213, %dma_start3A_214] : memref<4x4x50xi32, #tpu.memory_space<vmem>> -> memref<1x4x50xi32, #tpu.memory_space<vmem>>
    %dma_start3A_216 = tpu.memref_squeeze %dma_start3A_215 : memref<1x4x50xi32, #tpu.memory_space<vmem>> -> memref<4x50xi32, #tpu.memory_space<vmem>>
    %dma_start3A_217 = arith.constant 0 : i32
    %dma_start3A_218 = tpu.memref_slice %dma_start3A_216[%dma_start3A_201, %dma_start3A_217] : memref<4x50xi32, #tpu.memory_space<vmem>> -> memref<1x50xi32, #tpu.memory_space<vmem>>
    %dma_start3A_219 = tpu.memref_squeeze %dma_start3A_218 : memref<1x50xi32, #tpu.memory_space<vmem>> -> memref<50xi32, #tpu.memory_space<vmem>>
    %dma_start3A_220 = arith.constant 0 : i32
    %dma_start3A_221 = arith.constant 0 : i32
    %dma_start3A_222 = tpu.memref_slice %arg3[%dma_start3A_220, %dma_start3A_221] : memref<52000x128xf32, #tpu.memory_space<hbm>> -> memref<52000x128xf32, #tpu.memory_space<hbm>>
    tpu.enqueue_indirect_dma source(%dma_start3A_222 : memref<52000x128xf32, #tpu.memory_space<hbm>>) target(%dma_start3A_212 : memref<50x128xf32, #tpu.memory_space<vmem>>) offsets(%dma_start3A_219 : memref<50xi32, #tpu.memory_space<vmem>>) semaphore(%arg11 : memref<!tpu.dma_semaphore, #tpu.memory_space<semaphore_mem>>)
    %dma_start3A_223 = arith.constant 2 : i32
    %dma_start3A_224 = arith.constant 1 : i32
    %dma_start3A_225 = arith.constant 2 : i32
    %dma_start3A_226 = arith.constant 1 : i32
    %dma_start3A_227 = arith.constant 0 : i32
    %dma_start3A_228 = arith.constant 0 : i32
    %dma_start3A_229 = arith.constant 0 : i32
    %dma_start3A_230 = tpu.memref_slice %arg7[%dma_start3A_225, %dma_start3A_227, %dma_start3A_228, %dma_start3A_229] : memref<4x4x50x128xf32, #tpu.memory_space<vmem>> -> memref<1x4x50x128xf32, #tpu.memory_space<vmem>>
    %dma_start3A_231 = tpu.memref_squeeze %dma_start3A_230 : memref<1x4x50x128xf32, #tpu.memory_space<vmem>> -> memref<4x50x128xf32, #tpu.memory_space<vmem>>
    %dma_start3A_232 = arith.constant 0 : i32
    %dma_start3A_233 = arith.constant 0 : i32
    %dma_start3A_234 = tpu.memref_slice %dma_start3A_231[%dma_start3A_226, %dma_start3A_232, %dma_start3A_233] : memref<4x50x128xf32, #tpu.memory_space<vmem>> -> memref<1x50x128xf32, #tpu.memory_space<vmem>>
    %dma_start3A_235 = tpu.memref_squeeze %dma_start3A_234 : memref<1x50x128xf32, #tpu.memory_space<vmem>> -> memref<50x128xf32, #tpu.memory_space<vmem>>
    %dma_start3A_236 = arith.constant 0 : i32
    %dma_start3A_237 = arith.constant 0 : i32
    %dma_start3A_238 = tpu.memref_slice %arg6[%dma_start3A_223, %dma_start3A_236, %dma_start3A_237] : memref<4x4x50xi32, #tpu.memory_space<vmem>> -> memref<1x4x50xi32, #tpu.memory_space<vmem>>
    %dma_start3A_239 = tpu.memref_squeeze %dma_start3A_238 : memref<1x4x50xi32, #tpu.memory_space<vmem>> -> memref<4x50xi32, #tpu.memory_space<vmem>>
    %dma_start3A_240 = arith.constant 0 : i32
    %dma_start3A_241 = tpu.memref_slice %dma_start3A_239[%dma_start3A_224, %dma_start3A_240] : memref<4x50xi32, #tpu.memory_space<vmem>> -> memref<1x50xi32, #tpu.memory_space<vmem>>
    %dma_start3A_242 = tpu.memref_squeeze %dma_start3A_241 : memref<1x50xi32, #tpu.memory_space<vmem>> -> memref<50xi32, #tpu.memory_space<vmem>>
    %dma_start3A_243 = arith.constant 0 : i32
    %dma_start3A_244 = arith.constant 0 : i32
    %dma_start3A_245 = tpu.memref_slice %arg3[%dma_start3A_243, %dma_start3A_244] : memref<52000x128xf32, #tpu.memory_space<hbm>> -> memref<52000x128xf32, #tpu.memory_space<hbm>>
    tpu.enqueue_indirect_dma source(%dma_start3A_245 : memref<52000x128xf32, #tpu.memory_space<hbm>>) target(%dma_start3A_235 : memref<50x128xf32, #tpu.memory_space<vmem>>) offsets(%dma_start3A_242 : memref<50xi32, #tpu.memory_space<vmem>>) semaphore(%arg11 : memref<!tpu.dma_semaphore, #tpu.memory_space<semaphore_mem>>)
    %dma_start3A_246 = arith.constant 2 : i32
    %dma_start3A_247 = arith.constant 2 : i32
    %dma_start3A_248 = arith.constant 2 : i32
    %dma_start3A_249 = arith.constant 2 : i32
    %dma_start3A_250 = arith.constant 0 : i32
    %dma_start3A_251 = arith.constant 0 : i32
    %dma_start3A_252 = arith.constant 0 : i32
    %dma_start3A_253 = tpu.memref_slice %arg7[%dma_start3A_248, %dma_start3A_250, %dma_start3A_251, %dma_start3A_252] : memref<4x4x50x128xf32, #tpu.memory_space<vmem>> -> memref<1x4x50x128xf32, #tpu.memory_space<vmem>>
    %dma_start3A_254 = tpu.memref_squeeze %dma_start3A_253 : memref<1x4x50x128xf32, #tpu.memory_space<vmem>> -> memref<4x50x128xf32, #tpu.memory_space<vmem>>
    %dma_start3A_255 = arith.constant 0 : i32
    %dma_start3A_256 = arith.constant 0 : i32
    %dma_start3A_257 = tpu.memref_slice %dma_start3A_254[%dma_start3A_249, %dma_start3A_255, %dma_start3A_256] : memref<4x50x128xf32, #tpu.memory_space<vmem>> -> memref<1x50x128xf32, #tpu.memory_space<vmem>>
    %dma_start3A_258 = tpu.memref_squeeze %dma_start3A_257 : memref<1x50x128xf32, #tpu.memory_space<vmem>> -> memref<50x128xf32, #tpu.memory_space<vmem>>
    %dma_start3A_259 = arith.constant 0 : i32
    %dma_start3A_260 = arith.constant 0 : i32
    %dma_start3A_261 = tpu.memref_slice %arg6[%dma_start3A_246, %dma_start3A_259, %dma_start3A_260] : memref<4x4x50xi32, #tpu.memory_space<vmem>> -> memref<1x4x50xi32, #tpu.memory_space<vmem>>
    %dma_start3A_262 = tpu.memref_squeeze %dma_start3A_261 : memref<1x4x50xi32, #tpu.memory_space<vmem>> -> memref<4x50xi32, #tpu.memory_space<vmem>>
    %dma_start3A_263 = arith.constant 0 : i32
    %dma_start3A_264 = tpu.memref_slice %dma_start3A_262[%dma_start3A_247, %dma_start3A_263] : memref<4x50xi32, #tpu.memory_space<vmem>> -> memref<1x50xi32, #tpu.memory_space<vmem>>
    %dma_start3A_265 = tpu.memref_squeeze %dma_start3A_264 : memref<1x50xi32, #tpu.memory_space<vmem>> -> memref<50xi32, #tpu.memory_space<vmem>>
    %dma_start3A_266 = arith.constant 0 : i32
    %dma_start3A_267 = arith.constant 0 : i32
    %dma_start3A_268 = tpu.memref_slice %arg3[%dma_start3A_266, %dma_start3A_267] : memref<52000x128xf32, #tpu.memory_space<hbm>> -> memref<52000x128xf32, #tpu.memory_space<hbm>>
    tpu.enqueue_indirect_dma source(%dma_start3A_268 : memref<52000x128xf32, #tpu.memory_space<hbm>>) target(%dma_start3A_258 : memref<50x128xf32, #tpu.memory_space<vmem>>) offsets(%dma_start3A_265 : memref<50xi32, #tpu.memory_space<vmem>>) semaphore(%arg11 : memref<!tpu.dma_semaphore, #tpu.memory_space<semaphore_mem>>)
    %dma_start3A_269 = arith.constant 2 : i32
    %dma_start3A_270 = arith.constant 3 : i32
    %dma_start3A_271 = arith.constant 2 : i32
    %dma_start3A_272 = arith.constant 3 : i32
    %dma_start3A_273 = arith.constant 0 : i32
    %dma_start3A_274 = arith.constant 0 : i32
    %dma_start3A_275 = arith.constant 0 : i32
    %dma_start3A_276 = tpu.memref_slice %arg7[%dma_start3A_271, %dma_start3A_273, %dma_start3A_274, %dma_start3A_275] : memref<4x4x50x128xf32, #tpu.memory_space<vmem>> -> memref<1x4x50x128xf32, #tpu.memory_space<vmem>>
    %dma_start3A_277 = tpu.memref_squeeze %dma_start3A_276 : memref<1x4x50x128xf32, #tpu.memory_space<vmem>> -> memref<4x50x128xf32, #tpu.memory_space<vmem>>
    %dma_start3A_278 = arith.constant 0 : i32
    %dma_start3A_279 = arith.constant 0 : i32
    %dma_start3A_280 = tpu.memref_slice %dma_start3A_277[%dma_start3A_272, %dma_start3A_278, %dma_start3A_279] : memref<4x50x128xf32, #tpu.memory_space<vmem>> -> memref<1x50x128xf32, #tpu.memory_space<vmem>>
    %dma_start3A_281 = tpu.memref_squeeze %dma_start3A_280 : memref<1x50x128xf32, #tpu.memory_space<vmem>> -> memref<50x128xf32, #tpu.memory_space<vmem>>
    %dma_start3A_282 = arith.constant 0 : i32
    %dma_start3A_283 = arith.constant 0 : i32
    %dma_start3A_284 = tpu.memref_slice %arg6[%dma_start3A_269, %dma_start3A_282, %dma_start3A_283] : memref<4x4x50xi32, #tpu.memory_space<vmem>> -> memref<1x4x50xi32, #tpu.memory_space<vmem>>
    %dma_start3A_285 = tpu.memref_squeeze %dma_start3A_284 : memref<1x4x50xi32, #tpu.memory_space<vmem>> -> memref<4x50xi32, #tpu.memory_space<vmem>>
    %dma_start3A_286 = arith.constant 0 : i32
    %dma_start3A_287 = tpu.memref_slice %dma_start3A_285[%dma_start3A_270, %dma_start3A_286] : memref<4x50xi32, #tpu.memory_space<vmem>> -> memref<1x50xi32, #tpu.memory_space<vmem>>
    %dma_start3A_288 = tpu.memref_squeeze %dma_start3A_287 : memref<1x50xi32, #tpu.memory_space<vmem>> -> memref<50xi32, #tpu.memory_space<vmem>>
    %dma_start3A_289 = arith.constant 0 : i32
    %dma_start3A_290 = arith.constant 0 : i32
    %dma_start3A_291 = tpu.memref_slice %arg3[%dma_start3A_289, %dma_start3A_290] : memref<52000x128xf32, #tpu.memory_space<hbm>> -> memref<52000x128xf32, #tpu.memory_space<hbm>>
    tpu.enqueue_indirect_dma source(%dma_start3A_291 : memref<52000x128xf32, #tpu.memory_space<hbm>>) target(%dma_start3A_281 : memref<50x128xf32, #tpu.memory_space<vmem>>) offsets(%dma_start3A_288 : memref<50xi32, #tpu.memory_space<vmem>>) semaphore(%arg11 : memref<!tpu.dma_semaphore, #tpu.memory_space<semaphore_mem>>)
    %scan3A = arith.constant 0 : i32
    %scan3A_292 = arith.constant 0 : i32
    %scan3A_293 = arith.constant 8 : i32
    %scan3A_294 = arith.addi %scan3A_292, %scan3A_293 : i32
    %scan3A_295 = arith.constant 1 : i32
    scf.for %scan3A_372 = %scan3A_292 to %scan3A_294 step %scan3A_295  : i32 {
      %mul3A_373 = arith.constant 4 : i32
      %mul3A_374 = arith.muli %scan3A_372, %mul3A_373 : i32
      %add3A_375 = arith.constant 0 : i32
      %add3A_376 = arith.addi %mul3A_374, %add3A_375 : i32
      %add3A_377 = arith.addi %mul3A_2, %add3A_376 : i32
      %mul3A_378 = arith.constant 4 : i32
      %mul3A_379 = arith.muli %add3A_377, %mul3A_378 : i32
      %dma_wait3A_380 = arith.constant 0 : i32
      %dma_wait3A_381 = arith.constant 0 : i32
      %dma_wait3A_382 = arith.constant 0 : i32
      %dma_wait3A_383 = arith.constant 0 : i32
      %dma_wait3A_384 = arith.constant 0 : i32
      %dma_wait3A_385 = arith.constant 0 : i32
      %dma_wait3A_386 = arith.constant 0 : i32
      %dma_wait3A_387 = tpu.memref_slice %arg7[%dma_wait3A_382, %dma_wait3A_384, %dma_wait3A_385, %dma_wait3A_386] : memref<4x4x50x128xf32, #tpu.memory_space<vmem>> -> memref<1x4x50x128xf32, #tpu.memory_space<vmem>>
      %dma_wait3A_388 = tpu.memref_squeeze %dma_wait3A_387 : memref<1x4x50x128xf32, #tpu.memory_space<vmem>> -> memref<4x50x128xf32, #tpu.memory_space<vmem>>
      %dma_wait3A_389 = arith.constant 0 : i32
      %dma_wait3A_390 = arith.constant 0 : i32
      %dma_wait3A_391 = tpu.memref_slice %dma_wait3A_388[%dma_wait3A_383, %dma_wait3A_389, %dma_wait3A_390] : memref<4x50x128xf32, #tpu.memory_space<vmem>> -> memref<1x50x128xf32, #tpu.memory_space<vmem>>
      %dma_wait3A_392 = tpu.memref_squeeze %dma_wait3A_391 : memref<1x50x128xf32, #tpu.memory_space<vmem>> -> memref<50x128xf32, #tpu.memory_space<vmem>>
      %dma_wait3A_393 = arith.constant 0 : i32
      %dma_wait3A_394 = arith.constant 0 : i32
      %dma_wait3A_395 = tpu.memref_slice %arg6[%dma_wait3A_380, %dma_wait3A_393, %dma_wait3A_394] : memref<4x4x50xi32, #tpu.memory_space<vmem>> -> memref<1x4x50xi32, #tpu.memory_space<vmem>>
      %dma_wait3A_396 = tpu.memref_squeeze %dma_wait3A_395 : memref<1x4x50xi32, #tpu.memory_space<vmem>> -> memref<4x50xi32, #tpu.memory_space<vmem>>
      %dma_wait3A_397 = arith.constant 0 : i32
      %dma_wait3A_398 = tpu.memref_slice %dma_wait3A_396[%dma_wait3A_381, %dma_wait3A_397] : memref<4x50xi32, #tpu.memory_space<vmem>> -> memref<1x50xi32, #tpu.memory_space<vmem>>
      %dma_wait3A_399 = tpu.memref_squeeze %dma_wait3A_398 : memref<1x50xi32, #tpu.memory_space<vmem>> -> memref<50xi32, #tpu.memory_space<vmem>>
      %dma_wait3A_400 = arith.constant 0 : i32
      %dma_wait3A_401 = arith.constant 0 : i32
      %dma_wait3A_402 = tpu.memref_slice %arg3[%dma_wait3A_400, %dma_wait3A_401] : memref<52000x128xf32, #tpu.memory_space<hbm>> -> memref<52000x128xf32, #tpu.memory_space<hbm>>
      tpu.wait_indirect_dma semaphore(%arg9 : memref<!tpu.dma_semaphore, #tpu.memory_space<semaphore_mem>>) src(%dma_wait3A_402 : memref<52000x128xf32, #tpu.memory_space<hbm>>) dst(%dma_wait3A_392 : memref<50x128xf32, #tpu.memory_space<vmem>>)
      %dma_wait3A_403 = arith.constant 0 : i32
      %dma_wait3A_404 = arith.constant 1 : i32
      %dma_wait3A_405 = arith.constant 0 : i32
      %dma_wait3A_406 = arith.constant 1 : i32
      %dma_wait3A_407 = arith.constant 0 : i32
      %dma_wait3A_408 = arith.constant 0 : i32
      %dma_wait3A_409 = arith.constant 0 : i32
      %dma_wait3A_410 = tpu.memref_slice %arg7[%dma_wait3A_405, %dma_wait3A_407, %dma_wait3A_408, %dma_wait3A_409] : memref<4x4x50x128xf32, #tpu.memory_space<vmem>> -> memref<1x4x50x128xf32, #tpu.memory_space<vmem>>
      %dma_wait3A_411 = tpu.memref_squeeze %dma_wait3A_410 : memref<1x4x50x128xf32, #tpu.memory_space<vmem>> -> memref<4x50x128xf32, #tpu.memory_space<vmem>>
      %dma_wait3A_412 = arith.constant 0 : i32
      %dma_wait3A_413 = arith.constant 0 : i32
      %dma_wait3A_414 = tpu.memref_slice %dma_wait3A_411[%dma_wait3A_406, %dma_wait3A_412, %dma_wait3A_413] : memref<4x50x128xf32, #tpu.memory_space<vmem>> -> memref<1x50x128xf32, #tpu.memory_space<vmem>>
      %dma_wait3A_415 = tpu.memref_squeeze %dma_wait3A_414 : memref<1x50x128xf32, #tpu.memory_space<vmem>> -> memref<50x128xf32, #tpu.memory_space<vmem>>
      %dma_wait3A_416 = arith.constant 0 : i32
      %dma_wait3A_417 = arith.constant 0 : i32
      %dma_wait3A_418 = tpu.memref_slice %arg6[%dma_wait3A_403, %dma_wait3A_416, %dma_wait3A_417] : memref<4x4x50xi32, #tpu.memory_space<vmem>> -> memref<1x4x50xi32, #tpu.memory_space<vmem>>
      %dma_wait3A_419 = tpu.memref_squeeze %dma_wait3A_418 : memref<1x4x50xi32, #tpu.memory_space<vmem>> -> memref<4x50xi32, #tpu.memory_space<vmem>>
      %dma_wait3A_420 = arith.constant 0 : i32
      %dma_wait3A_421 = tpu.memref_slice %dma_wait3A_419[%dma_wait3A_404, %dma_wait3A_420] : memref<4x50xi32, #tpu.memory_space<vmem>> -> memref<1x50xi32, #tpu.memory_space<vmem>>
      %dma_wait3A_422 = tpu.memref_squeeze %dma_wait3A_421 : memref<1x50xi32, #tpu.memory_space<vmem>> -> memref<50xi32, #tpu.memory_space<vmem>>
      %dma_wait3A_423 = arith.constant 0 : i32
      %dma_wait3A_424 = arith.constant 0 : i32
      %dma_wait3A_425 = tpu.memref_slice %arg3[%dma_wait3A_423, %dma_wait3A_424] : memref<52000x128xf32, #tpu.memory_space<hbm>> -> memref<52000x128xf32, #tpu.memory_space<hbm>>
      tpu.wait_indirect_dma semaphore(%arg9 : memref<!tpu.dma_semaphore, #tpu.memory_space<semaphore_mem>>) src(%dma_wait3A_425 : memref<52000x128xf32, #tpu.memory_space<hbm>>) dst(%dma_wait3A_415 : memref<50x128xf32, #tpu.memory_space<vmem>>)
      %dma_wait3A_426 = arith.constant 0 : i32
      %dma_wait3A_427 = arith.constant 2 : i32
      %dma_wait3A_428 = arith.constant 0 : i32
      %dma_wait3A_429 = arith.constant 2 : i32
      %dma_wait3A_430 = arith.constant 0 : i32
      %dma_wait3A_431 = arith.constant 0 : i32
      %dma_wait3A_432 = arith.constant 0 : i32
      %dma_wait3A_433 = tpu.memref_slice %arg7[%dma_wait3A_428, %dma_wait3A_430, %dma_wait3A_431, %dma_wait3A_432] : memref<4x4x50x128xf32, #tpu.memory_space<vmem>> -> memref<1x4x50x128xf32, #tpu.memory_space<vmem>>
      %dma_wait3A_434 = tpu.memref_squeeze %dma_wait3A_433 : memref<1x4x50x128xf32, #tpu.memory_space<vmem>> -> memref<4x50x128xf32, #tpu.memory_space<vmem>>
      %dma_wait3A_435 = arith.constant 0 : i32
      %dma_wait3A_436 = arith.constant 0 : i32
      %dma_wait3A_437 = tpu.memref_slice %dma_wait3A_434[%dma_wait3A_429, %dma_wait3A_435, %dma_wait3A_436] : memref<4x50x128xf32, #tpu.memory_space<vmem>> -> memref<1x50x128xf32, #tpu.memory_space<vmem>>
      %dma_wait3A_438 = tpu.memref_squeeze %dma_wait3A_437 : memref<1x50x128xf32, #tpu.memory_space<vmem>> -> memref<50x128xf32, #tpu.memory_space<vmem>>
      %dma_wait3A_439 = arith.constant 0 : i32
      %dma_wait3A_440 = arith.constant 0 : i32
      %dma_wait3A_441 = tpu.memref_slice %arg6[%dma_wait3A_426, %dma_wait3A_439, %dma_wait3A_440] : memref<4x4x50xi32, #tpu.memory_space<vmem>> -> memref<1x4x50xi32, #tpu.memory_space<vmem>>
      %dma_wait3A_442 = tpu.memref_squeeze %dma_wait3A_441 : memref<1x4x50xi32, #tpu.memory_space<vmem>> -> memref<4x50xi32, #tpu.memory_space<vmem>>
      %dma_wait3A_443 = arith.constant 0 : i32
      %dma_wait3A_444 = tpu.memref_slice %dma_wait3A_442[%dma_wait3A_427, %dma_wait3A_443] : memref<4x50xi32, #tpu.memory_space<vmem>> -> memref<1x50xi32, #tpu.memory_space<vmem>>
      %dma_wait3A_445 = tpu.memref_squeeze %dma_wait3A_444 : memref<1x50xi32, #tpu.memory_space<vmem>> -> memref<50xi32, #tpu.memory_space<vmem>>
      %dma_wait3A_446 = arith.constant 0 : i32
      %dma_wait3A_447 = arith.constant 0 : i32
      %dma_wait3A_448 = tpu.memref_slice %arg3[%dma_wait3A_446, %dma_wait3A_447] : memref<52000x128xf32, #tpu.memory_space<hbm>> -> memref<52000x128xf32, #tpu.memory_space<hbm>>
      tpu.wait_indirect_dma semaphore(%arg9 : memref<!tpu.dma_semaphore, #tpu.memory_space<semaphore_mem>>) src(%dma_wait3A_448 : memref<52000x128xf32, #tpu.memory_space<hbm>>) dst(%dma_wait3A_438 : memref<50x128xf32, #tpu.memory_space<vmem>>)
      %dma_wait3A_449 = arith.constant 0 : i32
      %dma_wait3A_450 = arith.constant 3 : i32
      %dma_wait3A_451 = arith.constant 0 : i32
      %dma_wait3A_452 = arith.constant 3 : i32
      %dma_wait3A_453 = arith.constant 0 : i32
      %dma_wait3A_454 = arith.constant 0 : i32
      %dma_wait3A_455 = arith.constant 0 : i32
      %dma_wait3A_456 = tpu.memref_slice %arg7[%dma_wait3A_451, %dma_wait3A_453, %dma_wait3A_454, %dma_wait3A_455] : memref<4x4x50x128xf32, #tpu.memory_space<vmem>> -> memref<1x4x50x128xf32, #tpu.memory_space<vmem>>
      %dma_wait3A_457 = tpu.memref_squeeze %dma_wait3A_456 : memref<1x4x50x128xf32, #tpu.memory_space<vmem>> -> memref<4x50x128xf32, #tpu.memory_space<vmem>>
      %dma_wait3A_458 = arith.constant 0 : i32
      %dma_wait3A_459 = arith.constant 0 : i32
      %dma_wait3A_460 = tpu.memref_slice %dma_wait3A_457[%dma_wait3A_452, %dma_wait3A_458, %dma_wait3A_459] : memref<4x50x128xf32, #tpu.memory_space<vmem>> -> memref<1x50x128xf32, #tpu.memory_space<vmem>>
      %dma_wait3A_461 = tpu.memref_squeeze %dma_wait3A_460 : memref<1x50x128xf32, #tpu.memory_space<vmem>> -> memref<50x128xf32, #tpu.memory_space<vmem>>
      %dma_wait3A_462 = arith.constant 0 : i32
      %dma_wait3A_463 = arith.constant 0 : i32
      %dma_wait3A_464 = tpu.memref_slice %arg6[%dma_wait3A_449, %dma_wait3A_462, %dma_wait3A_463] : memref<4x4x50xi32, #tpu.memory_space<vmem>> -> memref<1x4x50xi32, #tpu.memory_space<vmem>>
      %dma_wait3A_465 = tpu.memref_squeeze %dma_wait3A_464 : memref<1x4x50xi32, #tpu.memory_space<vmem>> -> memref<4x50xi32, #tpu.memory_space<vmem>>
      %dma_wait3A_466 = arith.constant 0 : i32
      %dma_wait3A_467 = tpu.memref_slice %dma_wait3A_465[%dma_wait3A_450, %dma_wait3A_466] : memref<4x50xi32, #tpu.memory_space<vmem>> -> memref<1x50xi32, #tpu.memory_space<vmem>>
      %dma_wait3A_468 = tpu.memref_squeeze %dma_wait3A_467 : memref<1x50xi32, #tpu.memory_space<vmem>> -> memref<50xi32, #tpu.memory_space<vmem>>
      %dma_wait3A_469 = arith.constant 0 : i32
      %dma_wait3A_470 = arith.constant 0 : i32
      %dma_wait3A_471 = tpu.memref_slice %arg3[%dma_wait3A_469, %dma_wait3A_470] : memref<52000x128xf32, #tpu.memory_space<hbm>> -> memref<52000x128xf32, #tpu.memory_space<hbm>>
      tpu.wait_indirect_dma semaphore(%arg9 : memref<!tpu.dma_semaphore, #tpu.memory_space<semaphore_mem>>) src(%dma_wait3A_471 : memref<52000x128xf32, #tpu.memory_space<hbm>>) dst(%dma_wait3A_461 : memref<50x128xf32, #tpu.memory_space<vmem>>)
      %parallel_loop3A = arith.constant 0 : i32
      %parallel_loop3A_472 = arith.constant 50 : i32
      %parallel_loop3A_473 = arith.constant 1 : i32
      scf.for %parallel_loop3A_880 = %parallel_loop3A to %parallel_loop3A_472 step %parallel_loop3A_473  : i32 {
        %parallel_loop3A_881 = arith.index_cast %parallel_loop3A_880 : i32 to index
        %parallel_loop3A_882 = arith.constant 0 : index
        %parallel_loop3A_883 = tpu.vector_load %arg8[%parallel_loop3A_881, %parallel_loop3A_882] {strides = array<i32>} : memref<50x128xf32, #tpu.memory_space<vmem>>, vector<1x16xf32>,
        %parallel_loop3A_884 = vector.shape_cast %parallel_loop3A_883 : vector<1x16xf32> to vector<16xf32>
        %parallel_loop3A_885 = arith.index_cast %parallel_loop3A_880 : i32 to index
        %parallel_loop3A_886 = arith.constant 16 : index
        %parallel_loop3A_887 = tpu.vector_load %arg8[%parallel_loop3A_885, %parallel_loop3A_886] {strides = array<i32>} : memref<50x128xf32, #tpu.memory_space<vmem>>, vector<1x16xf32>,
        %parallel_loop3A_888 = vector.shape_cast %parallel_loop3A_887 : vector<1x16xf32> to vector<16xf32>
        %parallel_loop3A_889 = arith.index_cast %parallel_loop3A_880 : i32 to index
        %parallel_loop3A_890 = arith.constant 32 : index
        %parallel_loop3A_891 = tpu.vector_load %arg8[%parallel_loop3A_889, %parallel_loop3A_890] {strides = array<i32>} : memref<50x128xf32, #tpu.memory_space<vmem>>, vector<1x16xf32>,
        %parallel_loop3A_892 = vector.shape_cast %parallel_loop3A_891 : vector<1x16xf32> to vector<16xf32>
        %parallel_loop3A_893 = arith.index_cast %parallel_loop3A_880 : i32 to index
        %parallel_loop3A_894 = arith.constant 48 : index
        %parallel_loop3A_895 = tpu.vector_load %arg8[%parallel_loop3A_893, %parallel_loop3A_894] {strides = array<i32>} : memref<50x128xf32, #tpu.memory_space<vmem>>, vector<1x16xf32>,
        %parallel_loop3A_896 = vector.shape_cast %parallel_loop3A_895 : vector<1x16xf32> to vector<16xf32>
        %parallel_loop3A_897 = arith.index_cast %parallel_loop3A_880 : i32 to index
        %parallel_loop3A_898 = arith.constant 64 : index
        %parallel_loop3A_899 = tpu.vector_load %arg8[%parallel_loop3A_897, %parallel_loop3A_898] {strides = array<i32>} : memref<50x128xf32, #tpu.memory_space<vmem>>, vector<1x16xf32>,
        %parallel_loop3A_900 = vector.shape_cast %parallel_loop3A_899 : vector<1x16xf32> to vector<16xf32>
        %parallel_loop3A_901 = arith.index_cast %parallel_loop3A_880 : i32 to index
        %parallel_loop3A_902 = arith.constant 80 : index
        %parallel_loop3A_903 = tpu.vector_load %arg8[%parallel_loop3A_901, %parallel_loop3A_902] {strides = array<i32>} : memref<50x128xf32, #tpu.memory_space<vmem>>, vector<1x16xf32>,
        %parallel_loop3A_904 = vector.shape_cast %parallel_loop3A_903 : vector<1x16xf32> to vector<16xf32>
        %parallel_loop3A_905 = arith.index_cast %parallel_loop3A_880 : i32 to index
        %parallel_loop3A_906 = arith.constant 96 : index
        %parallel_loop3A_907 = tpu.vector_load %arg8[%parallel_loop3A_905, %parallel_loop3A_906] {strides = array<i32>} : memref<50x128xf32, #tpu.memory_space<vmem>>, vector<1x16xf32>,
        %parallel_loop3A_908 = vector.shape_cast %parallel_loop3A_907 : vector<1x16xf32> to vector<16xf32>
        %parallel_loop3A_909 = arith.index_cast %parallel_loop3A_880 : i32 to index
        %parallel_loop3A_910 = arith.constant 112 : index
        %parallel_loop3A_911 = tpu.vector_load %arg8[%parallel_loop3A_909, %parallel_loop3A_910] {strides = array<i32>} : memref<50x128xf32, #tpu.memory_space<vmem>>, vector<1x16xf32>,
        %parallel_loop3A_912 = vector.shape_cast %parallel_loop3A_911 : vector<1x16xf32> to vector<16xf32>
        %parallel_loop3A_913 = arith.constant 0 : i32
        %parallel_loop3A_914 = arith.constant 0 : i32
        %parallel_loop3A_915 = arith.index_cast %parallel_loop3A_913 : i32 to index
        %parallel_loop3A_916 = arith.index_cast %parallel_loop3A_914 : i32 to index
        %parallel_loop3A_917 = arith.index_cast %parallel_loop3A_880 : i32 to index
        %parallel_loop3A_918 = arith.constant 0 : index
        %parallel_loop3A_919 = tpu.vector_load %arg7[%parallel_loop3A_915, %parallel_loop3A_916, %parallel_loop3A_917, %parallel_loop3A_918] {strides = array<i32>} : memref<4x4x50x128xf32, #tpu.memory_space<vmem>>, vector<1x1x1x16xf32>,
        %parallel_loop3A_920 = vector.shape_cast %parallel_loop3A_919 : vector<1x1x1x16xf32> to vector<16xf32>
        %parallel_loop3A_921 = arith.addf %parallel_loop3A_920, %parallel_loop3A_884 : vector<16xf32>
        %parallel_loop3A_922 = arith.constant 0 : i32
        %parallel_loop3A_923 = arith.constant 0 : i32
        %parallel_loop3A_924 = arith.index_cast %parallel_loop3A_922 : i32 to index
        %parallel_loop3A_925 = arith.index_cast %parallel_loop3A_923 : i32 to index
        %parallel_loop3A_926 = arith.index_cast %parallel_loop3A_880 : i32 to index
        %parallel_loop3A_927 = arith.constant 0 : index
        %parallel_loop3A_928 = tpu.vector_load %arg7[%parallel_loop3A_924, %parallel_loop3A_925, %parallel_loop3A_926, %parallel_loop3A_927] {strides = array<i32>} : memref<4x4x50x128xf32, #tpu.memory_space<vmem>>, vector<1x1x1x16xf32>,
        %parallel_loop3A_929 = vector.shape_cast %parallel_loop3A_928 : vector<1x1x1x16xf32> to vector<16xf32>
        %parallel_loop3A_930 = vector.shape_cast %parallel_loop3A_921 : vector<16xf32> to vector<1x1x1x16xf32>
        tpu.vector_store %arg7[%parallel_loop3A_924, %parallel_loop3A_925, %parallel_loop3A_926, %parallel_loop3A_927], %parallel_loop3A_930 {strides = array<i32>} : memref<4x4x50x128xf32, #tpu.memory_space<vmem>>, vector<1x1x1x16xf32>,
        %parallel_loop3A_931 = arith.constant 0 : i32
        %parallel_loop3A_932 = arith.constant 0 : i32
        %parallel_loop3A_933 = arith.index_cast %parallel_loop3A_931 : i32 to index
        %parallel_loop3A_934 = arith.index_cast %parallel_loop3A_932 : i32 to index
        %parallel_loop3A_935 = arith.index_cast %parallel_loop3A_880 : i32 to index
        %parallel_loop3A_936 = arith.constant 16 : index
        %parallel_loop3A_937 = tpu.vector_load %arg7[%parallel_loop3A_933, %parallel_loop3A_934, %parallel_loop3A_935, %parallel_loop3A_936] {strides = array<i32>} : memref<4x4x50x128xf32, #tpu.memory_space<vmem>>, vector<1x1x1x16xf32>,
        %parallel_loop3A_938 = vector.shape_cast %parallel_loop3A_937 : vector<1x1x1x16xf32> to vector<16xf32>
        %parallel_loop3A_939 = arith.addf %parallel_loop3A_938, %parallel_loop3A_888 : vector<16xf32>
        %parallel_loop3A_940 = arith.constant 0 : i32
        %parallel_loop3A_941 = arith.constant 0 : i32
        %parallel_loop3A_942 = arith.index_cast %parallel_loop3A_940 : i32 to index
        %parallel_loop3A_943 = arith.index_cast %parallel_loop3A_941 : i32 to index
        %parallel_loop3A_944 = arith.index_cast %parallel_loop3A_880 : i32 to index
        %parallel_loop3A_945 = arith.constant 16 : index
        %parallel_loop3A_946 = tpu.vector_load %arg7[%parallel_loop3A_942, %parallel_loop3A_943, %parallel_loop3A_944, %parallel_loop3A_945] {strides = array<i32>} : memref<4x4x50x128xf32, #tpu.memory_space<vmem>>, vector<1x1x1x16xf32>,
        %parallel_loop3A_947 = vector.shape_cast %parallel_loop3A_946 : vector<1x1x1x16xf32> to vector<16xf32>
        %parallel_loop3A_948 = vector.shape_cast %parallel_loop3A_939 : vector<16xf32> to vector<1x1x1x16xf32>
        tpu.vector_store %arg7[%parallel_loop3A_942, %parallel_loop3A_943, %parallel_loop3A_944, %parallel_loop3A_945], %parallel_loop3A_948 {strides = array<i32>} : memref<4x4x50x128xf32, #tpu.memory_space<vmem>>, vector<1x1x1x16xf32>,
        %parallel_loop3A_949 = arith.constant 0 : i32
        %parallel_loop3A_950 = arith.constant 0 : i32
        %parallel_loop3A_951 = arith.index_cast %parallel_loop3A_949 : i32 to index
        %parallel_loop3A_952 = arith.index_cast %parallel_loop3A_950 : i32 to index
        %parallel_loop3A_953 = arith.index_cast %parallel_loop3A_880 : i32 to index
        %parallel_loop3A_954 = arith.constant 32 : index
        %parallel_loop3A_955 = tpu.vector_load %arg7[%parallel_loop3A_951, %parallel_loop3A_952, %parallel_loop3A_953, %parallel_loop3A_954] {strides = array<i32>} : memref<4x4x50x128xf32, #tpu.memory_space<vmem>>, vector<1x1x1x16xf32>,
        %parallel_loop3A_956 = vector.shape_cast %parallel_loop3A_955 : vector<1x1x1x16xf32> to vector<16xf32>
        %parallel_loop3A_957 = arith.addf %parallel_loop3A_956, %parallel_loop3A_892 : vector<16xf32>
        %parallel_loop3A_958 = arith.constant 0 : i32
        %parallel_loop3A_959 = arith.constant 0 : i32
        %parallel_loop3A_960 = arith.index_cast %parallel_loop3A_958 : i32 to index
        %parallel_loop3A_961 = arith.index_cast %parallel_loop3A_959 : i32 to index
        %parallel_loop3A_962 = arith.index_cast %parallel_loop3A_880 : i32 to index
        %parallel_loop3A_963 = arith.constant 32 : index
        %parallel_loop3A_964 = tpu.vector_load %arg7[%parallel_loop3A_960, %parallel_loop3A_961, %parallel_loop3A_962, %parallel_loop3A_963] {strides = array<i32>} : memref<4x4x50x128xf32, #tpu.memory_space<vmem>>, vector<1x1x1x16xf32>,
        %parallel_loop3A_965 = vector.shape_cast %parallel_loop3A_964 : vector<1x1x1x16xf32> to vector<16xf32>
        %parallel_loop3A_966 = vector.shape_cast %parallel_loop3A_957 : vector<16xf32> to vector<1x1x1x16xf32>
        tpu.vector_store %arg7[%parallel_loop3A_960, %parallel_loop3A_961, %parallel_loop3A_962, %parallel_loop3A_963], %parallel_loop3A_966 {strides = array<i32>} : memref<4x4x50x128xf32, #tpu.memory_space<vmem>>, vector<1x1x1x16xf32>,
        %parallel_loop3A_967 = arith.constant 0 : i32
        %parallel_loop3A_968 = arith.constant 0 : i32
        %parallel_loop3A_969 = arith.index_cast %parallel_loop3A_967 : i32 to index
        %parallel_loop3A_970 = arith.index_cast %parallel_loop3A_968 : i32 to index
        %parallel_loop3A_971 = arith.index_cast %parallel_loop3A_880 : i32 to index
        %parallel_loop3A_972 = arith.constant 48 : index
        %parallel_loop3A_973 = tpu.vector_load %arg7[%parallel_loop3A_969, %parallel_loop3A_970, %parallel_loop3A_971, %parallel_loop3A_972] {strides = array<i32>} : memref<4x4x50x128xf32, #tpu.memory_space<vmem>>, vector<1x1x1x16xf32>,
        %parallel_loop3A_974 = vector.shape_cast %parallel_loop3A_973 : vector<1x1x1x16xf32> to vector<16xf32>
        %parallel_loop3A_975 = arith.addf %parallel_loop3A_974, %parallel_loop3A_896 : vector<16xf32>
        %parallel_loop3A_976 = arith.constant 0 : i32
        %parallel_loop3A_977 = arith.constant 0 : i32
        %parallel_loop3A_978 = arith.index_cast %parallel_loop3A_976 : i32 to index
        %parallel_loop3A_979 = arith.index_cast %parallel_loop3A_977 : i32 to index
        %parallel_loop3A_980 = arith.index_cast %parallel_loop3A_880 : i32 to index
        %parallel_loop3A_981 = arith.constant 48 : index
        %parallel_loop3A_982 = tpu.vector_load %arg7[%parallel_loop3A_978, %parallel_loop3A_979, %parallel_loop3A_980, %parallel_loop3A_981] {strides = array<i32>} : memref<4x4x50x128xf32, #tpu.memory_space<vmem>>, vector<1x1x1x16xf32>,
        %parallel_loop3A_983 = vector.shape_cast %parallel_loop3A_982 : vector<1x1x1x16xf32> to vector<16xf32>
        %parallel_loop3A_984 = vector.shape_cast %parallel_loop3A_975 : vector<16xf32> to vector<1x1x1x16xf32>
        tpu.vector_store %arg7[%parallel_loop3A_978, %parallel_loop3A_979, %parallel_loop3A_980, %parallel_loop3A_981], %parallel_loop3A_984 {strides = array<i32>} : memref<4x4x50x128xf32, #tpu.memory_space<vmem>>, vector<1x1x1x16xf32>,
        %parallel_loop3A_985 = arith.constant 0 : i32
        %parallel_loop3A_986 = arith.constant 0 : i32
        %parallel_loop3A_987 = arith.index_cast %parallel_loop3A_985 : i32 to index
        %parallel_loop3A_988 = arith.index_cast %parallel_loop3A_986 : i32 to index
        %parallel_loop3A_989 = arith.index_cast %parallel_loop3A_880 : i32 to index
        %parallel_loop3A_990 = arith.constant 64 : index
        %parallel_loop3A_991 = tpu.vector_load %arg7[%parallel_loop3A_987, %parallel_loop3A_988, %parallel_loop3A_989, %parallel_loop3A_990] {strides = array<i32>} : memref<4x4x50x128xf32, #tpu.memory_space<vmem>>, vector<1x1x1x16xf32>,
        %parallel_loop3A_992 = vector.shape_cast %parallel_loop3A_991 : vector<1x1x1x16xf32> to vector<16xf32>
        %parallel_loop3A_993 = arith.addf %parallel_loop3A_992, %parallel_loop3A_900 : vector<16xf32>
        %parallel_loop3A_994 = arith.constant 0 : i32
        %parallel_loop3A_995 = arith.constant 0 : i32
        %parallel_loop3A_996 = arith.index_cast %parallel_loop3A_994 : i32 to index
        %parallel_loop3A_997 = arith.index_cast %parallel_loop3A_995 : i32 to index
        %parallel_loop3A_998 = arith.index_cast %parallel_loop3A_880 : i32 to index
        %parallel_loop3A_999 = arith.constant 64 : index
        %parallel_loop3A_1000 = tpu.vector_load %arg7[%parallel_loop3A_996, %parallel_loop3A_997, %parallel_loop3A_998, %parallel_loop3A_999] {strides = array<i32>} : memref<4x4x50x128xf32, #tpu.memory_space<vmem>>, vector<1x1x1x16xf32>,
        %parallel_loop3A_1001 = vector.shape_cast %parallel_loop3A_1000 : vector<1x1x1x16xf32> to vector<16xf32>
        %parallel_loop3A_1002 = vector.shape_cast %parallel_loop3A_993 : vector<16xf32> to vector<1x1x1x16xf32>
        tpu.vector_store %arg7[%parallel_loop3A_996, %parallel_loop3A_997, %parallel_loop3A_998, %parallel_loop3A_999], %parallel_loop3A_1002 {strides = array<i32>} : memref<4x4x50x128xf32, #tpu.memory_space<vmem>>, vector<1x1x1x16xf32>,
        %parallel_loop3A_1003 = arith.constant 0 : i32
        %parallel_loop3A_1004 = arith.constant 0 : i32
        %parallel_loop3A_1005 = arith.index_cast %parallel_loop3A_1003 : i32 to index
        %parallel_loop3A_1006 = arith.index_cast %parallel_loop3A_1004 : i32 to index
        %parallel_loop3A_1007 = arith.index_cast %parallel_loop3A_880 : i32 to index
        %parallel_loop3A_1008 = arith.constant 80 : index
        %parallel_loop3A_1009 = tpu.vector_load %arg7[%parallel_loop3A_1005, %parallel_loop3A_1006, %parallel_loop3A_1007, %parallel_loop3A_1008] {strides = array<i32>} : memref<4x4x50x128xf32, #tpu.memory_space<vmem>>, vector<1x1x1x16xf32>,
        %parallel_loop3A_1010 = vector.shape_cast %parallel_loop3A_1009 : vector<1x1x1x16xf32> to vector<16xf32>
        %parallel_loop3A_1011 = arith.addf %parallel_loop3A_1010, %parallel_loop3A_904 : vector<16xf32>
        %parallel_loop3A_1012 = arith.constant 0 : i32
        %parallel_loop3A_1013 = arith.constant 0 : i32
        %parallel_loop3A_1014 = arith.index_cast %parallel_loop3A_1012 : i32 to index
        %parallel_loop3A_1015 = arith.index_cast %parallel_loop3A_1013 : i32 to index
        %parallel_loop3A_1016 = arith.index_cast %parallel_loop3A_880 : i32 to index
        %parallel_loop3A_1017 = arith.constant 80 : index
        %parallel_loop3A_1018 = tpu.vector_load %arg7[%parallel_loop3A_1014, %parallel_loop3A_1015, %parallel_loop3A_1016, %parallel_loop3A_1017] {strides = array<i32>} : memref<4x4x50x128xf32, #tpu.memory_space<vmem>>, vector<1x1x1x16xf32>,
        %parallel_loop3A_1019 = vector.shape_cast %parallel_loop3A_1018 : vector<1x1x1x16xf32> to vector<16xf32>
        %parallel_loop3A_1020 = vector.shape_cast %parallel_loop3A_1011 : vector<16xf32> to vector<1x1x1x16xf32>
        tpu.vector_store %arg7[%parallel_loop3A_1014, %parallel_loop3A_1015, %parallel_loop3A_1016, %parallel_loop3A_1017], %parallel_loop3A_1020 {strides = array<i32>} : memref<4x4x50x128xf32, #tpu.memory_space<vmem>>, vector<1x1x1x16xf32>,
        %parallel_loop3A_1021 = arith.constant 0 : i32
        %parallel_loop3A_1022 = arith.constant 0 : i32
        %parallel_loop3A_1023 = arith.index_cast %parallel_loop3A_1021 : i32 to index
        %parallel_loop3A_1024 = arith.index_cast %parallel_loop3A_1022 : i32 to index
        %parallel_loop3A_1025 = arith.index_cast %parallel_loop3A_880 : i32 to index
        %parallel_loop3A_1026 = arith.constant 96 : index
        %parallel_loop3A_1027 = tpu.vector_load %arg7[%parallel_loop3A_1023, %parallel_loop3A_1024, %parallel_loop3A_1025, %parallel_loop3A_1026] {strides = array<i32>} : memref<4x4x50x128xf32, #tpu.memory_space<vmem>>, vector<1x1x1x16xf32>,
        %parallel_loop3A_1028 = vector.shape_cast %parallel_loop3A_1027 : vector<1x1x1x16xf32> to vector<16xf32>
        %parallel_loop3A_1029 = arith.addf %parallel_loop3A_1028, %parallel_loop3A_908 : vector<16xf32>
        %parallel_loop3A_1030 = arith.constant 0 : i32
        %parallel_loop3A_1031 = arith.constant 0 : i32
        %parallel_loop3A_1032 = arith.index_cast %parallel_loop3A_1030 : i32 to index
        %parallel_loop3A_1033 = arith.index_cast %parallel_loop3A_1031 : i32 to index
        %parallel_loop3A_1034 = arith.index_cast %parallel_loop3A_880 : i32 to index
        %parallel_loop3A_1035 = arith.constant 96 : index
        %parallel_loop3A_1036 = tpu.vector_load %arg7[%parallel_loop3A_1032, %parallel_loop3A_1033, %parallel_loop3A_1034, %parallel_loop3A_1035] {strides = array<i32>} : memref<4x4x50x128xf32, #tpu.memory_space<vmem>>, vector<1x1x1x16xf32>,
        %parallel_loop3A_1037 = vector.shape_cast %parallel_loop3A_1036 : vector<1x1x1x16xf32> to vector<16xf32>
        %parallel_loop3A_1038 = vector.shape_cast %parallel_loop3A_1029 : vector<16xf32> to vector<1x1x1x16xf32>
        tpu.vector_store %arg7[%parallel_loop3A_1032, %parallel_loop3A_1033, %parallel_loop3A_1034, %parallel_loop3A_1035], %parallel_loop3A_1038 {strides = array<i32>} : memref<4x4x50x128xf32, #tpu.memory_space<vmem>>, vector<1x1x1x16xf32>,
        %parallel_loop3A_1039 = arith.constant 0 : i32
        %parallel_loop3A_1040 = arith.constant 0 : i32
        %parallel_loop3A_1041 = arith.index_cast %parallel_loop3A_1039 : i32 to index
        %parallel_loop3A_1042 = arith.index_cast %parallel_loop3A_1040 : i32 to index
        %parallel_loop3A_1043 = arith.index_cast %parallel_loop3A_880 : i32 to index
        %parallel_loop3A_1044 = arith.constant 112 : index
        %parallel_loop3A_1045 = tpu.vector_load %arg7[%parallel_loop3A_1041, %parallel_loop3A_1042, %parallel_loop3A_1043, %parallel_loop3A_1044] {strides = array<i32>} : memref<4x4x50x128xf32, #tpu.memory_space<vmem>>, vector<1x1x1x16xf32>,
        %parallel_loop3A_1046 = vector.shape_cast %parallel_loop3A_1045 : vector<1x1x1x16xf32> to vector<16xf32>
        %parallel_loop3A_1047 = arith.addf %parallel_loop3A_1046, %parallel_loop3A_912 : vector<16xf32>
        %parallel_loop3A_1048 = arith.constant 0 : i32
        %parallel_loop3A_1049 = arith.constant 0 : i32
        %parallel_loop3A_1050 = arith.index_cast %parallel_loop3A_1048 : i32 to index
        %parallel_loop3A_1051 = arith.index_cast %parallel_loop3A_1049 : i32 to index
        %parallel_loop3A_1052 = arith.index_cast %parallel_loop3A_880 : i32 to index
        %parallel_loop3A_1053 = arith.constant 112 : index
        %parallel_loop3A_1054 = tpu.vector_load %arg7[%parallel_loop3A_1050, %parallel_loop3A_1051, %parallel_loop3A_1052, %parallel_loop3A_1053] {strides = array<i32>} : memref<4x4x50x128xf32, #tpu.memory_space<vmem>>, vector<1x1x1x16xf32>,
        %parallel_loop3A_1055 = vector.shape_cast %parallel_loop3A_1054 : vector<1x1x1x16xf32> to vector<16xf32>
        %parallel_loop3A_1056 = vector.shape_cast %parallel_loop3A_1047 : vector<16xf32> to vector<1x1x1x16xf32>
        tpu.vector_store %arg7[%parallel_loop3A_1050, %parallel_loop3A_1051, %parallel_loop3A_1052, %parallel_loop3A_1053], %parallel_loop3A_1056 {strides = array<i32>} : memref<4x4x50x128xf32, #tpu.memory_space<vmem>>, vector<1x1x1x16xf32>,
        %parallel_loop3A_1057 = arith.constant 0 : i32
        %parallel_loop3A_1058 = arith.constant 1 : i32
        %parallel_loop3A_1059 = arith.index_cast %parallel_loop3A_1057 : i32 to index
        %parallel_loop3A_1060 = arith.index_cast %parallel_loop3A_1058 : i32 to index
        %parallel_loop3A_1061 = arith.index_cast %parallel_loop3A_880 : i32 to index
        %parallel_loop3A_1062 = arith.constant 0 : index
        %parallel_loop3A_1063 = tpu.vector_load %arg7[%parallel_loop3A_1059, %parallel_loop3A_1060, %parallel_loop3A_1061, %parallel_loop3A_1062] {strides = array<i32>} : memref<4x4x50x128xf32, #tpu.memory_space<vmem>>, vector<1x1x1x16xf32>,
        %parallel_loop3A_1064 = vector.shape_cast %parallel_loop3A_1063 : vector<1x1x1x16xf32> to vector<16xf32>
        %parallel_loop3A_1065 = arith.addf %parallel_loop3A_1064, %parallel_loop3A_884 : vector<16xf32>
        %parallel_loop3A_1066 = arith.constant 0 : i32
        %parallel_loop3A_1067 = arith.constant 1 : i32
        %parallel_loop3A_1068 = arith.index_cast %parallel_loop3A_1066 : i32 to index
        %parallel_loop3A_1069 = arith.index_cast %parallel_loop3A_1067 : i32 to index
        %parallel_loop3A_1070 = arith.index_cast %parallel_loop3A_880 : i32 to index
        %parallel_loop3A_1071 = arith.constant 0 : index
        %parallel_loop3A_1072 = tpu.vector_load %arg7[%parallel_loop3A_1068, %parallel_loop3A_1069, %parallel_loop3A_1070, %parallel_loop3A_1071] {strides = array<i32>} : memref<4x4x50x128xf32, #tpu.memory_space<vmem>>, vector<1x1x1x16xf32>,
        %parallel_loop3A_1073 = vector.shape_cast %parallel_loop3A_1072 : vector<1x1x1x16xf32> to vector<16xf32>
        %parallel_loop3A_1074 = vector.shape_cast %parallel_loop3A_1065 : vector<16xf32> to vector<1x1x1x16xf32>
        tpu.vector_store %arg7[%parallel_loop3A_1068, %parallel_loop3A_1069, %parallel_loop3A_1070, %parallel_loop3A_1071], %parallel_loop3A_1074 {strides = array<i32>} : memref<4x4x50x128xf32, #tpu.memory_space<vmem>>, vector<1x1x1x16xf32>,
        %parallel_loop3A_1075 = arith.constant 0 : i32
        %parallel_loop3A_1076 = arith.constant 1 : i32
        %parallel_loop3A_1077 = arith.index_cast %parallel_loop3A_1075 : i32 to index
        %parallel_loop3A_1078 = arith.index_cast %parallel_loop3A_1076 : i32 to index
        %parallel_loop3A_1079 = arith.index_cast %parallel_loop3A_880 : i32 to index
        %parallel_loop3A_1080 = arith.constant 16 : index
        %parallel_loop3A_1081 = tpu.vector_load %arg7[%parallel_loop3A_1077, %parallel_loop3A_1078, %parallel_loop3A_1079, %parallel_loop3A_1080] {strides = array<i32>} : memref<4x4x50x128xf32, #tpu.memory_space<vmem>>, vector<1x1x1x16xf32>,
        %parallel_loop3A_1082 = vector.shape_cast %parallel_loop3A_1081 : vector<1x1x1x16xf32> to vector<16xf32>
        %parallel_loop3A_1083 = arith.addf %parallel_loop3A_1082, %parallel_loop3A_888 : vector<16xf32>
        %parallel_loop3A_1084 = arith.constant 0 : i32
        %parallel_loop3A_1085 = arith.constant 1 : i32
        %parallel_loop3A_1086 = arith.index_cast %parallel_loop3A_1084 : i32 to index
        %parallel_loop3A_1087 = arith.index_cast %parallel_loop3A_1085 : i32 to index
        %parallel_loop3A_1088 = arith.index_cast %parallel_loop3A_880 : i32 to index
        %parallel_loop3A_1089 = arith.constant 16 : index
        %parallel_loop3A_1090 = tpu.vector_load %arg7[%parallel_loop3A_1086, %parallel_loop3A_1087, %parallel_loop3A_1088, %parallel_loop3A_1089] {strides = array<i32>} : memref<4x4x50x128xf32, #tpu.memory_space<vmem>>, vector<1x1x1x16xf32>,
        %parallel_loop3A_1091 = vector.shape_cast %parallel_loop3A_1090 : vector<1x1x1x16xf32> to vector<16xf32>
        %parallel_loop3A_1092 = vector.shape_cast %parallel_loop3A_1083 : vector<16xf32> to vector<1x1x1x16xf32>
        tpu.vector_store %arg7[%parallel_loop3A_1086, %parallel_loop3A_1087, %parallel_loop3A_1088, %parallel_loop3A_1089], %parallel_loop3A_1092 {strides = array<i32>} : memref<4x4x50x128xf32, #tpu.memory_space<vmem>>, vector<1x1x1x16xf32>,
        %parallel_loop3A_1093 = arith.constant 0 : i32
        %parallel_loop3A_1094 = arith.constant 1 : i32
        %parallel_loop3A_1095 = arith.index_cast %parallel_loop3A_1093 : i32 to index
        %parallel_loop3A_1096 = arith.index_cast %parallel_loop3A_1094 : i32 to index
        %parallel_loop3A_1097 = arith.index_cast %parallel_loop3A_880 : i32 to index
        %parallel_loop3A_1098 = arith.constant 32 : index
        %parallel_loop3A_1099 = tpu.vector_load %arg7[%parallel_loop3A_1095, %parallel_loop3A_1096, %parallel_loop3A_1097, %parallel_loop3A_1098] {strides = array<i32>} : memref<4x4x50x128xf32, #tpu.memory_space<vmem>>, vector<1x1x1x16xf32>,
        %parallel_loop3A_1100 = vector.shape_cast %parallel_loop3A_1099 : vector<1x1x1x16xf32> to vector<16xf32>
        %parallel_loop3A_1101 = arith.addf %parallel_loop3A_1100, %parallel_loop3A_892 : vector<16xf32>
        %parallel_loop3A_1102 = arith.constant 0 : i32
        %parallel_loop3A_1103 = arith.constant 1 : i32
        %parallel_loop3A_1104 = arith.index_cast %parallel_loop3A_1102 : i32 to index
        %parallel_loop3A_1105 = arith.index_cast %parallel_loop3A_1103 : i32 to index
        %parallel_loop3A_1106 = arith.index_cast %parallel_loop3A_880 : i32 to index
        %parallel_loop3A_1107 = arith.constant 32 : index
        %parallel_loop3A_1108 = tpu.vector_load %arg7[%parallel_loop3A_1104, %parallel_loop3A_1105, %parallel_loop3A_1106, %parallel_loop3A_1107] {strides = array<i32>} : memref<4x4x50x128xf32, #tpu.memory_space<vmem>>, vector<1x1x1x16xf32>,
        %parallel_loop3A_1109 = vector.shape_cast %parallel_loop3A_1108 : vector<1x1x1x16xf32> to vector<16xf32>
        %parallel_loop3A_1110 = vector.shape_cast %parallel_loop3A_1101 : vector<16xf32> to vector<1x1x1x16xf32>
        tpu.vector_store %arg7[%parallel_loop3A_1104, %parallel_loop3A_1105, %parallel_loop3A_1106, %parallel_loop3A_1107], %parallel_loop3A_1110 {strides = array<i32>} : memref<4x4x50x128xf32, #tpu.memory_space<vmem>>, vector<1x1x1x16xf32>,
        %parallel_loop3A_1111 = arith.constant 0 : i32
        %parallel_loop3A_1112 = arith.constant 1 : i32
        %parallel_loop3A_1113 = arith.index_cast %parallel_loop3A_1111 : i32 to index
        %parallel_loop3A_1114 = arith.index_cast %parallel_loop3A_1112 : i32 to index
        %parallel_loop3A_1115 = arith.index_cast %parallel_loop3A_880 : i32 to index
        %parallel_loop3A_1116 = arith.constant 48 : index
        %parallel_loop3A_1117 = tpu.vector_load %arg7[%parallel_loop3A_1113, %parallel_loop3A_1114, %parallel_loop3A_1115, %parallel_loop3A_1116] {strides = array<i32>} : memref<4x4x50x128xf32, #tpu.memory_space<vmem>>, vector<1x1x1x16xf32>,
        %parallel_loop3A_1118 = vector.shape_cast %parallel_loop3A_1117 : vector<1x1x1x16xf32> to vector<16xf32>
        %parallel_loop3A_1119 = arith.addf %parallel_loop3A_1118, %parallel_loop3A_896 : vector<16xf32>
        %parallel_loop3A_1120 = arith.constant 0 : i32
        %parallel_loop3A_1121 = arith.constant 1 : i32
        %parallel_loop3A_1122 = arith.index_cast %parallel_loop3A_1120 : i32 to index
        %parallel_loop3A_1123 = arith.index_cast %parallel_loop3A_1121 : i32 to index
        %parallel_loop3A_1124 = arith.index_cast %parallel_loop3A_880 : i32 to index
        %parallel_loop3A_1125 = arith.constant 48 : index
        %parallel_loop3A_1126 = tpu.vector_load %arg7[%parallel_loop3A_1122, %parallel_loop3A_1123, %parallel_loop3A_1124, %parallel_loop3A_1125] {strides = array<i32>} : memref<4x4x50x128xf32, #tpu.memory_space<vmem>>, vector<1x1x1x16xf32>,
        %parallel_loop3A_1127 = vector.shape_cast %parallel_loop3A_1126 : vector<1x1x1x16xf32> to vector<16xf32>
        %parallel_loop3A_1128 = vector.shape_cast %parallel_loop3A_1119 : vector<16xf32> to vector<1x1x1x16xf32>
        tpu.vector_store %arg7[%parallel_loop3A_1122, %parallel_loop3A_1123, %parallel_loop3A_1124, %parallel_loop3A_1125], %parallel_loop3A_1128 {strides = array<i32>} : memref<4x4x50x128xf32, #tpu.memory_space<vmem>>, vector<1x1x1x16xf32>,
        %parallel_loop3A_1129 = arith.constant 0 : i32
        %parallel_loop3A_1130 = arith.constant 1 : i32
        %parallel_loop3A_1131 = arith.index_cast %parallel_loop3A_1129 : i32 to index
        %parallel_loop3A_1132 = arith.index_cast %parallel_loop3A_1130 : i32 to index
        %parallel_loop3A_1133 = arith.index_cast %parallel_loop3A_880 : i32 to index
        %parallel_loop3A_1134 = arith.constant 64 : index
        %parallel_loop3A_1135 = tpu.vector_load %arg7[%parallel_loop3A_1131, %parallel_loop3A_1132, %parallel_loop3A_1133, %parallel_loop3A_1134] {strides = array<i32>} : memref<4x4x50x128xf32, #tpu.memory_space<vmem>>, vector<1x1x1x16xf32>,
        %parallel_loop3A_1136 = vector.shape_cast %parallel_loop3A_1135 : vector<1x1x1x16xf32> to vector<16xf32>
        %parallel_loop3A_1137 = arith.addf %parallel_loop3A_1136, %parallel_loop3A_900 : vector<16xf32>
        %parallel_loop3A_1138 = arith.constant 0 : i32
        %parallel_loop3A_1139 = arith.constant 1 : i32
        %parallel_loop3A_1140 = arith.index_cast %parallel_loop3A_1138 : i32 to index
        %parallel_loop3A_1141 = arith.index_cast %parallel_loop3A_1139 : i32 to index
        %parallel_loop3A_1142 = arith.index_cast %parallel_loop3A_880 : i32 to index
        %parallel_loop3A_1143 = arith.constant 64 : index
        %parallel_loop3A_1144 = tpu.vector_load %arg7[%parallel_loop3A_1140, %parallel_loop3A_1141, %parallel_loop3A_1142, %parallel_loop3A_1143] {strides = array<i32>} : memref<4x4x50x128xf32, #tpu.memory_space<vmem>>, vector<1x1x1x16xf32>,
        %parallel_loop3A_1145 = vector.shape_cast %parallel_loop3A_1144 : vector<1x1x1x16xf32> to vector<16xf32>
        %parallel_loop3A_1146 = vector.shape_cast %parallel_loop3A_1137 : vector<16xf32> to vector<1x1x1x16xf32>
        tpu.vector_store %arg7[%parallel_loop3A_1140, %parallel_loop3A_1141, %parallel_loop3A_1142, %parallel_loop3A_1143], %parallel_loop3A_1146 {strides = array<i32>} : memref<4x4x50x128xf32, #tpu.memory_space<vmem>>, vector<1x1x1x16xf32>,
        %parallel_loop3A_1147 = arith.constant 0 : i32
        %parallel_loop3A_1148 = arith.constant 1 : i32
        %parallel_loop3A_1149 = arith.index_cast %parallel_loop3A_1147 : i32 to index
        %parallel_loop3A_1150 = arith.index_cast %parallel_loop3A_1148 : i32 to index
        %parallel_loop3A_1151 = arith.index_cast %parallel_loop3A_880 : i32 to index
        %parallel_loop3A_1152 = arith.constant 80 : index
        %parallel_loop3A_1153 = tpu.vector_load %arg7[%parallel_loop3A_1149, %parallel_loop3A_1150, %parallel_loop3A_1151, %parallel_loop3A_1152] {strides = array<i32>} : memref<4x4x50x128xf32, #tpu.memory_space<vmem>>, vector<1x1x1x16xf32>,
        %parallel_loop3A_1154 = vector.shape_cast %parallel_loop3A_1153 : vector<1x1x1x16xf32> to vector<16xf32>
        %parallel_loop3A_1155 = arith.addf %parallel_loop3A_1154, %parallel_loop3A_904 : vector<16xf32>
        %parallel_loop3A_1156 = arith.constant 0 : i32
        %parallel_loop3A_1157 = arith.constant 1 : i32
        %parallel_loop3A_1158 = arith.index_cast %parallel_loop3A_1156 : i32 to index
        %parallel_loop3A_1159 = arith.index_cast %parallel_loop3A_1157 : i32 to index
        %parallel_loop3A_1160 = arith.index_cast %parallel_loop3A_880 : i32 to index
        %parallel_loop3A_1161 = arith.constant 80 : index
        %parallel_loop3A_1162 = tpu.vector_load %arg7[%parallel_loop3A_1158, %parallel_loop3A_1159, %parallel_loop3A_1160, %parallel_loop3A_1161] {strides = array<i32>} : memref<4x4x50x128xf32, #tpu.memory_space<vmem>>, vector<1x1x1x16xf32>,
        %parallel_loop3A_1163 = vector.shape_cast %parallel_loop3A_1162 : vector<1x1x1x16xf32> to vector<16xf32>
        %parallel_loop3A_1164 = vector.shape_cast %parallel_loop3A_1155 : vector<16xf32> to vector<1x1x1x16xf32>
        tpu.vector_store %arg7[%parallel_loop3A_1158, %parallel_loop3A_1159, %parallel_loop3A_1160, %parallel_loop3A_1161], %parallel_loop3A_1164 {strides = array<i32>} : memref<4x4x50x128xf32, #tpu.memory_space<vmem>>, vector<1x1x1x16xf32>,
        %parallel_loop3A_1165 = arith.constant 0 : i32
        %parallel_loop3A_1166 = arith.constant 1 : i32
        %parallel_loop3A_1167 = arith.index_cast %parallel_loop3A_1165 : i32 to index
        %parallel_loop3A_1168 = arith.index_cast %parallel_loop3A_1166 : i32 to index
        %parallel_loop3A_1169 = arith.index_cast %parallel_loop3A_880 : i32 to index
        %parallel_loop3A_1170 = arith.constant 96 : index
        %parallel_loop3A_1171 = tpu.vector_load %arg7[%parallel_loop3A_1167, %parallel_loop3A_1168, %parallel_loop3A_1169, %parallel_loop3A_1170] {strides = array<i32>} : memref<4x4x50x128xf32, #tpu.memory_space<vmem>>, vector<1x1x1x16xf32>,
        %parallel_loop3A_1172 = vector.shape_cast %parallel_loop3A_1171 : vector<1x1x1x16xf32> to vector<16xf32>
        %parallel_loop3A_1173 = arith.addf %parallel_loop3A_1172, %parallel_loop3A_908 : vector<16xf32>
        %parallel_loop3A_1174 = arith.constant 0 : i32
        %parallel_loop3A_1175 = arith.constant 1 : i32
        %parallel_loop3A_1176 = arith.index_cast %parallel_loop3A_1174 : i32 to index
        %parallel_loop3A_1177 = arith.index_cast %parallel_loop3A_1175 : i32 to index
        %parallel_loop3A_1178 = arith.index_cast %parallel_loop3A_880 : i32 to index
        %parallel_loop3A_1179 = arith.constant 96 : index
        %parallel_loop3A_1180 = tpu.vector_load %arg7[%parallel_loop3A_1176, %parallel_loop3A_1177, %parallel_loop3A_1178, %parallel_loop3A_1179] {strides = array<i32>} : memref<4x4x50x128xf32, #tpu.memory_space<vmem>>, vector<1x1x1x16xf32>,
        %parallel_loop3A_1181 = vector.shape_cast %parallel_loop3A_1180 : vector<1x1x1x16xf32> to vector<16xf32>
        %parallel_loop3A_1182 = vector.shape_cast %parallel_loop3A_1173 : vector<16xf32> to vector<1x1x1x16xf32>
        tpu.vector_store %arg7[%parallel_loop3A_1176, %parallel_loop3A_1177, %parallel_loop3A_1178, %parallel_loop3A_1179], %parallel_loop3A_1182 {strides = array<i32>} : memref<4x4x50x128xf32, #tpu.memory_space<vmem>>, vector<1x1x1x16xf32>,
        %parallel_loop3A_1183 = arith.constant 0 : i32
        %parallel_loop3A_1184 = arith.constant 1 : i32
        %parallel_loop3A_1185 = arith.index_cast %parallel_loop3A_1183 : i32 to index
        %parallel_loop3A_1186 = arith.index_cast %parallel_loop3A_1184 : i32 to index
        %parallel_loop3A_1187 = arith.index_cast %parallel_loop3A_880 : i32 to index
        %parallel_loop3A_1188 = arith.constant 112 : index
        %parallel_loop3A_1189 = tpu.vector_load %arg7[%parallel_loop3A_1185, %parallel_loop3A_1186, %parallel_loop3A_1187, %parallel_loop3A_1188] {strides = array<i32>} : memref<4x4x50x128xf32, #tpu.memory_space<vmem>>, vector<1x1x1x16xf32>,
        %parallel_loop3A_1190 = vector.shape_cast %parallel_loop3A_1189 : vector<1x1x1x16xf32> to vector<16xf32>
        %parallel_loop3A_1191 = arith.addf %parallel_loop3A_1190, %parallel_loop3A_912 : vector<16xf32>
        %parallel_loop3A_1192 = arith.constant 0 : i32
        %parallel_loop3A_1193 = arith.constant 1 : i32
        %parallel_loop3A_1194 = arith.index_cast %parallel_loop3A_1192 : i32 to index
        %parallel_loop3A_1195 = arith.index_cast %parallel_loop3A_1193 : i32 to index
        %parallel_loop3A_1196 = arith.index_cast %parallel_loop3A_880 : i32 to index
        %parallel_loop3A_1197 = arith.constant 112 : index
        %parallel_loop3A_1198 = tpu.vector_load %arg7[%parallel_loop3A_1194, %parallel_loop3A_1195, %parallel_loop3A_1196, %parallel_loop3A_1197] {strides = array<i32>} : memref<4x4x50x128xf32, #tpu.memory_space<vmem>>, vector<1x1x1x16xf32>,
        %parallel_loop3A_1199 = vector.shape_cast %parallel_loop3A_1198 : vector<1x1x1x16xf32> to vector<16xf32>
        %parallel_loop3A_1200 = vector.shape_cast %parallel_loop3A_1191 : vector<16xf32> to vector<1x1x1x16xf32>
        tpu.vector_store %arg7[%parallel_loop3A_1194, %parallel_loop3A_1195, %parallel_loop3A_1196, %parallel_loop3A_1197], %parallel_loop3A_1200 {strides = array<i32>} : memref<4x4x50x128xf32, #tpu.memory_space<vmem>>, vector<1x1x1x16xf32>,
        %parallel_loop3A_1201 = arith.constant 0 : i32
        %parallel_loop3A_1202 = arith.constant 2 : i32
        %parallel_loop3A_1203 = arith.index_cast %parallel_loop3A_1201 : i32 to index
        %parallel_loop3A_1204 = arith.index_cast %parallel_loop3A_1202 : i32 to index
        %parallel_loop3A_1205 = arith.index_cast %parallel_loop3A_880 : i32 to index
        %parallel_loop3A_1206 = arith.constant 0 : index
        %parallel_loop3A_1207 = tpu.vector_load %arg7[%parallel_loop3A_1203, %parallel_loop3A_1204, %parallel_loop3A_1205, %parallel_loop3A_1206] {strides = array<i32>} : memref<4x4x50x128xf32, #tpu.memory_space<vmem>>, vector<1x1x1x16xf32>,
        %parallel_loop3A_1208 = vector.shape_cast %parallel_loop3A_1207 : vector<1x1x1x16xf32> to vector<16xf32>
        %parallel_loop3A_1209 = arith.addf %parallel_loop3A_1208, %parallel_loop3A_884 : vector<16xf32>
        %parallel_loop3A_1210 = arith.constant 0 : i32
        %parallel_loop3A_1211 = arith.constant 2 : i32
        %parallel_loop3A_1212 = arith.index_cast %parallel_loop3A_1210 : i32 to index
        %parallel_loop3A_1213 = arith.index_cast %parallel_loop3A_1211 : i32 to index
        %parallel_loop3A_1214 = arith.index_cast %parallel_loop3A_880 : i32 to index
        %parallel_loop3A_1215 = arith.constant 0 : index
        %parallel_loop3A_1216 = tpu.vector_load %arg7[%parallel_loop3A_1212, %parallel_loop3A_1213, %parallel_loop3A_1214, %parallel_loop3A_1215] {strides = array<i32>} : memref<4x4x50x128xf32, #tpu.memory_space<vmem>>, vector<1x1x1x16xf32>,
        %parallel_loop3A_1217 = vector.shape_cast %parallel_loop3A_1216 : vector<1x1x1x16xf32> to vector<16xf32>
        %parallel_loop3A_1218 = vector.shape_cast %parallel_loop3A_1209 : vector<16xf32> to vector<1x1x1x16xf32>
        tpu.vector_store %arg7[%parallel_loop3A_1212, %parallel_loop3A_1213, %parallel_loop3A_1214, %parallel_loop3A_1215], %parallel_loop3A_1218 {strides = array<i32>} : memref<4x4x50x128xf32, #tpu.memory_space<vmem>>, vector<1x1x1x16xf32>,
        %parallel_loop3A_1219 = arith.constant 0 : i32
        %parallel_loop3A_1220 = arith.constant 2 : i32
        %parallel_loop3A_1221 = arith.index_cast %parallel_loop3A_1219 : i32 to index
        %parallel_loop3A_1222 = arith.index_cast %parallel_loop3A_1220 : i32 to index
        %parallel_loop3A_1223 = arith.index_cast %parallel_loop3A_880 : i32 to index
        %parallel_loop3A_1224 = arith.constant 16 : index
        %parallel_loop3A_1225 = tpu.vector_load %arg7[%parallel_loop3A_1221, %parallel_loop3A_1222, %parallel_loop3A_1223, %parallel_loop3A_1224] {strides = array<i32>} : memref<4x4x50x128xf32, #tpu.memory_space<vmem>>, vector<1x1x1x16xf32>,
        %parallel_loop3A_1226 = vector.shape_cast %parallel_loop3A_1225 : vector<1x1x1x16xf32> to vector<16xf32>
        %parallel_loop3A_1227 = arith.addf %parallel_loop3A_1226, %parallel_loop3A_888 : vector<16xf32>
        %parallel_loop3A_1228 = arith.constant 0 : i32
        %parallel_loop3A_1229 = arith.constant 2 : i32
        %parallel_loop3A_1230 = arith.index_cast %parallel_loop3A_1228 : i32 to index
        %parallel_loop3A_1231 = arith.index_cast %parallel_loop3A_1229 : i32 to index
        %parallel_loop3A_1232 = arith.index_cast %parallel_loop3A_880 : i32 to index
        %parallel_loop3A_1233 = arith.constant 16 : index
        %parallel_loop3A_1234 = tpu.vector_load %arg7[%parallel_loop3A_1230, %parallel_loop3A_1231, %parallel_loop3A_1232, %parallel_loop3A_1233] {strides = array<i32>} : memref<4x4x50x128xf32, #tpu.memory_space<vmem>>, vector<1x1x1x16xf32>,
        %parallel_loop3A_1235 = vector.shape_cast %parallel_loop3A_1234 : vector<1x1x1x16xf32> to vector<16xf32>
        %parallel_loop3A_1236 = vector.shape_cast %parallel_loop3A_1227 : vector<16xf32> to vector<1x1x1x16xf32>
        tpu.vector_store %arg7[%parallel_loop3A_1230, %parallel_loop3A_1231, %parallel_loop3A_1232, %parallel_loop3A_1233], %parallel_loop3A_1236 {strides = array<i32>} : memref<4x4x50x128xf32, #tpu.memory_space<vmem>>, vector<1x1x1x16xf32>,
        %parallel_loop3A_1237 = arith.constant 0 : i32
        %parallel_loop3A_1238 = arith.constant 2 : i32
        %parallel_loop3A_1239 = arith.index_cast %parallel_loop3A_1237 : i32 to index
        %parallel_loop3A_1240 = arith.index_cast %parallel_loop3A_1238 : i32 to index
        %parallel_loop3A_1241 = arith.index_cast %parallel_loop3A_880 : i32 to index
        %parallel_loop3A_1242 = arith.constant 32 : index
        %parallel_loop3A_1243 = tpu.vector_load %arg7[%parallel_loop3A_1239, %parallel_loop3A_1240, %parallel_loop3A_1241, %parallel_loop3A_1242] {strides = array<i32>} : memref<4x4x50x128xf32, #tpu.memory_space<vmem>>, vector<1x1x1x16xf32>,
        %parallel_loop3A_1244 = vector.shape_cast %parallel_loop3A_1243 : vector<1x1x1x16xf32> to vector<16xf32>
        %parallel_loop3A_1245 = arith.addf %parallel_loop3A_1244, %parallel_loop3A_892 : vector<16xf32>
        %parallel_loop3A_1246 = arith.constant 0 : i32
        %parallel_loop3A_1247 = arith.constant 2 : i32
        %parallel_loop3A_1248 = arith.index_cast %parallel_loop3A_1246 : i32 to index
        %parallel_loop3A_1249 = arith.index_cast %parallel_loop3A_1247 : i32 to index
        %parallel_loop3A_1250 = arith.index_cast %parallel_loop3A_880 : i32 to index
        %parallel_loop3A_1251 = arith.constant 32 : index
        %parallel_loop3A_1252 = tpu.vector_load %arg7[%parallel_loop3A_1248, %parallel_loop3A_1249, %parallel_loop3A_1250, %parallel_loop3A_1251] {strides = array<i32>} : memref<4x4x50x128xf32, #tpu.memory_space<vmem>>, vector<1x1x1x16xf32>,
        %parallel_loop3A_1253 = vector.shape_cast %parallel_loop3A_1252 : vector<1x1x1x16xf32> to vector<16xf32>
        %parallel_loop3A_1254 = vector.shape_cast %parallel_loop3A_1245 : vector<16xf32> to vector<1x1x1x16xf32>
        tpu.vector_store %arg7[%parallel_loop3A_1248, %parallel_loop3A_1249, %parallel_loop3A_1250, %parallel_loop3A_1251], %parallel_loop3A_1254 {strides = array<i32>} : memref<4x4x50x128xf32, #tpu.memory_space<vmem>>, vector<1x1x1x16xf32>,
        %parallel_loop3A_1255 = arith.constant 0 : i32
        %parallel_loop3A_1256 = arith.constant 2 : i32
        %parallel_loop3A_1257 = arith.index_cast %parallel_loop3A_1255 : i32 to index
        %parallel_loop3A_1258 = arith.index_cast %parallel_loop3A_1256 : i32 to index
        %parallel_loop3A_1259 = arith.index_cast %parallel_loop3A_880 : i32 to index
        %parallel_loop3A_1260 = arith.constant 48 : index
        %parallel_loop3A_1261 = tpu.vector_load %arg7[%parallel_loop3A_1257, %parallel_loop3A_1258, %parallel_loop3A_1259, %parallel_loop3A_1260] {strides = array<i32>} : memref<4x4x50x128xf32, #tpu.memory_space<vmem>>, vector<1x1x1x16xf32>,
        %parallel_loop3A_1262 = vector.shape_cast %parallel_loop3A_1261 : vector<1x1x1x16xf32> to vector<16xf32>
        %parallel_loop3A_1263 = arith.addf %parallel_loop3A_1262, %parallel_loop3A_896 : vector<16xf32>
        %parallel_loop3A_1264 = arith.constant 0 : i32
        %parallel_loop3A_1265 = arith.constant 2 : i32
        %parallel_loop3A_1266 = arith.index_cast %parallel_loop3A_1264 : i32 to index
        %parallel_loop3A_1267 = arith.index_cast %parallel_loop3A_1265 : i32 to index
        %parallel_loop3A_1268 = arith.index_cast %parallel_loop3A_880 : i32 to index
        %parallel_loop3A_1269 = arith.constant 48 : index
        %parallel_loop3A_1270 = tpu.vector_load %arg7[%parallel_loop3A_1266, %parallel_loop3A_1267, %parallel_loop3A_1268, %parallel_loop3A_1269] {strides = array<i32>} : memref<4x4x50x128xf32, #tpu.memory_space<vmem>>, vector<1x1x1x16xf32>,
        %parallel_loop3A_1271 = vector.shape_cast %parallel_loop3A_1270 : vector<1x1x1x16xf32> to vector<16xf32>
        %parallel_loop3A_1272 = vector.shape_cast %parallel_loop3A_1263 : vector<16xf32> to vector<1x1x1x16xf32>
        tpu.vector_store %arg7[%parallel_loop3A_1266, %parallel_loop3A_1267, %parallel_loop3A_1268, %parallel_loop3A_1269], %parallel_loop3A_1272 {strides = array<i32>} : memref<4x4x50x128xf32, #tpu.memory_space<vmem>>, vector<1x1x1x16xf32>,
        %parallel_loop3A_1273 = arith.constant 0 : i32
        %parallel_loop3A_1274 = arith.constant 2 : i32
        %parallel_loop3A_1275 = arith.index_cast %parallel_loop3A_1273 : i32 to index
        %parallel_loop3A_1276 = arith.index_cast %parallel_loop3A_1274 : i32 to index
        %parallel_loop3A_1277 = arith.index_cast %parallel_loop3A_880 : i32 to index
        %parallel_loop3A_1278 = arith.constant 64 : index
        %parallel_loop3A_1279 = tpu.vector_load %arg7[%parallel_loop3A_1275, %parallel_loop3A_1276, %parallel_loop3A_1277, %parallel_loop3A_1278] {strides = array<i32>} : memref<4x4x50x128xf32, #tpu.memory_space<vmem>>, vector<1x1x1x16xf32>,
        %parallel_loop3A_1280 = vector.shape_cast %parallel_loop3A_1279 : vector<1x1x1x16xf32> to vector<16xf32>
        %parallel_loop3A_1281 = arith.addf %parallel_loop3A_1280, %parallel_loop3A_900 : vector<16xf32>
        %parallel_loop3A_1282 = arith.constant 0 : i32
        %parallel_loop3A_1283 = arith.constant 2 : i32
        %parallel_loop3A_1284 = arith.index_cast %parallel_loop3A_1282 : i32 to index
        %parallel_loop3A_1285 = arith.index_cast %parallel_loop3A_1283 : i32 to index
        %parallel_loop3A_1286 = arith.index_cast %parallel_loop3A_880 : i32 to index
        %parallel_loop3A_1287 = arith.constant 64 : index
        %parallel_loop3A_1288 = tpu.vector_load %arg7[%parallel_loop3A_1284, %parallel_loop3A_1285, %parallel_loop3A_1286, %parallel_loop3A_1287] {strides = array<i32>} : memref<4x4x50x128xf32, #tpu.memory_space<vmem>>, vector<1x1x1x16xf32>,
        %parallel_loop3A_1289 = vector.shape_cast %parallel_loop3A_1288 : vector<1x1x1x16xf32> to vector<16xf32>
        %parallel_loop3A_1290 = vector.shape_cast %parallel_loop3A_1281 : vector<16xf32> to vector<1x1x1x16xf32>
        tpu.vector_store %arg7[%parallel_loop3A_1284, %parallel_loop3A_1285, %parallel_loop3A_1286, %parallel_loop3A_1287], %parallel_loop3A_1290 {strides = array<i32>} : memref<4x4x50x128xf32, #tpu.memory_space<vmem>>, vector<1x1x1x16xf32>,
        %parallel_loop3A_1291 = arith.constant 0 : i32
        %parallel_loop3A_1292 = arith.constant 2 : i32
        %parallel_loop3A_1293 = arith.index_cast %parallel_loop3A_1291 : i32 to index
        %parallel_loop3A_1294 = arith.index_cast %parallel_loop3A_1292 : i32 to index
        %parallel_loop3A_1295 = arith.index_cast %parallel_loop3A_880 : i32 to index
        %parallel_loop3A_1296 = arith.constant 80 : index
        %parallel_loop3A_1297 = tpu.vector_load %arg7[%parallel_loop3A_1293, %parallel_loop3A_1294, %parallel_loop3A_1295, %parallel_loop3A_1296] {strides = array<i32>} : memref<4x4x50x128xf32, #tpu.memory_space<vmem>>, vector<1x1x1x16xf32>,
        %parallel_loop3A_1298 = vector.shape_cast %parallel_loop3A_1297 : vector<1x1x1x16xf32> to vector<16xf32>
        %parallel_loop3A_1299 = arith.addf %parallel_loop3A_1298, %parallel_loop3A_904 : vector<16xf32>
        %parallel_loop3A_1300 = arith.constant 0 : i32
        %parallel_loop3A_1301 = arith.constant 2 : i32
        %parallel_loop3A_1302 = arith.index_cast %parallel_loop3A_1300 : i32 to index
        %parallel_loop3A_1303 = arith.index_cast %parallel_loop3A_1301 : i32 to index
        %parallel_loop3A_1304 = arith.index_cast %parallel_loop3A_880 : i32 to index
        %parallel_loop3A_1305 = arith.constant 80 : index
        %parallel_loop3A_1306 = tpu.vector_load %arg7[%parallel_loop3A_1302, %parallel_loop3A_1303, %parallel_loop3A_1304, %parallel_loop3A_1305] {strides = array<i32>} : memref<4x4x50x128xf32, #tpu.memory_space<vmem>>, vector<1x1x1x16xf32>,
        %parallel_loop3A_1307 = vector.shape_cast %parallel_loop3A_1306 : vector<1x1x1x16xf32> to vector<16xf32>
        %parallel_loop3A_1308 = vector.shape_cast %parallel_loop3A_1299 : vector<16xf32> to vector<1x1x1x16xf32>
        tpu.vector_store %arg7[%parallel_loop3A_1302, %parallel_loop3A_1303, %parallel_loop3A_1304, %parallel_loop3A_1305], %parallel_loop3A_1308 {strides = array<i32>} : memref<4x4x50x128xf32, #tpu.memory_space<vmem>>, vector<1x1x1x16xf32>,
        %parallel_loop3A_1309 = arith.constant 0 : i32
        %parallel_loop3A_1310 = arith.constant 2 : i32
        %parallel_loop3A_1311 = arith.index_cast %parallel_loop3A_1309 : i32 to index
        %parallel_loop3A_1312 = arith.index_cast %parallel_loop3A_1310 : i32 to index
        %parallel_loop3A_1313 = arith.index_cast %parallel_loop3A_880 : i32 to index
        %parallel_loop3A_1314 = arith.constant 96 : index
        %parallel_loop3A_1315 = tpu.vector_load %arg7[%parallel_loop3A_1311, %parallel_loop3A_1312, %parallel_loop3A_1313, %parallel_loop3A_1314] {strides = array<i32>} : memref<4x4x50x128xf32, #tpu.memory_space<vmem>>, vector<1x1x1x16xf32>,
        %parallel_loop3A_1316 = vector.shape_cast %parallel_loop3A_1315 : vector<1x1x1x16xf32> to vector<16xf32>
        %parallel_loop3A_1317 = arith.addf %parallel_loop3A_1316, %parallel_loop3A_908 : vector<16xf32>
        %parallel_loop3A_1318 = arith.constant 0 : i32
        %parallel_loop3A_1319 = arith.constant 2 : i32
        %parallel_loop3A_1320 = arith.index_cast %parallel_loop3A_1318 : i32 to index
        %parallel_loop3A_1321 = arith.index_cast %parallel_loop3A_1319 : i32 to index
        %parallel_loop3A_1322 = arith.index_cast %parallel_loop3A_880 : i32 to index
        %parallel_loop3A_1323 = arith.constant 96 : index
        %parallel_loop3A_1324 = tpu.vector_load %arg7[%parallel_loop3A_1320, %parallel_loop3A_1321, %parallel_loop3A_1322, %parallel_loop3A_1323] {strides = array<i32>} : memref<4x4x50x128xf32, #tpu.memory_space<vmem>>, vector<1x1x1x16xf32>,
        %parallel_loop3A_1325 = vector.shape_cast %parallel_loop3A_1324 : vector<1x1x1x16xf32> to vector<16xf32>
        %parallel_loop3A_1326 = vector.shape_cast %parallel_loop3A_1317 : vector<16xf32> to vector<1x1x1x16xf32>
        tpu.vector_store %arg7[%parallel_loop3A_1320, %parallel_loop3A_1321, %parallel_loop3A_1322, %parallel_loop3A_1323], %parallel_loop3A_1326 {strides = array<i32>} : memref<4x4x50x128xf32, #tpu.memory_space<vmem>>, vector<1x1x1x16xf32>,
        %parallel_loop3A_1327 = arith.constant 0 : i32
        %parallel_loop3A_1328 = arith.constant 2 : i32
        %parallel_loop3A_1329 = arith.index_cast %parallel_loop3A_1327 : i32 to index
        %parallel_loop3A_1330 = arith.index_cast %parallel_loop3A_1328 : i32 to index
        %parallel_loop3A_1331 = arith.index_cast %parallel_loop3A_880 : i32 to index
        %parallel_loop3A_1332 = arith.constant 112 : index
        %parallel_loop3A_1333 = tpu.vector_load %arg7[%parallel_loop3A_1329, %parallel_loop3A_1330, %parallel_loop3A_1331, %parallel_loop3A_1332] {strides = array<i32>} : memref<4x4x50x128xf32, #tpu.memory_space<vmem>>, vector<1x1x1x16xf32>,
        %parallel_loop3A_1334 = vector.shape_cast %parallel_loop3A_1333 : vector<1x1x1x16xf32> to vector<16xf32>
        %parallel_loop3A_1335 = arith.addf %parallel_loop3A_1334, %parallel_loop3A_912 : vector<16xf32>
        %parallel_loop3A_1336 = arith.constant 0 : i32
        %parallel_loop3A_1337 = arith.constant 2 : i32
        %parallel_loop3A_1338 = arith.index_cast %parallel_loop3A_1336 : i32 to index
        %parallel_loop3A_1339 = arith.index_cast %parallel_loop3A_1337 : i32 to index
        %parallel_loop3A_1340 = arith.index_cast %parallel_loop3A_880 : i32 to index
        %parallel_loop3A_1341 = arith.constant 112 : index
        %parallel_loop3A_1342 = tpu.vector_load %arg7[%parallel_loop3A_1338, %parallel_loop3A_1339, %parallel_loop3A_1340, %parallel_loop3A_1341] {strides = array<i32>} : memref<4x4x50x128xf32, #tpu.memory_space<vmem>>, vector<1x1x1x16xf32>,
        %parallel_loop3A_1343 = vector.shape_cast %parallel_loop3A_1342 : vector<1x1x1x16xf32> to vector<16xf32>
        %parallel_loop3A_1344 = vector.shape_cast %parallel_loop3A_1335 : vector<16xf32> to vector<1x1x1x16xf32>
        tpu.vector_store %arg7[%parallel_loop3A_1338, %parallel_loop3A_1339, %parallel_loop3A_1340, %parallel_loop3A_1341], %parallel_loop3A_1344 {strides = array<i32>} : memref<4x4x50x128xf32, #tpu.memory_space<vmem>>, vector<1x1x1x16xf32>,
        %parallel_loop3A_1345 = arith.constant 0 : i32
        %parallel_loop3A_1346 = arith.constant 3 : i32
        %parallel_loop3A_1347 = arith.index_cast %parallel_loop3A_1345 : i32 to index
        %parallel_loop3A_1348 = arith.index_cast %parallel_loop3A_1346 : i32 to index
        %parallel_loop3A_1349 = arith.index_cast %parallel_loop3A_880 : i32 to index
        %parallel_loop3A_1350 = arith.constant 0 : index
        %parallel_loop3A_1351 = tpu.vector_load %arg7[%parallel_loop3A_1347, %parallel_loop3A_1348, %parallel_loop3A_1349, %parallel_loop3A_1350] {strides = array<i32>} : memref<4x4x50x128xf32, #tpu.memory_space<vmem>>, vector<1x1x1x16xf32>,
        %parallel_loop3A_1352 = vector.shape_cast %parallel_loop3A_1351 : vector<1x1x1x16xf32> to vector<16xf32>
        %parallel_loop3A_1353 = arith.addf %parallel_loop3A_1352, %parallel_loop3A_884 : vector<16xf32>
        %parallel_loop3A_1354 = arith.constant 0 : i32
        %parallel_loop3A_1355 = arith.constant 3 : i32
        %parallel_loop3A_1356 = arith.index_cast %parallel_loop3A_1354 : i32 to index
        %parallel_loop3A_1357 = arith.index_cast %parallel_loop3A_1355 : i32 to index
        %parallel_loop3A_1358 = arith.index_cast %parallel_loop3A_880 : i32 to index
        %parallel_loop3A_1359 = arith.constant 0 : index
        %parallel_loop3A_1360 = tpu.vector_load %arg7[%parallel_loop3A_1356, %parallel_loop3A_1357, %parallel_loop3A_1358, %parallel_loop3A_1359] {strides = array<i32>} : memref<4x4x50x128xf32, #tpu.memory_space<vmem>>, vector<1x1x1x16xf32>,
        %parallel_loop3A_1361 = vector.shape_cast %parallel_loop3A_1360 : vector<1x1x1x16xf32> to vector<16xf32>
        %parallel_loop3A_1362 = vector.shape_cast %parallel_loop3A_1353 : vector<16xf32> to vector<1x1x1x16xf32>
        tpu.vector_store %arg7[%parallel_loop3A_1356, %parallel_loop3A_1357, %parallel_loop3A_1358, %parallel_loop3A_1359], %parallel_loop3A_1362 {strides = array<i32>} : memref<4x4x50x128xf32, #tpu.memory_space<vmem>>, vector<1x1x1x16xf32>,
        %parallel_loop3A_1363 = arith.constant 0 : i32
        %parallel_loop3A_1364 = arith.constant 3 : i32
        %parallel_loop3A_1365 = arith.index_cast %parallel_loop3A_1363 : i32 to index
        %parallel_loop3A_1366 = arith.index_cast %parallel_loop3A_1364 : i32 to index
        %parallel_loop3A_1367 = arith.index_cast %parallel_loop3A_880 : i32 to index
        %parallel_loop3A_1368 = arith.constant 16 : index
        %parallel_loop3A_1369 = tpu.vector_load %arg7[%parallel_loop3A_1365, %parallel_loop3A_1366, %parallel_loop3A_1367, %parallel_loop3A_1368] {strides = array<i32>} : memref<4x4x50x128xf32, #tpu.memory_space<vmem>>, vector<1x1x1x16xf32>,
        %parallel_loop3A_1370 = vector.shape_cast %parallel_loop3A_1369 : vector<1x1x1x16xf32> to vector<16xf32>
        %parallel_loop3A_1371 = arith.addf %parallel_loop3A_1370, %parallel_loop3A_888 : vector<16xf32>
        %parallel_loop3A_1372 = arith.constant 0 : i32
        %parallel_loop3A_1373 = arith.constant 3 : i32
        %parallel_loop3A_1374 = arith.index_cast %parallel_loop3A_1372 : i32 to index
        %parallel_loop3A_1375 = arith.index_cast %parallel_loop3A_1373 : i32 to index
        %parallel_loop3A_1376 = arith.index_cast %parallel_loop3A_880 : i32 to index
        %parallel_loop3A_1377 = arith.constant 16 : index
        %parallel_loop3A_1378 = tpu.vector_load %arg7[%parallel_loop3A_1374, %parallel_loop3A_1375, %parallel_loop3A_1376, %parallel_loop3A_1377] {strides = array<i32>} : memref<4x4x50x128xf32, #tpu.memory_space<vmem>>, vector<1x1x1x16xf32>,
        %parallel_loop3A_1379 = vector.shape_cast %parallel_loop3A_1378 : vector<1x1x1x16xf32> to vector<16xf32>
        %parallel_loop3A_1380 = vector.shape_cast %parallel_loop3A_1371 : vector<16xf32> to vector<1x1x1x16xf32>
        tpu.vector_store %arg7[%parallel_loop3A_1374, %parallel_loop3A_1375, %parallel_loop3A_1376, %parallel_loop3A_1377], %parallel_loop3A_1380 {strides = array<i32>} : memref<4x4x50x128xf32, #tpu.memory_space<vmem>>, vector<1x1x1x16xf32>,
        %parallel_loop3A_1381 = arith.constant 0 : i32
        %parallel_loop3A_1382 = arith.constant 3 : i32
        %parallel_loop3A_1383 = arith.index_cast %parallel_loop3A_1381 : i32 to index
        %parallel_loop3A_1384 = arith.index_cast %parallel_loop3A_1382 : i32 to index
        %parallel_loop3A_1385 = arith.index_cast %parallel_loop3A_880 : i32 to index
        %parallel_loop3A_1386 = arith.constant 32 : index
        %parallel_loop3A_1387 = tpu.vector_load %arg7[%parallel_loop3A_1383, %parallel_loop3A_1384, %parallel_loop3A_1385, %parallel_loop3A_1386] {strides = array<i32>} : memref<4x4x50x128xf32, #tpu.memory_space<vmem>>, vector<1x1x1x16xf32>,
        %parallel_loop3A_1388 = vector.shape_cast %parallel_loop3A_1387 : vector<1x1x1x16xf32> to vector<16xf32>
        %parallel_loop3A_1389 = arith.addf %parallel_loop3A_1388, %parallel_loop3A_892 : vector<16xf32>
        %parallel_loop3A_1390 = arith.constant 0 : i32
        %parallel_loop3A_1391 = arith.constant 3 : i32
        %parallel_loop3A_1392 = arith.index_cast %parallel_loop3A_1390 : i32 to index
        %parallel_loop3A_1393 = arith.index_cast %parallel_loop3A_1391 : i32 to index
        %parallel_loop3A_1394 = arith.index_cast %parallel_loop3A_880 : i32 to index
        %parallel_loop3A_1395 = arith.constant 32 : index
        %parallel_loop3A_1396 = tpu.vector_load %arg7[%parallel_loop3A_1392, %parallel_loop3A_1393, %parallel_loop3A_1394, %parallel_loop3A_1395] {strides = array<i32>} : memref<4x4x50x128xf32, #tpu.memory_space<vmem>>, vector<1x1x1x16xf32>,
        %parallel_loop3A_1397 = vector.shape_cast %parallel_loop3A_1396 : vector<1x1x1x16xf32> to vector<16xf32>
        %parallel_loop3A_1398 = vector.shape_cast %parallel_loop3A_1389 : vector<16xf32> to vector<1x1x1x16xf32>
        tpu.vector_store %arg7[%parallel_loop3A_1392, %parallel_loop3A_1393, %parallel_loop3A_1394, %parallel_loop3A_1395], %parallel_loop3A_1398 {strides = array<i32>} : memref<4x4x50x128xf32, #tpu.memory_space<vmem>>, vector<1x1x1x16xf32>,
        %parallel_loop3A_1399 = arith.constant 0 : i32
        %parallel_loop3A_1400 = arith.constant 3 : i32
        %parallel_loop3A_1401 = arith.index_cast %parallel_loop3A_1399 : i32 to index
        %parallel_loop3A_1402 = arith.index_cast %parallel_loop3A_1400 : i32 to index
        %parallel_loop3A_1403 = arith.index_cast %parallel_loop3A_880 : i32 to index
        %parallel_loop3A_1404 = arith.constant 48 : index
        %parallel_loop3A_1405 = tpu.vector_load %arg7[%parallel_loop3A_1401, %parallel_loop3A_1402, %parallel_loop3A_1403, %parallel_loop3A_1404] {strides = array<i32>} : memref<4x4x50x128xf32, #tpu.memory_space<vmem>>, vector<1x1x1x16xf32>,
        %parallel_loop3A_1406 = vector.shape_cast %parallel_loop3A_1405 : vector<1x1x1x16xf32> to vector<16xf32>
        %parallel_loop3A_1407 = arith.addf %parallel_loop3A_1406, %parallel_loop3A_896 : vector<16xf32>
        %parallel_loop3A_1408 = arith.constant 0 : i32
        %parallel_loop3A_1409 = arith.constant 3 : i32
        %parallel_loop3A_1410 = arith.index_cast %parallel_loop3A_1408 : i32 to index
        %parallel_loop3A_1411 = arith.index_cast %parallel_loop3A_1409 : i32 to index
        %parallel_loop3A_1412 = arith.index_cast %parallel_loop3A_880 : i32 to index
        %parallel_loop3A_1413 = arith.constant 48 : index
        %parallel_loop3A_1414 = tpu.vector_load %arg7[%parallel_loop3A_1410, %parallel_loop3A_1411, %parallel_loop3A_1412, %parallel_loop3A_1413] {strides = array<i32>} : memref<4x4x50x128xf32, #tpu.memory_space<vmem>>, vector<1x1x1x16xf32>,
        %parallel_loop3A_1415 = vector.shape_cast %parallel_loop3A_1414 : vector<1x1x1x16xf32> to vector<16xf32>
        %parallel_loop3A_1416 = vector.shape_cast %parallel_loop3A_1407 : vector<16xf32> to vector<1x1x1x16xf32>
        tpu.vector_store %arg7[%parallel_loop3A_1410, %parallel_loop3A_1411, %parallel_loop3A_1412, %parallel_loop3A_1413], %parallel_loop3A_1416 {strides = array<i32>} : memref<4x4x50x128xf32, #tpu.memory_space<vmem>>, vector<1x1x1x16xf32>,
        %parallel_loop3A_1417 = arith.constant 0 : i32
        %parallel_loop3A_1418 = arith.constant 3 : i32
        %parallel_loop3A_1419 = arith.index_cast %parallel_loop3A_1417 : i32 to index
        %parallel_loop3A_1420 = arith.index_cast %parallel_loop3A_1418 : i32 to index
        %parallel_loop3A_1421 = arith.index_cast %parallel_loop3A_880 : i32 to index
        %parallel_loop3A_1422 = arith.constant 64 : index
        %parallel_loop3A_1423 = tpu.vector_load %arg7[%parallel_loop3A_1419, %parallel_loop3A_1420, %parallel_loop3A_1421, %parallel_loop3A_1422] {strides = array<i32>} : memref<4x4x50x128xf32, #tpu.memory_space<vmem>>, vector<1x1x1x16xf32>,
        %parallel_loop3A_1424 = vector.shape_cast %parallel_loop3A_1423 : vector<1x1x1x16xf32> to vector<16xf32>
        %parallel_loop3A_1425 = arith.addf %parallel_loop3A_1424, %parallel_loop3A_900 : vector<16xf32>
        %parallel_loop3A_1426 = arith.constant 0 : i32
        %parallel_loop3A_1427 = arith.constant 3 : i32
        %parallel_loop3A_1428 = arith.index_cast %parallel_loop3A_1426 : i32 to index
        %parallel_loop3A_1429 = arith.index_cast %parallel_loop3A_1427 : i32 to index
        %parallel_loop3A_1430 = arith.index_cast %parallel_loop3A_880 : i32 to index
        %parallel_loop3A_1431 = arith.constant 64 : index
        %parallel_loop3A_1432 = tpu.vector_load %arg7[%parallel_loop3A_1428, %parallel_loop3A_1429, %parallel_loop3A_1430, %parallel_loop3A_1431] {strides = array<i32>} : memref<4x4x50x128xf32, #tpu.memory_space<vmem>>, vector<1x1x1x16xf32>,
        %parallel_loop3A_1433 = vector.shape_cast %parallel_loop3A_1432 : vector<1x1x1x16xf32> to vector<16xf32>
        %parallel_loop3A_1434 = vector.shape_cast %parallel_loop3A_1425 : vector<16xf32> to vector<1x1x1x16xf32>
        tpu.vector_store %arg7[%parallel_loop3A_1428, %parallel_loop3A_1429, %parallel_loop3A_1430, %parallel_loop3A_1431], %parallel_loop3A_1434 {strides = array<i32>} : memref<4x4x50x128xf32, #tpu.memory_space<vmem>>, vector<1x1x1x16xf32>,
        %parallel_loop3A_1435 = arith.constant 0 : i32
        %parallel_loop3A_1436 = arith.constant 3 : i32
        %parallel_loop3A_1437 = arith.index_cast %parallel_loop3A_1435 : i32 to index
        %parallel_loop3A_1438 = arith.index_cast %parallel_loop3A_1436 : i32 to index
        %parallel_loop3A_1439 = arith.index_cast %parallel_loop3A_880 : i32 to index
        %parallel_loop3A_1440 = arith.constant 80 : index
        %parallel_loop3A_1441 = tpu.vector_load %arg7[%parallel_loop3A_1437, %parallel_loop3A_1438, %parallel_loop3A_1439, %parallel_loop3A_1440] {strides = array<i32>} : memref<4x4x50x128xf32, #tpu.memory_space<vmem>>, vector<1x1x1x16xf32>,
        %parallel_loop3A_1442 = vector.shape_cast %parallel_loop3A_1441 : vector<1x1x1x16xf32> to vector<16xf32>
        %parallel_loop3A_1443 = arith.addf %parallel_loop3A_1442, %parallel_loop3A_904 : vector<16xf32>
        %parallel_loop3A_1444 = arith.constant 0 : i32
        %parallel_loop3A_1445 = arith.constant 3 : i32
        %parallel_loop3A_1446 = arith.index_cast %parallel_loop3A_1444 : i32 to index
        %parallel_loop3A_1447 = arith.index_cast %parallel_loop3A_1445 : i32 to index
        %parallel_loop3A_1448 = arith.index_cast %parallel_loop3A_880 : i32 to index
        %parallel_loop3A_1449 = arith.constant 80 : index
        %parallel_loop3A_1450 = tpu.vector_load %arg7[%parallel_loop3A_1446, %parallel_loop3A_1447, %parallel_loop3A_1448, %parallel_loop3A_1449] {strides = array<i32>} : memref<4x4x50x128xf32, #tpu.memory_space<vmem>>, vector<1x1x1x16xf32>,
        %parallel_loop3A_1451 = vector.shape_cast %parallel_loop3A_1450 : vector<1x1x1x16xf32> to vector<16xf32>
        %parallel_loop3A_1452 = vector.shape_cast %parallel_loop3A_1443 : vector<16xf32> to vector<1x1x1x16xf32>
        tpu.vector_store %arg7[%parallel_loop3A_1446, %parallel_loop3A_1447, %parallel_loop3A_1448, %parallel_loop3A_1449], %parallel_loop3A_1452 {strides = array<i32>} : memref<4x4x50x128xf32, #tpu.memory_space<vmem>>, vector<1x1x1x16xf32>,
        %parallel_loop3A_1453 = arith.constant 0 : i32
        %parallel_loop3A_1454 = arith.constant 3 : i32
        %parallel_loop3A_1455 = arith.index_cast %parallel_loop3A_1453 : i32 to index
        %parallel_loop3A_1456 = arith.index_cast %parallel_loop3A_1454 : i32 to index
        %parallel_loop3A_1457 = arith.index_cast %parallel_loop3A_880 : i32 to index
        %parallel_loop3A_1458 = arith.constant 96 : index
        %parallel_loop3A_1459 = tpu.vector_load %arg7[%parallel_loop3A_1455, %parallel_loop3A_1456, %parallel_loop3A_1457, %parallel_loop3A_1458] {strides = array<i32>} : memref<4x4x50x128xf32, #tpu.memory_space<vmem>>, vector<1x1x1x16xf32>,
        %parallel_loop3A_1460 = vector.shape_cast %parallel_loop3A_1459 : vector<1x1x1x16xf32> to vector<16xf32>
        %parallel_loop3A_1461 = arith.addf %parallel_loop3A_1460, %parallel_loop3A_908 : vector<16xf32>
        %parallel_loop3A_1462 = arith.constant 0 : i32
        %parallel_loop3A_1463 = arith.constant 3 : i32
        %parallel_loop3A_1464 = arith.index_cast %parallel_loop3A_1462 : i32 to index
        %parallel_loop3A_1465 = arith.index_cast %parallel_loop3A_1463 : i32 to index
        %parallel_loop3A_1466 = arith.index_cast %parallel_loop3A_880 : i32 to index
        %parallel_loop3A_1467 = arith.constant 96 : index
        %parallel_loop3A_1468 = tpu.vector_load %arg7[%parallel_loop3A_1464, %parallel_loop3A_1465, %parallel_loop3A_1466, %parallel_loop3A_1467] {strides = array<i32>} : memref<4x4x50x128xf32, #tpu.memory_space<vmem>>, vector<1x1x1x16xf32>,
        %parallel_loop3A_1469 = vector.shape_cast %parallel_loop3A_1468 : vector<1x1x1x16xf32> to vector<16xf32>
        %parallel_loop3A_1470 = vector.shape_cast %parallel_loop3A_1461 : vector<16xf32> to vector<1x1x1x16xf32>
        tpu.vector_store %arg7[%parallel_loop3A_1464, %parallel_loop3A_1465, %parallel_loop3A_1466, %parallel_loop3A_1467], %parallel_loop3A_1470 {strides = array<i32>} : memref<4x4x50x128xf32, #tpu.memory_space<vmem>>, vector<1x1x1x16xf32>,
        %parallel_loop3A_1471 = arith.constant 0 : i32
        %parallel_loop3A_1472 = arith.constant 3 : i32
        %parallel_loop3A_1473 = arith.index_cast %parallel_loop3A_1471 : i32 to index
        %parallel_loop3A_1474 = arith.index_cast %parallel_loop3A_1472 : i32 to index
        %parallel_loop3A_1475 = arith.index_cast %parallel_loop3A_880 : i32 to index
        %parallel_loop3A_1476 = arith.constant 112 : index
        %parallel_loop3A_1477 = tpu.vector_load %arg7[%parallel_loop3A_1473, %parallel_loop3A_1474, %parallel_loop3A_1475, %parallel_loop3A_1476] {strides = array<i32>} : memref<4x4x50x128xf32, #tpu.memory_space<vmem>>, vector<1x1x1x16xf32>,
        %parallel_loop3A_1478 = vector.shape_cast %parallel_loop3A_1477 : vector<1x1x1x16xf32> to vector<16xf32>
        %parallel_loop3A_1479 = arith.addf %parallel_loop3A_1478, %parallel_loop3A_912 : vector<16xf32>
        %parallel_loop3A_1480 = arith.constant 0 : i32
        %parallel_loop3A_1481 = arith.constant 3 : i32
        %parallel_loop3A_1482 = arith.index_cast %parallel_loop3A_1480 : i32 to index
        %parallel_loop3A_1483 = arith.index_cast %parallel_loop3A_1481 : i32 to index
        %parallel_loop3A_1484 = arith.index_cast %parallel_loop3A_880 : i32 to index
        %parallel_loop3A_1485 = arith.constant 112 : index
        %parallel_loop3A_1486 = tpu.vector_load %arg7[%parallel_loop3A_1482, %parallel_loop3A_1483, %parallel_loop3A_1484, %parallel_loop3A_1485] {strides = array<i32>} : memref<4x4x50x128xf32, #tpu.memory_space<vmem>>, vector<1x1x1x16xf32>,
        %parallel_loop3A_1487 = vector.shape_cast %parallel_loop3A_1486 : vector<1x1x1x16xf32> to vector<16xf32>
        %parallel_loop3A_1488 = vector.shape_cast %parallel_loop3A_1479 : vector<16xf32> to vector<1x1x1x16xf32>
        tpu.vector_store %arg7[%parallel_loop3A_1482, %parallel_loop3A_1483, %parallel_loop3A_1484, %parallel_loop3A_1485], %parallel_loop3A_1488 {strides = array<i32>} : memref<4x4x50x128xf32, #tpu.memory_space<vmem>>, vector<1x1x1x16xf32>,
      } {sc.loop_unroll_factor = 2 : i64, sc.parallel_access}
      %dma_start3A_474 = arith.constant 0 : i32
      %dma_start3A_475 = arith.constant 0 : i32
      %dma_start3A_476 = arith.constant 0 : i32
      %dma_start3A_477 = arith.constant 0 : i32
      %dma_start3A_478 = tpu.memref_slice %arg7[%dma_start3A_474, %dma_start3A_475, %dma_start3A_476, %dma_start3A_477] : memref<4x4x50x128xf32, #tpu.memory_space<vmem>> -> memref<1x4x50x128xf32, #tpu.memory_space<vmem>>
      %dma_start3A_479 = tpu.memref_squeeze %dma_start3A_478 : memref<1x4x50x128xf32, #tpu.memory_space<vmem>> -> memref<4x50x128xf32, #tpu.memory_space<vmem>>
      %dma_start3A_480 = arith.constant 0 : i32
      %dma_start3A_481 = arith.constant 0 : i32
      %dma_start3A_482 = tpu.memref_slice %arg5[%mul3A_379, %dma_start3A_480, %dma_start3A_481] : memref<4096x50x128xf32, #tpu.memory_space<hbm>> -> memref<4x50x128xf32, #tpu.memory_space<hbm>>
      %dma_start3A_483 = arith.constant 0 : i32
      %dma_start3A_484 = arith.constant 0 : i32
      %dma_start3A_485 = tpu.memref_slice %arg5[%mul3A_379, %dma_start3A_483, %dma_start3A_484] : memref<4096x50x128xf32, #tpu.memory_space<hbm>> -> memref<4x50x128xf32, #tpu.memory_space<hbm>>
      %dma_start3A_486 = arith.constant 0 : i32
      %dma_start3A_487 = arith.constant 0 : i32
      %dma_start3A_488 = arith.constant 0 : i32
      %dma_start3A_489 = tpu.memref_slice %arg7[%dma_start3A_474, %dma_start3A_486, %dma_start3A_487, %dma_start3A_488] : memref<4x4x50x128xf32, #tpu.memory_space<vmem>> -> memref<1x4x50x128xf32, #tpu.memory_space<vmem>>
      %dma_start3A_490 = tpu.memref_squeeze %dma_start3A_489 : memref<1x4x50x128xf32, #tpu.memory_space<vmem>> -> memref<4x50x128xf32, #tpu.memory_space<vmem>>
      tpu.enqueue_dma source(%dma_start3A_490 : memref<4x50x128xf32, #tpu.memory_space<vmem>>) target(%dma_start3A_485 : memref<4x50x128xf32, #tpu.memory_space<hbm>>) target_semaphore(%arg13 : memref<!tpu.dma_semaphore, #tpu.memory_space<semaphore_mem>>)
      %add3A_491 = arith.constant 4 : i32
      %add3A_492 = arith.addi %add3A_376, %add3A_491 : i32
      %sub3A = arith.constant 1 : i32
      %sub3A_493 = arith.subi %add3A_492, %sub3A : i32
      %lt3A = arith.constant 32 : i32
      %lt3A_494 = arith.cmpi slt, %sub3A_493, %lt3A : i32
      %convert_element_type3A = arith.extui %lt3A_494 : i1 to i32
      %cond3A = arith.constant 0 : i32
      %cond3A_495 = arith.cmpi ne, %convert_element_type3A, %cond3A : i32
      scf.if %cond3A_495 {
        %ge3A = arith.constant 1 : i32
        %ge3A_880 = arith.cmpi sge, %add3A_376, %ge3A : i32
        %convert_element_type3A_881 = arith.extui %ge3A_880 : i1 to i32
        %cond3A_882 = arith.constant 0 : i32
        %cond3A_883 = arith.cmpi ne, %convert_element_type3A_881, %cond3A_882 : i32
        scf.if %cond3A_883 {
          %dma_wait3A_980 = arith.constant 3 : i32
          %dma_wait3A_981 = arith.constant 0 : i32
          %dma_wait3A_982 = arith.constant 0 : i32
          %dma_wait3A_983 = arith.constant 0 : i32
          %dma_wait3A_984 = tpu.memref_slice %arg7[%dma_wait3A_980, %dma_wait3A_981, %dma_wait3A_982, %dma_wait3A_983] : memref<4x4x50x128xf32, #tpu.memory_space<vmem>> -> memref<1x4x50x128xf32, #tpu.memory_space<vmem>>
          %dma_wait3A_985 = tpu.memref_squeeze %dma_wait3A_984 : memref<1x4x50x128xf32, #tpu.memory_space<vmem>> -> memref<4x50x128xf32, #tpu.memory_space<vmem>>
          %dma_wait3A_986 = arith.constant 0 : i32
          %dma_wait3A_987 = arith.constant 0 : i32
          %dma_wait3A_988 = arith.constant 0 : i32
          %dma_wait3A_989 = tpu.memref_slice %arg5[%dma_wait3A_986, %dma_wait3A_987, %dma_wait3A_988] : memref<4096x50x128xf32, #tpu.memory_space<hbm>> -> memref<4x50x128xf32, #tpu.memory_space<hbm>>
          %dma_wait3A_990 = arith.constant 0 : i32
          %dma_wait3A_991 = arith.constant 0 : i32
          %dma_wait3A_992 = arith.constant 0 : i32
          %dma_wait3A_993 = tpu.memref_slice %arg5[%dma_wait3A_990, %dma_wait3A_991, %dma_wait3A_992] : memref<4096x50x128xf32, #tpu.memory_space<hbm>> -> memref<4x50x128xf32, #tpu.memory_space<hbm>>
          %dma_wait3A_994 = arith.constant 0 : i32
          %dma_wait3A_995 = arith.constant 0 : i32
          %dma_wait3A_996 = arith.constant 0 : i32
          %dma_wait3A_997 = tpu.memref_slice %arg7[%dma_wait3A_980, %dma_wait3A_994, %dma_wait3A_995, %dma_wait3A_996] : memref<4x4x50x128xf32, #tpu.memory_space<vmem>> -> memref<1x4x50x128xf32, #tpu.memory_space<vmem>>
          %dma_wait3A_998 = tpu.memref_squeeze %dma_wait3A_997 : memref<1x4x50x128xf32, #tpu.memory_space<vmem>> -> memref<4x50x128xf32, #tpu.memory_space<vmem>>
          tpu.wait_dma2 semaphore(%arg16 : memref<!tpu.dma_semaphore, #tpu.memory_space<semaphore_mem>>) src(%dma_wait3A_998 : memref<4x50x128xf32, #tpu.memory_space<vmem>>) dst(%dma_wait3A_993 : memref<4x50x128xf32, #tpu.memory_space<hbm>>)
        } else {
        }
        %add3A_884 = arith.addi %mul3A_2, %sub3A_493 : i32
        %mul3A_885 = arith.constant 4 : i32
        %mul3A_886 = arith.muli %add3A_884, %mul3A_885 : i32
        %run_scoped3A_887 = arith.constant 3 : i32
        "tpu.region"() ({
          %run_scoped3A_980 = tpu.sem_alloc : memref<!tpu.dma_semaphore, #tpu.memory_space<semaphore_mem>>
          %dma_start3A_981 = arith.constant 0 : i32
          %dma_start3A_982 = arith.constant 0 : i32
          %dma_start3A_983 = tpu.memref_slice %arg6[%run_scoped3A_887, %dma_start3A_981, %dma_start3A_982] : memref<4x4x50xi32, #tpu.memory_space<vmem>> -> memref<1x4x50xi32, #tpu.memory_space<vmem>>
          %dma_start3A_984 = tpu.memref_squeeze %dma_start3A_983 : memref<1x4x50xi32, #tpu.memory_space<vmem>> -> memref<4x50xi32, #tpu.memory_space<vmem>>
          %dma_start3A_985 = arith.constant 0 : i32
          %dma_start3A_986 = tpu.memref_slice %arg2[%mul3A_886, %dma_start3A_985] : memref<4096x50xi32, #tpu.memory_space<hbm>> -> memref<4x50xi32, #tpu.memory_space<hbm>>
          %dma_start3A_987 = arith.constant 0 : i32
          %dma_start3A_988 = arith.constant 0 : i32
          %dma_start3A_989 = tpu.memref_slice %arg6[%run_scoped3A_887, %dma_start3A_987, %dma_start3A_988] : memref<4x4x50xi32, #tpu.memory_space<vmem>> -> memref<1x4x50xi32, #tpu.memory_space<vmem>>
          %dma_start3A_990 = tpu.memref_squeeze %dma_start3A_989 : memref<1x4x50xi32, #tpu.memory_space<vmem>> -> memref<4x50xi32, #tpu.memory_space<vmem>>
          %dma_start3A_991 = arith.constant 0 : i32
          %dma_start3A_992 = tpu.memref_slice %arg2[%mul3A_886, %dma_start3A_991] : memref<4096x50xi32, #tpu.memory_space<hbm>> -> memref<4x50xi32, #tpu.memory_space<hbm>>
          tpu.enqueue_dma source(%dma_start3A_992 : memref<4x50xi32, #tpu.memory_space<hbm>>) target(%dma_start3A_990 : memref<4x50xi32, #tpu.memory_space<vmem>>) target_semaphore(%run_scoped3A_980 : memref<!tpu.dma_semaphore, #tpu.memory_space<semaphore_mem>>)
          %dma_wait3A_993 = arith.constant 0 : i32
          %dma_wait3A_994 = arith.constant 0 : i32
          %dma_wait3A_995 = tpu.memref_slice %arg6[%run_scoped3A_887, %dma_wait3A_993, %dma_wait3A_994] : memref<4x4x50xi32, #tpu.memory_space<vmem>> -> memref<1x4x50xi32, #tpu.memory_space<vmem>>
          %dma_wait3A_996 = tpu.memref_squeeze %dma_wait3A_995 : memref<1x4x50xi32, #tpu.memory_space<vmem>> -> memref<4x50xi32, #tpu.memory_space<vmem>>
          %dma_wait3A_997 = arith.constant 0 : i32
          %dma_wait3A_998 = tpu.memref_slice %arg2[%mul3A_886, %dma_wait3A_997] : memref<4096x50xi32, #tpu.memory_space<hbm>> -> memref<4x50xi32, #tpu.memory_space<hbm>>
          %dma_wait3A_999 = arith.constant 0 : i32
          %dma_wait3A_1000 = arith.constant 0 : i32
          %dma_wait3A_1001 = tpu.memref_slice %arg6[%run_scoped3A_887, %dma_wait3A_999, %dma_wait3A_1000] : memref<4x4x50xi32, #tpu.memory_space<vmem>> -> memref<1x4x50xi32, #tpu.memory_space<vmem>>
          %dma_wait3A_1002 = tpu.memref_squeeze %dma_wait3A_1001 : memref<1x4x50xi32, #tpu.memory_space<vmem>> -> memref<4x50xi32, #tpu.memory_space<vmem>>
          %dma_wait3A_1003 = arith.constant 0 : i32
          %dma_wait3A_1004 = tpu.memref_slice %arg2[%mul3A_886, %dma_wait3A_1003] : memref<4096x50xi32, #tpu.memory_space<hbm>> -> memref<4x50xi32, #tpu.memory_space<hbm>>
          tpu.wait_dma2 semaphore(%run_scoped3A_980 : memref<!tpu.dma_semaphore, #tpu.memory_space<semaphore_mem>>) src(%dma_wait3A_1004 : memref<4x50xi32, #tpu.memory_space<hbm>>) dst(%dma_wait3A_1002 : memref<4x50xi32, #tpu.memory_space<vmem>>)
          tpu.yield
        }) : () -> ()
        %dma_start3A_888 = arith.constant 3 : i32
        %dma_start3A_889 = arith.constant 0 : i32
        %dma_start3A_890 = arith.constant 3 : i32
        %dma_start3A_891 = arith.constant 0 : i32
        %dma_start3A_892 = arith.constant 0 : i32
        %dma_start3A_893 = arith.constant 0 : i32
        %dma_start3A_894 = arith.constant 0 : i32
        %dma_start3A_895 = tpu.memref_slice %arg7[%dma_start3A_890, %dma_start3A_892, %dma_start3A_893, %dma_start3A_894] : memref<4x4x50x128xf32, #tpu.memory_space<vmem>> -> memref<1x4x50x128xf32, #tpu.memory_space<vmem>>
        %dma_start3A_896 = tpu.memref_squeeze %dma_start3A_895 : memref<1x4x50x128xf32, #tpu.memory_space<vmem>> -> memref<4x50x128xf32, #tpu.memory_space<vmem>>
        %dma_start3A_897 = arith.constant 0 : i32
        %dma_start3A_898 = arith.constant 0 : i32
        %dma_start3A_899 = tpu.memref_slice %dma_start3A_896[%dma_start3A_891, %dma_start3A_897, %dma_start3A_898] : memref<4x50x128xf32, #tpu.memory_space<vmem>> -> memref<1x50x128xf32, #tpu.memory_space<vmem>>
        %dma_start3A_900 = tpu.memref_squeeze %dma_start3A_899 : memref<1x50x128xf32, #tpu.memory_space<vmem>> -> memref<50x128xf32, #tpu.memory_space<vmem>>
        %dma_start3A_901 = arith.constant 0 : i32
        %dma_start3A_902 = arith.constant 0 : i32
        %dma_start3A_903 = tpu.memref_slice %arg6[%dma_start3A_888, %dma_start3A_901, %dma_start3A_902] : memref<4x4x50xi32, #tpu.memory_space<vmem>> -> memref<1x4x50xi32, #tpu.memory_space<vmem>>
        %dma_start3A_904 = tpu.memref_squeeze %dma_start3A_903 : memref<1x4x50xi32, #tpu.memory_space<vmem>> -> memref<4x50xi32, #tpu.memory_space<vmem>>
        %dma_start3A_905 = arith.constant 0 : i32
        %dma_start3A_906 = tpu.memref_slice %dma_start3A_904[%dma_start3A_889, %dma_start3A_905] : memref<4x50xi32, #tpu.memory_space<vmem>> -> memref<1x50xi32, #tpu.memory_space<vmem>>
        %dma_start3A_907 = tpu.memref_squeeze %dma_start3A_906 : memref<1x50xi32, #tpu.memory_space<vmem>> -> memref<50xi32, #tpu.memory_space<vmem>>
        %dma_start3A_908 = arith.constant 0 : i32
        %dma_start3A_909 = arith.constant 0 : i32
        %dma_start3A_910 = tpu.memref_slice %arg3[%dma_start3A_908, %dma_start3A_909] : memref<52000x128xf32, #tpu.memory_space<hbm>> -> memref<52000x128xf32, #tpu.memory_space<hbm>>
        tpu.enqueue_indirect_dma source(%dma_start3A_910 : memref<52000x128xf32, #tpu.memory_space<hbm>>) target(%dma_start3A_900 : memref<50x128xf32, #tpu.memory_space<vmem>>) offsets(%dma_start3A_907 : memref<50xi32, #tpu.memory_space<vmem>>) semaphore(%arg12 : memref<!tpu.dma_semaphore, #tpu.memory_space<semaphore_mem>>)
        %dma_start3A_911 = arith.constant 3 : i32
        %dma_start3A_912 = arith.constant 1 : i32
        %dma_start3A_913 = arith.constant 3 : i32
        %dma_start3A_914 = arith.constant 1 : i32
        %dma_start3A_915 = arith.constant 0 : i32
        %dma_start3A_916 = arith.constant 0 : i32
        %dma_start3A_917 = arith.constant 0 : i32
        %dma_start3A_918 = tpu.memref_slice %arg7[%dma_start3A_913, %dma_start3A_915, %dma_start3A_916, %dma_start3A_917] : memref<4x4x50x128xf32, #tpu.memory_space<vmem>> -> memref<1x4x50x128xf32, #tpu.memory_space<vmem>>
        %dma_start3A_919 = tpu.memref_squeeze %dma_start3A_918 : memref<1x4x50x128xf32, #tpu.memory_space<vmem>> -> memref<4x50x128xf32, #tpu.memory_space<vmem>>
        %dma_start3A_920 = arith.constant 0 : i32
        %dma_start3A_921 = arith.constant 0 : i32
        %dma_start3A_922 = tpu.memref_slice %dma_start3A_919[%dma_start3A_914, %dma_start3A_920, %dma_start3A_921] : memref<4x50x128xf32, #tpu.memory_space<vmem>> -> memref<1x50x128xf32, #tpu.memory_space<vmem>>
        %dma_start3A_923 = tpu.memref_squeeze %dma_start3A_922 : memref<1x50x128xf32, #tpu.memory_space<vmem>> -> memref<50x128xf32, #tpu.memory_space<vmem>>
        %dma_start3A_924 = arith.constant 0 : i32
        %dma_start3A_925 = arith.constant 0 : i32
        %dma_start3A_926 = tpu.memref_slice %arg6[%dma_start3A_911, %dma_start3A_924, %dma_start3A_925] : memref<4x4x50xi32, #tpu.memory_space<vmem>> -> memref<1x4x50xi32, #tpu.memory_space<vmem>>
        %dma_start3A_927 = tpu.memref_squeeze %dma_start3A_926 : memref<1x4x50xi32, #tpu.memory_space<vmem>> -> memref<4x50xi32, #tpu.memory_space<vmem>>
        %dma_start3A_928 = arith.constant 0 : i32
        %dma_start3A_929 = tpu.memref_slice %dma_start3A_927[%dma_start3A_912, %dma_start3A_928] : memref<4x50xi32, #tpu.memory_space<vmem>> -> memref<1x50xi32, #tpu.memory_space<vmem>>
        %dma_start3A_930 = tpu.memref_squeeze %dma_start3A_929 : memref<1x50xi32, #tpu.memory_space<vmem>> -> memref<50xi32, #tpu.memory_space<vmem>>
        %dma_start3A_931 = arith.constant 0 : i32
        %dma_start3A_932 = arith.constant 0 : i32
        %dma_start3A_933 = tpu.memref_slice %arg3[%dma_start3A_931, %dma_start3A_932] : memref<52000x128xf32, #tpu.memory_space<hbm>> -> memref<52000x128xf32, #tpu.memory_space<hbm>>
        tpu.enqueue_indirect_dma source(%dma_start3A_933 : memref<52000x128xf32, #tpu.memory_space<hbm>>) target(%dma_start3A_923 : memref<50x128xf32, #tpu.memory_space<vmem>>) offsets(%dma_start3A_930 : memref<50xi32, #tpu.memory_space<vmem>>) semaphore(%arg12 : memref<!tpu.dma_semaphore, #tpu.memory_space<semaphore_mem>>)
        %dma_start3A_934 = arith.constant 3 : i32
        %dma_start3A_935 = arith.constant 2 : i32
        %dma_start3A_936 = arith.constant 3 : i32
        %dma_start3A_937 = arith.constant 2 : i32
        %dma_start3A_938 = arith.constant 0 : i32
        %dma_start3A_939 = arith.constant 0 : i32
        %dma_start3A_940 = arith.constant 0 : i32
        %dma_start3A_941 = tpu.memref_slice %arg7[%dma_start3A_936, %dma_start3A_938, %dma_start3A_939, %dma_start3A_940] : memref<4x4x50x128xf32, #tpu.memory_space<vmem>> -> memref<1x4x50x128xf32, #tpu.memory_space<vmem>>
        %dma_start3A_942 = tpu.memref_squeeze %dma_start3A_941 : memref<1x4x50x128xf32, #tpu.memory_space<vmem>> -> memref<4x50x128xf32, #tpu.memory_space<vmem>>
        %dma_start3A_943 = arith.constant 0 : i32
        %dma_start3A_944 = arith.constant 0 : i32
        %dma_start3A_945 = tpu.memref_slice %dma_start3A_942[%dma_start3A_937, %dma_start3A_943, %dma_start3A_944] : memref<4x50x128xf32, #tpu.memory_space<vmem>> -> memref<1x50x128xf32, #tpu.memory_space<vmem>>
        %dma_start3A_946 = tpu.memref_squeeze %dma_start3A_945 : memref<1x50x128xf32, #tpu.memory_space<vmem>> -> memref<50x128xf32, #tpu.memory_space<vmem>>
        %dma_start3A_947 = arith.constant 0 : i32
        %dma_start3A_948 = arith.constant 0 : i32
        %dma_start3A_949 = tpu.memref_slice %arg6[%dma_start3A_934, %dma_start3A_947, %dma_start3A_948] : memref<4x4x50xi32, #tpu.memory_space<vmem>> -> memref<1x4x50xi32, #tpu.memory_space<vmem>>
        %dma_start3A_950 = tpu.memref_squeeze %dma_start3A_949 : memref<1x4x50xi32, #tpu.memory_space<vmem>> -> memref<4x50xi32, #tpu.memory_space<vmem>>
        %dma_start3A_951 = arith.constant 0 : i32
        %dma_start3A_952 = tpu.memref_slice %dma_start3A_950[%dma_start3A_935, %dma_start3A_951] : memref<4x50xi32, #tpu.memory_space<vmem>> -> memref<1x50xi32, #tpu.memory_space<vmem>>
        %dma_start3A_953 = tpu.memref_squeeze %dma_start3A_952 : memref<1x50xi32, #tpu.memory_space<vmem>> -> memref<50xi32, #tpu.memory_space<vmem>>
        %dma_start3A_954 = arith.constant 0 : i32
        %dma_start3A_955 = arith.constant 0 : i32
        %dma_start3A_956 = tpu.memref_slice %arg3[%dma_start3A_954, %dma_start3A_955] : memref<52000x128xf32, #tpu.memory_space<hbm>> -> memref<52000x128xf32, #tpu.memory_space<hbm>>
        tpu.enqueue_indirect_dma source(%dma_start3A_956 : memref<52000x128xf32, #tpu.memory_space<hbm>>) target(%dma_start3A_946 : memref<50x128xf32, #tpu.memory_space<vmem>>) offsets(%dma_start3A_953 : memref<50xi32, #tpu.memory_space<vmem>>) semaphore(%arg12 : memref<!tpu.dma_semaphore, #tpu.memory_space<semaphore_mem>>)
        %dma_start3A_957 = arith.constant 3 : i32
        %dma_start3A_958 = arith.constant 3 : i32
        %dma_start3A_959 = arith.constant 3 : i32
        %dma_start3A_960 = arith.constant 3 : i32
        %dma_start3A_961 = arith.constant 0 : i32
        %dma_start3A_962 = arith.constant 0 : i32
        %dma_start3A_963 = arith.constant 0 : i32
        %dma_start3A_964 = tpu.memref_slice %arg7[%dma_start3A_959, %dma_start3A_961, %dma_start3A_962, %dma_start3A_963] : memref<4x4x50x128xf32, #tpu.memory_space<vmem>> -> memref<1x4x50x128xf32, #tpu.memory_space<vmem>>
        %dma_start3A_965 = tpu.memref_squeeze %dma_start3A_964 : memref<1x4x50x128xf32, #tpu.memory_space<vmem>> -> memref<4x50x128xf32, #tpu.memory_space<vmem>>
        %dma_start3A_966 = arith.constant 0 : i32
        %dma_start3A_967 = arith.constant 0 : i32
        %dma_start3A_968 = tpu.memref_slice %dma_start3A_965[%dma_start3A_960, %dma_start3A_966, %dma_start3A_967] : memref<4x50x128xf32, #tpu.memory_space<vmem>> -> memref<1x50x128xf32, #tpu.memory_space<vmem>>
        %dma_start3A_969 = tpu.memref_squeeze %dma_start3A_968 : memref<1x50x128xf32, #tpu.memory_space<vmem>> -> memref<50x128xf32, #tpu.memory_space<vmem>>
        %dma_start3A_970 = arith.constant 0 : i32
        %dma_start3A_971 = arith.constant 0 : i32
        %dma_start3A_972 = tpu.memref_slice %arg6[%dma_start3A_957, %dma_start3A_970, %dma_start3A_971] : memref<4x4x50xi32, #tpu.memory_space<vmem>> -> memref<1x4x50xi32, #tpu.memory_space<vmem>>
        %dma_start3A_973 = tpu.memref_squeeze %dma_start3A_972 : memref<1x4x50xi32, #tpu.memory_space<vmem>> -> memref<4x50xi32, #tpu.memory_space<vmem>>
        %dma_start3A_974 = arith.constant 0 : i32
        %dma_start3A_975 = tpu.memref_slice %dma_start3A_973[%dma_start3A_958, %dma_start3A_974] : memref<4x50xi32, #tpu.memory_space<vmem>> -> memref<1x50xi32, #tpu.memory_space<vmem>>
        %dma_start3A_976 = tpu.memref_squeeze %dma_start3A_975 : memref<1x50xi32, #tpu.memory_space<vmem>> -> memref<50xi32, #tpu.memory_space<vmem>>
        %dma_start3A_977 = arith.constant 0 : i32
        %dma_start3A_978 = arith.constant 0 : i32
        %dma_start3A_979 = tpu.memref_slice %arg3[%dma_start3A_977, %dma_start3A_978] : memref<52000x128xf32, #tpu.memory_space<hbm>> -> memref<52000x128xf32, #tpu.memory_space<hbm>>
        tpu.enqueue_indirect_dma source(%dma_start3A_979 : memref<52000x128xf32, #tpu.memory_space<hbm>>) target(%dma_start3A_969 : memref<50x128xf32, #tpu.memory_space<vmem>>) offsets(%dma_start3A_976 : memref<50xi32, #tpu.memory_space<vmem>>) semaphore(%arg12 : memref<!tpu.dma_semaphore, #tpu.memory_space<semaphore_mem>>)
      } else {
      }
      %mul3A_496 = arith.constant 4 : i32
      %mul3A_497 = arith.muli %scan3A_372, %mul3A_496 : i32
      %add3A_498 = arith.constant 1 : i32
      %add3A_499 = arith.addi %mul3A_497, %add3A_498 : i32
      %add3A_500 = arith.addi %mul3A_2, %add3A_499 : i32
      %mul3A_501 = arith.constant 4 : i32
      %mul3A_502 = arith.muli %add3A_500, %mul3A_501 : i32
      %dma_wait3A_503 = arith.constant 1 : i32
      %dma_wait3A_504 = arith.constant 0 : i32
      %dma_wait3A_505 = arith.constant 1 : i32
      %dma_wait3A_506 = arith.constant 0 : i32
      %dma_wait3A_507 = arith.constant 0 : i32
      %dma_wait3A_508 = arith.constant 0 : i32
      %dma_wait3A_509 = arith.constant 0 : i32
      %dma_wait3A_510 = tpu.memref_slice %arg7[%dma_wait3A_505, %dma_wait3A_507, %dma_wait3A_508, %dma_wait3A_509] : memref<4x4x50x128xf32, #tpu.memory_space<vmem>> -> memref<1x4x50x128xf32, #tpu.memory_space<vmem>>
      %dma_wait3A_511 = tpu.memref_squeeze %dma_wait3A_510 : memref<1x4x50x128xf32, #tpu.memory_space<vmem>> -> memref<4x50x128xf32, #tpu.memory_space<vmem>>
      %dma_wait3A_512 = arith.constant 0 : i32
      %dma_wait3A_513 = arith.constant 0 : i32
      %dma_wait3A_514 = tpu.memref_slice %dma_wait3A_511[%dma_wait3A_506, %dma_wait3A_512, %dma_wait3A_513] : memref<4x50x128xf32, #tpu.memory_space<vmem>> -> memref<1x50x128xf32, #tpu.memory_space<vmem>>
      %dma_wait3A_515 = tpu.memref_squeeze %dma_wait3A_514 : memref<1x50x128xf32, #tpu.memory_space<vmem>> -> memref<50x128xf32, #tpu.memory_space<vmem>>
      %dma_wait3A_516 = arith.constant 0 : i32
      %dma_wait3A_517 = arith.constant 0 : i32
      %dma_wait3A_518 = tpu.memref_slice %arg6[%dma_wait3A_503, %dma_wait3A_516, %dma_wait3A_517] : memref<4x4x50xi32, #tpu.memory_space<vmem>> -> memref<1x4x50xi32, #tpu.memory_space<vmem>>
      %dma_wait3A_519 = tpu.memref_squeeze %dma_wait3A_518 : memref<1x4x50xi32, #tpu.memory_space<vmem>> -> memref<4x50xi32, #tpu.memory_space<vmem>>
      %dma_wait3A_520 = arith.constant 0 : i32
      %dma_wait3A_521 = tpu.memref_slice %dma_wait3A_519[%dma_wait3A_504, %dma_wait3A_520] : memref<4x50xi32, #tpu.memory_space<vmem>> -> memref<1x50xi32, #tpu.memory_space<vmem>>
      %dma_wait3A_522 = tpu.memref_squeeze %dma_wait3A_521 : memref<1x50xi32, #tpu.memory_space<vmem>> -> memref<50xi32, #tpu.memory_space<vmem>>
      %dma_wait3A_523 = arith.constant 0 : i32
      %dma_wait3A_524 = arith.constant 0 : i32
      %dma_wait3A_525 = tpu.memref_slice %arg3[%dma_wait3A_523, %dma_wait3A_524] : memref<52000x128xf32, #tpu.memory_space<hbm>> -> memref<52000x128xf32, #tpu.memory_space<hbm>>
      tpu.wait_indirect_dma semaphore(%arg10 : memref<!tpu.dma_semaphore, #tpu.memory_space<semaphore_mem>>) src(%dma_wait3A_525 : memref<52000x128xf32, #tpu.memory_space<hbm>>) dst(%dma_wait3A_515 : memref<50x128xf32, #tpu.memory_space<vmem>>)
      %dma_wait3A_526 = arith.constant 1 : i32
      %dma_wait3A_527 = arith.constant 1 : i32
      %dma_wait3A_528 = arith.constant 1 : i32
      %dma_wait3A_529 = arith.constant 1 : i32
      %dma_wait3A_530 = arith.constant 0 : i32
      %dma_wait3A_531 = arith.constant 0 : i32
      %dma_wait3A_532 = arith.constant 0 : i32
      %dma_wait3A_533 = tpu.memref_slice %arg7[%dma_wait3A_528, %dma_wait3A_530, %dma_wait3A_531, %dma_wait3A_532] : memref<4x4x50x128xf32, #tpu.memory_space<vmem>> -> memref<1x4x50x128xf32, #tpu.memory_space<vmem>>
      %dma_wait3A_534 = tpu.memref_squeeze %dma_wait3A_533 : memref<1x4x50x128xf32, #tpu.memory_space<vmem>> -> memref<4x50x128xf32, #tpu.memory_space<vmem>>
      %dma_wait3A_535 = arith.constant 0 : i32
      %dma_wait3A_536 = arith.constant 0 : i32
      %dma_wait3A_537 = tpu.memref_slice %dma_wait3A_534[%dma_wait3A_529, %dma_wait3A_535, %dma_wait3A_536] : memref<4x50x128xf32, #tpu.memory_space<vmem>> -> memref<1x50x128xf32, #tpu.memory_space<vmem>>
      %dma_wait3A_538 = tpu.memref_squeeze %dma_wait3A_537 : memref<1x50x128xf32, #tpu.memory_space<vmem>> -> memref<50x128xf32, #tpu.memory_space<vmem>>
      %dma_wait3A_539 = arith.constant 0 : i32
      %dma_wait3A_540 = arith.constant 0 : i32
      %dma_wait3A_541 = tpu.memref_slice %arg6[%dma_wait3A_526, %dma_wait3A_539, %dma_wait3A_540] : memref<4x4x50xi32, #tpu.memory_space<vmem>> -> memref<1x4x50xi32, #tpu.memory_space<vmem>>
      %dma_wait3A_542 = tpu.memref_squeeze %dma_wait3A_541 : memref<1x4x50xi32, #tpu.memory_space<vmem>> -> memref<4x50xi32, #tpu.memory_space<vmem>>
      %dma_wait3A_543 = arith.constant 0 : i32
      %dma_wait3A_544 = tpu.memref_slice %dma_wait3A_542[%dma_wait3A_527, %dma_wait3A_543] : memref<4x50xi32, #tpu.memory_space<vmem>> -> memref<1x50xi32, #tpu.memory_space<vmem>>
      %dma_wait3A_545 = tpu.memref_squeeze %dma_wait3A_544 : memref<1x50xi32, #tpu.memory_space<vmem>> -> memref<50xi32, #tpu.memory_space<vmem>>
      %dma_wait3A_546 = arith.constant 0 : i32
      %dma_wait3A_547 = arith.constant 0 : i32
      %dma_wait3A_548 = tpu.memref_slice %arg3[%dma_wait3A_546, %dma_wait3A_547] : memref<52000x128xf32, #tpu.memory_space<hbm>> -> memref<52000x128xf32, #tpu.memory_space<hbm>>
      tpu.wait_indirect_dma semaphore(%arg10 : memref<!tpu.dma_semaphore, #tpu.memory_space<semaphore_mem>>) src(%dma_wait3A_548 : memref<52000x128xf32, #tpu.memory_space<hbm>>) dst(%dma_wait3A_538 : memref<50x128xf32, #tpu.memory_space<vmem>>)
      %dma_wait3A_549 = arith.constant 1 : i32
      %dma_wait3A_550 = arith.constant 2 : i32
      %dma_wait3A_551 = arith.constant 1 : i32
      %dma_wait3A_552 = arith.constant 2 : i32
      %dma_wait3A_553 = arith.constant 0 : i32
      %dma_wait3A_554 = arith.constant 0 : i32
      %dma_wait3A_555 = arith.constant 0 : i32
      %dma_wait3A_556 = tpu.memref_slice %arg7[%dma_wait3A_551, %dma_wait3A_553, %dma_wait3A_554, %dma_wait3A_555] : memref<4x4x50x128xf32, #tpu.memory_space<vmem>> -> memref<1x4x50x128xf32, #tpu.memory_space<vmem>>
      %dma_wait3A_557 = tpu.memref_squeeze %dma_wait3A_556 : memref<1x4x50x128xf32, #tpu.memory_space<vmem>> -> memref<4x50x128xf32, #tpu.memory_space<vmem>>
      %dma_wait3A_558 = arith.constant 0 : i32
      %dma_wait3A_559 = arith.constant 0 : i32
      %dma_wait3A_560 = tpu.memref_slice %dma_wait3A_557[%dma_wait3A_552, %dma_wait3A_558, %dma_wait3A_559] : memref<4x50x128xf32, #tpu.memory_space<vmem>> -> memref<1x50x128xf32, #tpu.memory_space<vmem>>
      %dma_wait3A_561 = tpu.memref_squeeze %dma_wait3A_560 : memref<1x50x128xf32, #tpu.memory_space<vmem>> -> memref<50x128xf32, #tpu.memory_space<vmem>>
      %dma_wait3A_562 = arith.constant 0 : i32
      %dma_wait3A_563 = arith.constant 0 : i32
      %dma_wait3A_564 = tpu.memref_slice %arg6[%dma_wait3A_549, %dma_wait3A_562, %dma_wait3A_563] : memref<4x4x50xi32, #tpu.memory_space<vmem>> -> memref<1x4x50xi32, #tpu.memory_space<vmem>>
      %dma_wait3A_565 = tpu.memref_squeeze %dma_wait3A_564 : memref<1x4x50xi32, #tpu.memory_space<vmem>> -> memref<4x50xi32, #tpu.memory_space<vmem>>
      %dma_wait3A_566 = arith.constant 0 : i32
      %dma_wait3A_567 = tpu.memref_slice %dma_wait3A_565[%dma_wait3A_550, %dma_wait3A_566] : memref<4x50xi32, #tpu.memory_space<vmem>> -> memref<1x50xi32, #tpu.memory_space<vmem>>
      %dma_wait3A_568 = tpu.memref_squeeze %dma_wait3A_567 : memref<1x50xi32, #tpu.memory_space<vmem>> -> memref<50xi32, #tpu.memory_space<vmem>>
      %dma_wait3A_569 = arith.constant 0 : i32
      %dma_wait3A_570 = arith.constant 0 : i32
      %dma_wait3A_571 = tpu.memref_slice %arg3[%dma_wait3A_569, %dma_wait3A_570] : memref<52000x128xf32, #tpu.memory_space<hbm>> -> memref<52000x128xf32, #tpu.memory_space<hbm>>
      tpu.wait_indirect_dma semaphore(%arg10 : memref<!tpu.dma_semaphore, #tpu.memory_space<semaphore_mem>>) src(%dma_wait3A_571 : memref<52000x128xf32, #tpu.memory_space<hbm>>) dst(%dma_wait3A_561 : memref<50x128xf32, #tpu.memory_space<vmem>>)
      %dma_wait3A_572 = arith.constant 1 : i32
      %dma_wait3A_573 = arith.constant 3 : i32
      %dma_wait3A_574 = arith.constant 1 : i32
      %dma_wait3A_575 = arith.constant 3 : i32
      %dma_wait3A_576 = arith.constant 0 : i32
      %dma_wait3A_577 = arith.constant 0 : i32
      %dma_wait3A_578 = arith.constant 0 : i32
      %dma_wait3A_579 = tpu.memref_slice %arg7[%dma_wait3A_574, %dma_wait3A_576, %dma_wait3A_577, %dma_wait3A_578] : memref<4x4x50x128xf32, #tpu.memory_space<vmem>> -> memref<1x4x50x128xf32, #tpu.memory_space<vmem>>
      %dma_wait3A_580 = tpu.memref_squeeze %dma_wait3A_579 : memref<1x4x50x128xf32, #tpu.memory_space<vmem>> -> memref<4x50x128xf32, #tpu.memory_space<vmem>>
      %dma_wait3A_581 = arith.constant 0 : i32
      %dma_wait3A_582 = arith.constant 0 : i32
      %dma_wait3A_583 = tpu.memref_slice %dma_wait3A_580[%dma_wait3A_575, %dma_wait3A_581, %dma_wait3A_582] : memref<4x50x128xf32, #tpu.memory_space<vmem>> -> memref<1x50x128xf32, #tpu.memory_space<vmem>>
      %dma_wait3A_584 = tpu.memref_squeeze %dma_wait3A_583 : memref<1x50x128xf32, #tpu.memory_space<vmem>> -> memref<50x128xf32, #tpu.memory_space<vmem>>
      %dma_wait3A_585 = arith.constant 0 : i32
      %dma_wait3A_586 = arith.constant 0 : i32
      %dma_wait3A_587 = tpu.memref_slice %arg6[%dma_wait3A_572, %dma_wait3A_585, %dma_wait3A_586] : memref<4x4x50xi32, #tpu.memory_space<vmem>> -> memref<1x4x50xi32, #tpu.memory_space<vmem>>
      %dma_wait3A_588 = tpu.memref_squeeze %dma_wait3A_587 : memref<1x4x50xi32, #tpu.memory_space<vmem>> -> memref<4x50xi32, #tpu.memory_space<vmem>>
      %dma_wait3A_589 = arith.constant 0 : i32
      %dma_wait3A_590 = tpu.memref_slice %dma_wait3A_588[%dma_wait3A_573, %dma_wait3A_589] : memref<4x50xi32, #tpu.memory_space<vmem>> -> memref<1x50xi32, #tpu.memory_space<vmem>>
      %dma_wait3A_591 = tpu.memref_squeeze %dma_wait3A_590 : memref<1x50xi32, #tpu.memory_space<vmem>> -> memref<50xi32, #tpu.memory_space<vmem>>
      %dma_wait3A_592 = arith.constant 0 : i32
      %dma_wait3A_593 = arith.constant 0 : i32
      %dma_wait3A_594 = tpu.memref_slice %arg3[%dma_wait3A_592, %dma_wait3A_593] : memref<52000x128xf32, #tpu.memory_space<hbm>> -> memref<52000x128xf32, #tpu.memory_space<hbm>>
      tpu.wait_indirect_dma semaphore(%arg10 : memref<!tpu.dma_semaphore, #tpu.memory_space<semaphore_mem>>) src(%dma_wait3A_594 : memref<52000x128xf32, #tpu.memory_space<hbm>>) dst(%dma_wait3A_584 : memref<50x128xf32, #tpu.memory_space<vmem>>)
      %parallel_loop3A_595 = arith.constant 0 : i32
      %parallel_loop3A_596 = arith.constant 50 : i32
      %parallel_loop3A_597 = arith.constant 1 : i32
      scf.for %parallel_loop3A_880 = %parallel_loop3A_595 to %parallel_loop3A_596 step %parallel_loop3A_597  : i32 {
        %parallel_loop3A_881 = arith.index_cast %parallel_loop3A_880 : i32 to index
        %parallel_loop3A_882 = arith.constant 0 : index
        %parallel_loop3A_883 = tpu.vector_load %arg8[%parallel_loop3A_881, %parallel_loop3A_882] {strides = array<i32>} : memref<50x128xf32, #tpu.memory_space<vmem>>, vector<1x16xf32>,
        %parallel_loop3A_884 = vector.shape_cast %parallel_loop3A_883 : vector<1x16xf32> to vector<16xf32>
        %parallel_loop3A_885 = arith.index_cast %parallel_loop3A_880 : i32 to index
        %parallel_loop3A_886 = arith.constant 16 : index
        %parallel_loop3A_887 = tpu.vector_load %arg8[%parallel_loop3A_885, %parallel_loop3A_886] {strides = array<i32>} : memref<50x128xf32, #tpu.memory_space<vmem>>, vector<1x16xf32>,
        %parallel_loop3A_888 = vector.shape_cast %parallel_loop3A_887 : vector<1x16xf32> to vector<16xf32>
        %parallel_loop3A_889 = arith.index_cast %parallel_loop3A_880 : i32 to index
        %parallel_loop3A_890 = arith.constant 32 : index
        %parallel_loop3A_891 = tpu.vector_load %arg8[%parallel_loop3A_889, %parallel_loop3A_890] {strides = array<i32>} : memref<50x128xf32, #tpu.memory_space<vmem>>, vector<1x16xf32>,
        %parallel_loop3A_892 = vector.shape_cast %parallel_loop3A_891 : vector<1x16xf32> to vector<16xf32>
        %parallel_loop3A_893 = arith.index_cast %parallel_loop3A_880 : i32 to index
        %parallel_loop3A_894 = arith.constant 48 : index
        %parallel_loop3A_895 = tpu.vector_load %arg8[%parallel_loop3A_893, %parallel_loop3A_894] {strides = array<i32>} : memref<50x128xf32, #tpu.memory_space<vmem>>, vector<1x16xf32>,
        %parallel_loop3A_896 = vector.shape_cast %parallel_loop3A_895 : vector<1x16xf32> to vector<16xf32>
        %parallel_loop3A_897 = arith.index_cast %parallel_loop3A_880 : i32 to index
        %parallel_loop3A_898 = arith.constant 64 : index
        %parallel_loop3A_899 = tpu.vector_load %arg8[%parallel_loop3A_897, %parallel_loop3A_898] {strides = array<i32>} : memref<50x128xf32, #tpu.memory_space<vmem>>, vector<1x16xf32>,
        %parallel_loop3A_900 = vector.shape_cast %parallel_loop3A_899 : vector<1x16xf32> to vector<16xf32>
        %parallel_loop3A_901 = arith.index_cast %parallel_loop3A_880 : i32 to index
        %parallel_loop3A_902 = arith.constant 80 : index
        %parallel_loop3A_903 = tpu.vector_load %arg8[%parallel_loop3A_901, %parallel_loop3A_902] {strides = array<i32>} : memref<50x128xf32, #tpu.memory_space<vmem>>, vector<1x16xf32>,
        %parallel_loop3A_904 = vector.shape_cast %parallel_loop3A_903 : vector<1x16xf32> to vector<16xf32>
        %parallel_loop3A_905 = arith.index_cast %parallel_loop3A_880 : i32 to index
        %parallel_loop3A_906 = arith.constant 96 : index
        %parallel_loop3A_907 = tpu.vector_load %arg8[%parallel_loop3A_905, %parallel_loop3A_906] {strides = array<i32>} : memref<50x128xf32, #tpu.memory_space<vmem>>, vector<1x16xf32>,
        %parallel_loop3A_908 = vector.shape_cast %parallel_loop3A_907 : vector<1x16xf32> to vector<16xf32>
        %parallel_loop3A_909 = arith.index_cast %parallel_loop3A_880 : i32 to index
        %parallel_loop3A_910 = arith.constant 112 : index
        %parallel_loop3A_911 = tpu.vector_load %arg8[%parallel_loop3A_909, %parallel_loop3A_910] {strides = array<i32>} : memref<50x128xf32, #tpu.memory_space<vmem>>, vector<1x16xf32>,
        %parallel_loop3A_912 = vector.shape_cast %parallel_loop3A_911 : vector<1x16xf32> to vector<16xf32>
        %parallel_loop3A_913 = arith.constant 1 : i32
        %parallel_loop3A_914 = arith.constant 0 : i32
        %parallel_loop3A_915 = arith.index_cast %parallel_loop3A_913 : i32 to index
        %parallel_loop3A_916 = arith.index_cast %parallel_loop3A_914 : i32 to index
        %parallel_loop3A_917 = arith.index_cast %parallel_loop3A_880 : i32 to index
        %parallel_loop3A_918 = arith.constant 0 : index
        %parallel_loop3A_919 = tpu.vector_load %arg7[%parallel_loop3A_915, %parallel_loop3A_916, %parallel_loop3A_917, %parallel_loop3A_918] {strides = array<i32>} : memref<4x4x50x128xf32, #tpu.memory_space<vmem>>, vector<1x1x1x16xf32>,
        %parallel_loop3A_920 = vector.shape_cast %parallel_loop3A_919 : vector<1x1x1x16xf32> to vector<16xf32>
        %parallel_loop3A_921 = arith.addf %parallel_loop3A_920, %parallel_loop3A_884 : vector<16xf32>
        %parallel_loop3A_922 = arith.constant 1 : i32
        %parallel_loop3A_923 = arith.constant 0 : i32
        %parallel_loop3A_924 = arith.index_cast %parallel_loop3A_922 : i32 to index
        %parallel_loop3A_925 = arith.index_cast %parallel_loop3A_923 : i32 to index
        %parallel_loop3A_926 = arith.index_cast %parallel_loop3A_880 : i32 to index
        %parallel_loop3A_927 = arith.constant 0 : index
        %parallel_loop3A_928 = tpu.vector_load %arg7[%parallel_loop3A_924, %parallel_loop3A_925, %parallel_loop3A_926, %parallel_loop3A_927] {strides = array<i32>} : memref<4x4x50x128xf32, #tpu.memory_space<vmem>>, vector<1x1x1x16xf32>,
        %parallel_loop3A_929 = vector.shape_cast %parallel_loop3A_928 : vector<1x1x1x16xf32> to vector<16xf32>
        %parallel_loop3A_930 = vector.shape_cast %parallel_loop3A_921 : vector<16xf32> to vector<1x1x1x16xf32>
        tpu.vector_store %arg7[%parallel_loop3A_924, %parallel_loop3A_925, %parallel_loop3A_926, %parallel_loop3A_927], %parallel_loop3A_930 {strides = array<i32>} : memref<4x4x50x128xf32, #tpu.memory_space<vmem>>, vector<1x1x1x16xf32>,
        %parallel_loop3A_931 = arith.constant 1 : i32
        %parallel_loop3A_932 = arith.constant 0 : i32
        %parallel_loop3A_933 = arith.index_cast %parallel_loop3A_931 : i32 to index
        %parallel_loop3A_934 = arith.index_cast %parallel_loop3A_932 : i32 to index
        %parallel_loop3A_935 = arith.index_cast %parallel_loop3A_880 : i32 to index
        %parallel_loop3A_936 = arith.constant 16 : index
        %parallel_loop3A_937 = tpu.vector_load %arg7[%parallel_loop3A_933, %parallel_loop3A_934, %parallel_loop3A_935, %parallel_loop3A_936] {strides = array<i32>} : memref<4x4x50x128xf32, #tpu.memory_space<vmem>>, vector<1x1x1x16xf32>,
        %parallel_loop3A_938 = vector.shape_cast %parallel_loop3A_937 : vector<1x1x1x16xf32> to vector<16xf32>
        %parallel_loop3A_939 = arith.addf %parallel_loop3A_938, %parallel_loop3A_888 : vector<16xf32>
        %parallel_loop3A_940 = arith.constant 1 : i32
        %parallel_loop3A_941 = arith.constant 0 : i32
        %parallel_loop3A_942 = arith.index_cast %parallel_loop3A_940 : i32 to index
        %parallel_loop3A_943 = arith.index_cast %parallel_loop3A_941 : i32 to index
        %parallel_loop3A_944 = arith.index_cast %parallel_loop3A_880 : i32 to index
        %parallel_loop3A_945 = arith.constant 16 : index
        %parallel_loop3A_946 = tpu.vector_load %arg7[%parallel_loop3A_942, %parallel_loop3A_943, %parallel_loop3A_944, %parallel_loop3A_945] {strides = array<i32>} : memref<4x4x50x128xf32, #tpu.memory_space<vmem>>, vector<1x1x1x16xf32>,
        %parallel_loop3A_947 = vector.shape_cast %parallel_loop3A_946 : vector<1x1x1x16xf32> to vector<16xf32>
        %parallel_loop3A_948 = vector.shape_cast %parallel_loop3A_939 : vector<16xf32> to vector<1x1x1x16xf32>
        tpu.vector_store %arg7[%parallel_loop3A_942, %parallel_loop3A_943, %parallel_loop3A_944, %parallel_loop3A_945], %parallel_loop3A_948 {strides = array<i32>} : memref<4x4x50x128xf32, #tpu.memory_space<vmem>>, vector<1x1x1x16xf32>,
        %parallel_loop3A_949 = arith.constant 1 : i32
        %parallel_loop3A_950 = arith.constant 0 : i32
        %parallel_loop3A_951 = arith.index_cast %parallel_loop3A_949 : i32 to index
        %parallel_loop3A_952 = arith.index_cast %parallel_loop3A_950 : i32 to index
        %parallel_loop3A_953 = arith.index_cast %parallel_loop3A_880 : i32 to index
        %parallel_loop3A_954 = arith.constant 32 : index
        %parallel_loop3A_955 = tpu.vector_load %arg7[%parallel_loop3A_951, %parallel_loop3A_952, %parallel_loop3A_953, %parallel_loop3A_954] {strides = array<i32>} : memref<4x4x50x128xf32, #tpu.memory_space<vmem>>, vector<1x1x1x16xf32>,
        %parallel_loop3A_956 = vector.shape_cast %parallel_loop3A_955 : vector<1x1x1x16xf32> to vector<16xf32>
        %parallel_loop3A_957 = arith.addf %parallel_loop3A_956, %parallel_loop3A_892 : vector<16xf32>
        %parallel_loop3A_958 = arith.constant 1 : i32
        %parallel_loop3A_959 = arith.constant 0 : i32
        %parallel_loop3A_960 = arith.index_cast %parallel_loop3A_958 : i32 to index
        %parallel_loop3A_961 = arith.index_cast %parallel_loop3A_959 : i32 to index
        %parallel_loop3A_962 = arith.index_cast %parallel_loop3A_880 : i32 to index
        %parallel_loop3A_963 = arith.constant 32 : index
        %parallel_loop3A_964 = tpu.vector_load %arg7[%parallel_loop3A_960, %parallel_loop3A_961, %parallel_loop3A_962, %parallel_loop3A_963] {strides = array<i32>} : memref<4x4x50x128xf32, #tpu.memory_space<vmem>>, vector<1x1x1x16xf32>,
        %parallel_loop3A_965 = vector.shape_cast %parallel_loop3A_964 : vector<1x1x1x16xf32> to vector<16xf32>
        %parallel_loop3A_966 = vector.shape_cast %parallel_loop3A_957 : vector<16xf32> to vector<1x1x1x16xf32>
        tpu.vector_store %arg7[%parallel_loop3A_960, %parallel_loop3A_961, %parallel_loop3A_962, %parallel_loop3A_963], %parallel_loop3A_966 {strides = array<i32>} : memref<4x4x50x128xf32, #tpu.memory_space<vmem>>, vector<1x1x1x16xf32>,
        %parallel_loop3A_967 = arith.constant 1 : i32
        %parallel_loop3A_968 = arith.constant 0 : i32
        %parallel_loop3A_969 = arith.index_cast %parallel_loop3A_967 : i32 to index
        %parallel_loop3A_970 = arith.index_cast %parallel_loop3A_968 : i32 to index
        %parallel_loop3A_971 = arith.index_cast %parallel_loop3A_880 : i32 to index
        %parallel_loop3A_972 = arith.constant 48 : index
        %parallel_loop3A_973 = tpu.vector_load %arg7[%parallel_loop3A_969, %parallel_loop3A_970, %parallel_loop3A_971, %parallel_loop3A_972] {strides = array<i32>} : memref<4x4x50x128xf32, #tpu.memory_space<vmem>>, vector<1x1x1x16xf32>,
        %parallel_loop3A_974 = vector.shape_cast %parallel_loop3A_973 : vector<1x1x1x16xf32> to vector<16xf32>
        %parallel_loop3A_975 = arith.addf %parallel_loop3A_974, %parallel_loop3A_896 : vector<16xf32>
        %parallel_loop3A_976 = arith.constant 1 : i32
        %parallel_loop3A_977 = arith.constant 0 : i32
        %parallel_loop3A_978 = arith.index_cast %parallel_loop3A_976 : i32 to index
        %parallel_loop3A_979 = arith.index_cast %parallel_loop3A_977 : i32 to index
        %parallel_loop3A_980 = arith.index_cast %parallel_loop3A_880 : i32 to index
        %parallel_loop3A_981 = arith.constant 48 : index
        %parallel_loop3A_982 = tpu.vector_load %arg7[%parallel_loop3A_978, %parallel_loop3A_979, %parallel_loop3A_980, %parallel_loop3A_981] {strides = array<i32>} : memref<4x4x50x128xf32, #tpu.memory_space<vmem>>, vector<1x1x1x16xf32>,
        %parallel_loop3A_983 = vector.shape_cast %parallel_loop3A_982 : vector<1x1x1x16xf32> to vector<16xf32>
        %parallel_loop3A_984 = vector.shape_cast %parallel_loop3A_975 : vector<16xf32> to vector<1x1x1x16xf32>
        tpu.vector_store %arg7[%parallel_loop3A_978, %parallel_loop3A_979, %parallel_loop3A_980, %parallel_loop3A_981], %parallel_loop3A_984 {strides = array<i32>} : memref<4x4x50x128xf32, #tpu.memory_space<vmem>>, vector<1x1x1x16xf32>,
        %parallel_loop3A_985 = arith.constant 1 : i32
        %parallel_loop3A_986 = arith.constant 0 : i32
        %parallel_loop3A_987 = arith.index_cast %parallel_loop3A_985 : i32 to index
        %parallel_loop3A_988 = arith.index_cast %parallel_loop3A_986 : i32 to index
        %parallel_loop3A_989 = arith.index_cast %parallel_loop3A_880 : i32 to index
        %parallel_loop3A_990 = arith.constant 64 : index
        %parallel_loop3A_991 = tpu.vector_load %arg7[%parallel_loop3A_987, %parallel_loop3A_988, %parallel_loop3A_989, %parallel_loop3A_990] {strides = array<i32>} : memref<4x4x50x128xf32, #tpu.memory_space<vmem>>, vector<1x1x1x16xf32>,
        %parallel_loop3A_992 = vector.shape_cast %parallel_loop3A_991 : vector<1x1x1x16xf32> to vector<16xf32>
        %parallel_loop3A_993 = arith.addf %parallel_loop3A_992, %parallel_loop3A_900 : vector<16xf32>
        %parallel_loop3A_994 = arith.constant 1 : i32
        %parallel_loop3A_995 = arith.constant 0 : i32
        %parallel_loop3A_996 = arith.index_cast %parallel_loop3A_994 : i32 to index
        %parallel_loop3A_997 = arith.index_cast %parallel_loop3A_995 : i32 to index
        %parallel_loop3A_998 = arith.index_cast %parallel_loop3A_880 : i32 to index
        %parallel_loop3A_999 = arith.constant 64 : index
        %parallel_loop3A_1000 = tpu.vector_load %arg7[%parallel_loop3A_996, %parallel_loop3A_997, %parallel_loop3A_998, %parallel_loop3A_999] {strides = array<i32>} : memref<4x4x50x128xf32, #tpu.memory_space<vmem>>, vector<1x1x1x16xf32>,
        %parallel_loop3A_1001 = vector.shape_cast %parallel_loop3A_1000 : vector<1x1x1x16xf32> to vector<16xf32>
        %parallel_loop3A_1002 = vector.shape_cast %parallel_loop3A_993 : vector<16xf32> to vector<1x1x1x16xf32>
        tpu.vector_store %arg7[%parallel_loop3A_996, %parallel_loop3A_997, %parallel_loop3A_998, %parallel_loop3A_999], %parallel_loop3A_1002 {strides = array<i32>} : memref<4x4x50x128xf32, #tpu.memory_space<vmem>>, vector<1x1x1x16xf32>,
        %parallel_loop3A_1003 = arith.constant 1 : i32
        %parallel_loop3A_1004 = arith.constant 0 : i32
        %parallel_loop3A_1005 = arith.index_cast %parallel_loop3A_1003 : i32 to index
        %parallel_loop3A_1006 = arith.index_cast %parallel_loop3A_1004 : i32 to index
        %parallel_loop3A_1007 = arith.index_cast %parallel_loop3A_880 : i32 to index
        %parallel_loop3A_1008 = arith.constant 80 : index
        %parallel_loop3A_1009 = tpu.vector_load %arg7[%parallel_loop3A_1005, %parallel_loop3A_1006, %parallel_loop3A_1007, %parallel_loop3A_1008] {strides = array<i32>} : memref<4x4x50x128xf32, #tpu.memory_space<vmem>>, vector<1x1x1x16xf32>,
        %parallel_loop3A_1010 = vector.shape_cast %parallel_loop3A_1009 : vector<1x1x1x16xf32> to vector<16xf32>
        %parallel_loop3A_1011 = arith.addf %parallel_loop3A_1010, %parallel_loop3A_904 : vector<16xf32>
        %parallel_loop3A_1012 = arith.constant 1 : i32
        %parallel_loop3A_1013 = arith.constant 0 : i32
        %parallel_loop3A_1014 = arith.index_cast %parallel_loop3A_1012 : i32 to index
        %parallel_loop3A_1015 = arith.index_cast %parallel_loop3A_1013 : i32 to index
        %parallel_loop3A_1016 = arith.index_cast %parallel_loop3A_880 : i32 to index
        %parallel_loop3A_1017 = arith.constant 80 : index
        %parallel_loop3A_1018 = tpu.vector_load %arg7[%parallel_loop3A_1014, %parallel_loop3A_1015, %parallel_loop3A_1016, %parallel_loop3A_1017] {strides = array<i32>} : memref<4x4x50x128xf32, #tpu.memory_space<vmem>>, vector<1x1x1x16xf32>,
        %parallel_loop3A_1019 = vector.shape_cast %parallel_loop3A_1018 : vector<1x1x1x16xf32> to vector<16xf32>
        %parallel_loop3A_1020 = vector.shape_cast %parallel_loop3A_1011 : vector<16xf32> to vector<1x1x1x16xf32>
        tpu.vector_store %arg7[%parallel_loop3A_1014, %parallel_loop3A_1015, %parallel_loop3A_1016, %parallel_loop3A_1017], %parallel_loop3A_1020 {strides = array<i32>} : memref<4x4x50x128xf32, #tpu.memory_space<vmem>>, vector<1x1x1x16xf32>,
        %parallel_loop3A_1021 = arith.constant 1 : i32
        %parallel_loop3A_1022 = arith.constant 0 : i32
        %parallel_loop3A_1023 = arith.index_cast %parallel_loop3A_1021 : i32 to index
        %parallel_loop3A_1024 = arith.index_cast %parallel_loop3A_1022 : i32 to index
        %parallel_loop3A_1025 = arith.index_cast %parallel_loop3A_880 : i32 to index
        %parallel_loop3A_1026 = arith.constant 96 : index
        %parallel_loop3A_1027 = tpu.vector_load %arg7[%parallel_loop3A_1023, %parallel_loop3A_1024, %parallel_loop3A_1025, %parallel_loop3A_1026] {strides = array<i32>} : memref<4x4x50x128xf32, #tpu.memory_space<vmem>>, vector<1x1x1x16xf32>,
        %parallel_loop3A_1028 = vector.shape_cast %parallel_loop3A_1027 : vector<1x1x1x16xf32> to vector<16xf32>
        %parallel_loop3A_1029 = arith.addf %parallel_loop3A_1028, %parallel_loop3A_908 : vector<16xf32>
        %parallel_loop3A_1030 = arith.constant 1 : i32
        %parallel_loop3A_1031 = arith.constant 0 : i32
        %parallel_loop3A_1032 = arith.index_cast %parallel_loop3A_1030 : i32 to index
        %parallel_loop3A_1033 = arith.index_cast %parallel_loop3A_1031 : i32 to index
        %parallel_loop3A_1034 = arith.index_cast %parallel_loop3A_880 : i32 to index
        %parallel_loop3A_1035 = arith.constant 96 : index
        %parallel_loop3A_1036 = tpu.vector_load %arg7[%parallel_loop3A_1032, %parallel_loop3A_1033, %parallel_loop3A_1034, %parallel_loop3A_1035] {strides = array<i32>} : memref<4x4x50x128xf32, #tpu.memory_space<vmem>>, vector<1x1x1x16xf32>,
        %parallel_loop3A_1037 = vector.shape_cast %parallel_loop3A_1036 : vector<1x1x1x16xf32> to vector<16xf32>
        %parallel_loop3A_1038 = vector.shape_cast %parallel_loop3A_1029 : vector<16xf32> to vector<1x1x1x16xf32>
        tpu.vector_store %arg7[%parallel_loop3A_1032, %parallel_loop3A_1033, %parallel_loop3A_1034, %parallel_loop3A_1035], %parallel_loop3A_1038 {strides = array<i32>} : memref<4x4x50x128xf32, #tpu.memory_space<vmem>>, vector<1x1x1x16xf32>,
        %parallel_loop3A_1039 = arith.constant 1 : i32
        %parallel_loop3A_1040 = arith.constant 0 : i32
        %parallel_loop3A_1041 = arith.index_cast %parallel_loop3A_1039 : i32 to index
        %parallel_loop3A_1042 = arith.index_cast %parallel_loop3A_1040 : i32 to index
        %parallel_loop3A_1043 = arith.index_cast %parallel_loop3A_880 : i32 to index
        %parallel_loop3A_1044 = arith.constant 112 : index
        %parallel_loop3A_1045 = tpu.vector_load %arg7[%parallel_loop3A_1041, %parallel_loop3A_1042, %parallel_loop3A_1043, %parallel_loop3A_1044] {strides = array<i32>} : memref<4x4x50x128xf32, #tpu.memory_space<vmem>>, vector<1x1x1x16xf32>,
        %parallel_loop3A_1046 = vector.shape_cast %parallel_loop3A_1045 : vector<1x1x1x16xf32> to vector<16xf32>
        %parallel_loop3A_1047 = arith.addf %parallel_loop3A_1046, %parallel_loop3A_912 : vector<16xf32>
        %parallel_loop3A_1048 = arith.constant 1 : i32
        %parallel_loop3A_1049 = arith.constant 0 : i32
        %parallel_loop3A_1050 = arith.index_cast %parallel_loop3A_1048 : i32 to index
        %parallel_loop3A_1051 = arith.index_cast %parallel_loop3A_1049 : i32 to index
        %parallel_loop3A_1052 = arith.index_cast %parallel_loop3A_880 : i32 to index
        %parallel_loop3A_1053 = arith.constant 112 : index
        %parallel_loop3A_1054 = tpu.vector_load %arg7[%parallel_loop3A_1050, %parallel_loop3A_1051, %parallel_loop3A_1052, %parallel_loop3A_1053] {strides = array<i32>} : memref<4x4x50x128xf32, #tpu.memory_space<vmem>>, vector<1x1x1x16xf32>,
        %parallel_loop3A_1055 = vector.shape_cast %parallel_loop3A_1054 : vector<1x1x1x16xf32> to vector<16xf32>
        %parallel_loop3A_1056 = vector.shape_cast %parallel_loop3A_1047 : vector<16xf32> to vector<1x1x1x16xf32>
        tpu.vector_store %arg7[%parallel_loop3A_1050, %parallel_loop3A_1051, %parallel_loop3A_1052, %parallel_loop3A_1053], %parallel_loop3A_1056 {strides = array<i32>} : memref<4x4x50x128xf32, #tpu.memory_space<vmem>>, vector<1x1x1x16xf32>,
        %parallel_loop3A_1057 = arith.constant 1 : i32
        %parallel_loop3A_1058 = arith.constant 1 : i32
        %parallel_loop3A_1059 = arith.index_cast %parallel_loop3A_1057 : i32 to index
        %parallel_loop3A_1060 = arith.index_cast %parallel_loop3A_1058 : i32 to index
        %parallel_loop3A_1061 = arith.index_cast %parallel_loop3A_880 : i32 to index
        %parallel_loop3A_1062 = arith.constant 0 : index
        %parallel_loop3A_1063 = tpu.vector_load %arg7[%parallel_loop3A_1059, %parallel_loop3A_1060, %parallel_loop3A_1061, %parallel_loop3A_1062] {strides = array<i32>} : memref<4x4x50x128xf32, #tpu.memory_space<vmem>>, vector<1x1x1x16xf32>,
        %parallel_loop3A_1064 = vector.shape_cast %parallel_loop3A_1063 : vector<1x1x1x16xf32> to vector<16xf32>
        %parallel_loop3A_1065 = arith.addf %parallel_loop3A_1064, %parallel_loop3A_884 : vector<16xf32>
        %parallel_loop3A_1066 = arith.constant 1 : i32
        %parallel_loop3A_1067 = arith.constant 1 : i32
        %parallel_loop3A_1068 = arith.index_cast %parallel_loop3A_1066 : i32 to index
        %parallel_loop3A_1069 = arith.index_cast %parallel_loop3A_1067 : i32 to index
        %parallel_loop3A_1070 = arith.index_cast %parallel_loop3A_880 : i32 to index
        %parallel_loop3A_1071 = arith.constant 0 : index
        %parallel_loop3A_1072 = tpu.vector_load %arg7[%parallel_loop3A_1068, %parallel_loop3A_1069, %parallel_loop3A_1070, %parallel_loop3A_1071] {strides = array<i32>} : memref<4x4x50x128xf32, #tpu.memory_space<vmem>>, vector<1x1x1x16xf32>,
        %parallel_loop3A_1073 = vector.shape_cast %parallel_loop3A_1072 : vector<1x1x1x16xf32> to vector<16xf32>
        %parallel_loop3A_1074 = vector.shape_cast %parallel_loop3A_1065 : vector<16xf32> to vector<1x1x1x16xf32>
        tpu.vector_store %arg7[%parallel_loop3A_1068, %parallel_loop3A_1069, %parallel_loop3A_1070, %parallel_loop3A_1071], %parallel_loop3A_1074 {strides = array<i32>} : memref<4x4x50x128xf32, #tpu.memory_space<vmem>>, vector<1x1x1x16xf32>,
        %parallel_loop3A_1075 = arith.constant 1 : i32
        %parallel_loop3A_1076 = arith.constant 1 : i32
        %parallel_loop3A_1077 = arith.index_cast %parallel_loop3A_1075 : i32 to index
        %parallel_loop3A_1078 = arith.index_cast %parallel_loop3A_1076 : i32 to index
        %parallel_loop3A_1079 = arith.index_cast %parallel_loop3A_880 : i32 to index
        %parallel_loop3A_1080 = arith.constant 16 : index
        %parallel_loop3A_1081 = tpu.vector_load %arg7[%parallel_loop3A_1077, %parallel_loop3A_1078, %parallel_loop3A_1079, %parallel_loop3A_1080] {strides = array<i32>} : memref<4x4x50x128xf32, #tpu.memory_space<vmem>>, vector<1x1x1x16xf32>,
        %parallel_loop3A_1082 = vector.shape_cast %parallel_loop3A_1081 : vector<1x1x1x16xf32> to vector<16xf32>
        %parallel_loop3A_1083 = arith.addf %parallel_loop3A_1082, %parallel_loop3A_888 : vector<16xf32>
        %parallel_loop3A_1084 = arith.constant 1 : i32
        %parallel_loop3A_1085 = arith.constant 1 : i32
        %parallel_loop3A_1086 = arith.index_cast %parallel_loop3A_1084 : i32 to index
        %parallel_loop3A_1087 = arith.index_cast %parallel_loop3A_1085 : i32 to index
        %parallel_loop3A_1088 = arith.index_cast %parallel_loop3A_880 : i32 to index
        %parallel_loop3A_1089 = arith.constant 16 : index
        %parallel_loop3A_1090 = tpu.vector_load %arg7[%parallel_loop3A_1086, %parallel_loop3A_1087, %parallel_loop3A_1088, %parallel_loop3A_1089] {strides = array<i32>} : memref<4x4x50x128xf32, #tpu.memory_space<vmem>>, vector<1x1x1x16xf32>,
        %parallel_loop3A_1091 = vector.shape_cast %parallel_loop3A_1090 : vector<1x1x1x16xf32> to vector<16xf32>
        %parallel_loop3A_1092 = vector.shape_cast %parallel_loop3A_1083 : vector<16xf32> to vector<1x1x1x16xf32>
        tpu.vector_store %arg7[%parallel_loop3A_1086, %parallel_loop3A_1087, %parallel_loop3A_1088, %parallel_loop3A_1089], %parallel_loop3A_1092 {strides = array<i32>} : memref<4x4x50x128xf32, #tpu.memory_space<vmem>>, vector<1x1x1x16xf32>,
        %parallel_loop3A_1093 = arith.constant 1 : i32
        %parallel_loop3A_1094 = arith.constant 1 : i32
        %parallel_loop3A_1095 = arith.index_cast %parallel_loop3A_1093 : i32 to index
        %parallel_loop3A_1096 = arith.index_cast %parallel_loop3A_1094 : i32 to index
        %parallel_loop3A_1097 = arith.index_cast %parallel_loop3A_880 : i32 to index
        %parallel_loop3A_1098 = arith.constant 32 : index
        %parallel_loop3A_1099 = tpu.vector_load %arg7[%parallel_loop3A_1095, %parallel_loop3A_1096, %parallel_loop3A_1097, %parallel_loop3A_1098] {strides = array<i32>} : memref<4x4x50x128xf32, #tpu.memory_space<vmem>>, vector<1x1x1x16xf32>,
        %parallel_loop3A_1100 = vector.shape_cast %parallel_loop3A_1099 : vector<1x1x1x16xf32> to vector<16xf32>
        %parallel_loop3A_1101 = arith.addf %parallel_loop3A_1100, %parallel_loop3A_892 : vector<16xf32>
        %parallel_loop3A_1102 = arith.constant 1 : i32
        %parallel_loop3A_1103 = arith.constant 1 : i32
        %parallel_loop3A_1104 = arith.index_cast %parallel_loop3A_1102 : i32 to index
        %parallel_loop3A_1105 = arith.index_cast %parallel_loop3A_1103 : i32 to index
        %parallel_loop3A_1106 = arith.index_cast %parallel_loop3A_880 : i32 to index
        %parallel_loop3A_1107 = arith.constant 32 : index
        %parallel_loop3A_1108 = tpu.vector_load %arg7[%parallel_loop3A_1104, %parallel_loop3A_1105, %parallel_loop3A_1106, %parallel_loop3A_1107] {strides = array<i32>} : memref<4x4x50x128xf32, #tpu.memory_space<vmem>>, vector<1x1x1x16xf32>,
        %parallel_loop3A_1109 = vector.shape_cast %parallel_loop3A_1108 : vector<1x1x1x16xf32> to vector<16xf32>
        %parallel_loop3A_1110 = vector.shape_cast %parallel_loop3A_1101 : vector<16xf32> to vector<1x1x1x16xf32>
        tpu.vector_store %arg7[%parallel_loop3A_1104, %parallel_loop3A_1105, %parallel_loop3A_1106, %parallel_loop3A_1107], %parallel_loop3A_1110 {strides = array<i32>} : memref<4x4x50x128xf32, #tpu.memory_space<vmem>>, vector<1x1x1x16xf32>,
        %parallel_loop3A_1111 = arith.constant 1 : i32
        %parallel_loop3A_1112 = arith.constant 1 : i32
        %parallel_loop3A_1113 = arith.index_cast %parallel_loop3A_1111 : i32 to index
        %parallel_loop3A_1114 = arith.index_cast %parallel_loop3A_1112 : i32 to index
        %parallel_loop3A_1115 = arith.index_cast %parallel_loop3A_880 : i32 to index
        %parallel_loop3A_1116 = arith.constant 48 : index
        %parallel_loop3A_1117 = tpu.vector_load %arg7[%parallel_loop3A_1113, %parallel_loop3A_1114, %parallel_loop3A_1115, %parallel_loop3A_1116] {strides = array<i32>} : memref<4x4x50x128xf32, #tpu.memory_space<vmem>>, vector<1x1x1x16xf32>,
        %parallel_loop3A_1118 = vector.shape_cast %parallel_loop3A_1117 : vector<1x1x1x16xf32> to vector<16xf32>
        %parallel_loop3A_1119 = arith.addf %parallel_loop3A_1118, %parallel_loop3A_896 : vector<16xf32>
        %parallel_loop3A_1120 = arith.constant 1 : i32
        %parallel_loop3A_1121 = arith.constant 1 : i32
        %parallel_loop3A_1122 = arith.index_cast %parallel_loop3A_1120 : i32 to index
        %parallel_loop3A_1123 = arith.index_cast %parallel_loop3A_1121 : i32 to index
        %parallel_loop3A_1124 = arith.index_cast %parallel_loop3A_880 : i32 to index
        %parallel_loop3A_1125 = arith.constant 48 : index
        %parallel_loop3A_1126 = tpu.vector_load %arg7[%parallel_loop3A_1122, %parallel_loop3A_1123, %parallel_loop3A_1124, %parallel_loop3A_1125] {strides = array<i32>} : memref<4x4x50x128xf32, #tpu.memory_space<vmem>>, vector<1x1x1x16xf32>,
        %parallel_loop3A_1127 = vector.shape_cast %parallel_loop3A_1126 : vector<1x1x1x16xf32> to vector<16xf32>
        %parallel_loop3A_1128 = vector.shape_cast %parallel_loop3A_1119 : vector<16xf32> to vector<1x1x1x16xf32>
        tpu.vector_store %arg7[%parallel_loop3A_1122, %parallel_loop3A_1123, %parallel_loop3A_1124, %parallel_loop3A_1125], %parallel_loop3A_1128 {strides = array<i32>} : memref<4x4x50x128xf32, #tpu.memory_space<vmem>>, vector<1x1x1x16xf32>,
        %parallel_loop3A_1129 = arith.constant 1 : i32
        %parallel_loop3A_1130 = arith.constant 1 : i32
        %parallel_loop3A_1131 = arith.index_cast %parallel_loop3A_1129 : i32 to index
        %parallel_loop3A_1132 = arith.index_cast %parallel_loop3A_1130 : i32 to index
        %parallel_loop3A_1133 = arith.index_cast %parallel_loop3A_880 : i32 to index
        %parallel_loop3A_1134 = arith.constant 64 : index
        %parallel_loop3A_1135 = tpu.vector_load %arg7[%parallel_loop3A_1131, %parallel_loop3A_1132, %parallel_loop3A_1133, %parallel_loop3A_1134] {strides = array<i32>} : memref<4x4x50x128xf32, #tpu.memory_space<vmem>>, vector<1x1x1x16xf32>,
        %parallel_loop3A_1136 = vector.shape_cast %parallel_loop3A_1135 : vector<1x1x1x16xf32> to vector<16xf32>
        %parallel_loop3A_1137 = arith.addf %parallel_loop3A_1136, %parallel_loop3A_900 : vector<16xf32>
        %parallel_loop3A_1138 = arith.constant 1 : i32
        %parallel_loop3A_1139 = arith.constant 1 : i32
        %parallel_loop3A_1140 = arith.index_cast %parallel_loop3A_1138 : i32 to index
        %parallel_loop3A_1141 = arith.index_cast %parallel_loop3A_1139 : i32 to index
        %parallel_loop3A_1142 = arith.index_cast %parallel_loop3A_880 : i32 to index
        %parallel_loop3A_1143 = arith.constant 64 : index
        %parallel_loop3A_1144 = tpu.vector_load %arg7[%parallel_loop3A_1140, %parallel_loop3A_1141, %parallel_loop3A_1142, %parallel_loop3A_1143] {strides = array<i32>} : memref<4x4x50x128xf32, #tpu.memory_space<vmem>>, vector<1x1x1x16xf32>,
        %parallel_loop3A_1145 = vector.shape_cast %parallel_loop3A_1144 : vector<1x1x1x16xf32> to vector<16xf32>
        %parallel_loop3A_1146 = vector.shape_cast %parallel_loop3A_1137 : vector<16xf32> to vector<1x1x1x16xf32>
        tpu.vector_store %arg7[%parallel_loop3A_1140, %parallel_loop3A_1141, %parallel_loop3A_1142, %parallel_loop3A_1143], %parallel_loop3A_1146 {strides = array<i32>} : memref<4x4x50x128xf32, #tpu.memory_space<vmem>>, vector<1x1x1x16xf32>,
        %parallel_loop3A_1147 = arith.constant 1 : i32
        %parallel_loop3A_1148 = arith.constant 1 : i32
        %parallel_loop3A_1149 = arith.index_cast %parallel_loop3A_1147 : i32 to index
        %parallel_loop3A_1150 = arith.index_cast %parallel_loop3A_1148 : i32 to index
        %parallel_loop3A_1151 = arith.index_cast %parallel_loop3A_880 : i32 to index
        %parallel_loop3A_1152 = arith.constant 80 : index
        %parallel_loop3A_1153 = tpu.vector_load %arg7[%parallel_loop3A_1149, %parallel_loop3A_1150, %parallel_loop3A_1151, %parallel_loop3A_1152] {strides = array<i32>} : memref<4x4x50x128xf32, #tpu.memory_space<vmem>>, vector<1x1x1x16xf32>,
        %parallel_loop3A_1154 = vector.shape_cast %parallel_loop3A_1153 : vector<1x1x1x16xf32> to vector<16xf32>
        %parallel_loop3A_1155 = arith.addf %parallel_loop3A_1154, %parallel_loop3A_904 : vector<16xf32>
        %parallel_loop3A_1156 = arith.constant 1 : i32
        %parallel_loop3A_1157 = arith.constant 1 : i32
        %parallel_loop3A_1158 = arith.index_cast %parallel_loop3A_1156 : i32 to index
        %parallel_loop3A_1159 = arith.index_cast %parallel_loop3A_1157 : i32 to index
        %parallel_loop3A_1160 = arith.index_cast %parallel_loop3A_880 : i32 to index
        %parallel_loop3A_1161 = arith.constant 80 : index
        %parallel_loop3A_1162 = tpu.vector_load %arg7[%parallel_loop3A_1158, %parallel_loop3A_1159, %parallel_loop3A_1160, %parallel_loop3A_1161] {strides = array<i32>} : memref<4x4x50x128xf32, #tpu.memory_space<vmem>>, vector<1x1x1x16xf32>,
        %parallel_loop3A_1163 = vector.shape_cast %parallel_loop3A_1162 : vector<1x1x1x16xf32> to vector<16xf32>
        %parallel_loop3A_1164 = vector.shape_cast %parallel_loop3A_1155 : vector<16xf32> to vector<1x1x1x16xf32>
        tpu.vector_store %arg7[%parallel_loop3A_1158, %parallel_loop3A_1159, %parallel_loop3A_1160, %parallel_loop3A_1161], %parallel_loop3A_1164 {strides = array<i32>} : memref<4x4x50x128xf32, #tpu.memory_space<vmem>>, vector<1x1x1x16xf32>,
        %parallel_loop3A_1165 = arith.constant 1 : i32
        %parallel_loop3A_1166 = arith.constant 1 : i32
        %parallel_loop3A_1167 = arith.index_cast %parallel_loop3A_1165 : i32 to index
        %parallel_loop3A_1168 = arith.index_cast %parallel_loop3A_1166 : i32 to index
        %parallel_loop3A_1169 = arith.index_cast %parallel_loop3A_880 : i32 to index
        %parallel_loop3A_1170 = arith.constant 96 : index
        %parallel_loop3A_1171 = tpu.vector_load %arg7[%parallel_loop3A_1167, %parallel_loop3A_1168, %parallel_loop3A_1169, %parallel_loop3A_1170] {strides = array<i32>} : memref<4x4x50x128xf32, #tpu.memory_space<vmem>>, vector<1x1x1x16xf32>,
        %parallel_loop3A_1172 = vector.shape_cast %parallel_loop3A_1171 : vector<1x1x1x16xf32> to vector<16xf32>
        %parallel_loop3A_1173 = arith.addf %parallel_loop3A_1172, %parallel_loop3A_908 : vector<16xf32>
        %parallel_loop3A_1174 = arith.constant 1 : i32
        %parallel_loop3A_1175 = arith.constant 1 : i32
        %parallel_loop3A_1176 = arith.index_cast %parallel_loop3A_1174 : i32 to index
        %parallel_loop3A_1177 = arith.index_cast %parallel_loop3A_1175 : i32 to index
        %parallel_loop3A_1178 = arith.index_cast %parallel_loop3A_880 : i32 to index
        %parallel_loop3A_1179 = arith.constant 96 : index
        %parallel_loop3A_1180 = tpu.vector_load %arg7[%parallel_loop3A_1176, %parallel_loop3A_1177, %parallel_loop3A_1178, %parallel_loop3A_1179] {strides = array<i32>} : memref<4x4x50x128xf32, #tpu.memory_space<vmem>>, vector<1x1x1x16xf32>,
        %parallel_loop3A_1181 = vector.shape_cast %parallel_loop3A_1180 : vector<1x1x1x16xf32> to vector<16xf32>
        %parallel_loop3A_1182 = vector.shape_cast %parallel_loop3A_1173 : vector<16xf32> to vector<1x1x1x16xf32>
        tpu.vector_store %arg7[%parallel_loop3A_1176, %parallel_loop3A_1177, %parallel_loop3A_1178, %parallel_loop3A_1179], %parallel_loop3A_1182 {strides = array<i32>} : memref<4x4x50x128xf32, #tpu.memory_space<vmem>>, vector<1x1x1x16xf32>,
        %parallel_loop3A_1183 = arith.constant 1 : i32
        %parallel_loop3A_1184 = arith.constant 1 : i32
        %parallel_loop3A_1185 = arith.index_cast %parallel_loop3A_1183 : i32 to index
        %parallel_loop3A_1186 = arith.index_cast %parallel_loop3A_1184 : i32 to index
        %parallel_loop3A_1187 = arith.index_cast %parallel_loop3A_880 : i32 to index
        %parallel_loop3A_1188 = arith.constant 112 : index
        %parallel_loop3A_1189 = tpu.vector_load %arg7[%parallel_loop3A_1185, %parallel_loop3A_1186, %parallel_loop3A_1187, %parallel_loop3A_1188] {strides = array<i32>} : memref<4x4x50x128xf32, #tpu.memory_space<vmem>>, vector<1x1x1x16xf32>,
        %parallel_loop3A_1190 = vector.shape_cast %parallel_loop3A_1189 : vector<1x1x1x16xf32> to vector<16xf32>
        %parallel_loop3A_1191 = arith.addf %parallel_loop3A_1190, %parallel_loop3A_912 : vector<16xf32>
        %parallel_loop3A_1192 = arith.constant 1 : i32
        %parallel_loop3A_1193 = arith.constant 1 : i32
        %parallel_loop3A_1194 = arith.index_cast %parallel_loop3A_1192 : i32 to index
        %parallel_loop3A_1195 = arith.index_cast %parallel_loop3A_1193 : i32 to index
        %parallel_loop3A_1196 = arith.index_cast %parallel_loop3A_880 : i32 to index
        %parallel_loop3A_1197 = arith.constant 112 : index
        %parallel_loop3A_1198 = tpu.vector_load %arg7[%parallel_loop3A_1194, %parallel_loop3A_1195, %parallel_loop3A_1196, %parallel_loop3A_1197] {strides = array<i32>} : memref<4x4x50x128xf32, #tpu.memory_space<vmem>>, vector<1x1x1x16xf32>,
        %parallel_loop3A_1199 = vector.shape_cast %parallel_loop3A_1198 : vector<1x1x1x16xf32> to vector<16xf32>
        %parallel_loop3A_1200 = vector.shape_cast %parallel_loop3A_1191 : vector<16xf32> to vector<1x1x1x16xf32>
        tpu.vector_store %arg7[%parallel_loop3A_1194, %parallel_loop3A_1195, %parallel_loop3A_1196, %parallel_loop3A_1197], %parallel_loop3A_1200 {strides = array<i32>} : memref<4x4x50x128xf32, #tpu.memory_space<vmem>>, vector<1x1x1x16xf32>,
        %parallel_loop3A_1201 = arith.constant 1 : i32
        %parallel_loop3A_1202 = arith.constant 2 : i32
        %parallel_loop3A_1203 = arith.index_cast %parallel_loop3A_1201 : i32 to index
        %parallel_loop3A_1204 = arith.index_cast %parallel_loop3A_1202 : i32 to index
        %parallel_loop3A_1205 = arith.index_cast %parallel_loop3A_880 : i32 to index
        %parallel_loop3A_1206 = arith.constant 0 : index
        %parallel_loop3A_1207 = tpu.vector_load %arg7[%parallel_loop3A_1203, %parallel_loop3A_1204, %parallel_loop3A_1205, %parallel_loop3A_1206] {strides = array<i32>} : memref<4x4x50x128xf32, #tpu.memory_space<vmem>>, vector<1x1x1x16xf32>,
        %parallel_loop3A_1208 = vector.shape_cast %parallel_loop3A_1207 : vector<1x1x1x16xf32> to vector<16xf32>
        %parallel_loop3A_1209 = arith.addf %parallel_loop3A_1208, %parallel_loop3A_884 : vector<16xf32>
        %parallel_loop3A_1210 = arith.constant 1 : i32
        %parallel_loop3A_1211 = arith.constant 2 : i32
        %parallel_loop3A_1212 = arith.index_cast %parallel_loop3A_1210 : i32 to index
        %parallel_loop3A_1213 = arith.index_cast %parallel_loop3A_1211 : i32 to index
        %parallel_loop3A_1214 = arith.index_cast %parallel_loop3A_880 : i32 to index
        %parallel_loop3A_1215 = arith.constant 0 : index
        %parallel_loop3A_1216 = tpu.vector_load %arg7[%parallel_loop3A_1212, %parallel_loop3A_1213, %parallel_loop3A_1214, %parallel_loop3A_1215] {strides = array<i32>} : memref<4x4x50x128xf32, #tpu.memory_space<vmem>>, vector<1x1x1x16xf32>,
        %parallel_loop3A_1217 = vector.shape_cast %parallel_loop3A_1216 : vector<1x1x1x16xf32> to vector<16xf32>
        %parallel_loop3A_1218 = vector.shape_cast %parallel_loop3A_1209 : vector<16xf32> to vector<1x1x1x16xf32>
        tpu.vector_store %arg7[%parallel_loop3A_1212, %parallel_loop3A_1213, %parallel_loop3A_1214, %parallel_loop3A_1215], %parallel_loop3A_1218 {strides = array<i32>} : memref<4x4x50x128xf32, #tpu.memory_space<vmem>>, vector<1x1x1x16xf32>,
        %parallel_loop3A_1219 = arith.constant 1 : i32
        %parallel_loop3A_1220 = arith.constant 2 : i32
        %parallel_loop3A_1221 = arith.index_cast %parallel_loop3A_1219 : i32 to index
        %parallel_loop3A_1222 = arith.index_cast %parallel_loop3A_1220 : i32 to index
        %parallel_loop3A_1223 = arith.index_cast %parallel_loop3A_880 : i32 to index
        %parallel_loop3A_1224 = arith.constant 16 : index
        %parallel_loop3A_1225 = tpu.vector_load %arg7[%parallel_loop3A_1221, %parallel_loop3A_1222, %parallel_loop3A_1223, %parallel_loop3A_1224] {strides = array<i32>} : memref<4x4x50x128xf32, #tpu.memory_space<vmem>>, vector<1x1x1x16xf32>,
        %parallel_loop3A_1226 = vector.shape_cast %parallel_loop3A_1225 : vector<1x1x1x16xf32> to vector<16xf32>
        %parallel_loop3A_1227 = arith.addf %parallel_loop3A_1226, %parallel_loop3A_888 : vector<16xf32>
        %parallel_loop3A_1228 = arith.constant 1 : i32
        %parallel_loop3A_1229 = arith.constant 2 : i32
        %parallel_loop3A_1230 = arith.index_cast %parallel_loop3A_1228 : i32 to index
        %parallel_loop3A_1231 = arith.index_cast %parallel_loop3A_1229 : i32 to index
        %parallel_loop3A_1232 = arith.index_cast %parallel_loop3A_880 : i32 to index
        %parallel_loop3A_1233 = arith.constant 16 : index
        %parallel_loop3A_1234 = tpu.vector_load %arg7[%parallel_loop3A_1230, %parallel_loop3A_1231, %parallel_loop3A_1232, %parallel_loop3A_1233] {strides = array<i32>} : memref<4x4x50x128xf32, #tpu.memory_space<vmem>>, vector<1x1x1x16xf32>,
        %parallel_loop3A_1235 = vector.shape_cast %parallel_loop3A_1234 : vector<1x1x1x16xf32> to vector<16xf32>
        %parallel_loop3A_1236 = vector.shape_cast %parallel_loop3A_1227 : vector<16xf32> to vector<1x1x1x16xf32>
        tpu.vector_store %arg7[%parallel_loop3A_1230, %parallel_loop3A_1231, %parallel_loop3A_1232, %parallel_loop3A_1233], %parallel_loop3A_1236 {strides = array<i32>} : memref<4x4x50x128xf32, #tpu.memory_space<vmem>>, vector<1x1x1x16xf32>,
        %parallel_loop3A_1237 = arith.constant 1 : i32
        %parallel_loop3A_1238 = arith.constant 2 : i32
        %parallel_loop3A_1239 = arith.index_cast %parallel_loop3A_1237 : i32 to index
        %parallel_loop3A_1240 = arith.index_cast %parallel_loop3A_1238 : i32 to index
        %parallel_loop3A_1241 = arith.index_cast %parallel_loop3A_880 : i32 to index
        %parallel_loop3A_1242 = arith.constant 32 : index
        %parallel_loop3A_1243 = tpu.vector_load %arg7[%parallel_loop3A_1239, %parallel_loop3A_1240, %parallel_loop3A_1241, %parallel_loop3A_1242] {strides = array<i32>} : memref<4x4x50x128xf32, #tpu.memory_space<vmem>>, vector<1x1x1x16xf32>,
        %parallel_loop3A_1244 = vector.shape_cast %parallel_loop3A_1243 : vector<1x1x1x16xf32> to vector<16xf32>
        %parallel_loop3A_1245 = arith.addf %parallel_loop3A_1244, %parallel_loop3A_892 : vector<16xf32>
        %parallel_loop3A_1246 = arith.constant 1 : i32
        %parallel_loop3A_1247 = arith.constant 2 : i32
        %parallel_loop3A_1248 = arith.index_cast %parallel_loop3A_1246 : i32 to index
        %parallel_loop3A_1249 = arith.index_cast %parallel_loop3A_1247 : i32 to index
        %parallel_loop3A_1250 = arith.index_cast %parallel_loop3A_880 : i32 to index
        %parallel_loop3A_1251 = arith.constant 32 : index
        %parallel_loop3A_1252 = tpu.vector_load %arg7[%parallel_loop3A_1248, %parallel_loop3A_1249, %parallel_loop3A_1250, %parallel_loop3A_1251] {strides = array<i32>} : memref<4x4x50x128xf32, #tpu.memory_space<vmem>>, vector<1x1x1x16xf32>,
        %parallel_loop3A_1253 = vector.shape_cast %parallel_loop3A_1252 : vector<1x1x1x16xf32> to vector<16xf32>
        %parallel_loop3A_1254 = vector.shape_cast %parallel_loop3A_1245 : vector<16xf32> to vector<1x1x1x16xf32>
        tpu.vector_store %arg7[%parallel_loop3A_1248, %parallel_loop3A_1249, %parallel_loop3A_1250, %parallel_loop3A_1251], %parallel_loop3A_1254 {strides = array<i32>} : memref<4x4x50x128xf32, #tpu.memory_space<vmem>>, vector<1x1x1x16xf32>,
        %parallel_loop3A_1255 = arith.constant 1 : i32
        %parallel_loop3A_1256 = arith.constant 2 : i32
        %parallel_loop3A_1257 = arith.index_cast %parallel_loop3A_1255 : i32 to index
        %parallel_loop3A_1258 = arith.index_cast %parallel_loop3A_1256 : i32 to index
        %parallel_loop3A_1259 = arith.index_cast %parallel_loop3A_880 : i32 to index
        %parallel_loop3A_1260 = arith.constant 48 : index
        %parallel_loop3A_1261 = tpu.vector_load %arg7[%parallel_loop3A_1257, %parallel_loop3A_1258, %parallel_loop3A_1259, %parallel_loop3A_1260] {strides = array<i32>} : memref<4x4x50x128xf32, #tpu.memory_space<vmem>>, vector<1x1x1x16xf32>,
        %parallel_loop3A_1262 = vector.shape_cast %parallel_loop3A_1261 : vector<1x1x1x16xf32> to vector<16xf32>
        %parallel_loop3A_1263 = arith.addf %parallel_loop3A_1262, %parallel_loop3A_896 : vector<16xf32>
        %parallel_loop3A_1264 = arith.constant 1 : i32
        %parallel_loop3A_1265 = arith.constant 2 : i32
        %parallel_loop3A_1266 = arith.index_cast %parallel_loop3A_1264 : i32 to index
        %parallel_loop3A_1267 = arith.index_cast %parallel_loop3A_1265 : i32 to index
        %parallel_loop3A_1268 = arith.index_cast %parallel_loop3A_880 : i32 to index
        %parallel_loop3A_1269 = arith.constant 48 : index
        %parallel_loop3A_1270 = tpu.vector_load %arg7[%parallel_loop3A_1266, %parallel_loop3A_1267, %parallel_loop3A_1268, %parallel_loop3A_1269] {strides = array<i32>} : memref<4x4x50x128xf32, #tpu.memory_space<vmem>>, vector<1x1x1x16xf32>,
        %parallel_loop3A_1271 = vector.shape_cast %parallel_loop3A_1270 : vector<1x1x1x16xf32> to vector<16xf32>
        %parallel_loop3A_1272 = vector.shape_cast %parallel_loop3A_1263 : vector<16xf32> to vector<1x1x1x16xf32>
        tpu.vector_store %arg7[%parallel_loop3A_1266, %parallel_loop3A_1267, %parallel_loop3A_1268, %parallel_loop3A_1269], %parallel_loop3A_1272 {strides = array<i32>} : memref<4x4x50x128xf32, #tpu.memory_space<vmem>>, vector<1x1x1x16xf32>,
        %parallel_loop3A_1273 = arith.constant 1 : i32
        %parallel_loop3A_1274 = arith.constant 2 : i32
        %parallel_loop3A_1275 = arith.index_cast %parallel_loop3A_1273 : i32 to index
        %parallel_loop3A_1276 = arith.index_cast %parallel_loop3A_1274 : i32 to index
        %parallel_loop3A_1277 = arith.index_cast %parallel_loop3A_880 : i32 to index
        %parallel_loop3A_1278 = arith.constant 64 : index
        %parallel_loop3A_1279 = tpu.vector_load %arg7[%parallel_loop3A_1275, %parallel_loop3A_1276, %parallel_loop3A_1277, %parallel_loop3A_1278] {strides = array<i32>} : memref<4x4x50x128xf32, #tpu.memory_space<vmem>>, vector<1x1x1x16xf32>,
        %parallel_loop3A_1280 = vector.shape_cast %parallel_loop3A_1279 : vector<1x1x1x16xf32> to vector<16xf32>
        %parallel_loop3A_1281 = arith.addf %parallel_loop3A_1280, %parallel_loop3A_900 : vector<16xf32>
        %parallel_loop3A_1282 = arith.constant 1 : i32
        %parallel_loop3A_1283 = arith.constant 2 : i32
        %parallel_loop3A_1284 = arith.index_cast %parallel_loop3A_1282 : i32 to index
        %parallel_loop3A_1285 = arith.index_cast %parallel_loop3A_1283 : i32 to index
        %parallel_loop3A_1286 = arith.index_cast %parallel_loop3A_880 : i32 to index
        %parallel_loop3A_1287 = arith.constant 64 : index
        %parallel_loop3A_1288 = tpu.vector_load %arg7[%parallel_loop3A_1284, %parallel_loop3A_1285, %parallel_loop3A_1286, %parallel_loop3A_1287] {strides = array<i32>} : memref<4x4x50x128xf32, #tpu.memory_space<vmem>>, vector<1x1x1x16xf32>,
        %parallel_loop3A_1289 = vector.shape_cast %parallel_loop3A_1288 : vector<1x1x1x16xf32> to vector<16xf32>
        %parallel_loop3A_1290 = vector.shape_cast %parallel_loop3A_1281 : vector<16xf32> to vector<1x1x1x16xf32>
        tpu.vector_store %arg7[%parallel_loop3A_1284, %parallel_loop3A_1285, %parallel_loop3A_1286, %parallel_loop3A_1287], %parallel_loop3A_1290 {strides = array<i32>} : memref<4x4x50x128xf32, #tpu.memory_space<vmem>>, vector<1x1x1x16xf32>,
        %parallel_loop3A_1291 = arith.constant 1 : i32
        %parallel_loop3A_1292 = arith.constant 2 : i32
        %parallel_loop3A_1293 = arith.index_cast %parallel_loop3A_1291 : i32 to index
        %parallel_loop3A_1294 = arith.index_cast %parallel_loop3A_1292 : i32 to index
        %parallel_loop3A_1295 = arith.index_cast %parallel_loop3A_880 : i32 to index
        %parallel_loop3A_1296 = arith.constant 80 : index
        %parallel_loop3A_1297 = tpu.vector_load %arg7[%parallel_loop3A_1293, %parallel_loop3A_1294, %parallel_loop3A_1295, %parallel_loop3A_1296] {strides = array<i32>} : memref<4x4x50x128xf32, #tpu.memory_space<vmem>>, vector<1x1x1x16xf32>,
        %parallel_loop3A_1298 = vector.shape_cast %parallel_loop3A_1297 : vector<1x1x1x16xf32> to vector<16xf32>
        %parallel_loop3A_1299 = arith.addf %parallel_loop3A_1298, %parallel_loop3A_904 : vector<16xf32>
        %parallel_loop3A_1300 = arith.constant 1 : i32
        %parallel_loop3A_1301 = arith.constant 2 : i32
        %parallel_loop3A_1302 = arith.index_cast %parallel_loop3A_1300 : i32 to index
        %parallel_loop3A_1303 = arith.index_cast %parallel_loop3A_1301 : i32 to index
        %parallel_loop3A_1304 = arith.index_cast %parallel_loop3A_880 : i32 to index
        %parallel_loop3A_1305 = arith.constant 80 : index
        %parallel_loop3A_1306 = tpu.vector_load %arg7[%parallel_loop3A_1302, %parallel_loop3A_1303, %parallel_loop3A_1304, %parallel_loop3A_1305] {strides = array<i32>} : memref<4x4x50x128xf32, #tpu.memory_space<vmem>>, vector<1x1x1x16xf32>,
        %parallel_loop3A_1307 = vector.shape_cast %parallel_loop3A_1306 : vector<1x1x1x16xf32> to vector<16xf32>
        %parallel_loop3A_1308 = vector.shape_cast %parallel_loop3A_1299 : vector<16xf32> to vector<1x1x1x16xf32>
        tpu.vector_store %arg7[%parallel_loop3A_1302, %parallel_loop3A_1303, %parallel_loop3A_1304, %parallel_loop3A_1305], %parallel_loop3A_1308 {strides = array<i32>} : memref<4x4x50x128xf32, #tpu.memory_space<vmem>>, vector<1x1x1x16xf32>,
        %parallel_loop3A_1309 = arith.constant 1 : i32
        %parallel_loop3A_1310 = arith.constant 2 : i32
        %parallel_loop3A_1311 = arith.index_cast %parallel_loop3A_1309 : i32 to index
        %parallel_loop3A_1312 = arith.index_cast %parallel_loop3A_1310 : i32 to index
        %parallel_loop3A_1313 = arith.index_cast %parallel_loop3A_880 : i32 to index
        %parallel_loop3A_1314 = arith.constant 96 : index
        %parallel_loop3A_1315 = tpu.vector_load %arg7[%parallel_loop3A_1311, %parallel_loop3A_1312, %parallel_loop3A_1313, %parallel_loop3A_1314] {strides = array<i32>} : memref<4x4x50x128xf32, #tpu.memory_space<vmem>>, vector<1x1x1x16xf32>,
        %parallel_loop3A_1316 = vector.shape_cast %parallel_loop3A_1315 : vector<1x1x1x16xf32> to vector<16xf32>
        %parallel_loop3A_1317 = arith.addf %parallel_loop3A_1316, %parallel_loop3A_908 : vector<16xf32>
        %parallel_loop3A_1318 = arith.constant 1 : i32
        %parallel_loop3A_1319 = arith.constant 2 : i32
        %parallel_loop3A_1320 = arith.index_cast %parallel_loop3A_1318 : i32 to index
        %parallel_loop3A_1321 = arith.index_cast %parallel_loop3A_1319 : i32 to index
        %parallel_loop3A_1322 = arith.index_cast %parallel_loop3A_880 : i32 to index
        %parallel_loop3A_1323 = arith.constant 96 : index
        %parallel_loop3A_1324 = tpu.vector_load %arg7[%parallel_loop3A_1320, %parallel_loop3A_1321, %parallel_loop3A_1322, %parallel_loop3A_1323] {strides = array<i32>} : memref<4x4x50x128xf32, #tpu.memory_space<vmem>>, vector<1x1x1x16xf32>,
        %parallel_loop3A_1325 = vector.shape_cast %parallel_loop3A_1324 : vector<1x1x1x16xf32> to vector<16xf32>
        %parallel_loop3A_1326 = vector.shape_cast %parallel_loop3A_1317 : vector<16xf32> to vector<1x1x1x16xf32>
        tpu.vector_store %arg7[%parallel_loop3A_1320, %parallel_loop3A_1321, %parallel_loop3A_1322, %parallel_loop3A_1323], %parallel_loop3A_1326 {strides = array<i32>} : memref<4x4x50x128xf32, #tpu.memory_space<vmem>>, vector<1x1x1x16xf32>,
        %parallel_loop3A_1327 = arith.constant 1 : i32
        %parallel_loop3A_1328 = arith.constant 2 : i32
        %parallel_loop3A_1329 = arith.index_cast %parallel_loop3A_1327 : i32 to index
        %parallel_loop3A_1330 = arith.index_cast %parallel_loop3A_1328 : i32 to index
        %parallel_loop3A_1331 = arith.index_cast %parallel_loop3A_880 : i32 to index
        %parallel_loop3A_1332 = arith.constant 112 : index
        %parallel_loop3A_1333 = tpu.vector_load %arg7[%parallel_loop3A_1329, %parallel_loop3A_1330, %parallel_loop3A_1331, %parallel_loop3A_1332] {strides = array<i32>} : memref<4x4x50x128xf32, #tpu.memory_space<vmem>>, vector<1x1x1x16xf32>,
        %parallel_loop3A_1334 = vector.shape_cast %parallel_loop3A_1333 : vector<1x1x1x16xf32> to vector<16xf32>
        %parallel_loop3A_1335 = arith.addf %parallel_loop3A_1334, %parallel_loop3A_912 : vector<16xf32>
        %parallel_loop3A_1336 = arith.constant 1 : i32
        %parallel_loop3A_1337 = arith.constant 2 : i32
        %parallel_loop3A_1338 = arith.index_cast %parallel_loop3A_1336 : i32 to index
        %parallel_loop3A_1339 = arith.index_cast %parallel_loop3A_1337 : i32 to index
        %parallel_loop3A_1340 = arith.index_cast %parallel_loop3A_880 : i32 to index
        %parallel_loop3A_1341 = arith.constant 112 : index
        %parallel_loop3A_1342 = tpu.vector_load %arg7[%parallel_loop3A_1338, %parallel_loop3A_1339, %parallel_loop3A_1340, %parallel_loop3A_1341] {strides = array<i32>} : memref<4x4x50x128xf32, #tpu.memory_space<vmem>>, vector<1x1x1x16xf32>,
        %parallel_loop3A_1343 = vector.shape_cast %parallel_loop3A_1342 : vector<1x1x1x16xf32> to vector<16xf32>
        %parallel_loop3A_1344 = vector.shape_cast %parallel_loop3A_1335 : vector<16xf32> to vector<1x1x1x16xf32>
        tpu.vector_store %arg7[%parallel_loop3A_1338, %parallel_loop3A_1339, %parallel_loop3A_1340, %parallel_loop3A_1341], %parallel_loop3A_1344 {strides = array<i32>} : memref<4x4x50x128xf32, #tpu.memory_space<vmem>>, vector<1x1x1x16xf32>,
        %parallel_loop3A_1345 = arith.constant 1 : i32
        %parallel_loop3A_1346 = arith.constant 3 : i32
        %parallel_loop3A_1347 = arith.index_cast %parallel_loop3A_1345 : i32 to index
        %parallel_loop3A_1348 = arith.index_cast %parallel_loop3A_1346 : i32 to index
        %parallel_loop3A_1349 = arith.index_cast %parallel_loop3A_880 : i32 to index
        %parallel_loop3A_1350 = arith.constant 0 : index
        %parallel_loop3A_1351 = tpu.vector_load %arg7[%parallel_loop3A_1347, %parallel_loop3A_1348, %parallel_loop3A_1349, %parallel_loop3A_1350] {strides = array<i32>} : memref<4x4x50x128xf32, #tpu.memory_space<vmem>>, vector<1x1x1x16xf32>,
        %parallel_loop3A_1352 = vector.shape_cast %parallel_loop3A_1351 : vector<1x1x1x16xf32> to vector<16xf32>
        %parallel_loop3A_1353 = arith.addf %parallel_loop3A_1352, %parallel_loop3A_884 : vector<16xf32>
        %parallel_loop3A_1354 = arith.constant 1 : i32
        %parallel_loop3A_1355 = arith.constant 3 : i32
        %parallel_loop3A_1356 = arith.index_cast %parallel_loop3A_1354 : i32 to index
        %parallel_loop3A_1357 = arith.index_cast %parallel_loop3A_1355 : i32 to index
        %parallel_loop3A_1358 = arith.index_cast %parallel_loop3A_880 : i32 to index
        %parallel_loop3A_1359 = arith.constant 0 : index
        %parallel_loop3A_1360 = tpu.vector_load %arg7[%parallel_loop3A_1356, %parallel_loop3A_1357, %parallel_loop3A_1358, %parallel_loop3A_1359] {strides = array<i32>} : memref<4x4x50x128xf32, #tpu.memory_space<vmem>>, vector<1x1x1x16xf32>,
        %parallel_loop3A_1361 = vector.shape_cast %parallel_loop3A_1360 : vector<1x1x1x16xf32> to vector<16xf32>
        %parallel_loop3A_1362 = vector.shape_cast %parallel_loop3A_1353 : vector<16xf32> to vector<1x1x1x16xf32>
        tpu.vector_store %arg7[%parallel_loop3A_1356, %parallel_loop3A_1357, %parallel_loop3A_1358, %parallel_loop3A_1359], %parallel_loop3A_1362 {strides = array<i32>} : memref<4x4x50x128xf32, #tpu.memory_space<vmem>>, vector<1x1x1x16xf32>,
        %parallel_loop3A_1363 = arith.constant 1 : i32
        %parallel_loop3A_1364 = arith.constant 3 : i32
        %parallel_loop3A_1365 = arith.index_cast %parallel_loop3A_1363 : i32 to index
        %parallel_loop3A_1366 = arith.index_cast %parallel_loop3A_1364 : i32 to index
        %parallel_loop3A_1367 = arith.index_cast %parallel_loop3A_880 : i32 to index
        %parallel_loop3A_1368 = arith.constant 16 : index
        %parallel_loop3A_1369 = tpu.vector_load %arg7[%parallel_loop3A_1365, %parallel_loop3A_1366, %parallel_loop3A_1367, %parallel_loop3A_1368] {strides = array<i32>} : memref<4x4x50x128xf32, #tpu.memory_space<vmem>>, vector<1x1x1x16xf32>,
        %parallel_loop3A_1370 = vector.shape_cast %parallel_loop3A_1369 : vector<1x1x1x16xf32> to vector<16xf32>
        %parallel_loop3A_1371 = arith.addf %parallel_loop3A_1370, %parallel_loop3A_888 : vector<16xf32>
        %parallel_loop3A_1372 = arith.constant 1 : i32
        %parallel_loop3A_1373 = arith.constant 3 : i32
        %parallel_loop3A_1374 = arith.index_cast %parallel_loop3A_1372 : i32 to index
        %parallel_loop3A_1375 = arith.index_cast %parallel_loop3A_1373 : i32 to index
        %parallel_loop3A_1376 = arith.index_cast %parallel_loop3A_880 : i32 to index
        %parallel_loop3A_1377 = arith.constant 16 : index
        %parallel_loop3A_1378 = tpu.vector_load %arg7[%parallel_loop3A_1374, %parallel_loop3A_1375, %parallel_loop3A_1376, %parallel_loop3A_1377] {strides = array<i32>} : memref<4x4x50x128xf32, #tpu.memory_space<vmem>>, vector<1x1x1x16xf32>,
        %parallel_loop3A_1379 = vector.shape_cast %parallel_loop3A_1378 : vector<1x1x1x16xf32> to vector<16xf32>
        %parallel_loop3A_1380 = vector.shape_cast %parallel_loop3A_1371 : vector<16xf32> to vector<1x1x1x16xf32>
        tpu.vector_store %arg7[%parallel_loop3A_1374, %parallel_loop3A_1375, %parallel_loop3A_1376, %parallel_loop3A_1377], %parallel_loop3A_1380 {strides = array<i32>} : memref<4x4x50x128xf32, #tpu.memory_space<vmem>>, vector<1x1x1x16xf32>,
        %parallel_loop3A_1381 = arith.constant 1 : i32
        %parallel_loop3A_1382 = arith.constant 3 : i32
        %parallel_loop3A_1383 = arith.index_cast %parallel_loop3A_1381 : i32 to index
        %parallel_loop3A_1384 = arith.index_cast %parallel_loop3A_1382 : i32 to index
        %parallel_loop3A_1385 = arith.index_cast %parallel_loop3A_880 : i32 to index
        %parallel_loop3A_1386 = arith.constant 32 : index
        %parallel_loop3A_1387 = tpu.vector_load %arg7[%parallel_loop3A_1383, %parallel_loop3A_1384, %parallel_loop3A_1385, %parallel_loop3A_1386] {strides = array<i32>} : memref<4x4x50x128xf32, #tpu.memory_space<vmem>>, vector<1x1x1x16xf32>,
        %parallel_loop3A_1388 = vector.shape_cast %parallel_loop3A_1387 : vector<1x1x1x16xf32> to vector<16xf32>
        %parallel_loop3A_1389 = arith.addf %parallel_loop3A_1388, %parallel_loop3A_892 : vector<16xf32>
        %parallel_loop3A_1390 = arith.constant 1 : i32
        %parallel_loop3A_1391 = arith.constant 3 : i32
        %parallel_loop3A_1392 = arith.index_cast %parallel_loop3A_1390 : i32 to index
        %parallel_loop3A_1393 = arith.index_cast %parallel_loop3A_1391 : i32 to index
        %parallel_loop3A_1394 = arith.index_cast %parallel_loop3A_880 : i32 to index
        %parallel_loop3A_1395 = arith.constant 32 : index
        %parallel_loop3A_1396 = tpu.vector_load %arg7[%parallel_loop3A_1392, %parallel_loop3A_1393, %parallel_loop3A_1394, %parallel_loop3A_1395] {strides = array<i32>} : memref<4x4x50x128xf32, #tpu.memory_space<vmem>>, vector<1x1x1x16xf32>,
        %parallel_loop3A_1397 = vector.shape_cast %parallel_loop3A_1396 : vector<1x1x1x16xf32> to vector<16xf32>
        %parallel_loop3A_1398 = vector.shape_cast %parallel_loop3A_1389 : vector<16xf32> to vector<1x1x1x16xf32>
        tpu.vector_store %arg7[%parallel_loop3A_1392, %parallel_loop3A_1393, %parallel_loop3A_1394, %parallel_loop3A_1395], %parallel_loop3A_1398 {strides = array<i32>} : memref<4x4x50x128xf32, #tpu.memory_space<vmem>>, vector<1x1x1x16xf32>,
        %parallel_loop3A_1399 = arith.constant 1 : i32
        %parallel_loop3A_1400 = arith.constant 3 : i32
        %parallel_loop3A_1401 = arith.index_cast %parallel_loop3A_1399 : i32 to index
        %parallel_loop3A_1402 = arith.index_cast %parallel_loop3A_1400 : i32 to index
        %parallel_loop3A_1403 = arith.index_cast %parallel_loop3A_880 : i32 to index
        %parallel_loop3A_1404 = arith.constant 48 : index
        %parallel_loop3A_1405 = tpu.vector_load %arg7[%parallel_loop3A_1401, %parallel_loop3A_1402, %parallel_loop3A_1403, %parallel_loop3A_1404] {strides = array<i32>} : memref<4x4x50x128xf32, #tpu.memory_space<vmem>>, vector<1x1x1x16xf32>,
        %parallel_loop3A_1406 = vector.shape_cast %parallel_loop3A_1405 : vector<1x1x1x16xf32> to vector<16xf32>
        %parallel_loop3A_1407 = arith.addf %parallel_loop3A_1406, %parallel_loop3A_896 : vector<16xf32>
        %parallel_loop3A_1408 = arith.constant 1 : i32
        %parallel_loop3A_1409 = arith.constant 3 : i32
        %parallel_loop3A_1410 = arith.index_cast %parallel_loop3A_1408 : i32 to index
        %parallel_loop3A_1411 = arith.index_cast %parallel_loop3A_1409 : i32 to index
        %parallel_loop3A_1412 = arith.index_cast %parallel_loop3A_880 : i32 to index
        %parallel_loop3A_1413 = arith.constant 48 : index
        %parallel_loop3A_1414 = tpu.vector_load %arg7[%parallel_loop3A_1410, %parallel_loop3A_1411, %parallel_loop3A_1412, %parallel_loop3A_1413] {strides = array<i32>} : memref<4x4x50x128xf32, #tpu.memory_space<vmem>>, vector<1x1x1x16xf32>,
        %parallel_loop3A_1415 = vector.shape_cast %parallel_loop3A_1414 : vector<1x1x1x16xf32> to vector<16xf32>
        %parallel_loop3A_1416 = vector.shape_cast %parallel_loop3A_1407 : vector<16xf32> to vector<1x1x1x16xf32>
        tpu.vector_store %arg7[%parallel_loop3A_1410, %parallel_loop3A_1411, %parallel_loop3A_1412, %parallel_loop3A_1413], %parallel_loop3A_1416 {strides = array<i32>} : memref<4x4x50x128xf32, #tpu.memory_space<vmem>>, vector<1x1x1x16xf32>,
        %parallel_loop3A_1417 = arith.constant 1 : i32
        %parallel_loop3A_1418 = arith.constant 3 : i32
        %parallel_loop3A_1419 = arith.index_cast %parallel_loop3A_1417 : i32 to index
        %parallel_loop3A_1420 = arith.index_cast %parallel_loop3A_1418 : i32 to index
        %parallel_loop3A_1421 = arith.index_cast %parallel_loop3A_880 : i32 to index
        %parallel_loop3A_1422 = arith.constant 64 : index
        %parallel_loop3A_1423 = tpu.vector_load %arg7[%parallel_loop3A_1419, %parallel_loop3A_1420, %parallel_loop3A_1421, %parallel_loop3A_1422] {strides = array<i32>} : memref<4x4x50x128xf32, #tpu.memory_space<vmem>>, vector<1x1x1x16xf32>,
        %parallel_loop3A_1424 = vector.shape_cast %parallel_loop3A_1423 : vector<1x1x1x16xf32> to vector<16xf32>
        %parallel_loop3A_1425 = arith.addf %parallel_loop3A_1424, %parallel_loop3A_900 : vector<16xf32>
        %parallel_loop3A_1426 = arith.constant 1 : i32
        %parallel_loop3A_1427 = arith.constant 3 : i32
        %parallel_loop3A_1428 = arith.index_cast %parallel_loop3A_1426 : i32 to index
        %parallel_loop3A_1429 = arith.index_cast %parallel_loop3A_1427 : i32 to index
        %parallel_loop3A_1430 = arith.index_cast %parallel_loop3A_880 : i32 to index
        %parallel_loop3A_1431 = arith.constant 64 : index
        %parallel_loop3A_1432 = tpu.vector_load %arg7[%parallel_loop3A_1428, %parallel_loop3A_1429, %parallel_loop3A_1430, %parallel_loop3A_1431] {strides = array<i32>} : memref<4x4x50x128xf32, #tpu.memory_space<vmem>>, vector<1x1x1x16xf32>,
        %parallel_loop3A_1433 = vector.shape_cast %parallel_loop3A_1432 : vector<1x1x1x16xf32> to vector<16xf32>
        %parallel_loop3A_1434 = vector.shape_cast %parallel_loop3A_1425 : vector<16xf32> to vector<1x1x1x16xf32>
        tpu.vector_store %arg7[%parallel_loop3A_1428, %parallel_loop3A_1429, %parallel_loop3A_1430, %parallel_loop3A_1431], %parallel_loop3A_1434 {strides = array<i32>} : memref<4x4x50x128xf32, #tpu.memory_space<vmem>>, vector<1x1x1x16xf32>,
        %parallel_loop3A_1435 = arith.constant 1 : i32
        %parallel_loop3A_1436 = arith.constant 3 : i32
        %parallel_loop3A_1437 = arith.index_cast %parallel_loop3A_1435 : i32 to index
        %parallel_loop3A_1438 = arith.index_cast %parallel_loop3A_1436 : i32 to index
        %parallel_loop3A_1439 = arith.index_cast %parallel_loop3A_880 : i32 to index
        %parallel_loop3A_1440 = arith.constant 80 : index
        %parallel_loop3A_1441 = tpu.vector_load %arg7[%parallel_loop3A_1437, %parallel_loop3A_1438, %parallel_loop3A_1439, %parallel_loop3A_1440] {strides = array<i32>} : memref<4x4x50x128xf32, #tpu.memory_space<vmem>>, vector<1x1x1x16xf32>,
        %parallel_loop3A_1442 = vector.shape_cast %parallel_loop3A_1441 : vector<1x1x1x16xf32> to vector<16xf32>
        %parallel_loop3A_1443 = arith.addf %parallel_loop3A_1442, %parallel_loop3A_904 : vector<16xf32>
        %parallel_loop3A_1444 = arith.constant 1 : i32
        %parallel_loop3A_1445 = arith.constant 3 : i32
        %parallel_loop3A_1446 = arith.index_cast %parallel_loop3A_1444 : i32 to index
        %parallel_loop3A_1447 = arith.index_cast %parallel_loop3A_1445 : i32 to index
        %parallel_loop3A_1448 = arith.index_cast %parallel_loop3A_880 : i32 to index
        %parallel_loop3A_1449 = arith.constant 80 : index
        %parallel_loop3A_1450 = tpu.vector_load %arg7[%parallel_loop3A_1446, %parallel_loop3A_1447, %parallel_loop3A_1448, %parallel_loop3A_1449] {strides = array<i32>} : memref<4x4x50x128xf32, #tpu.memory_space<vmem>>, vector<1x1x1x16xf32>,
        %parallel_loop3A_1451 = vector.shape_cast %parallel_loop3A_1450 : vector<1x1x1x16xf32> to vector<16xf32>
        %parallel_loop3A_1452 = vector.shape_cast %parallel_loop3A_1443 : vector<16xf32> to vector<1x1x1x16xf32>
        tpu.vector_store %arg7[%parallel_loop3A_1446, %parallel_loop3A_1447, %parallel_loop3A_1448, %parallel_loop3A_1449], %parallel_loop3A_1452 {strides = array<i32>} : memref<4x4x50x128xf32, #tpu.memory_space<vmem>>, vector<1x1x1x16xf32>,
        %parallel_loop3A_1453 = arith.constant 1 : i32
        %parallel_loop3A_1454 = arith.constant 3 : i32
        %parallel_loop3A_1455 = arith.index_cast %parallel_loop3A_1453 : i32 to index
        %parallel_loop3A_1456 = arith.index_cast %parallel_loop3A_1454 : i32 to index
        %parallel_loop3A_1457 = arith.index_cast %parallel_loop3A_880 : i32 to index
        %parallel_loop3A_1458 = arith.constant 96 : index
        %parallel_loop3A_1459 = tpu.vector_load %arg7[%parallel_loop3A_1455, %parallel_loop3A_1456, %parallel_loop3A_1457, %parallel_loop3A_1458] {strides = array<i32>} : memref<4x4x50x128xf32, #tpu.memory_space<vmem>>, vector<1x1x1x16xf32>,
        %parallel_loop3A_1460 = vector.shape_cast %parallel_loop3A_1459 : vector<1x1x1x16xf32> to vector<16xf32>
        %parallel_loop3A_1461 = arith.addf %parallel_loop3A_1460, %parallel_loop3A_908 : vector<16xf32>
        %parallel_loop3A_1462 = arith.constant 1 : i32
        %parallel_loop3A_1463 = arith.constant 3 : i32
        %parallel_loop3A_1464 = arith.index_cast %parallel_loop3A_1462 : i32 to index
        %parallel_loop3A_1465 = arith.index_cast %parallel_loop3A_1463 : i32 to index
        %parallel_loop3A_1466 = arith.index_cast %parallel_loop3A_880 : i32 to index
        %parallel_loop3A_1467 = arith.constant 96 : index
        %parallel_loop3A_1468 = tpu.vector_load %arg7[%parallel_loop3A_1464, %parallel_loop3A_1465, %parallel_loop3A_1466, %parallel_loop3A_1467] {strides = array<i32>} : memref<4x4x50x128xf32, #tpu.memory_space<vmem>>, vector<1x1x1x16xf32>,
        %parallel_loop3A_1469 = vector.shape_cast %parallel_loop3A_1468 : vector<1x1x1x16xf32> to vector<16xf32>
        %parallel_loop3A_1470 = vector.shape_cast %parallel_loop3A_1461 : vector<16xf32> to vector<1x1x1x16xf32>
        tpu.vector_store %arg7[%parallel_loop3A_1464, %parallel_loop3A_1465, %parallel_loop3A_1466, %parallel_loop3A_1467], %parallel_loop3A_1470 {strides = array<i32>} : memref<4x4x50x128xf32, #tpu.memory_space<vmem>>, vector<1x1x1x16xf32>,
        %parallel_loop3A_1471 = arith.constant 1 : i32
        %parallel_loop3A_1472 = arith.constant 3 : i32
        %parallel_loop3A_1473 = arith.index_cast %parallel_loop3A_1471 : i32 to index
        %parallel_loop3A_1474 = arith.index_cast %parallel_loop3A_1472 : i32 to index
        %parallel_loop3A_1475 = arith.index_cast %parallel_loop3A_880 : i32 to index
        %parallel_loop3A_1476 = arith.constant 112 : index
        %parallel_loop3A_1477 = tpu.vector_load %arg7[%parallel_loop3A_1473, %parallel_loop3A_1474, %parallel_loop3A_1475, %parallel_loop3A_1476] {strides = array<i32>} : memref<4x4x50x128xf32, #tpu.memory_space<vmem>>, vector<1x1x1x16xf32>,
        %parallel_loop3A_1478 = vector.shape_cast %parallel_loop3A_1477 : vector<1x1x1x16xf32> to vector<16xf32>
        %parallel_loop3A_1479 = arith.addf %parallel_loop3A_1478, %parallel_loop3A_912 : vector<16xf32>
        %parallel_loop3A_1480 = arith.constant 1 : i32
        %parallel_loop3A_1481 = arith.constant 3 : i32
        %parallel_loop3A_1482 = arith.index_cast %parallel_loop3A_1480 : i32 to index
        %parallel_loop3A_1483 = arith.index_cast %parallel_loop3A_1481 : i32 to index
        %parallel_loop3A_1484 = arith.index_cast %parallel_loop3A_880 : i32 to index
        %parallel_loop3A_1485 = arith.constant 112 : index
        %parallel_loop3A_1486 = tpu.vector_load %arg7[%parallel_loop3A_1482, %parallel_loop3A_1483, %parallel_loop3A_1484, %parallel_loop3A_1485] {strides = array<i32>} : memref<4x4x50x128xf32, #tpu.memory_space<vmem>>, vector<1x1x1x16xf32>,
        %parallel_loop3A_1487 = vector.shape_cast %parallel_loop3A_1486 : vector<1x1x1x16xf32> to vector<16xf32>
        %parallel_loop3A_1488 = vector.shape_cast %parallel_loop3A_1479 : vector<16xf32> to vector<1x1x1x16xf32>
        tpu.vector_store %arg7[%parallel_loop3A_1482, %parallel_loop3A_1483, %parallel_loop3A_1484, %parallel_loop3A_1485], %parallel_loop3A_1488 {strides = array<i32>} : memref<4x4x50x128xf32, #tpu.memory_space<vmem>>, vector<1x1x1x16xf32>,
      } {sc.loop_unroll_factor = 2 : i64, sc.parallel_access}
      %dma_start3A_598 = arith.constant 1 : i32
      %dma_start3A_599 = arith.constant 0 : i32
      %dma_start3A_600 = arith.constant 0 : i32
      %dma_start3A_601 = arith.constant 0 : i32
      %dma_start3A_602 = tpu.memref_slice %arg7[%dma_start3A_598, %dma_start3A_599, %dma_start3A_600, %dma_start3A_601] : memref<4x4x50x128xf32, #tpu.memory_space<vmem>> -> memref<1x4x50x128xf32, #tpu.memory_space<vmem>>
      %dma_start3A_603 = tpu.memref_squeeze %dma_start3A_602 : memref<1x4x50x128xf32, #tpu.memory_space<vmem>> -> memref<4x50x128xf32, #tpu.memory_space<vmem>>
      %dma_start3A_604 = arith.constant 0 : i32
      %dma_start3A_605 = arith.constant 0 : i32
      %dma_start3A_606 = tpu.memref_slice %arg5[%mul3A_502, %dma_start3A_604, %dma_start3A_605] : memref<4096x50x128xf32, #tpu.memory_space<hbm>> -> memref<4x50x128xf32, #tpu.memory_space<hbm>>
      %dma_start3A_607 = arith.constant 0 : i32
      %dma_start3A_608 = arith.constant 0 : i32
      %dma_start3A_609 = tpu.memref_slice %arg5[%mul3A_502, %dma_start3A_607, %dma_start3A_608] : memref<4096x50x128xf32, #tpu.memory_space<hbm>> -> memref<4x50x128xf32, #tpu.memory_space<hbm>>
      %dma_start3A_610 = arith.constant 0 : i32
      %dma_start3A_611 = arith.constant 0 : i32
      %dma_start3A_612 = arith.constant 0 : i32
      %dma_start3A_613 = tpu.memref_slice %arg7[%dma_start3A_598, %dma_start3A_610, %dma_start3A_611, %dma_start3A_612] : memref<4x4x50x128xf32, #tpu.memory_space<vmem>> -> memref<1x4x50x128xf32, #tpu.memory_space<vmem>>
      %dma_start3A_614 = tpu.memref_squeeze %dma_start3A_613 : memref<1x4x50x128xf32, #tpu.memory_space<vmem>> -> memref<4x50x128xf32, #tpu.memory_space<vmem>>
      tpu.enqueue_dma source(%dma_start3A_614 : memref<4x50x128xf32, #tpu.memory_space<vmem>>) target(%dma_start3A_609 : memref<4x50x128xf32, #tpu.memory_space<hbm>>) target_semaphore(%arg14 : memref<!tpu.dma_semaphore, #tpu.memory_space<semaphore_mem>>)
      %add3A_615 = arith.constant 4 : i32
      %add3A_616 = arith.addi %add3A_499, %add3A_615 : i32
      %sub3A_617 = arith.constant 1 : i32
      %sub3A_618 = arith.subi %add3A_616, %sub3A_617 : i32
      %lt3A_619 = arith.constant 32 : i32
      %lt3A_620 = arith.cmpi slt, %sub3A_618, %lt3A_619 : i32
      %convert_element_type3A_621 = arith.extui %lt3A_620 : i1 to i32
      %cond3A_622 = arith.constant 0 : i32
      %cond3A_623 = arith.cmpi ne, %convert_element_type3A_621, %cond3A_622 : i32
      scf.if %cond3A_623 {
        %ge3A = arith.constant 1 : i32
        %ge3A_880 = arith.cmpi sge, %add3A_499, %ge3A : i32
        %convert_element_type3A_881 = arith.extui %ge3A_880 : i1 to i32
        %cond3A_882 = arith.constant 0 : i32
        %cond3A_883 = arith.cmpi ne, %convert_element_type3A_881, %cond3A_882 : i32
        scf.if %cond3A_883 {
          %dma_wait3A_980 = arith.constant 0 : i32
          %dma_wait3A_981 = arith.constant 0 : i32
          %dma_wait3A_982 = arith.constant 0 : i32
          %dma_wait3A_983 = arith.constant 0 : i32
          %dma_wait3A_984 = tpu.memref_slice %arg7[%dma_wait3A_980, %dma_wait3A_981, %dma_wait3A_982, %dma_wait3A_983] : memref<4x4x50x128xf32, #tpu.memory_space<vmem>> -> memref<1x4x50x128xf32, #tpu.memory_space<vmem>>
          %dma_wait3A_985 = tpu.memref_squeeze %dma_wait3A_984 : memref<1x4x50x128xf32, #tpu.memory_space<vmem>> -> memref<4x50x128xf32, #tpu.memory_space<vmem>>
          %dma_wait3A_986 = arith.constant 0 : i32
          %dma_wait3A_987 = arith.constant 0 : i32
          %dma_wait3A_988 = arith.constant 0 : i32
          %dma_wait3A_989 = tpu.memref_slice %arg5[%dma_wait3A_986, %dma_wait3A_987, %dma_wait3A_988] : memref<4096x50x128xf32, #tpu.memory_space<hbm>> -> memref<4x50x128xf32, #tpu.memory_space<hbm>>
          %dma_wait3A_990 = arith.constant 0 : i32
          %dma_wait3A_991 = arith.constant 0 : i32
          %dma_wait3A_992 = arith.constant 0 : i32
          %dma_wait3A_993 = tpu.memref_slice %arg5[%dma_wait3A_990, %dma_wait3A_991, %dma_wait3A_992] : memref<4096x50x128xf32, #tpu.memory_space<hbm>> -> memref<4x50x128xf32, #tpu.memory_space<hbm>>
          %dma_wait3A_994 = arith.constant 0 : i32
          %dma_wait3A_995 = arith.constant 0 : i32
          %dma_wait3A_996 = arith.constant 0 : i32
          %dma_wait3A_997 = tpu.memref_slice %arg7[%dma_wait3A_980, %dma_wait3A_994, %dma_wait3A_995, %dma_wait3A_996] : memref<4x4x50x128xf32, #tpu.memory_space<vmem>> -> memref<1x4x50x128xf32, #tpu.memory_space<vmem>>
          %dma_wait3A_998 = tpu.memref_squeeze %dma_wait3A_997 : memref<1x4x50x128xf32, #tpu.memory_space<vmem>> -> memref<4x50x128xf32, #tpu.memory_space<vmem>>
          tpu.wait_dma2 semaphore(%arg13 : memref<!tpu.dma_semaphore, #tpu.memory_space<semaphore_mem>>) src(%dma_wait3A_998 : memref<4x50x128xf32, #tpu.memory_space<vmem>>) dst(%dma_wait3A_993 : memref<4x50x128xf32, #tpu.memory_space<hbm>>)
        } else {
        }
        %add3A_884 = arith.addi %mul3A_2, %sub3A_618 : i32
        %mul3A_885 = arith.constant 4 : i32
        %mul3A_886 = arith.muli %add3A_884, %mul3A_885 : i32
        %run_scoped3A_887 = arith.constant 0 : i32
        "tpu.region"() ({
          %run_scoped3A_980 = tpu.sem_alloc : memref<!tpu.dma_semaphore, #tpu.memory_space<semaphore_mem>>
          %dma_start3A_981 = arith.constant 0 : i32
          %dma_start3A_982 = arith.constant 0 : i32
          %dma_start3A_983 = tpu.memref_slice %arg6[%run_scoped3A_887, %dma_start3A_981, %dma_start3A_982] : memref<4x4x50xi32, #tpu.memory_space<vmem>> -> memref<1x4x50xi32, #tpu.memory_space<vmem>>
          %dma_start3A_984 = tpu.memref_squeeze %dma_start3A_983 : memref<1x4x50xi32, #tpu.memory_space<vmem>> -> memref<4x50xi32, #tpu.memory_space<vmem>>
          %dma_start3A_985 = arith.constant 0 : i32
          %dma_start3A_986 = tpu.memref_slice %arg2[%mul3A_886, %dma_start3A_985] : memref<4096x50xi32, #tpu.memory_space<hbm>> -> memref<4x50xi32, #tpu.memory_space<hbm>>
          %dma_start3A_987 = arith.constant 0 : i32
          %dma_start3A_988 = arith.constant 0 : i32
          %dma_start3A_989 = tpu.memref_slice %arg6[%run_scoped3A_887, %dma_start3A_987, %dma_start3A_988] : memref<4x4x50xi32, #tpu.memory_space<vmem>> -> memref<1x4x50xi32, #tpu.memory_space<vmem>>
          %dma_start3A_990 = tpu.memref_squeeze %dma_start3A_989 : memref<1x4x50xi32, #tpu.memory_space<vmem>> -> memref<4x50xi32, #tpu.memory_space<vmem>>
          %dma_start3A_991 = arith.constant 0 : i32
          %dma_start3A_992 = tpu.memref_slice %arg2[%mul3A_886, %dma_start3A_991] : memref<4096x50xi32, #tpu.memory_space<hbm>> -> memref<4x50xi32, #tpu.memory_space<hbm>>
          tpu.enqueue_dma source(%dma_start3A_992 : memref<4x50xi32, #tpu.memory_space<hbm>>) target(%dma_start3A_990 : memref<4x50xi32, #tpu.memory_space<vmem>>) target_semaphore(%run_scoped3A_980 : memref<!tpu.dma_semaphore, #tpu.memory_space<semaphore_mem>>)
          %dma_wait3A_993 = arith.constant 0 : i32
          %dma_wait3A_994 = arith.constant 0 : i32
          %dma_wait3A_995 = tpu.memref_slice %arg6[%run_scoped3A_887, %dma_wait3A_993, %dma_wait3A_994] : memref<4x4x50xi32, #tpu.memory_space<vmem>> -> memref<1x4x50xi32, #tpu.memory_space<vmem>>
          %dma_wait3A_996 = tpu.memref_squeeze %dma_wait3A_995 : memref<1x4x50xi32, #tpu.memory_space<vmem>> -> memref<4x50xi32, #tpu.memory_space<vmem>>
          %dma_wait3A_997 = arith.constant 0 : i32
          %dma_wait3A_998 = tpu.memref_slice %arg2[%mul3A_886, %dma_wait3A_997] : memref<4096x50xi32, #tpu.memory_space<hbm>> -> memref<4x50xi32, #tpu.memory_space<hbm>>
          %dma_wait3A_999 = arith.constant 0 : i32
          %dma_wait3A_1000 = arith.constant 0 : i32
          %dma_wait3A_1001 = tpu.memref_slice %arg6[%run_scoped3A_887, %dma_wait3A_999, %dma_wait3A_1000] : memref<4x4x50xi32, #tpu.memory_space<vmem>> -> memref<1x4x50xi32, #tpu.memory_space<vmem>>
          %dma_wait3A_1002 = tpu.memref_squeeze %dma_wait3A_1001 : memref<1x4x50xi32, #tpu.memory_space<vmem>> -> memref<4x50xi32, #tpu.memory_space<vmem>>
          %dma_wait3A_1003 = arith.constant 0 : i32
          %dma_wait3A_1004 = tpu.memref_slice %arg2[%mul3A_886, %dma_wait3A_1003] : memref<4096x50xi32, #tpu.memory_space<hbm>> -> memref<4x50xi32, #tpu.memory_space<hbm>>
          tpu.wait_dma2 semaphore(%run_scoped3A_980 : memref<!tpu.dma_semaphore, #tpu.memory_space<semaphore_mem>>) src(%dma_wait3A_1004 : memref<4x50xi32, #tpu.memory_space<hbm>>) dst(%dma_wait3A_1002 : memref<4x50xi32, #tpu.memory_space<vmem>>)
          tpu.yield
        }) : () -> ()
        %dma_start3A_888 = arith.constant 0 : i32
        %dma_start3A_889 = arith.constant 0 : i32
        %dma_start3A_890 = arith.constant 0 : i32
        %dma_start3A_891 = arith.constant 0 : i32
        %dma_start3A_892 = arith.constant 0 : i32
        %dma_start3A_893 = arith.constant 0 : i32
        %dma_start3A_894 = arith.constant 0 : i32
        %dma_start3A_895 = tpu.memref_slice %arg7[%dma_start3A_890, %dma_start3A_892, %dma_start3A_893, %dma_start3A_894] : memref<4x4x50x128xf32, #tpu.memory_space<vmem>> -> memref<1x4x50x128xf32, #tpu.memory_space<vmem>>
        %dma_start3A_896 = tpu.memref_squeeze %dma_start3A_895 : memref<1x4x50x128xf32, #tpu.memory_space<vmem>> -> memref<4x50x128xf32, #tpu.memory_space<vmem>>
        %dma_start3A_897 = arith.constant 0 : i32
        %dma_start3A_898 = arith.constant 0 : i32
        %dma_start3A_899 = tpu.memref_slice %dma_start3A_896[%dma_start3A_891, %dma_start3A_897, %dma_start3A_898] : memref<4x50x128xf32, #tpu.memory_space<vmem>> -> memref<1x50x128xf32, #tpu.memory_space<vmem>>
        %dma_start3A_900 = tpu.memref_squeeze %dma_start3A_899 : memref<1x50x128xf32, #tpu.memory_space<vmem>> -> memref<50x128xf32, #tpu.memory_space<vmem>>
        %dma_start3A_901 = arith.constant 0 : i32
        %dma_start3A_902 = arith.constant 0 : i32
        %dma_start3A_903 = tpu.memref_slice %arg6[%dma_start3A_888, %dma_start3A_901, %dma_start3A_902] : memref<4x4x50xi32, #tpu.memory_space<vmem>> -> memref<1x4x50xi32, #tpu.memory_space<vmem>>
        %dma_start3A_904 = tpu.memref_squeeze %dma_start3A_903 : memref<1x4x50xi32, #tpu.memory_space<vmem>> -> memref<4x50xi32, #tpu.memory_space<vmem>>
        %dma_start3A_905 = arith.constant 0 : i32
        %dma_start3A_906 = tpu.memref_slice %dma_start3A_904[%dma_start3A_889, %dma_start3A_905] : memref<4x50xi32, #tpu.memory_space<vmem>> -> memref<1x50xi32, #tpu.memory_space<vmem>>
        %dma_start3A_907 = tpu.memref_squeeze %dma_start3A_906 : memref<1x50xi32, #tpu.memory_space<vmem>> -> memref<50xi32, #tpu.memory_space<vmem>>
        %dma_start3A_908 = arith.constant 0 : i32
        %dma_start3A_909 = arith.constant 0 : i32
        %dma_start3A_910 = tpu.memref_slice %arg3[%dma_start3A_908, %dma_start3A_909] : memref<52000x128xf32, #tpu.memory_space<hbm>> -> memref<52000x128xf32, #tpu.memory_space<hbm>>
        tpu.enqueue_indirect_dma source(%dma_start3A_910 : memref<52000x128xf32, #tpu.memory_space<hbm>>) target(%dma_start3A_900 : memref<50x128xf32, #tpu.memory_space<vmem>>) offsets(%dma_start3A_907 : memref<50xi32, #tpu.memory_space<vmem>>) semaphore(%arg9 : memref<!tpu.dma_semaphore, #tpu.memory_space<semaphore_mem>>)
        %dma_start3A_911 = arith.constant 0 : i32
        %dma_start3A_912 = arith.constant 1 : i32
        %dma_start3A_913 = arith.constant 0 : i32
        %dma_start3A_914 = arith.constant 1 : i32
        %dma_start3A_915 = arith.constant 0 : i32
        %dma_start3A_916 = arith.constant 0 : i32
        %dma_start3A_917 = arith.constant 0 : i32
        %dma_start3A_918 = tpu.memref_slice %arg7[%dma_start3A_913, %dma_start3A_915, %dma_start3A_916, %dma_start3A_917] : memref<4x4x50x128xf32, #tpu.memory_space<vmem>> -> memref<1x4x50x128xf32, #tpu.memory_space<vmem>>
        %dma_start3A_919 = tpu.memref_squeeze %dma_start3A_918 : memref<1x4x50x128xf32, #tpu.memory_space<vmem>> -> memref<4x50x128xf32, #tpu.memory_space<vmem>>
        %dma_start3A_920 = arith.constant 0 : i32
        %dma_start3A_921 = arith.constant 0 : i32
        %dma_start3A_922 = tpu.memref_slice %dma_start3A_919[%dma_start3A_914, %dma_start3A_920, %dma_start3A_921] : memref<4x50x128xf32, #tpu.memory_space<vmem>> -> memref<1x50x128xf32, #tpu.memory_space<vmem>>
        %dma_start3A_923 = tpu.memref_squeeze %dma_start3A_922 : memref<1x50x128xf32, #tpu.memory_space<vmem>> -> memref<50x128xf32, #tpu.memory_space<vmem>>
        %dma_start3A_924 = arith.constant 0 : i32
        %dma_start3A_925 = arith.constant 0 : i32
        %dma_start3A_926 = tpu.memref_slice %arg6[%dma_start3A_911, %dma_start3A_924, %dma_start3A_925] : memref<4x4x50xi32, #tpu.memory_space<vmem>> -> memref<1x4x50xi32, #tpu.memory_space<vmem>>
        %dma_start3A_927 = tpu.memref_squeeze %dma_start3A_926 : memref<1x4x50xi32, #tpu.memory_space<vmem>> -> memref<4x50xi32, #tpu.memory_space<vmem>>
        %dma_start3A_928 = arith.constant 0 : i32
        %dma_start3A_929 = tpu.memref_slice %dma_start3A_927[%dma_start3A_912, %dma_start3A_928] : memref<4x50xi32, #tpu.memory_space<vmem>> -> memref<1x50xi32, #tpu.memory_space<vmem>>
        %dma_start3A_930 = tpu.memref_squeeze %dma_start3A_929 : memref<1x50xi32, #tpu.memory_space<vmem>> -> memref<50xi32, #tpu.memory_space<vmem>>
        %dma_start3A_931 = arith.constant 0 : i32
        %dma_start3A_932 = arith.constant 0 : i32
        %dma_start3A_933 = tpu.memref_slice %arg3[%dma_start3A_931, %dma_start3A_932] : memref<52000x128xf32, #tpu.memory_space<hbm>> -> memref<52000x128xf32, #tpu.memory_space<hbm>>
        tpu.enqueue_indirect_dma source(%dma_start3A_933 : memref<52000x128xf32, #tpu.memory_space<hbm>>) target(%dma_start3A_923 : memref<50x128xf32, #tpu.memory_space<vmem>>) offsets(%dma_start3A_930 : memref<50xi32, #tpu.memory_space<vmem>>) semaphore(%arg9 : memref<!tpu.dma_semaphore, #tpu.memory_space<semaphore_mem>>)
        %dma_start3A_934 = arith.constant 0 : i32
        %dma_start3A_935 = arith.constant 2 : i32
        %dma_start3A_936 = arith.constant 0 : i32
        %dma_start3A_937 = arith.constant 2 : i32
        %dma_start3A_938 = arith.constant 0 : i32
        %dma_start3A_939 = arith.constant 0 : i32
        %dma_start3A_940 = arith.constant 0 : i32
        %dma_start3A_941 = tpu.memref_slice %arg7[%dma_start3A_936, %dma_start3A_938, %dma_start3A_939, %dma_start3A_940] : memref<4x4x50x128xf32, #tpu.memory_space<vmem>> -> memref<1x4x50x128xf32, #tpu.memory_space<vmem>>
        %dma_start3A_942 = tpu.memref_squeeze %dma_start3A_941 : memref<1x4x50x128xf32, #tpu.memory_space<vmem>> -> memref<4x50x128xf32, #tpu.memory_space<vmem>>
        %dma_start3A_943 = arith.constant 0 : i32
        %dma_start3A_944 = arith.constant 0 : i32
        %dma_start3A_945 = tpu.memref_slice %dma_start3A_942[%dma_start3A_937, %dma_start3A_943, %dma_start3A_944] : memref<4x50x128xf32, #tpu.memory_space<vmem>> -> memref<1x50x128xf32, #tpu.memory_space<vmem>>
        %dma_start3A_946 = tpu.memref_squeeze %dma_start3A_945 : memref<1x50x128xf32, #tpu.memory_space<vmem>> -> memref<50x128xf32, #tpu.memory_space<vmem>>
        %dma_start3A_947 = arith.constant 0 : i32
        %dma_start3A_948 = arith.constant 0 : i32
        %dma_start3A_949 = tpu.memref_slice %arg6[%dma_start3A_934, %dma_start3A_947, %dma_start3A_948] : memref<4x4x50xi32, #tpu.memory_space<vmem>> -> memref<1x4x50xi32, #tpu.memory_space<vmem>>
        %dma_start3A_950 = tpu.memref_squeeze %dma_start3A_949 : memref<1x4x50xi32, #tpu.memory_space<vmem>> -> memref<4x50xi32, #tpu.memory_space<vmem>>
        %dma_start3A_951 = arith.constant 0 : i32
        %dma_start3A_952 = tpu.memref_slice %dma_start3A_950[%dma_start3A_935, %dma_start3A_951] : memref<4x50xi32, #tpu.memory_space<vmem>> -> memref<1x50xi32, #tpu.memory_space<vmem>>
        %dma_start3A_953 = tpu.memref_squeeze %dma_start3A_952 : memref<1x50xi32, #tpu.memory_space<vmem>> -> memref<50xi32, #tpu.memory_space<vmem>>
        %dma_start3A_954 = arith.constant 0 : i32
        %dma_start3A_955 = arith.constant 0 : i32
        %dma_start3A_956 = tpu.memref_slice %arg3[%dma_start3A_954, %dma_start3A_955] : memref<52000x128xf32, #tpu.memory_space<hbm>> -> memref<52000x128xf32, #tpu.memory_space<hbm>>
        tpu.enqueue_indirect_dma source(%dma_start3A_956 : memref<52000x128xf32, #tpu.memory_space<hbm>>) target(%dma_start3A_946 : memref<50x128xf32, #tpu.memory_space<vmem>>) offsets(%dma_start3A_953 : memref<50xi32, #tpu.memory_space<vmem>>) semaphore(%arg9 : memref<!tpu.dma_semaphore, #tpu.memory_space<semaphore_mem>>)
        %dma_start3A_957 = arith.constant 0 : i32
        %dma_start3A_958 = arith.constant 3 : i32
        %dma_start3A_959 = arith.constant 0 : i32
        %dma_start3A_960 = arith.constant 3 : i32
        %dma_start3A_961 = arith.constant 0 : i32
        %dma_start3A_962 = arith.constant 0 : i32
        %dma_start3A_963 = arith.constant 0 : i32
        %dma_start3A_964 = tpu.memref_slice %arg7[%dma_start3A_959, %dma_start3A_961, %dma_start3A_962, %dma_start3A_963] : memref<4x4x50x128xf32, #tpu.memory_space<vmem>> -> memref<1x4x50x128xf32, #tpu.memory_space<vmem>>
        %dma_start3A_965 = tpu.memref_squeeze %dma_start3A_964 : memref<1x4x50x128xf32, #tpu.memory_space<vmem>> -> memref<4x50x128xf32, #tpu.memory_space<vmem>>
        %dma_start3A_966 = arith.constant 0 : i32
        %dma_start3A_967 = arith.constant 0 : i32
        %dma_start3A_968 = tpu.memref_slice %dma_start3A_965[%dma_start3A_960, %dma_start3A_966, %dma_start3A_967] : memref<4x50x128xf32, #tpu.memory_space<vmem>> -> memref<1x50x128xf32, #tpu.memory_space<vmem>>
        %dma_start3A_969 = tpu.memref_squeeze %dma_start3A_968 : memref<1x50x128xf32, #tpu.memory_space<vmem>> -> memref<50x128xf32, #tpu.memory_space<vmem>>
        %dma_start3A_970 = arith.constant 0 : i32
        %dma_start3A_971 = arith.constant 0 : i32
        %dma_start3A_972 = tpu.memref_slice %arg6[%dma_start3A_957, %dma_start3A_970, %dma_start3A_971] : memref<4x4x50xi32, #tpu.memory_space<vmem>> -> memref<1x4x50xi32, #tpu.memory_space<vmem>>
        %dma_start3A_973 = tpu.memref_squeeze %dma_start3A_972 : memref<1x4x50xi32, #tpu.memory_space<vmem>> -> memref<4x50xi32, #tpu.memory_space<vmem>>
        %dma_start3A_974 = arith.constant 0 : i32
        %dma_start3A_975 = tpu.memref_slice %dma_start3A_973[%dma_start3A_958, %dma_start3A_974] : memref<4x50xi32, #tpu.memory_space<vmem>> -> memref<1x50xi32, #tpu.memory_space<vmem>>
        %dma_start3A_976 = tpu.memref_squeeze %dma_start3A_975 : memref<1x50xi32, #tpu.memory_space<vmem>> -> memref<50xi32, #tpu.memory_space<vmem>>
        %dma_start3A_977 = arith.constant 0 : i32
        %dma_start3A_978 = arith.constant 0 : i32
        %dma_start3A_979 = tpu.memref_slice %arg3[%dma_start3A_977, %dma_start3A_978] : memref<52000x128xf32, #tpu.memory_space<hbm>> -> memref<52000x128xf32, #tpu.memory_space<hbm>>
        tpu.enqueue_indirect_dma source(%dma_start3A_979 : memref<52000x128xf32, #tpu.memory_space<hbm>>) target(%dma_start3A_969 : memref<50x128xf32, #tpu.memory_space<vmem>>) offsets(%dma_start3A_976 : memref<50xi32, #tpu.memory_space<vmem>>) semaphore(%arg9 : memref<!tpu.dma_semaphore, #tpu.memory_space<semaphore_mem>>)
      } else {
      }
      %mul3A_624 = arith.constant 4 : i32
      %mul3A_625 = arith.muli %scan3A_372, %mul3A_624 : i32
      %add3A_626 = arith.constant 2 : i32
      %add3A_627 = arith.addi %mul3A_625, %add3A_626 : i32
      %add3A_628 = arith.addi %mul3A_2, %add3A_627 : i32
      %mul3A_629 = arith.constant 4 : i32
      %mul3A_630 = arith.muli %add3A_628, %mul3A_629 : i32
      %dma_wait3A_631 = arith.constant 2 : i32
      %dma_wait3A_632 = arith.constant 0 : i32
      %dma_wait3A_633 = arith.constant 2 : i32
      %dma_wait3A_634 = arith.constant 0 : i32
      %dma_wait3A_635 = arith.constant 0 : i32
      %dma_wait3A_636 = arith.constant 0 : i32
      %dma_wait3A_637 = arith.constant 0 : i32
      %dma_wait3A_638 = tpu.memref_slice %arg7[%dma_wait3A_633, %dma_wait3A_635, %dma_wait3A_636, %dma_wait3A_637] : memref<4x4x50x128xf32, #tpu.memory_space<vmem>> -> memref<1x4x50x128xf32, #tpu.memory_space<vmem>>
      %dma_wait3A_639 = tpu.memref_squeeze %dma_wait3A_638 : memref<1x4x50x128xf32, #tpu.memory_space<vmem>> -> memref<4x50x128xf32, #tpu.memory_space<vmem>>
      %dma_wait3A_640 = arith.constant 0 : i32
      %dma_wait3A_641 = arith.constant 0 : i32
      %dma_wait3A_642 = tpu.memref_slice %dma_wait3A_639[%dma_wait3A_634, %dma_wait3A_640, %dma_wait3A_641] : memref<4x50x128xf32, #tpu.memory_space<vmem>> -> memref<1x50x128xf32, #tpu.memory_space<vmem>>
      %dma_wait3A_643 = tpu.memref_squeeze %dma_wait3A_642 : memref<1x50x128xf32, #tpu.memory_space<vmem>> -> memref<50x128xf32, #tpu.memory_space<vmem>>
      %dma_wait3A_644 = arith.constant 0 : i32
      %dma_wait3A_645 = arith.constant 0 : i32
      %dma_wait3A_646 = tpu.memref_slice %arg6[%dma_wait3A_631, %dma_wait3A_644, %dma_wait3A_645] : memref<4x4x50xi32, #tpu.memory_space<vmem>> -> memref<1x4x50xi32, #tpu.memory_space<vmem>>
      %dma_wait3A_647 = tpu.memref_squeeze %dma_wait3A_646 : memref<1x4x50xi32, #tpu.memory_space<vmem>> -> memref<4x50xi32, #tpu.memory_space<vmem>>
      %dma_wait3A_648 = arith.constant 0 : i32
      %dma_wait3A_649 = tpu.memref_slice %dma_wait3A_647[%dma_wait3A_632, %dma_wait3A_648] : memref<4x50xi32, #tpu.memory_space<vmem>> -> memref<1x50xi32, #tpu.memory_space<vmem>>
      %dma_wait3A_650 = tpu.memref_squeeze %dma_wait3A_649 : memref<1x50xi32, #tpu.memory_space<vmem>> -> memref<50xi32, #tpu.memory_space<vmem>>
      %dma_wait3A_651 = arith.constant 0 : i32
      %dma_wait3A_652 = arith.constant 0 : i32
      %dma_wait3A_653 = tpu.memref_slice %arg3[%dma_wait3A_651, %dma_wait3A_652] : memref<52000x128xf32, #tpu.memory_space<hbm>> -> memref<52000x128xf32, #tpu.memory_space<hbm>>
      tpu.wait_indirect_dma semaphore(%arg11 : memref<!tpu.dma_semaphore, #tpu.memory_space<semaphore_mem>>) src(%dma_wait3A_653 : memref<52000x128xf32, #tpu.memory_space<hbm>>) dst(%dma_wait3A_643 : memref<50x128xf32, #tpu.memory_space<vmem>>)
      %dma_wait3A_654 = arith.constant 2 : i32
      %dma_wait3A_655 = arith.constant 1 : i32
      %dma_wait3A_656 = arith.constant 2 : i32
      %dma_wait3A_657 = arith.constant 1 : i32
      %dma_wait3A_658 = arith.constant 0 : i32
      %dma_wait3A_659 = arith.constant 0 : i32
      %dma_wait3A_660 = arith.constant 0 : i32
      %dma_wait3A_661 = tpu.memref_slice %arg7[%dma_wait3A_656, %dma_wait3A_658, %dma_wait3A_659, %dma_wait3A_660] : memref<4x4x50x128xf32, #tpu.memory_space<vmem>> -> memref<1x4x50x128xf32, #tpu.memory_space<vmem>>
      %dma_wait3A_662 = tpu.memref_squeeze %dma_wait3A_661 : memref<1x4x50x128xf32, #tpu.memory_space<vmem>> -> memref<4x50x128xf32, #tpu.memory_space<vmem>>
      %dma_wait3A_663 = arith.constant 0 : i32
      %dma_wait3A_664 = arith.constant 0 : i32
      %dma_wait3A_665 = tpu.memref_slice %dma_wait3A_662[%dma_wait3A_657, %dma_wait3A_663, %dma_wait3A_664] : memref<4x50x128xf32, #tpu.memory_space<vmem>> -> memref<1x50x128xf32, #tpu.memory_space<vmem>>
      %dma_wait3A_666 = tpu.memref_squeeze %dma_wait3A_665 : memref<1x50x128xf32, #tpu.memory_space<vmem>> -> memref<50x128xf32, #tpu.memory_space<vmem>>
      %dma_wait3A_667 = arith.constant 0 : i32
      %dma_wait3A_668 = arith.constant 0 : i32
      %dma_wait3A_669 = tpu.memref_slice %arg6[%dma_wait3A_654, %dma_wait3A_667, %dma_wait3A_668] : memref<4x4x50xi32, #tpu.memory_space<vmem>> -> memref<1x4x50xi32, #tpu.memory_space<vmem>>
      %dma_wait3A_670 = tpu.memref_squeeze %dma_wait3A_669 : memref<1x4x50xi32, #tpu.memory_space<vmem>> -> memref<4x50xi32, #tpu.memory_space<vmem>>
      %dma_wait3A_671 = arith.constant 0 : i32
      %dma_wait3A_672 = tpu.memref_slice %dma_wait3A_670[%dma_wait3A_655, %dma_wait3A_671] : memref<4x50xi32, #tpu.memory_space<vmem>> -> memref<1x50xi32, #tpu.memory_space<vmem>>
      %dma_wait3A_673 = tpu.memref_squeeze %dma_wait3A_672 : memref<1x50xi32, #tpu.memory_space<vmem>> -> memref<50xi32, #tpu.memory_space<vmem>>
      %dma_wait3A_674 = arith.constant 0 : i32
      %dma_wait3A_675 = arith.constant 0 : i32
      %dma_wait3A_676 = tpu.memref_slice %arg3[%dma_wait3A_674, %dma_wait3A_675] : memref<52000x128xf32, #tpu.memory_space<hbm>> -> memref<52000x128xf32, #tpu.memory_space<hbm>>
      tpu.wait_indirect_dma semaphore(%arg11 : memref<!tpu.dma_semaphore, #tpu.memory_space<semaphore_mem>>) src(%dma_wait3A_676 : memref<52000x128xf32, #tpu.memory_space<hbm>>) dst(%dma_wait3A_666 : memref<50x128xf32, #tpu.memory_space<vmem>>)
      %dma_wait3A_677 = arith.constant 2 : i32
      %dma_wait3A_678 = arith.constant 2 : i32
      %dma_wait3A_679 = arith.constant 2 : i32
      %dma_wait3A_680 = arith.constant 2 : i32
      %dma_wait3A_681 = arith.constant 0 : i32
      %dma_wait3A_682 = arith.constant 0 : i32
      %dma_wait3A_683 = arith.constant 0 : i32
      %dma_wait3A_684 = tpu.memref_slice %arg7[%dma_wait3A_679, %dma_wait3A_681, %dma_wait3A_682, %dma_wait3A_683] : memref<4x4x50x128xf32, #tpu.memory_space<vmem>> -> memref<1x4x50x128xf32, #tpu.memory_space<vmem>>
      %dma_wait3A_685 = tpu.memref_squeeze %dma_wait3A_684 : memref<1x4x50x128xf32, #tpu.memory_space<vmem>> -> memref<4x50x128xf32, #tpu.memory_space<vmem>>
      %dma_wait3A_686 = arith.constant 0 : i32
      %dma_wait3A_687 = arith.constant 0 : i32
      %dma_wait3A_688 = tpu.memref_slice %dma_wait3A_685[%dma_wait3A_680, %dma_wait3A_686, %dma_wait3A_687] : memref<4x50x128xf32, #tpu.memory_space<vmem>> -> memref<1x50x128xf32, #tpu.memory_space<vmem>>
      %dma_wait3A_689 = tpu.memref_squeeze %dma_wait3A_688 : memref<1x50x128xf32, #tpu.memory_space<vmem>> -> memref<50x128xf32, #tpu.memory_space<vmem>>
      %dma_wait3A_690 = arith.constant 0 : i32
      %dma_wait3A_691 = arith.constant 0 : i32
      %dma_wait3A_692 = tpu.memref_slice %arg6[%dma_wait3A_677, %dma_wait3A_690, %dma_wait3A_691] : memref<4x4x50xi32, #tpu.memory_space<vmem>> -> memref<1x4x50xi32, #tpu.memory_space<vmem>>
      %dma_wait3A_693 = tpu.memref_squeeze %dma_wait3A_692 : memref<1x4x50xi32, #tpu.memory_space<vmem>> -> memref<4x50xi32, #tpu.memory_space<vmem>>
      %dma_wait3A_694 = arith.constant 0 : i32
      %dma_wait3A_695 = tpu.memref_slice %dma_wait3A_693[%dma_wait3A_678, %dma_wait3A_694] : memref<4x50xi32, #tpu.memory_space<vmem>> -> memref<1x50xi32, #tpu.memory_space<vmem>>
      %dma_wait3A_696 = tpu.memref_squeeze %dma_wait3A_695 : memref<1x50xi32, #tpu.memory_space<vmem>> -> memref<50xi32, #tpu.memory_space<vmem>>
      %dma_wait3A_697 = arith.constant 0 : i32
      %dma_wait3A_698 = arith.constant 0 : i32
      %dma_wait3A_699 = tpu.memref_slice %arg3[%dma_wait3A_697, %dma_wait3A_698] : memref<52000x128xf32, #tpu.memory_space<hbm>> -> memref<52000x128xf32, #tpu.memory_space<hbm>>
      tpu.wait_indirect_dma semaphore(%arg11 : memref<!tpu.dma_semaphore, #tpu.memory_space<semaphore_mem>>) src(%dma_wait3A_699 : memref<52000x128xf32, #tpu.memory_space<hbm>>) dst(%dma_wait3A_689 : memref<50x128xf32, #tpu.memory_space<vmem>>)
      %dma_wait3A_700 = arith.constant 2 : i32
      %dma_wait3A_701 = arith.constant 3 : i32
      %dma_wait3A_702 = arith.constant 2 : i32
      %dma_wait3A_703 = arith.constant 3 : i32
      %dma_wait3A_704 = arith.constant 0 : i32
      %dma_wait3A_705 = arith.constant 0 : i32
      %dma_wait3A_706 = arith.constant 0 : i32
      %dma_wait3A_707 = tpu.memref_slice %arg7[%dma_wait3A_702, %dma_wait3A_704, %dma_wait3A_705, %dma_wait3A_706] : memref<4x4x50x128xf32, #tpu.memory_space<vmem>> -> memref<1x4x50x128xf32, #tpu.memory_space<vmem>>
      %dma_wait3A_708 = tpu.memref_squeeze %dma_wait3A_707 : memref<1x4x50x128xf32, #tpu.memory_space<vmem>> -> memref<4x50x128xf32, #tpu.memory_space<vmem>>
      %dma_wait3A_709 = arith.constant 0 : i32
      %dma_wait3A_710 = arith.constant 0 : i32
      %dma_wait3A_711 = tpu.memref_slice %dma_wait3A_708[%dma_wait3A_703, %dma_wait3A_709, %dma_wait3A_710] : memref<4x50x128xf32, #tpu.memory_space<vmem>> -> memref<1x50x128xf32, #tpu.memory_space<vmem>>
      %dma_wait3A_712 = tpu.memref_squeeze %dma_wait3A_711 : memref<1x50x128xf32, #tpu.memory_space<vmem>> -> memref<50x128xf32, #tpu.memory_space<vmem>>
      %dma_wait3A_713 = arith.constant 0 : i32
      %dma_wait3A_714 = arith.constant 0 : i32
      %dma_wait3A_715 = tpu.memref_slice %arg6[%dma_wait3A_700, %dma_wait3A_713, %dma_wait3A_714] : memref<4x4x50xi32, #tpu.memory_space<vmem>> -> memref<1x4x50xi32, #tpu.memory_space<vmem>>
      %dma_wait3A_716 = tpu.memref_squeeze %dma_wait3A_715 : memref<1x4x50xi32, #tpu.memory_space<vmem>> -> memref<4x50xi32, #tpu.memory_space<vmem>>
      %dma_wait3A_717 = arith.constant 0 : i32
      %dma_wait3A_718 = tpu.memref_slice %dma_wait3A_716[%dma_wait3A_701, %dma_wait3A_717] : memref<4x50xi32, #tpu.memory_space<vmem>> -> memref<1x50xi32, #tpu.memory_space<vmem>>
      %dma_wait3A_719 = tpu.memref_squeeze %dma_wait3A_718 : memref<1x50xi32, #tpu.memory_space<vmem>> -> memref<50xi32, #tpu.memory_space<vmem>>
      %dma_wait3A_720 = arith.constant 0 : i32
      %dma_wait3A_721 = arith.constant 0 : i32
      %dma_wait3A_722 = tpu.memref_slice %arg3[%dma_wait3A_720, %dma_wait3A_721] : memref<52000x128xf32, #tpu.memory_space<hbm>> -> memref<52000x128xf32, #tpu.memory_space<hbm>>
      tpu.wait_indirect_dma semaphore(%arg11 : memref<!tpu.dma_semaphore, #tpu.memory_space<semaphore_mem>>) src(%dma_wait3A_722 : memref<52000x128xf32, #tpu.memory_space<hbm>>) dst(%dma_wait3A_712 : memref<50x128xf32, #tpu.memory_space<vmem>>)
      %parallel_loop3A_723 = arith.constant 0 : i32
      %parallel_loop3A_724 = arith.constant 50 : i32
      %parallel_loop3A_725 = arith.constant 1 : i32
      scf.for %parallel_loop3A_880 = %parallel_loop3A_723 to %parallel_loop3A_724 step %parallel_loop3A_725  : i32 {
        %parallel_loop3A_881 = arith.index_cast %parallel_loop3A_880 : i32 to index
        %parallel_loop3A_882 = arith.constant 0 : index
        %parallel_loop3A_883 = tpu.vector_load %arg8[%parallel_loop3A_881, %parallel_loop3A_882] {strides = array<i32>} : memref<50x128xf32, #tpu.memory_space<vmem>>, vector<1x16xf32>,
        %parallel_loop3A_884 = vector.shape_cast %parallel_loop3A_883 : vector<1x16xf32> to vector<16xf32>
        %parallel_loop3A_885 = arith.index_cast %parallel_loop3A_880 : i32 to index
        %parallel_loop3A_886 = arith.constant 16 : index
        %parallel_loop3A_887 = tpu.vector_load %arg8[%parallel_loop3A_885, %parallel_loop3A_886] {strides = array<i32>} : memref<50x128xf32, #tpu.memory_space<vmem>>, vector<1x16xf32>,
        %parallel_loop3A_888 = vector.shape_cast %parallel_loop3A_887 : vector<1x16xf32> to vector<16xf32>
        %parallel_loop3A_889 = arith.index_cast %parallel_loop3A_880 : i32 to index
        %parallel_loop3A_890 = arith.constant 32 : index
        %parallel_loop3A_891 = tpu.vector_load %arg8[%parallel_loop3A_889, %parallel_loop3A_890] {strides = array<i32>} : memref<50x128xf32, #tpu.memory_space<vmem>>, vector<1x16xf32>,
        %parallel_loop3A_892 = vector.shape_cast %parallel_loop3A_891 : vector<1x16xf32> to vector<16xf32>
        %parallel_loop3A_893 = arith.index_cast %parallel_loop3A_880 : i32 to index
        %parallel_loop3A_894 = arith.constant 48 : index
        %parallel_loop3A_895 = tpu.vector_load %arg8[%parallel_loop3A_893, %parallel_loop3A_894] {strides = array<i32>} : memref<50x128xf32, #tpu.memory_space<vmem>>, vector<1x16xf32>,
        %parallel_loop3A_896 = vector.shape_cast %parallel_loop3A_895 : vector<1x16xf32> to vector<16xf32>
        %parallel_loop3A_897 = arith.index_cast %parallel_loop3A_880 : i32 to index
        %parallel_loop3A_898 = arith.constant 64 : index
        %parallel_loop3A_899 = tpu.vector_load %arg8[%parallel_loop3A_897, %parallel_loop3A_898] {strides = array<i32>} : memref<50x128xf32, #tpu.memory_space<vmem>>, vector<1x16xf32>,
        %parallel_loop3A_900 = vector.shape_cast %parallel_loop3A_899 : vector<1x16xf32> to vector<16xf32>
        %parallel_loop3A_901 = arith.index_cast %parallel_loop3A_880 : i32 to index
        %parallel_loop3A_902 = arith.constant 80 : index
        %parallel_loop3A_903 = tpu.vector_load %arg8[%parallel_loop3A_901, %parallel_loop3A_902] {strides = array<i32>} : memref<50x128xf32, #tpu.memory_space<vmem>>, vector<1x16xf32>,
        %parallel_loop3A_904 = vector.shape_cast %parallel_loop3A_903 : vector<1x16xf32> to vector<16xf32>
        %parallel_loop3A_905 = arith.index_cast %parallel_loop3A_880 : i32 to index
        %parallel_loop3A_906 = arith.constant 96 : index
        %parallel_loop3A_907 = tpu.vector_load %arg8[%parallel_loop3A_905, %parallel_loop3A_906] {strides = array<i32>} : memref<50x128xf32, #tpu.memory_space<vmem>>, vector<1x16xf32>,
        %parallel_loop3A_908 = vector.shape_cast %parallel_loop3A_907 : vector<1x16xf32> to vector<16xf32>
        %parallel_loop3A_909 = arith.index_cast %parallel_loop3A_880 : i32 to index
        %parallel_loop3A_910 = arith.constant 112 : index
        %parallel_loop3A_911 = tpu.vector_load %arg8[%parallel_loop3A_909, %parallel_loop3A_910] {strides = array<i32>} : memref<50x128xf32, #tpu.memory_space<vmem>>, vector<1x16xf32>,
        %parallel_loop3A_912 = vector.shape_cast %parallel_loop3A_911 : vector<1x16xf32> to vector<16xf32>
        %parallel_loop3A_913 = arith.constant 2 : i32
        %parallel_loop3A_914 = arith.constant 0 : i32
        %parallel_loop3A_915 = arith.index_cast %parallel_loop3A_913 : i32 to index
        %parallel_loop3A_916 = arith.index_cast %parallel_loop3A_914 : i32 to index
        %parallel_loop3A_917 = arith.index_cast %parallel_loop3A_880 : i32 to index
        %parallel_loop3A_918 = arith.constant 0 : index
        %parallel_loop3A_919 = tpu.vector_load %arg7[%parallel_loop3A_915, %parallel_loop3A_916, %parallel_loop3A_917, %parallel_loop3A_918] {strides = array<i32>} : memref<4x4x50x128xf32, #tpu.memory_space<vmem>>, vector<1x1x1x16xf32>,
        %parallel_loop3A_920 = vector.shape_cast %parallel_loop3A_919 : vector<1x1x1x16xf32> to vector<16xf32>
        %parallel_loop3A_921 = arith.addf %parallel_loop3A_920, %parallel_loop3A_884 : vector<16xf32>
        %parallel_loop3A_922 = arith.constant 2 : i32
        %parallel_loop3A_923 = arith.constant 0 : i32
        %parallel_loop3A_924 = arith.index_cast %parallel_loop3A_922 : i32 to index
        %parallel_loop3A_925 = arith.index_cast %parallel_loop3A_923 : i32 to index
        %parallel_loop3A_926 = arith.index_cast %parallel_loop3A_880 : i32 to index
        %parallel_loop3A_927 = arith.constant 0 : index
        %parallel_loop3A_928 = tpu.vector_load %arg7[%parallel_loop3A_924, %parallel_loop3A_925, %parallel_loop3A_926, %parallel_loop3A_927] {strides = array<i32>} : memref<4x4x50x128xf32, #tpu.memory_space<vmem>>, vector<1x1x1x16xf32>,
        %parallel_loop3A_929 = vector.shape_cast %parallel_loop3A_928 : vector<1x1x1x16xf32> to vector<16xf32>
        %parallel_loop3A_930 = vector.shape_cast %parallel_loop3A_921 : vector<16xf32> to vector<1x1x1x16xf32>
        tpu.vector_store %arg7[%parallel_loop3A_924, %parallel_loop3A_925, %parallel_loop3A_926, %parallel_loop3A_927], %parallel_loop3A_930 {strides = array<i32>} : memref<4x4x50x128xf32, #tpu.memory_space<vmem>>, vector<1x1x1x16xf32>,
        %parallel_loop3A_931 = arith.constant 2 : i32
        %parallel_loop3A_932 = arith.constant 0 : i32
        %parallel_loop3A_933 = arith.index_cast %parallel_loop3A_931 : i32 to index
        %parallel_loop3A_934 = arith.index_cast %parallel_loop3A_932 : i32 to index
        %parallel_loop3A_935 = arith.index_cast %parallel_loop3A_880 : i32 to index
        %parallel_loop3A_936 = arith.constant 16 : index
        %parallel_loop3A_937 = tpu.vector_load %arg7[%parallel_loop3A_933, %parallel_loop3A_934, %parallel_loop3A_935, %parallel_loop3A_936] {strides = array<i32>} : memref<4x4x50x128xf32, #tpu.memory_space<vmem>>, vector<1x1x1x16xf32>,
        %parallel_loop3A_938 = vector.shape_cast %parallel_loop3A_937 : vector<1x1x1x16xf32> to vector<16xf32>
        %parallel_loop3A_939 = arith.addf %parallel_loop3A_938, %parallel_loop3A_888 : vector<16xf32>
        %parallel_loop3A_940 = arith.constant 2 : i32
        %parallel_loop3A_941 = arith.constant 0 : i32
        %parallel_loop3A_942 = arith.index_cast %parallel_loop3A_940 : i32 to index
        %parallel_loop3A_943 = arith.index_cast %parallel_loop3A_941 : i32 to index
        %parallel_loop3A_944 = arith.index_cast %parallel_loop3A_880 : i32 to index
        %parallel_loop3A_945 = arith.constant 16 : index
        %parallel_loop3A_946 = tpu.vector_load %arg7[%parallel_loop3A_942, %parallel_loop3A_943, %parallel_loop3A_944, %parallel_loop3A_945] {strides = array<i32>} : memref<4x4x50x128xf32, #tpu.memory_space<vmem>>, vector<1x1x1x16xf32>,
        %parallel_loop3A_947 = vector.shape_cast %parallel_loop3A_946 : vector<1x1x1x16xf32> to vector<16xf32>
        %parallel_loop3A_948 = vector.shape_cast %parallel_loop3A_939 : vector<16xf32> to vector<1x1x1x16xf32>
        tpu.vector_store %arg7[%parallel_loop3A_942, %parallel_loop3A_943, %parallel_loop3A_944, %parallel_loop3A_945], %parallel_loop3A_948 {strides = array<i32>} : memref<4x4x50x128xf32, #tpu.memory_space<vmem>>, vector<1x1x1x16xf32>,
        %parallel_loop3A_949 = arith.constant 2 : i32
        %parallel_loop3A_950 = arith.constant 0 : i32
        %parallel_loop3A_951 = arith.index_cast %parallel_loop3A_949 : i32 to index
        %parallel_loop3A_952 = arith.index_cast %parallel_loop3A_950 : i32 to index
        %parallel_loop3A_953 = arith.index_cast %parallel_loop3A_880 : i32 to index
        %parallel_loop3A_954 = arith.constant 32 : index
        %parallel_loop3A_955 = tpu.vector_load %arg7[%parallel_loop3A_951, %parallel_loop3A_952, %parallel_loop3A_953, %parallel_loop3A_954] {strides = array<i32>} : memref<4x4x50x128xf32, #tpu.memory_space<vmem>>, vector<1x1x1x16xf32>,
        %parallel_loop3A_956 = vector.shape_cast %parallel_loop3A_955 : vector<1x1x1x16xf32> to vector<16xf32>
        %parallel_loop3A_957 = arith.addf %parallel_loop3A_956, %parallel_loop3A_892 : vector<16xf32>
        %parallel_loop3A_958 = arith.constant 2 : i32
        %parallel_loop3A_959 = arith.constant 0 : i32
        %parallel_loop3A_960 = arith.index_cast %parallel_loop3A_958 : i32 to index
        %parallel_loop3A_961 = arith.index_cast %parallel_loop3A_959 : i32 to index
        %parallel_loop3A_962 = arith.index_cast %parallel_loop3A_880 : i32 to index
        %parallel_loop3A_963 = arith.constant 32 : index
        %parallel_loop3A_964 = tpu.vector_load %arg7[%parallel_loop3A_960, %parallel_loop3A_961, %parallel_loop3A_962, %parallel_loop3A_963] {strides = array<i32>} : memref<4x4x50x128xf32, #tpu.memory_space<vmem>>, vector<1x1x1x16xf32>,
        %parallel_loop3A_965 = vector.shape_cast %parallel_loop3A_964 : vector<1x1x1x16xf32> to vector<16xf32>
        %parallel_loop3A_966 = vector.shape_cast %parallel_loop3A_957 : vector<16xf32> to vector<1x1x1x16xf32>
        tpu.vector_store %arg7[%parallel_loop3A_960, %parallel_loop3A_961, %parallel_loop3A_962, %parallel_loop3A_963], %parallel_loop3A_966 {strides = array<i32>} : memref<4x4x50x128xf32, #tpu.memory_space<vmem>>, vector<1x1x1x16xf32>,
        %parallel_loop3A_967 = arith.constant 2 : i32
        %parallel_loop3A_968 = arith.constant 0 : i32
        %parallel_loop3A_969 = arith.index_cast %parallel_loop3A_967 : i32 to index
        %parallel_loop3A_970 = arith.index_cast %parallel_loop3A_968 : i32 to index
        %parallel_loop3A_971 = arith.index_cast %parallel_loop3A_880 : i32 to index
        %parallel_loop3A_972 = arith.constant 48 : index
        %parallel_loop3A_973 = tpu.vector_load %arg7[%parallel_loop3A_969, %parallel_loop3A_970, %parallel_loop3A_971, %parallel_loop3A_972] {strides = array<i32>} : memref<4x4x50x128xf32, #tpu.memory_space<vmem>>, vector<1x1x1x16xf32>,
        %parallel_loop3A_974 = vector.shape_cast %parallel_loop3A_973 : vector<1x1x1x16xf32> to vector<16xf32>
        %parallel_loop3A_975 = arith.addf %parallel_loop3A_974, %parallel_loop3A_896 : vector<16xf32>
        %parallel_loop3A_976 = arith.constant 2 : i32
        %parallel_loop3A_977 = arith.constant 0 : i32
        %parallel_loop3A_978 = arith.index_cast %parallel_loop3A_976 : i32 to index
        %parallel_loop3A_979 = arith.index_cast %parallel_loop3A_977 : i32 to index
        %parallel_loop3A_980 = arith.index_cast %parallel_loop3A_880 : i32 to index
        %parallel_loop3A_981 = arith.constant 48 : index
        %parallel_loop3A_982 = tpu.vector_load %arg7[%parallel_loop3A_978, %parallel_loop3A_979, %parallel_loop3A_980, %parallel_loop3A_981] {strides = array<i32>} : memref<4x4x50x128xf32, #tpu.memory_space<vmem>>, vector<1x1x1x16xf32>,
        %parallel_loop3A_983 = vector.shape_cast %parallel_loop3A_982 : vector<1x1x1x16xf32> to vector<16xf32>
        %parallel_loop3A_984 = vector.shape_cast %parallel_loop3A_975 : vector<16xf32> to vector<1x1x1x16xf32>
        tpu.vector_store %arg7[%parallel_loop3A_978, %parallel_loop3A_979, %parallel_loop3A_980, %parallel_loop3A_981], %parallel_loop3A_984 {strides = array<i32>} : memref<4x4x50x128xf32, #tpu.memory_space<vmem>>, vector<1x1x1x16xf32>,
        %parallel_loop3A_985 = arith.constant 2 : i32
        %parallel_loop3A_986 = arith.constant 0 : i32
        %parallel_loop3A_987 = arith.index_cast %parallel_loop3A_985 : i32 to index
        %parallel_loop3A_988 = arith.index_cast %parallel_loop3A_986 : i32 to index
        %parallel_loop3A_989 = arith.index_cast %parallel_loop3A_880 : i32 to index
        %parallel_loop3A_990 = arith.constant 64 : index
        %parallel_loop3A_991 = tpu.vector_load %arg7[%parallel_loop3A_987, %parallel_loop3A_988, %parallel_loop3A_989, %parallel_loop3A_990] {strides = array<i32>} : memref<4x4x50x128xf32, #tpu.memory_space<vmem>>, vector<1x1x1x16xf32>,
        %parallel_loop3A_992 = vector.shape_cast %parallel_loop3A_991 : vector<1x1x1x16xf32> to vector<16xf32>
        %parallel_loop3A_993 = arith.addf %parallel_loop3A_992, %parallel_loop3A_900 : vector<16xf32>
        %parallel_loop3A_994 = arith.constant 2 : i32
        %parallel_loop3A_995 = arith.constant 0 : i32
        %parallel_loop3A_996 = arith.index_cast %parallel_loop3A_994 : i32 to index
        %parallel_loop3A_997 = arith.index_cast %parallel_loop3A_995 : i32 to index
        %parallel_loop3A_998 = arith.index_cast %parallel_loop3A_880 : i32 to index
        %parallel_loop3A_999 = arith.constant 64 : index
        %parallel_loop3A_1000 = tpu.vector_load %arg7[%parallel_loop3A_996, %parallel_loop3A_997, %parallel_loop3A_998, %parallel_loop3A_999] {strides = array<i32>} : memref<4x4x50x128xf32, #tpu.memory_space<vmem>>, vector<1x1x1x16xf32>,
        %parallel_loop3A_1001 = vector.shape_cast %parallel_loop3A_1000 : vector<1x1x1x16xf32> to vector<16xf32>
        %parallel_loop3A_1002 = vector.shape_cast %parallel_loop3A_993 : vector<16xf32> to vector<1x1x1x16xf32>
        tpu.vector_store %arg7[%parallel_loop3A_996, %parallel_loop3A_997, %parallel_loop3A_998, %parallel_loop3A_999], %parallel_loop3A_1002 {strides = array<i32>} : memref<4x4x50x128xf32, #tpu.memory_space<vmem>>, vector<1x1x1x16xf32>,
        %parallel_loop3A_1003 = arith.constant 2 : i32
        %parallel_loop3A_1004 = arith.constant 0 : i32
        %parallel_loop3A_1005 = arith.index_cast %parallel_loop3A_1003 : i32 to index
        %parallel_loop3A_1006 = arith.index_cast %parallel_loop3A_1004 : i32 to index
        %parallel_loop3A_1007 = arith.index_cast %parallel_loop3A_880 : i32 to index
        %parallel_loop3A_1008 = arith.constant 80 : index
        %parallel_loop3A_1009 = tpu.vector_load %arg7[%parallel_loop3A_1005, %parallel_loop3A_1006, %parallel_loop3A_1007, %parallel_loop3A_1008] {strides = array<i32>} : memref<4x4x50x128xf32, #tpu.memory_space<vmem>>, vector<1x1x1x16xf32>,
        %parallel_loop3A_1010 = vector.shape_cast %parallel_loop3A_1009 : vector<1x1x1x16xf32> to vector<16xf32>
        %parallel_loop3A_1011 = arith.addf %parallel_loop3A_1010, %parallel_loop3A_904 : vector<16xf32>
        %parallel_loop3A_1012 = arith.constant 2 : i32
        %parallel_loop3A_1013 = arith.constant 0 : i32
        %parallel_loop3A_1014 = arith.index_cast %parallel_loop3A_1012 : i32 to index
        %parallel_loop3A_1015 = arith.index_cast %parallel_loop3A_1013 : i32 to index
        %parallel_loop3A_1016 = arith.index_cast %parallel_loop3A_880 : i32 to index
        %parallel_loop3A_1017 = arith.constant 80 : index
        %parallel_loop3A_1018 = tpu.vector_load %arg7[%parallel_loop3A_1014, %parallel_loop3A_1015, %parallel_loop3A_1016, %parallel_loop3A_1017] {strides = array<i32>} : memref<4x4x50x128xf32, #tpu.memory_space<vmem>>, vector<1x1x1x16xf32>,
        %parallel_loop3A_1019 = vector.shape_cast %parallel_loop3A_1018 : vector<1x1x1x16xf32> to vector<16xf32>
        %parallel_loop3A_1020 = vector.shape_cast %parallel_loop3A_1011 : vector<16xf32> to vector<1x1x1x16xf32>
        tpu.vector_store %arg7[%parallel_loop3A_1014, %parallel_loop3A_1015, %parallel_loop3A_1016, %parallel_loop3A_1017], %parallel_loop3A_1020 {strides = array<i32>} : memref<4x4x50x128xf32, #tpu.memory_space<vmem>>, vector<1x1x1x16xf32>,
        %parallel_loop3A_1021 = arith.constant 2 : i32
        %parallel_loop3A_1022 = arith.constant 0 : i32
        %parallel_loop3A_1023 = arith.index_cast %parallel_loop3A_1021 : i32 to index
        %parallel_loop3A_1024 = arith.index_cast %parallel_loop3A_1022 : i32 to index
        %parallel_loop3A_1025 = arith.index_cast %parallel_loop3A_880 : i32 to index
        %parallel_loop3A_1026 = arith.constant 96 : index
        %parallel_loop3A_1027 = tpu.vector_load %arg7[%parallel_loop3A_1023, %parallel_loop3A_1024, %parallel_loop3A_1025, %parallel_loop3A_1026] {strides = array<i32>} : memref<4x4x50x128xf32, #tpu.memory_space<vmem>>, vector<1x1x1x16xf32>,
        %parallel_loop3A_1028 = vector.shape_cast %parallel_loop3A_1027 : vector<1x1x1x16xf32> to vector<16xf32>
        %parallel_loop3A_1029 = arith.addf %parallel_loop3A_1028, %parallel_loop3A_908 : vector<16xf32>
        %parallel_loop3A_1030 = arith.constant 2 : i32
        %parallel_loop3A_1031 = arith.constant 0 : i32
        %parallel_loop3A_1032 = arith.index_cast %parallel_loop3A_1030 : i32 to index
        %parallel_loop3A_1033 = arith.index_cast %parallel_loop3A_1031 : i32 to index
        %parallel_loop3A_1034 = arith.index_cast %parallel_loop3A_880 : i32 to index
        %parallel_loop3A_1035 = arith.constant 96 : index
        %parallel_loop3A_1036 = tpu.vector_load %arg7[%parallel_loop3A_1032, %parallel_loop3A_1033, %parallel_loop3A_1034, %parallel_loop3A_1035] {strides = array<i32>} : memref<4x4x50x128xf32, #tpu.memory_space<vmem>>, vector<1x1x1x16xf32>,
        %parallel_loop3A_1037 = vector.shape_cast %parallel_loop3A_1036 : vector<1x1x1x16xf32> to vector<16xf32>
        %parallel_loop3A_1038 = vector.shape_cast %parallel_loop3A_1029 : vector<16xf32> to vector<1x1x1x16xf32>
        tpu.vector_store %arg7[%parallel_loop3A_1032, %parallel_loop3A_1033, %parallel_loop3A_1034, %parallel_loop3A_1035], %parallel_loop3A_1038 {strides = array<i32>} : memref<4x4x50x128xf32, #tpu.memory_space<vmem>>, vector<1x1x1x16xf32>,
        %parallel_loop3A_1039 = arith.constant 2 : i32
        %parallel_loop3A_1040 = arith.constant 0 : i32
        %parallel_loop3A_1041 = arith.index_cast %parallel_loop3A_1039 : i32 to index
        %parallel_loop3A_1042 = arith.index_cast %parallel_loop3A_1040 : i32 to index
        %parallel_loop3A_1043 = arith.index_cast %parallel_loop3A_880 : i32 to index
        %parallel_loop3A_1044 = arith.constant 112 : index
        %parallel_loop3A_1045 = tpu.vector_load %arg7[%parallel_loop3A_1041, %parallel_loop3A_1042, %parallel_loop3A_1043, %parallel_loop3A_1044] {strides = array<i32>} : memref<4x4x50x128xf32, #tpu.memory_space<vmem>>, vector<1x1x1x16xf32>,
        %parallel_loop3A_1046 = vector.shape_cast %parallel_loop3A_1045 : vector<1x1x1x16xf32> to vector<16xf32>
        %parallel_loop3A_1047 = arith.addf %parallel_loop3A_1046, %parallel_loop3A_912 : vector<16xf32>
        %parallel_loop3A_1048 = arith.constant 2 : i32
        %parallel_loop3A_1049 = arith.constant 0 : i32
        %parallel_loop3A_1050 = arith.index_cast %parallel_loop3A_1048 : i32 to index
        %parallel_loop3A_1051 = arith.index_cast %parallel_loop3A_1049 : i32 to index
        %parallel_loop3A_1052 = arith.index_cast %parallel_loop3A_880 : i32 to index
        %parallel_loop3A_1053 = arith.constant 112 : index
        %parallel_loop3A_1054 = tpu.vector_load %arg7[%parallel_loop3A_1050, %parallel_loop3A_1051, %parallel_loop3A_1052, %parallel_loop3A_1053] {strides = array<i32>} : memref<4x4x50x128xf32, #tpu.memory_space<vmem>>, vector<1x1x1x16xf32>,
        %parallel_loop3A_1055 = vector.shape_cast %parallel_loop3A_1054 : vector<1x1x1x16xf32> to vector<16xf32>
        %parallel_loop3A_1056 = vector.shape_cast %parallel_loop3A_1047 : vector<16xf32> to vector<1x1x1x16xf32>
        tpu.vector_store %arg7[%parallel_loop3A_1050, %parallel_loop3A_1051, %parallel_loop3A_1052, %parallel_loop3A_1053], %parallel_loop3A_1056 {strides = array<i32>} : memref<4x4x50x128xf32, #tpu.memory_space<vmem>>, vector<1x1x1x16xf32>,
        %parallel_loop3A_1057 = arith.constant 2 : i32
        %parallel_loop3A_1058 = arith.constant 1 : i32
        %parallel_loop3A_1059 = arith.index_cast %parallel_loop3A_1057 : i32 to index
        %parallel_loop3A_1060 = arith.index_cast %parallel_loop3A_1058 : i32 to index
        %parallel_loop3A_1061 = arith.index_cast %parallel_loop3A_880 : i32 to index
        %parallel_loop3A_1062 = arith.constant 0 : index
        %parallel_loop3A_1063 = tpu.vector_load %arg7[%parallel_loop3A_1059, %parallel_loop3A_1060, %parallel_loop3A_1061, %parallel_loop3A_1062] {strides = array<i32>} : memref<4x4x50x128xf32, #tpu.memory_space<vmem>>, vector<1x1x1x16xf32>,
        %parallel_loop3A_1064 = vector.shape_cast %parallel_loop3A_1063 : vector<1x1x1x16xf32> to vector<16xf32>
        %parallel_loop3A_1065 = arith.addf %parallel_loop3A_1064, %parallel_loop3A_884 : vector<16xf32>
        %parallel_loop3A_1066 = arith.constant 2 : i32
        %parallel_loop3A_1067 = arith.constant 1 : i32
        %parallel_loop3A_1068 = arith.index_cast %parallel_loop3A_1066 : i32 to index
        %parallel_loop3A_1069 = arith.index_cast %parallel_loop3A_1067 : i32 to index
        %parallel_loop3A_1070 = arith.index_cast %parallel_loop3A_880 : i32 to index
        %parallel_loop3A_1071 = arith.constant 0 : index
        %parallel_loop3A_1072 = tpu.vector_load %arg7[%parallel_loop3A_1068, %parallel_loop3A_1069, %parallel_loop3A_1070, %parallel_loop3A_1071] {strides = array<i32>} : memref<4x4x50x128xf32, #tpu.memory_space<vmem>>, vector<1x1x1x16xf32>,
        %parallel_loop3A_1073 = vector.shape_cast %parallel_loop3A_1072 : vector<1x1x1x16xf32> to vector<16xf32>
        %parallel_loop3A_1074 = vector.shape_cast %parallel_loop3A_1065 : vector<16xf32> to vector<1x1x1x16xf32>
        tpu.vector_store %arg7[%parallel_loop3A_1068, %parallel_loop3A_1069, %parallel_loop3A_1070, %parallel_loop3A_1071], %parallel_loop3A_1074 {strides = array<i32>} : memref<4x4x50x128xf32, #tpu.memory_space<vmem>>, vector<1x1x1x16xf32>,
        %parallel_loop3A_1075 = arith.constant 2 : i32
        %parallel_loop3A_1076 = arith.constant 1 : i32
        %parallel_loop3A_1077 = arith.index_cast %parallel_loop3A_1075 : i32 to index
        %parallel_loop3A_1078 = arith.index_cast %parallel_loop3A_1076 : i32 to index
        %parallel_loop3A_1079 = arith.index_cast %parallel_loop3A_880 : i32 to index
        %parallel_loop3A_1080 = arith.constant 16 : index
        %parallel_loop3A_1081 = tpu.vector_load %arg7[%parallel_loop3A_1077, %parallel_loop3A_1078, %parallel_loop3A_1079, %parallel_loop3A_1080] {strides = array<i32>} : memref<4x4x50x128xf32, #tpu.memory_space<vmem>>, vector<1x1x1x16xf32>,
        %parallel_loop3A_1082 = vector.shape_cast %parallel_loop3A_1081 : vector<1x1x1x16xf32> to vector<16xf32>
        %parallel_loop3A_1083 = arith.addf %parallel_loop3A_1082, %parallel_loop3A_888 : vector<16xf32>
        %parallel_loop3A_1084 = arith.constant 2 : i32
        %parallel_loop3A_1085 = arith.constant 1 : i32
        %parallel_loop3A_1086 = arith.index_cast %parallel_loop3A_1084 : i32 to index
        %parallel_loop3A_1087 = arith.index_cast %parallel_loop3A_1085 : i32 to index
        %parallel_loop3A_1088 = arith.index_cast %parallel_loop3A_880 : i32 to index
        %parallel_loop3A_1089 = arith.constant 16 : index
        %parallel_loop3A_1090 = tpu.vector_load %arg7[%parallel_loop3A_1086, %parallel_loop3A_1087, %parallel_loop3A_1088, %parallel_loop3A_1089] {strides = array<i32>} : memref<4x4x50x128xf32, #tpu.memory_space<vmem>>, vector<1x1x1x16xf32>,
        %parallel_loop3A_1091 = vector.shape_cast %parallel_loop3A_1090 : vector<1x1x1x16xf32> to vector<16xf32>
        %parallel_loop3A_1092 = vector.shape_cast %parallel_loop3A_1083 : vector<16xf32> to vector<1x1x1x16xf32>
        tpu.vector_store %arg7[%parallel_loop3A_1086, %parallel_loop3A_1087, %parallel_loop3A_1088, %parallel_loop3A_1089], %parallel_loop3A_1092 {strides = array<i32>} : memref<4x4x50x128xf32, #tpu.memory_space<vmem>>, vector<1x1x1x16xf32>,
        %parallel_loop3A_1093 = arith.constant 2 : i32
        %parallel_loop3A_1094 = arith.constant 1 : i32
        %parallel_loop3A_1095 = arith.index_cast %parallel_loop3A_1093 : i32 to index
        %parallel_loop3A_1096 = arith.index_cast %parallel_loop3A_1094 : i32 to index
        %parallel_loop3A_1097 = arith.index_cast %parallel_loop3A_880 : i32 to index
        %parallel_loop3A_1098 = arith.constant 32 : index
        %parallel_loop3A_1099 = tpu.vector_load %arg7[%parallel_loop3A_1095, %parallel_loop3A_1096, %parallel_loop3A_1097, %parallel_loop3A_1098] {strides = array<i32>} : memref<4x4x50x128xf32, #tpu.memory_space<vmem>>, vector<1x1x1x16xf32>,
        %parallel_loop3A_1100 = vector.shape_cast %parallel_loop3A_1099 : vector<1x1x1x16xf32> to vector<16xf32>
        %parallel_loop3A_1101 = arith.addf %parallel_loop3A_1100, %parallel_loop3A_892 : vector<16xf32>
        %parallel_loop3A_1102 = arith.constant 2 : i32
        %parallel_loop3A_1103 = arith.constant 1 : i32
        %parallel_loop3A_1104 = arith.index_cast %parallel_loop3A_1102 : i32 to index
        %parallel_loop3A_1105 = arith.index_cast %parallel_loop3A_1103 : i32 to index
        %parallel_loop3A_1106 = arith.index_cast %parallel_loop3A_880 : i32 to index
        %parallel_loop3A_1107 = arith.constant 32 : index
        %parallel_loop3A_1108 = tpu.vector_load %arg7[%parallel_loop3A_1104, %parallel_loop3A_1105, %parallel_loop3A_1106, %parallel_loop3A_1107] {strides = array<i32>} : memref<4x4x50x128xf32, #tpu.memory_space<vmem>>, vector<1x1x1x16xf32>,
        %parallel_loop3A_1109 = vector.shape_cast %parallel_loop3A_1108 : vector<1x1x1x16xf32> to vector<16xf32>
        %parallel_loop3A_1110 = vector.shape_cast %parallel_loop3A_1101 : vector<16xf32> to vector<1x1x1x16xf32>
        tpu.vector_store %arg7[%parallel_loop3A_1104, %parallel_loop3A_1105, %parallel_loop3A_1106, %parallel_loop3A_1107], %parallel_loop3A_1110 {strides = array<i32>} : memref<4x4x50x128xf32, #tpu.memory_space<vmem>>, vector<1x1x1x16xf32>,
        %parallel_loop3A_1111 = arith.constant 2 : i32
        %parallel_loop3A_1112 = arith.constant 1 : i32
        %parallel_loop3A_1113 = arith.index_cast %parallel_loop3A_1111 : i32 to index
        %parallel_loop3A_1114 = arith.index_cast %parallel_loop3A_1112 : i32 to index
        %parallel_loop3A_1115 = arith.index_cast %parallel_loop3A_880 : i32 to index
        %parallel_loop3A_1116 = arith.constant 48 : index
        %parallel_loop3A_1117 = tpu.vector_load %arg7[%parallel_loop3A_1113, %parallel_loop3A_1114, %parallel_loop3A_1115, %parallel_loop3A_1116] {strides = array<i32>} : memref<4x4x50x128xf32, #tpu.memory_space<vmem>>, vector<1x1x1x16xf32>,
        %parallel_loop3A_1118 = vector.shape_cast %parallel_loop3A_1117 : vector<1x1x1x16xf32> to vector<16xf32>
        %parallel_loop3A_1119 = arith.addf %parallel_loop3A_1118, %parallel_loop3A_896 : vector<16xf32>
        %parallel_loop3A_1120 = arith.constant 2 : i32
        %parallel_loop3A_1121 = arith.constant 1 : i32
        %parallel_loop3A_1122 = arith.index_cast %parallel_loop3A_1120 : i32 to index
        %parallel_loop3A_1123 = arith.index_cast %parallel_loop3A_1121 : i32 to index
        %parallel_loop3A_1124 = arith.index_cast %parallel_loop3A_880 : i32 to index
        %parallel_loop3A_1125 = arith.constant 48 : index
        %parallel_loop3A_1126 = tpu.vector_load %arg7[%parallel_loop3A_1122, %parallel_loop3A_1123, %parallel_loop3A_1124, %parallel_loop3A_1125] {strides = array<i32>} : memref<4x4x50x128xf32, #tpu.memory_space<vmem>>, vector<1x1x1x16xf32>,
        %parallel_loop3A_1127 = vector.shape_cast %parallel_loop3A_1126 : vector<1x1x1x16xf32> to vector<16xf32>
        %parallel_loop3A_1128 = vector.shape_cast %parallel_loop3A_1119 : vector<16xf32> to vector<1x1x1x16xf32>
        tpu.vector_store %arg7[%parallel_loop3A_1122, %parallel_loop3A_1123, %parallel_loop3A_1124, %parallel_loop3A_1125], %parallel_loop3A_1128 {strides = array<i32>} : memref<4x4x50x128xf32, #tpu.memory_space<vmem>>, vector<1x1x1x16xf32>,
        %parallel_loop3A_1129 = arith.constant 2 : i32
        %parallel_loop3A_1130 = arith.constant 1 : i32
        %parallel_loop3A_1131 = arith.index_cast %parallel_loop3A_1129 : i32 to index
        %parallel_loop3A_1132 = arith.index_cast %parallel_loop3A_1130 : i32 to index
        %parallel_loop3A_1133 = arith.index_cast %parallel_loop3A_880 : i32 to index
        %parallel_loop3A_1134 = arith.constant 64 : index
        %parallel_loop3A_1135 = tpu.vector_load %arg7[%parallel_loop3A_1131, %parallel_loop3A_1132, %parallel_loop3A_1133, %parallel_loop3A_1134] {strides = array<i32>} : memref<4x4x50x128xf32, #tpu.memory_space<vmem>>, vector<1x1x1x16xf32>,
        %parallel_loop3A_1136 = vector.shape_cast %parallel_loop3A_1135 : vector<1x1x1x16xf32> to vector<16xf32>
        %parallel_loop3A_1137 = arith.addf %parallel_loop3A_1136, %parallel_loop3A_900 : vector<16xf32>
        %parallel_loop3A_1138 = arith.constant 2 : i32
        %parallel_loop3A_1139 = arith.constant 1 : i32
        %parallel_loop3A_1140 = arith.index_cast %parallel_loop3A_1138 : i32 to index
        %parallel_loop3A_1141 = arith.index_cast %parallel_loop3A_1139 : i32 to index
        %parallel_loop3A_1142 = arith.index_cast %parallel_loop3A_880 : i32 to index
        %parallel_loop3A_1143 = arith.constant 64 : index
        %parallel_loop3A_1144 = tpu.vector_load %arg7[%parallel_loop3A_1140, %parallel_loop3A_1141, %parallel_loop3A_1142, %parallel_loop3A_1143] {strides = array<i32>} : memref<4x4x50x128xf32, #tpu.memory_space<vmem>>, vector<1x1x1x16xf32>,
        %parallel_loop3A_1145 = vector.shape_cast %parallel_loop3A_1144 : vector<1x1x1x16xf32> to vector<16xf32>
        %parallel_loop3A_1146 = vector.shape_cast %parallel_loop3A_1137 : vector<16xf32> to vector<1x1x1x16xf32>
        tpu.vector_store %arg7[%parallel_loop3A_1140, %parallel_loop3A_1141, %parallel_loop3A_1142, %parallel_loop3A_1143], %parallel_loop3A_1146 {strides = array<i32>} : memref<4x4x50x128xf32, #tpu.memory_space<vmem>>, vector<1x1x1x16xf32>,
        %parallel_loop3A_1147 = arith.constant 2 : i32
        %parallel_loop3A_1148 = arith.constant 1 : i32
        %parallel_loop3A_1149 = arith.index_cast %parallel_loop3A_1147 : i32 to index
        %parallel_loop3A_1150 = arith.index_cast %parallel_loop3A_1148 : i32 to index
        %parallel_loop3A_1151 = arith.index_cast %parallel_loop3A_880 : i32 to index
        %parallel_loop3A_1152 = arith.constant 80 : index
        %parallel_loop3A_1153 = tpu.vector_load %arg7[%parallel_loop3A_1149, %parallel_loop3A_1150, %parallel_loop3A_1151, %parallel_loop3A_1152] {strides = array<i32>} : memref<4x4x50x128xf32, #tpu.memory_space<vmem>>, vector<1x1x1x16xf32>,
        %parallel_loop3A_1154 = vector.shape_cast %parallel_loop3A_1153 : vector<1x1x1x16xf32> to vector<16xf32>
        %parallel_loop3A_1155 = arith.addf %parallel_loop3A_1154, %parallel_loop3A_904 : vector<16xf32>
        %parallel_loop3A_1156 = arith.constant 2 : i32
        %parallel_loop3A_1157 = arith.constant 1 : i32
        %parallel_loop3A_1158 = arith.index_cast %parallel_loop3A_1156 : i32 to index
        %parallel_loop3A_1159 = arith.index_cast %parallel_loop3A_1157 : i32 to index
        %parallel_loop3A_1160 = arith.index_cast %parallel_loop3A_880 : i32 to index
        %parallel_loop3A_1161 = arith.constant 80 : index
        %parallel_loop3A_1162 = tpu.vector_load %arg7[%parallel_loop3A_1158, %parallel_loop3A_1159, %parallel_loop3A_1160, %parallel_loop3A_1161] {strides = array<i32>} : memref<4x4x50x128xf32, #tpu.memory_space<vmem>>, vector<1x1x1x16xf32>,
        %parallel_loop3A_1163 = vector.shape_cast %parallel_loop3A_1162 : vector<1x1x1x16xf32> to vector<16xf32>
        %parallel_loop3A_1164 = vector.shape_cast %parallel_loop3A_1155 : vector<16xf32> to vector<1x1x1x16xf32>
        tpu.vector_store %arg7[%parallel_loop3A_1158, %parallel_loop3A_1159, %parallel_loop3A_1160, %parallel_loop3A_1161], %parallel_loop3A_1164 {strides = array<i32>} : memref<4x4x50x128xf32, #tpu.memory_space<vmem>>, vector<1x1x1x16xf32>,
        %parallel_loop3A_1165 = arith.constant 2 : i32
        %parallel_loop3A_1166 = arith.constant 1 : i32
        %parallel_loop3A_1167 = arith.index_cast %parallel_loop3A_1165 : i32 to index
        %parallel_loop3A_1168 = arith.index_cast %parallel_loop3A_1166 : i32 to index
        %parallel_loop3A_1169 = arith.index_cast %parallel_loop3A_880 : i32 to index
        %parallel_loop3A_1170 = arith.constant 96 : index
        %parallel_loop3A_1171 = tpu.vector_load %arg7[%parallel_loop3A_1167, %parallel_loop3A_1168, %parallel_loop3A_1169, %parallel_loop3A_1170] {strides = array<i32>} : memref<4x4x50x128xf32, #tpu.memory_space<vmem>>, vector<1x1x1x16xf32>,
        %parallel_loop3A_1172 = vector.shape_cast %parallel_loop3A_1171 : vector<1x1x1x16xf32> to vector<16xf32>
        %parallel_loop3A_1173 = arith.addf %parallel_loop3A_1172, %parallel_loop3A_908 : vector<16xf32>
        %parallel_loop3A_1174 = arith.constant 2 : i32
        %parallel_loop3A_1175 = arith.constant 1 : i32
        %parallel_loop3A_1176 = arith.index_cast %parallel_loop3A_1174 : i32 to index
        %parallel_loop3A_1177 = arith.index_cast %parallel_loop3A_1175 : i32 to index
        %parallel_loop3A_1178 = arith.index_cast %parallel_loop3A_880 : i32 to index
        %parallel_loop3A_1179 = arith.constant 96 : index
        %parallel_loop3A_1180 = tpu.vector_load %arg7[%parallel_loop3A_1176, %parallel_loop3A_1177, %parallel_loop3A_1178, %parallel_loop3A_1179] {strides = array<i32>} : memref<4x4x50x128xf32, #tpu.memory_space<vmem>>, vector<1x1x1x16xf32>,
        %parallel_loop3A_1181 = vector.shape_cast %parallel_loop3A_1180 : vector<1x1x1x16xf32> to vector<16xf32>
        %parallel_loop3A_1182 = vector.shape_cast %parallel_loop3A_1173 : vector<16xf32> to vector<1x1x1x16xf32>
        tpu.vector_store %arg7[%parallel_loop3A_1176, %parallel_loop3A_1177, %parallel_loop3A_1178, %parallel_loop3A_1179], %parallel_loop3A_1182 {strides = array<i32>} : memref<4x4x50x128xf32, #tpu.memory_space<vmem>>, vector<1x1x1x16xf32>,
        %parallel_loop3A_1183 = arith.constant 2 : i32
        %parallel_loop3A_1184 = arith.constant 1 : i32
        %parallel_loop3A_1185 = arith.index_cast %parallel_loop3A_1183 : i32 to index
        %parallel_loop3A_1186 = arith.index_cast %parallel_loop3A_1184 : i32 to index
        %parallel_loop3A_1187 = arith.index_cast %parallel_loop3A_880 : i32 to index
        %parallel_loop3A_1188 = arith.constant 112 : index
        %parallel_loop3A_1189 = tpu.vector_load %arg7[%parallel_loop3A_1185, %parallel_loop3A_1186, %parallel_loop3A_1187, %parallel_loop3A_1188] {strides = array<i32>} : memref<4x4x50x128xf32, #tpu.memory_space<vmem>>, vector<1x1x1x16xf32>,
        %parallel_loop3A_1190 = vector.shape_cast %parallel_loop3A_1189 : vector<1x1x1x16xf32> to vector<16xf32>
        %parallel_loop3A_1191 = arith.addf %parallel_loop3A_1190, %parallel_loop3A_912 : vector<16xf32>
        %parallel_loop3A_1192 = arith.constant 2 : i32
        %parallel_loop3A_1193 = arith.constant 1 : i32
        %parallel_loop3A_1194 = arith.index_cast %parallel_loop3A_1192 : i32 to index
        %parallel_loop3A_1195 = arith.index_cast %parallel_loop3A_1193 : i32 to index
        %parallel_loop3A_1196 = arith.index_cast %parallel_loop3A_880 : i32 to index
        %parallel_loop3A_1197 = arith.constant 112 : index
        %parallel_loop3A_1198 = tpu.vector_load %arg7[%parallel_loop3A_1194, %parallel_loop3A_1195, %parallel_loop3A_1196, %parallel_loop3A_1197] {strides = array<i32>} : memref<4x4x50x128xf32, #tpu.memory_space<vmem>>, vector<1x1x1x16xf32>,
        %parallel_loop3A_1199 = vector.shape_cast %parallel_loop3A_1198 : vector<1x1x1x16xf32> to vector<16xf32>
        %parallel_loop3A_1200 = vector.shape_cast %parallel_loop3A_1191 : vector<16xf32> to vector<1x1x1x16xf32>
        tpu.vector_store %arg7[%parallel_loop3A_1194, %parallel_loop3A_1195, %parallel_loop3A_1196, %parallel_loop3A_1197], %parallel_loop3A_1200 {strides = array<i32>} : memref<4x4x50x128xf32, #tpu.memory_space<vmem>>, vector<1x1x1x16xf32>,
        %parallel_loop3A_1201 = arith.constant 2 : i32
        %parallel_loop3A_1202 = arith.constant 2 : i32
        %parallel_loop3A_1203 = arith.index_cast %parallel_loop3A_1201 : i32 to index
        %parallel_loop3A_1204 = arith.index_cast %parallel_loop3A_1202 : i32 to index
        %parallel_loop3A_1205 = arith.index_cast %parallel_loop3A_880 : i32 to index
        %parallel_loop3A_1206 = arith.constant 0 : index
        %parallel_loop3A_1207 = tpu.vector_load %arg7[%parallel_loop3A_1203, %parallel_loop3A_1204, %parallel_loop3A_1205, %parallel_loop3A_1206] {strides = array<i32>} : memref<4x4x50x128xf32, #tpu.memory_space<vmem>>, vector<1x1x1x16xf32>,
        %parallel_loop3A_1208 = vector.shape_cast %parallel_loop3A_1207 : vector<1x1x1x16xf32> to vector<16xf32>
        %parallel_loop3A_1209 = arith.addf %parallel_loop3A_1208, %parallel_loop3A_884 : vector<16xf32>
        %parallel_loop3A_1210 = arith.constant 2 : i32
        %parallel_loop3A_1211 = arith.constant 2 : i32
        %parallel_loop3A_1212 = arith.index_cast %parallel_loop3A_1210 : i32 to index
        %parallel_loop3A_1213 = arith.index_cast %parallel_loop3A_1211 : i32 to index
        %parallel_loop3A_1214 = arith.index_cast %parallel_loop3A_880 : i32 to index
        %parallel_loop3A_1215 = arith.constant 0 : index
        %parallel_loop3A_1216 = tpu.vector_load %arg7[%parallel_loop3A_1212, %parallel_loop3A_1213, %parallel_loop3A_1214, %parallel_loop3A_1215] {strides = array<i32>} : memref<4x4x50x128xf32, #tpu.memory_space<vmem>>, vector<1x1x1x16xf32>,
        %parallel_loop3A_1217 = vector.shape_cast %parallel_loop3A_1216 : vector<1x1x1x16xf32> to vector<16xf32>
        %parallel_loop3A_1218 = vector.shape_cast %parallel_loop3A_1209 : vector<16xf32> to vector<1x1x1x16xf32>
        tpu.vector_store %arg7[%parallel_loop3A_1212, %parallel_loop3A_1213, %parallel_loop3A_1214, %parallel_loop3A_1215], %parallel_loop3A_1218 {strides = array<i32>} : memref<4x4x50x128xf32, #tpu.memory_space<vmem>>, vector<1x1x1x16xf32>,
        %parallel_loop3A_1219 = arith.constant 2 : i32
        %parallel_loop3A_1220 = arith.constant 2 : i32
        %parallel_loop3A_1221 = arith.index_cast %parallel_loop3A_1219 : i32 to index
        %parallel_loop3A_1222 = arith.index_cast %parallel_loop3A_1220 : i32 to index
        %parallel_loop3A_1223 = arith.index_cast %parallel_loop3A_880 : i32 to index
        %parallel_loop3A_1224 = arith.constant 16 : index
        %parallel_loop3A_1225 = tpu.vector_load %arg7[%parallel_loop3A_1221, %parallel_loop3A_1222, %parallel_loop3A_1223, %parallel_loop3A_1224] {strides = array<i32>} : memref<4x4x50x128xf32, #tpu.memory_space<vmem>>, vector<1x1x1x16xf32>,
        %parallel_loop3A_1226 = vector.shape_cast %parallel_loop3A_1225 : vector<1x1x1x16xf32> to vector<16xf32>
        %parallel_loop3A_1227 = arith.addf %parallel_loop3A_1226, %parallel_loop3A_888 : vector<16xf32>
        %parallel_loop3A_1228 = arith.constant 2 : i32
        %parallel_loop3A_1229 = arith.constant 2 : i32
        %parallel_loop3A_1230 = arith.index_cast %parallel_loop3A_1228 : i32 to index
        %parallel_loop3A_1231 = arith.index_cast %parallel_loop3A_1229 : i32 to index
        %parallel_loop3A_1232 = arith.index_cast %parallel_loop3A_880 : i32 to index
        %parallel_loop3A_1233 = arith.constant 16 : index
        %parallel_loop3A_1234 = tpu.vector_load %arg7[%parallel_loop3A_1230, %parallel_loop3A_1231, %parallel_loop3A_1232, %parallel_loop3A_1233] {strides = array<i32>} : memref<4x4x50x128xf32, #tpu.memory_space<vmem>>, vector<1x1x1x16xf32>,
        %parallel_loop3A_1235 = vector.shape_cast %parallel_loop3A_1234 : vector<1x1x1x16xf32> to vector<16xf32>
        %parallel_loop3A_1236 = vector.shape_cast %parallel_loop3A_1227 : vector<16xf32> to vector<1x1x1x16xf32>
        tpu.vector_store %arg7[%parallel_loop3A_1230, %parallel_loop3A_1231, %parallel_loop3A_1232, %parallel_loop3A_1233], %parallel_loop3A_1236 {strides = array<i32>} : memref<4x4x50x128xf32, #tpu.memory_space<vmem>>, vector<1x1x1x16xf32>,
        %parallel_loop3A_1237 = arith.constant 2 : i32
        %parallel_loop3A_1238 = arith.constant 2 : i32
        %parallel_loop3A_1239 = arith.index_cast %parallel_loop3A_1237 : i32 to index
        %parallel_loop3A_1240 = arith.index_cast %parallel_loop3A_1238 : i32 to index
        %parallel_loop3A_1241 = arith.index_cast %parallel_loop3A_880 : i32 to index
        %parallel_loop3A_1242 = arith.constant 32 : index
        %parallel_loop3A_1243 = tpu.vector_load %arg7[%parallel_loop3A_1239, %parallel_loop3A_1240, %parallel_loop3A_1241, %parallel_loop3A_1242] {strides = array<i32>} : memref<4x4x50x128xf32, #tpu.memory_space<vmem>>, vector<1x1x1x16xf32>,
        %parallel_loop3A_1244 = vector.shape_cast %parallel_loop3A_1243 : vector<1x1x1x16xf32> to vector<16xf32>
        %parallel_loop3A_1245 = arith.addf %parallel_loop3A_1244, %parallel_loop3A_892 : vector<16xf32>
        %parallel_loop3A_1246 = arith.constant 2 : i32
        %parallel_loop3A_1247 = arith.constant 2 : i32
        %parallel_loop3A_1248 = arith.index_cast %parallel_loop3A_1246 : i32 to index
        %parallel_loop3A_1249 = arith.index_cast %parallel_loop3A_1247 : i32 to index
        %parallel_loop3A_1250 = arith.index_cast %parallel_loop3A_880 : i32 to index
        %parallel_loop3A_1251 = arith.constant 32 : index
        %parallel_loop3A_1252 = tpu.vector_load %arg7[%parallel_loop3A_1248, %parallel_loop3A_1249, %parallel_loop3A_1250, %parallel_loop3A_1251] {strides = array<i32>} : memref<4x4x50x128xf32, #tpu.memory_space<vmem>>, vector<1x1x1x16xf32>,
        %parallel_loop3A_1253 = vector.shape_cast %parallel_loop3A_1252 : vector<1x1x1x16xf32> to vector<16xf32>
        %parallel_loop3A_1254 = vector.shape_cast %parallel_loop3A_1245 : vector<16xf32> to vector<1x1x1x16xf32>
        tpu.vector_store %arg7[%parallel_loop3A_1248, %parallel_loop3A_1249, %parallel_loop3A_1250, %parallel_loop3A_1251], %parallel_loop3A_1254 {strides = array<i32>} : memref<4x4x50x128xf32, #tpu.memory_space<vmem>>, vector<1x1x1x16xf32>,
        %parallel_loop3A_1255 = arith.constant 2 : i32
        %parallel_loop3A_1256 = arith.constant 2 : i32
        %parallel_loop3A_1257 = arith.index_cast %parallel_loop3A_1255 : i32 to index
        %parallel_loop3A_1258 = arith.index_cast %parallel_loop3A_1256 : i32 to index
        %parallel_loop3A_1259 = arith.index_cast %parallel_loop3A_880 : i32 to index
        %parallel_loop3A_1260 = arith.constant 48 : index
        %parallel_loop3A_1261 = tpu.vector_load %arg7[%parallel_loop3A_1257, %parallel_loop3A_1258, %parallel_loop3A_1259, %parallel_loop3A_1260] {strides = array<i32>} : memref<4x4x50x128xf32, #tpu.memory_space<vmem>>, vector<1x1x1x16xf32>,
        %parallel_loop3A_1262 = vector.shape_cast %parallel_loop3A_1261 : vector<1x1x1x16xf32> to vector<16xf32>
        %parallel_loop3A_1263 = arith.addf %parallel_loop3A_1262, %parallel_loop3A_896 : vector<16xf32>
        %parallel_loop3A_1264 = arith.constant 2 : i32
        %parallel_loop3A_1265 = arith.constant 2 : i32
        %parallel_loop3A_1266 = arith.index_cast %parallel_loop3A_1264 : i32 to index
        %parallel_loop3A_1267 = arith.index_cast %parallel_loop3A_1265 : i32 to index
        %parallel_loop3A_1268 = arith.index_cast %parallel_loop3A_880 : i32 to index
        %parallel_loop3A_1269 = arith.constant 48 : index
        %parallel_loop3A_1270 = tpu.vector_load %arg7[%parallel_loop3A_1266, %parallel_loop3A_1267, %parallel_loop3A_1268, %parallel_loop3A_1269] {strides = array<i32>} : memref<4x4x50x128xf32, #tpu.memory_space<vmem>>, vector<1x1x1x16xf32>,
        %parallel_loop3A_1271 = vector.shape_cast %parallel_loop3A_1270 : vector<1x1x1x16xf32> to vector<16xf32>
        %parallel_loop3A_1272 = vector.shape_cast %parallel_loop3A_1263 : vector<16xf32> to vector<1x1x1x16xf32>
        tpu.vector_store %arg7[%parallel_loop3A_1266, %parallel_loop3A_1267, %parallel_loop3A_1268, %parallel_loop3A_1269], %parallel_loop3A_1272 {strides = array<i32>} : memref<4x4x50x128xf32, #tpu.memory_space<vmem>>, vector<1x1x1x16xf32>,
        %parallel_loop3A_1273 = arith.constant 2 : i32
        %parallel_loop3A_1274 = arith.constant 2 : i32
        %parallel_loop3A_1275 = arith.index_cast %parallel_loop3A_1273 : i32 to index
        %parallel_loop3A_1276 = arith.index_cast %parallel_loop3A_1274 : i32 to index
        %parallel_loop3A_1277 = arith.index_cast %parallel_loop3A_880 : i32 to index
        %parallel_loop3A_1278 = arith.constant 64 : index
        %parallel_loop3A_1279 = tpu.vector_load %arg7[%parallel_loop3A_1275, %parallel_loop3A_1276, %parallel_loop3A_1277, %parallel_loop3A_1278] {strides = array<i32>} : memref<4x4x50x128xf32, #tpu.memory_space<vmem>>, vector<1x1x1x16xf32>,
        %parallel_loop3A_1280 = vector.shape_cast %parallel_loop3A_1279 : vector<1x1x1x16xf32> to vector<16xf32>
        %parallel_loop3A_1281 = arith.addf %parallel_loop3A_1280, %parallel_loop3A_900 : vector<16xf32>
        %parallel_loop3A_1282 = arith.constant 2 : i32
        %parallel_loop3A_1283 = arith.constant 2 : i32
        %parallel_loop3A_1284 = arith.index_cast %parallel_loop3A_1282 : i32 to index
        %parallel_loop3A_1285 = arith.index_cast %parallel_loop3A_1283 : i32 to index
        %parallel_loop3A_1286 = arith.index_cast %parallel_loop3A_880 : i32 to index
        %parallel_loop3A_1287 = arith.constant 64 : index
        %parallel_loop3A_1288 = tpu.vector_load %arg7[%parallel_loop3A_1284, %parallel_loop3A_1285, %parallel_loop3A_1286, %parallel_loop3A_1287] {strides = array<i32>} : memref<4x4x50x128xf32, #tpu.memory_space<vmem>>, vector<1x1x1x16xf32>,
        %parallel_loop3A_1289 = vector.shape_cast %parallel_loop3A_1288 : vector<1x1x1x16xf32> to vector<16xf32>
        %parallel_loop3A_1290 = vector.shape_cast %parallel_loop3A_1281 : vector<16xf32> to vector<1x1x1x16xf32>
        tpu.vector_store %arg7[%parallel_loop3A_1284, %parallel_loop3A_1285, %parallel_loop3A_1286, %parallel_loop3A_1287], %parallel_loop3A_1290 {strides = array<i32>} : memref<4x4x50x128xf32, #tpu.memory_space<vmem>>, vector<1x1x1x16xf32>,
        %parallel_loop3A_1291 = arith.constant 2 : i32
        %parallel_loop3A_1292 = arith.constant 2 : i32
        %parallel_loop3A_1293 = arith.index_cast %parallel_loop3A_1291 : i32 to index
        %parallel_loop3A_1294 = arith.index_cast %parallel_loop3A_1292 : i32 to index
        %parallel_loop3A_1295 = arith.index_cast %parallel_loop3A_880 : i32 to index
        %parallel_loop3A_1296 = arith.constant 80 : index
        %parallel_loop3A_1297 = tpu.vector_load %arg7[%parallel_loop3A_1293, %parallel_loop3A_1294, %parallel_loop3A_1295, %parallel_loop3A_1296] {strides = array<i32>} : memref<4x4x50x128xf32, #tpu.memory_space<vmem>>, vector<1x1x1x16xf32>,
        %parallel_loop3A_1298 = vector.shape_cast %parallel_loop3A_1297 : vector<1x1x1x16xf32> to vector<16xf32>
        %parallel_loop3A_1299 = arith.addf %parallel_loop3A_1298, %parallel_loop3A_904 : vector<16xf32>
        %parallel_loop3A_1300 = arith.constant 2 : i32
        %parallel_loop3A_1301 = arith.constant 2 : i32
        %parallel_loop3A_1302 = arith.index_cast %parallel_loop3A_1300 : i32 to index
        %parallel_loop3A_1303 = arith.index_cast %parallel_loop3A_1301 : i32 to index
        %parallel_loop3A_1304 = arith.index_cast %parallel_loop3A_880 : i32 to index
        %parallel_loop3A_1305 = arith.constant 80 : index
        %parallel_loop3A_1306 = tpu.vector_load %arg7[%parallel_loop3A_1302, %parallel_loop3A_1303, %parallel_loop3A_1304, %parallel_loop3A_1305] {strides = array<i32>} : memref<4x4x50x128xf32, #tpu.memory_space<vmem>>, vector<1x1x1x16xf32>,
        %parallel_loop3A_1307 = vector.shape_cast %parallel_loop3A_1306 : vector<1x1x1x16xf32> to vector<16xf32>
        %parallel_loop3A_1308 = vector.shape_cast %parallel_loop3A_1299 : vector<16xf32> to vector<1x1x1x16xf32>
        tpu.vector_store %arg7[%parallel_loop3A_1302, %parallel_loop3A_1303, %parallel_loop3A_1304, %parallel_loop3A_1305], %parallel_loop3A_1308 {strides = array<i32>} : memref<4x4x50x128xf32, #tpu.memory_space<vmem>>, vector<1x1x1x16xf32>,
        %parallel_loop3A_1309 = arith.constant 2 : i32
        %parallel_loop3A_1310 = arith.constant 2 : i32
        %parallel_loop3A_1311 = arith.index_cast %parallel_loop3A_1309 : i32 to index
        %parallel_loop3A_1312 = arith.index_cast %parallel_loop3A_1310 : i32 to index
        %parallel_loop3A_1313 = arith.index_cast %parallel_loop3A_880 : i32 to index
        %parallel_loop3A_1314 = arith.constant 96 : index
        %parallel_loop3A_1315 = tpu.vector_load %arg7[%parallel_loop3A_1311, %parallel_loop3A_1312, %parallel_loop3A_1313, %parallel_loop3A_1314] {strides = array<i32>} : memref<4x4x50x128xf32, #tpu.memory_space<vmem>>, vector<1x1x1x16xf32>,
        %parallel_loop3A_1316 = vector.shape_cast %parallel_loop3A_1315 : vector<1x1x1x16xf32> to vector<16xf32>
        %parallel_loop3A_1317 = arith.addf %parallel_loop3A_1316, %parallel_loop3A_908 : vector<16xf32>
        %parallel_loop3A_1318 = arith.constant 2 : i32
        %parallel_loop3A_1319 = arith.constant 2 : i32
        %parallel_loop3A_1320 = arith.index_cast %parallel_loop3A_1318 : i32 to index
        %parallel_loop3A_1321 = arith.index_cast %parallel_loop3A_1319 : i32 to index
        %parallel_loop3A_1322 = arith.index_cast %parallel_loop3A_880 : i32 to index
        %parallel_loop3A_1323 = arith.constant 96 : index
        %parallel_loop3A_1324 = tpu.vector_load %arg7[%parallel_loop3A_1320, %parallel_loop3A_1321, %parallel_loop3A_1322, %parallel_loop3A_1323] {strides = array<i32>} : memref<4x4x50x128xf32, #tpu.memory_space<vmem>>, vector<1x1x1x16xf32>,
        %parallel_loop3A_1325 = vector.shape_cast %parallel_loop3A_1324 : vector<1x1x1x16xf32> to vector<16xf32>
        %parallel_loop3A_1326 = vector.shape_cast %parallel_loop3A_1317 : vector<16xf32> to vector<1x1x1x16xf32>
        tpu.vector_store %arg7[%parallel_loop3A_1320, %parallel_loop3A_1321, %parallel_loop3A_1322, %parallel_loop3A_1323], %parallel_loop3A_1326 {strides = array<i32>} : memref<4x4x50x128xf32, #tpu.memory_space<vmem>>, vector<1x1x1x16xf32>,
        %parallel_loop3A_1327 = arith.constant 2 : i32
        %parallel_loop3A_1328 = arith.constant 2 : i32
        %parallel_loop3A_1329 = arith.index_cast %parallel_loop3A_1327 : i32 to index
        %parallel_loop3A_1330 = arith.index_cast %parallel_loop3A_1328 : i32 to index
        %parallel_loop3A_1331 = arith.index_cast %parallel_loop3A_880 : i32 to index
        %parallel_loop3A_1332 = arith.constant 112 : index
        %parallel_loop3A_1333 = tpu.vector_load %arg7[%parallel_loop3A_1329, %parallel_loop3A_1330, %parallel_loop3A_1331, %parallel_loop3A_1332] {strides = array<i32>} : memref<4x4x50x128xf32, #tpu.memory_space<vmem>>, vector<1x1x1x16xf32>,
        %parallel_loop3A_1334 = vector.shape_cast %parallel_loop3A_1333 : vector<1x1x1x16xf32> to vector<16xf32>
        %parallel_loop3A_1335 = arith.addf %parallel_loop3A_1334, %parallel_loop3A_912 : vector<16xf32>
        %parallel_loop3A_1336 = arith.constant 2 : i32
        %parallel_loop3A_1337 = arith.constant 2 : i32
        %parallel_loop3A_1338 = arith.index_cast %parallel_loop3A_1336 : i32 to index
        %parallel_loop3A_1339 = arith.index_cast %parallel_loop3A_1337 : i32 to index
        %parallel_loop3A_1340 = arith.index_cast %parallel_loop3A_880 : i32 to index
        %parallel_loop3A_1341 = arith.constant 112 : index
        %parallel_loop3A_1342 = tpu.vector_load %arg7[%parallel_loop3A_1338, %parallel_loop3A_1339, %parallel_loop3A_1340, %parallel_loop3A_1341] {strides = array<i32>} : memref<4x4x50x128xf32, #tpu.memory_space<vmem>>, vector<1x1x1x16xf32>,
        %parallel_loop3A_1343 = vector.shape_cast %parallel_loop3A_1342 : vector<1x1x1x16xf32> to vector<16xf32>
        %parallel_loop3A_1344 = vector.shape_cast %parallel_loop3A_1335 : vector<16xf32> to vector<1x1x1x16xf32>
        tpu.vector_store %arg7[%parallel_loop3A_1338, %parallel_loop3A_1339, %parallel_loop3A_1340, %parallel_loop3A_1341], %parallel_loop3A_1344 {strides = array<i32>} : memref<4x4x50x128xf32, #tpu.memory_space<vmem>>, vector<1x1x1x16xf32>,
        %parallel_loop3A_1345 = arith.constant 2 : i32
        %parallel_loop3A_1346 = arith.constant 3 : i32
        %parallel_loop3A_1347 = arith.index_cast %parallel_loop3A_1345 : i32 to index
        %parallel_loop3A_1348 = arith.index_cast %parallel_loop3A_1346 : i32 to index
        %parallel_loop3A_1349 = arith.index_cast %parallel_loop3A_880 : i32 to index
        %parallel_loop3A_1350 = arith.constant 0 : index
        %parallel_loop3A_1351 = tpu.vector_load %arg7[%parallel_loop3A_1347, %parallel_loop3A_1348, %parallel_loop3A_1349, %parallel_loop3A_1350] {strides = array<i32>} : memref<4x4x50x128xf32, #tpu.memory_space<vmem>>, vector<1x1x1x16xf32>,
        %parallel_loop3A_1352 = vector.shape_cast %parallel_loop3A_1351 : vector<1x1x1x16xf32> to vector<16xf32>
        %parallel_loop3A_1353 = arith.addf %parallel_loop3A_1352, %parallel_loop3A_884 : vector<16xf32>
        %parallel_loop3A_1354 = arith.constant 2 : i32
        %parallel_loop3A_1355 = arith.constant 3 : i32
        %parallel_loop3A_1356 = arith.index_cast %parallel_loop3A_1354 : i32 to index
        %parallel_loop3A_1357 = arith.index_cast %parallel_loop3A_1355 : i32 to index
        %parallel_loop3A_1358 = arith.index_cast %parallel_loop3A_880 : i32 to index
        %parallel_loop3A_1359 = arith.constant 0 : index
        %parallel_loop3A_1360 = tpu.vector_load %arg7[%parallel_loop3A_1356, %parallel_loop3A_1357, %parallel_loop3A_1358, %parallel_loop3A_1359] {strides = array<i32>} : memref<4x4x50x128xf32, #tpu.memory_space<vmem>>, vector<1x1x1x16xf32>,
        %parallel_loop3A_1361 = vector.shape_cast %parallel_loop3A_1360 : vector<1x1x1x16xf32> to vector<16xf32>
        %parallel_loop3A_1362 = vector.shape_cast %parallel_loop3A_1353 : vector<16xf32> to vector<1x1x1x16xf32>
        tpu.vector_store %arg7[%parallel_loop3A_1356, %parallel_loop3A_1357, %parallel_loop3A_1358, %parallel_loop3A_1359], %parallel_loop3A_1362 {strides = array<i32>} : memref<4x4x50x128xf32, #tpu.memory_space<vmem>>, vector<1x1x1x16xf32>,
        %parallel_loop3A_1363 = arith.constant 2 : i32
        %parallel_loop3A_1364 = arith.constant 3 : i32
        %parallel_loop3A_1365 = arith.index_cast %parallel_loop3A_1363 : i32 to index
        %parallel_loop3A_1366 = arith.index_cast %parallel_loop3A_1364 : i32 to index
        %parallel_loop3A_1367 = arith.index_cast %parallel_loop3A_880 : i32 to index
        %parallel_loop3A_1368 = arith.constant 16 : index
        %parallel_loop3A_1369 = tpu.vector_load %arg7[%parallel_loop3A_1365, %parallel_loop3A_1366, %parallel_loop3A_1367, %parallel_loop3A_1368] {strides = array<i32>} : memref<4x4x50x128xf32, #tpu.memory_space<vmem>>, vector<1x1x1x16xf32>,
        %parallel_loop3A_1370 = vector.shape_cast %parallel_loop3A_1369 : vector<1x1x1x16xf32> to vector<16xf32>
        %parallel_loop3A_1371 = arith.addf %parallel_loop3A_1370, %parallel_loop3A_888 : vector<16xf32>
        %parallel_loop3A_1372 = arith.constant 2 : i32
        %parallel_loop3A_1373 = arith.constant 3 : i32
        %parallel_loop3A_1374 = arith.index_cast %parallel_loop3A_1372 : i32 to index
        %parallel_loop3A_1375 = arith.index_cast %parallel_loop3A_1373 : i32 to index
        %parallel_loop3A_1376 = arith.index_cast %parallel_loop3A_880 : i32 to index
        %parallel_loop3A_1377 = arith.constant 16 : index
        %parallel_loop3A_1378 = tpu.vector_load %arg7[%parallel_loop3A_1374, %parallel_loop3A_1375, %parallel_loop3A_1376, %parallel_loop3A_1377] {strides = array<i32>} : memref<4x4x50x128xf32, #tpu.memory_space<vmem>>, vector<1x1x1x16xf32>,
        %parallel_loop3A_1379 = vector.shape_cast %parallel_loop3A_1378 : vector<1x1x1x16xf32> to vector<16xf32>
        %parallel_loop3A_1380 = vector.shape_cast %parallel_loop3A_1371 : vector<16xf32> to vector<1x1x1x16xf32>
        tpu.vector_store %arg7[%parallel_loop3A_1374, %parallel_loop3A_1375, %parallel_loop3A_1376, %parallel_loop3A_1377], %parallel_loop3A_1380 {strides = array<i32>} : memref<4x4x50x128xf32, #tpu.memory_space<vmem>>, vector<1x1x1x16xf32>,
        %parallel_loop3A_1381 = arith.constant 2 : i32
        %parallel_loop3A_1382 = arith.constant 3 : i32
        %parallel_loop3A_1383 = arith.index_cast %parallel_loop3A_1381 : i32 to index
        %parallel_loop3A_1384 = arith.index_cast %parallel_loop3A_1382 : i32 to index
        %parallel_loop3A_1385 = arith.index_cast %parallel_loop3A_880 : i32 to index
        %parallel_loop3A_1386 = arith.constant 32 : index
        %parallel_loop3A_1387 = tpu.vector_load %arg7[%parallel_loop3A_1383, %parallel_loop3A_1384, %parallel_loop3A_1385, %parallel_loop3A_1386] {strides = array<i32>} : memref<4x4x50x128xf32, #tpu.memory_space<vmem>>, vector<1x1x1x16xf32>,
        %parallel_loop3A_1388 = vector.shape_cast %parallel_loop3A_1387 : vector<1x1x1x16xf32> to vector<16xf32>
        %parallel_loop3A_1389 = arith.addf %parallel_loop3A_1388, %parallel_loop3A_892 : vector<16xf32>
        %parallel_loop3A_1390 = arith.constant 2 : i32
        %parallel_loop3A_1391 = arith.constant 3 : i32
        %parallel_loop3A_1392 = arith.index_cast %parallel_loop3A_1390 : i32 to index
        %parallel_loop3A_1393 = arith.index_cast %parallel_loop3A_1391 : i32 to index
        %parallel_loop3A_1394 = arith.index_cast %parallel_loop3A_880 : i32 to index
        %parallel_loop3A_1395 = arith.constant 32 : index
        %parallel_loop3A_1396 = tpu.vector_load %arg7[%parallel_loop3A_1392, %parallel_loop3A_1393, %parallel_loop3A_1394, %parallel_loop3A_1395] {strides = array<i32>} : memref<4x4x50x128xf32, #tpu.memory_space<vmem>>, vector<1x1x1x16xf32>,
        %parallel_loop3A_1397 = vector.shape_cast %parallel_loop3A_1396 : vector<1x1x1x16xf32> to vector<16xf32>
        %parallel_loop3A_1398 = vector.shape_cast %parallel_loop3A_1389 : vector<16xf32> to vector<1x1x1x16xf32>
        tpu.vector_store %arg7[%parallel_loop3A_1392, %parallel_loop3A_1393, %parallel_loop3A_1394, %parallel_loop3A_1395], %parallel_loop3A_1398 {strides = array<i32>} : memref<4x4x50x128xf32, #tpu.memory_space<vmem>>, vector<1x1x1x16xf32>,
        %parallel_loop3A_1399 = arith.constant 2 : i32
        %parallel_loop3A_1400 = arith.constant 3 : i32
        %parallel_loop3A_1401 = arith.index_cast %parallel_loop3A_1399 : i32 to index
        %parallel_loop3A_1402 = arith.index_cast %parallel_loop3A_1400 : i32 to index
        %parallel_loop3A_1403 = arith.index_cast %parallel_loop3A_880 : i32 to index
        %parallel_loop3A_1404 = arith.constant 48 : index
        %parallel_loop3A_1405 = tpu.vector_load %arg7[%parallel_loop3A_1401, %parallel_loop3A_1402, %parallel_loop3A_1403, %parallel_loop3A_1404] {strides = array<i32>} : memref<4x4x50x128xf32, #tpu.memory_space<vmem>>, vector<1x1x1x16xf32>,
        %parallel_loop3A_1406 = vector.shape_cast %parallel_loop3A_1405 : vector<1x1x1x16xf32> to vector<16xf32>
        %parallel_loop3A_1407 = arith.addf %parallel_loop3A_1406, %parallel_loop3A_896 : vector<16xf32>
        %parallel_loop3A_1408 = arith.constant 2 : i32
        %parallel_loop3A_1409 = arith.constant 3 : i32
        %parallel_loop3A_1410 = arith.index_cast %parallel_loop3A_1408 : i32 to index
        %parallel_loop3A_1411 = arith.index_cast %parallel_loop3A_1409 : i32 to index
        %parallel_loop3A_1412 = arith.index_cast %parallel_loop3A_880 : i32 to index
        %parallel_loop3A_1413 = arith.constant 48 : index
        %parallel_loop3A_1414 = tpu.vector_load %arg7[%parallel_loop3A_1410, %parallel_loop3A_1411, %parallel_loop3A_1412, %parallel_loop3A_1413] {strides = array<i32>} : memref<4x4x50x128xf32, #tpu.memory_space<vmem>>, vector<1x1x1x16xf32>,
        %parallel_loop3A_1415 = vector.shape_cast %parallel_loop3A_1414 : vector<1x1x1x16xf32> to vector<16xf32>
        %parallel_loop3A_1416 = vector.shape_cast %parallel_loop3A_1407 : vector<16xf32> to vector<1x1x1x16xf32>
        tpu.vector_store %arg7[%parallel_loop3A_1410, %parallel_loop3A_1411, %parallel_loop3A_1412, %parallel_loop3A_1413], %parallel_loop3A_1416 {strides = array<i32>} : memref<4x4x50x128xf32, #tpu.memory_space<vmem>>, vector<1x1x1x16xf32>,
        %parallel_loop3A_1417 = arith.constant 2 : i32
        %parallel_loop3A_1418 = arith.constant 3 : i32
        %parallel_loop3A_1419 = arith.index_cast %parallel_loop3A_1417 : i32 to index
        %parallel_loop3A_1420 = arith.index_cast %parallel_loop3A_1418 : i32 to index
        %parallel_loop3A_1421 = arith.index_cast %parallel_loop3A_880 : i32 to index
        %parallel_loop3A_1422 = arith.constant 64 : index
        %parallel_loop3A_1423 = tpu.vector_load %arg7[%parallel_loop3A_1419, %parallel_loop3A_1420, %parallel_loop3A_1421, %parallel_loop3A_1422] {strides = array<i32>} : memref<4x4x50x128xf32, #tpu.memory_space<vmem>>, vector<1x1x1x16xf32>,
        %parallel_loop3A_1424 = vector.shape_cast %parallel_loop3A_1423 : vector<1x1x1x16xf32> to vector<16xf32>
        %parallel_loop3A_1425 = arith.addf %parallel_loop3A_1424, %parallel_loop3A_900 : vector<16xf32>
        %parallel_loop3A_1426 = arith.constant 2 : i32
        %parallel_loop3A_1427 = arith.constant 3 : i32
        %parallel_loop3A_1428 = arith.index_cast %parallel_loop3A_1426 : i32 to index
        %parallel_loop3A_1429 = arith.index_cast %parallel_loop3A_1427 : i32 to index
        %parallel_loop3A_1430 = arith.index_cast %parallel_loop3A_880 : i32 to index
        %parallel_loop3A_1431 = arith.constant 64 : index
        %parallel_loop3A_1432 = tpu.vector_load %arg7[%parallel_loop3A_1428, %parallel_loop3A_1429, %parallel_loop3A_1430, %parallel_loop3A_1431] {strides = array<i32>} : memref<4x4x50x128xf32, #tpu.memory_space<vmem>>, vector<1x1x1x16xf32>,
        %parallel_loop3A_1433 = vector.shape_cast %parallel_loop3A_1432 : vector<1x1x1x16xf32> to vector<16xf32>
        %parallel_loop3A_1434 = vector.shape_cast %parallel_loop3A_1425 : vector<16xf32> to vector<1x1x1x16xf32>
        tpu.vector_store %arg7[%parallel_loop3A_1428, %parallel_loop3A_1429, %parallel_loop3A_1430, %parallel_loop3A_1431], %parallel_loop3A_1434 {strides = array<i32>} : memref<4x4x50x128xf32, #tpu.memory_space<vmem>>, vector<1x1x1x16xf32>,
        %parallel_loop3A_1435 = arith.constant 2 : i32
        %parallel_loop3A_1436 = arith.constant 3 : i32
        %parallel_loop3A_1437 = arith.index_cast %parallel_loop3A_1435 : i32 to index
        %parallel_loop3A_1438 = arith.index_cast %parallel_loop3A_1436 : i32 to index
        %parallel_loop3A_1439 = arith.index_cast %parallel_loop3A_880 : i32 to index
        %parallel_loop3A_1440 = arith.constant 80 : index
        %parallel_loop3A_1441 = tpu.vector_load %arg7[%parallel_loop3A_1437, %parallel_loop3A_1438, %parallel_loop3A_1439, %parallel_loop3A_1440] {strides = array<i32>} : memref<4x4x50x128xf32, #tpu.memory_space<vmem>>, vector<1x1x1x16xf32>,
        %parallel_loop3A_1442 = vector.shape_cast %parallel_loop3A_1441 : vector<1x1x1x16xf32> to vector<16xf32>
        %parallel_loop3A_1443 = arith.addf %parallel_loop3A_1442, %parallel_loop3A_904 : vector<16xf32>
        %parallel_loop3A_1444 = arith.constant 2 : i32
        %parallel_loop3A_1445 = arith.constant 3 : i32
        %parallel_loop3A_1446 = arith.index_cast %parallel_loop3A_1444 : i32 to index
        %parallel_loop3A_1447 = arith.index_cast %parallel_loop3A_1445 : i32 to index
        %parallel_loop3A_1448 = arith.index_cast %parallel_loop3A_880 : i32 to index
        %parallel_loop3A_1449 = arith.constant 80 : index
        %parallel_loop3A_1450 = tpu.vector_load %arg7[%parallel_loop3A_1446, %parallel_loop3A_1447, %parallel_loop3A_1448, %parallel_loop3A_1449] {strides = array<i32>} : memref<4x4x50x128xf32, #tpu.memory_space<vmem>>, vector<1x1x1x16xf32>,
        %parallel_loop3A_1451 = vector.shape_cast %parallel_loop3A_1450 : vector<1x1x1x16xf32> to vector<16xf32>
        %parallel_loop3A_1452 = vector.shape_cast %parallel_loop3A_1443 : vector<16xf32> to vector<1x1x1x16xf32>
        tpu.vector_store %arg7[%parallel_loop3A_1446, %parallel_loop3A_1447, %parallel_loop3A_1448, %parallel_loop3A_1449], %parallel_loop3A_1452 {strides = array<i32>} : memref<4x4x50x128xf32, #tpu.memory_space<vmem>>, vector<1x1x1x16xf32>,
        %parallel_loop3A_1453 = arith.constant 2 : i32
        %parallel_loop3A_1454 = arith.constant 3 : i32
        %parallel_loop3A_1455 = arith.index_cast %parallel_loop3A_1453 : i32 to index
        %parallel_loop3A_1456 = arith.index_cast %parallel_loop3A_1454 : i32 to index
        %parallel_loop3A_1457 = arith.index_cast %parallel_loop3A_880 : i32 to index
        %parallel_loop3A_1458 = arith.constant 96 : index
        %parallel_loop3A_1459 = tpu.vector_load %arg7[%parallel_loop3A_1455, %parallel_loop3A_1456, %parallel_loop3A_1457, %parallel_loop3A_1458] {strides = array<i32>} : memref<4x4x50x128xf32, #tpu.memory_space<vmem>>, vector<1x1x1x16xf32>,
        %parallel_loop3A_1460 = vector.shape_cast %parallel_loop3A_1459 : vector<1x1x1x16xf32> to vector<16xf32>
        %parallel_loop3A_1461 = arith.addf %parallel_loop3A_1460, %parallel_loop3A_908 : vector<16xf32>
        %parallel_loop3A_1462 = arith.constant 2 : i32
        %parallel_loop3A_1463 = arith.constant 3 : i32
        %parallel_loop3A_1464 = arith.index_cast %parallel_loop3A_1462 : i32 to index
        %parallel_loop3A_1465 = arith.index_cast %parallel_loop3A_1463 : i32 to index
        %parallel_loop3A_1466 = arith.index_cast %parallel_loop3A_880 : i32 to index
        %parallel_loop3A_1467 = arith.constant 96 : index
        %parallel_loop3A_1468 = tpu.vector_load %arg7[%parallel_loop3A_1464, %parallel_loop3A_1465, %parallel_loop3A_1466, %parallel_loop3A_1467] {strides = array<i32>} : memref<4x4x50x128xf32, #tpu.memory_space<vmem>>, vector<1x1x1x16xf32>,
        %parallel_loop3A_1469 = vector.shape_cast %parallel_loop3A_1468 : vector<1x1x1x16xf32> to vector<16xf32>
        %parallel_loop3A_1470 = vector.shape_cast %parallel_loop3A_1461 : vector<16xf32> to vector<1x1x1x16xf32>
        tpu.vector_store %arg7[%parallel_loop3A_1464, %parallel_loop3A_1465, %parallel_loop3A_1466, %parallel_loop3A_1467], %parallel_loop3A_1470 {strides = array<i32>} : memref<4x4x50x128xf32, #tpu.memory_space<vmem>>, vector<1x1x1x16xf32>,
        %parallel_loop3A_1471 = arith.constant 2 : i32
        %parallel_loop3A_1472 = arith.constant 3 : i32
        %parallel_loop3A_1473 = arith.index_cast %parallel_loop3A_1471 : i32 to index
        %parallel_loop3A_1474 = arith.index_cast %parallel_loop3A_1472 : i32 to index
        %parallel_loop3A_1475 = arith.index_cast %parallel_loop3A_880 : i32 to index
        %parallel_loop3A_1476 = arith.constant 112 : index
        %parallel_loop3A_1477 = tpu.vector_load %arg7[%parallel_loop3A_1473, %parallel_loop3A_1474, %parallel_loop3A_1475, %parallel_loop3A_1476] {strides = array<i32>} : memref<4x4x50x128xf32, #tpu.memory_space<vmem>>, vector<1x1x1x16xf32>,
        %parallel_loop3A_1478 = vector.shape_cast %parallel_loop3A_1477 : vector<1x1x1x16xf32> to vector<16xf32>
        %parallel_loop3A_1479 = arith.addf %parallel_loop3A_1478, %parallel_loop3A_912 : vector<16xf32>
        %parallel_loop3A_1480 = arith.constant 2 : i32
        %parallel_loop3A_1481 = arith.constant 3 : i32
        %parallel_loop3A_1482 = arith.index_cast %parallel_loop3A_1480 : i32 to index
        %parallel_loop3A_1483 = arith.index_cast %parallel_loop3A_1481 : i32 to index
        %parallel_loop3A_1484 = arith.index_cast %parallel_loop3A_880 : i32 to index
        %parallel_loop3A_1485 = arith.constant 112 : index
        %parallel_loop3A_1486 = tpu.vector_load %arg7[%parallel_loop3A_1482, %parallel_loop3A_1483, %parallel_loop3A_1484, %parallel_loop3A_1485] {strides = array<i32>} : memref<4x4x50x128xf32, #tpu.memory_space<vmem>>, vector<1x1x1x16xf32>,
        %parallel_loop3A_1487 = vector.shape_cast %parallel_loop3A_1486 : vector<1x1x1x16xf32> to vector<16xf32>
        %parallel_loop3A_1488 = vector.shape_cast %parallel_loop3A_1479 : vector<16xf32> to vector<1x1x1x16xf32>
        tpu.vector_store %arg7[%parallel_loop3A_1482, %parallel_loop3A_1483, %parallel_loop3A_1484, %parallel_loop3A_1485], %parallel_loop3A_1488 {strides = array<i32>} : memref<4x4x50x128xf32, #tpu.memory_space<vmem>>, vector<1x1x1x16xf32>,
      } {sc.loop_unroll_factor = 2 : i64, sc.parallel_access}
      %dma_start3A_726 = arith.constant 2 : i32
      %dma_start3A_727 = arith.constant 0 : i32
      %dma_start3A_728 = arith.constant 0 : i32
      %dma_start3A_729 = arith.constant 0 : i32
      %dma_start3A_730 = tpu.memref_slice %arg7[%dma_start3A_726, %dma_start3A_727, %dma_start3A_728, %dma_start3A_729] : memref<4x4x50x128xf32, #tpu.memory_space<vmem>> -> memref<1x4x50x128xf32, #tpu.memory_space<vmem>>
      %dma_start3A_731 = tpu.memref_squeeze %dma_start3A_730 : memref<1x4x50x128xf32, #tpu.memory_space<vmem>> -> memref<4x50x128xf32, #tpu.memory_space<vmem>>
      %dma_start3A_732 = arith.constant 0 : i32
      %dma_start3A_733 = arith.constant 0 : i32
      %dma_start3A_734 = tpu.memref_slice %arg5[%mul3A_630, %dma_start3A_732, %dma_start3A_733] : memref<4096x50x128xf32, #tpu.memory_space<hbm>> -> memref<4x50x128xf32, #tpu.memory_space<hbm>>
      %dma_start3A_735 = arith.constant 0 : i32
      %dma_start3A_736 = arith.constant 0 : i32
      %dma_start3A_737 = tpu.memref_slice %arg5[%mul3A_630, %dma_start3A_735, %dma_start3A_736] : memref<4096x50x128xf32, #tpu.memory_space<hbm>> -> memref<4x50x128xf32, #tpu.memory_space<hbm>>
      %dma_start3A_738 = arith.constant 0 : i32
      %dma_start3A_739 = arith.constant 0 : i32
      %dma_start3A_740 = arith.constant 0 : i32
      %dma_start3A_741 = tpu.memref_slice %arg7[%dma_start3A_726, %dma_start3A_738, %dma_start3A_739, %dma_start3A_740] : memref<4x4x50x128xf32, #tpu.memory_space<vmem>> -> memref<1x4x50x128xf32, #tpu.memory_space<vmem>>
      %dma_start3A_742 = tpu.memref_squeeze %dma_start3A_741 : memref<1x4x50x128xf32, #tpu.memory_space<vmem>> -> memref<4x50x128xf32, #tpu.memory_space<vmem>>
      tpu.enqueue_dma source(%dma_start3A_742 : memref<4x50x128xf32, #tpu.memory_space<vmem>>) target(%dma_start3A_737 : memref<4x50x128xf32, #tpu.memory_space<hbm>>) target_semaphore(%arg15 : memref<!tpu.dma_semaphore, #tpu.memory_space<semaphore_mem>>)
      %add3A_743 = arith.constant 4 : i32
      %add3A_744 = arith.addi %add3A_627, %add3A_743 : i32
      %sub3A_745 = arith.constant 1 : i32
      %sub3A_746 = arith.subi %add3A_744, %sub3A_745 : i32
      %lt3A_747 = arith.constant 32 : i32
      %lt3A_748 = arith.cmpi slt, %sub3A_746, %lt3A_747 : i32
      %convert_element_type3A_749 = arith.extui %lt3A_748 : i1 to i32
      %cond3A_750 = arith.constant 0 : i32
      %cond3A_751 = arith.cmpi ne, %convert_element_type3A_749, %cond3A_750 : i32
      scf.if %cond3A_751 {
        %ge3A = arith.constant 1 : i32
        %ge3A_880 = arith.cmpi sge, %add3A_627, %ge3A : i32
        %convert_element_type3A_881 = arith.extui %ge3A_880 : i1 to i32
        %cond3A_882 = arith.constant 0 : i32
        %cond3A_883 = arith.cmpi ne, %convert_element_type3A_881, %cond3A_882 : i32
        scf.if %cond3A_883 {
          %dma_wait3A_980 = arith.constant 1 : i32
          %dma_wait3A_981 = arith.constant 0 : i32
          %dma_wait3A_982 = arith.constant 0 : i32
          %dma_wait3A_983 = arith.constant 0 : i32
          %dma_wait3A_984 = tpu.memref_slice %arg7[%dma_wait3A_980, %dma_wait3A_981, %dma_wait3A_982, %dma_wait3A_983] : memref<4x4x50x128xf32, #tpu.memory_space<vmem>> -> memref<1x4x50x128xf32, #tpu.memory_space<vmem>>
          %dma_wait3A_985 = tpu.memref_squeeze %dma_wait3A_984 : memref<1x4x50x128xf32, #tpu.memory_space<vmem>> -> memref<4x50x128xf32, #tpu.memory_space<vmem>>
          %dma_wait3A_986 = arith.constant 0 : i32
          %dma_wait3A_987 = arith.constant 0 : i32
          %dma_wait3A_988 = arith.constant 0 : i32
          %dma_wait3A_989 = tpu.memref_slice %arg5[%dma_wait3A_986, %dma_wait3A_987, %dma_wait3A_988] : memref<4096x50x128xf32, #tpu.memory_space<hbm>> -> memref<4x50x128xf32, #tpu.memory_space<hbm>>
          %dma_wait3A_990 = arith.constant 0 : i32
          %dma_wait3A_991 = arith.constant 0 : i32
          %dma_wait3A_992 = arith.constant 0 : i32
          %dma_wait3A_993 = tpu.memref_slice %arg5[%dma_wait3A_990, %dma_wait3A_991, %dma_wait3A_992] : memref<4096x50x128xf32, #tpu.memory_space<hbm>> -> memref<4x50x128xf32, #tpu.memory_space<hbm>>
          %dma_wait3A_994 = arith.constant 0 : i32
          %dma_wait3A_995 = arith.constant 0 : i32
          %dma_wait3A_996 = arith.constant 0 : i32
          %dma_wait3A_997 = tpu.memref_slice %arg7[%dma_wait3A_980, %dma_wait3A_994, %dma_wait3A_995, %dma_wait3A_996] : memref<4x4x50x128xf32, #tpu.memory_space<vmem>> -> memref<1x4x50x128xf32, #tpu.memory_space<vmem>>
          %dma_wait3A_998 = tpu.memref_squeeze %dma_wait3A_997 : memref<1x4x50x128xf32, #tpu.memory_space<vmem>> -> memref<4x50x128xf32, #tpu.memory_space<vmem>>
          tpu.wait_dma2 semaphore(%arg14 : memref<!tpu.dma_semaphore, #tpu.memory_space<semaphore_mem>>) src(%dma_wait3A_998 : memref<4x50x128xf32, #tpu.memory_space<vmem>>) dst(%dma_wait3A_993 : memref<4x50x128xf32, #tpu.memory_space<hbm>>)
        } else {
        }
        %add3A_884 = arith.addi %mul3A_2, %sub3A_746 : i32
        %mul3A_885 = arith.constant 4 : i32
        %mul3A_886 = arith.muli %add3A_884, %mul3A_885 : i32
        %run_scoped3A_887 = arith.constant 1 : i32
        "tpu.region"() ({
          %run_scoped3A_980 = tpu.sem_alloc : memref<!tpu.dma_semaphore, #tpu.memory_space<semaphore_mem>>
          %dma_start3A_981 = arith.constant 0 : i32
          %dma_start3A_982 = arith.constant 0 : i32
          %dma_start3A_983 = tpu.memref_slice %arg6[%run_scoped3A_887, %dma_start3A_981, %dma_start3A_982] : memref<4x4x50xi32, #tpu.memory_space<vmem>> -> memref<1x4x50xi32, #tpu.memory_space<vmem>>
          %dma_start3A_984 = tpu.memref_squeeze %dma_start3A_983 : memref<1x4x50xi32, #tpu.memory_space<vmem>> -> memref<4x50xi32, #tpu.memory_space<vmem>>
          %dma_start3A_985 = arith.constant 0 : i32
          %dma_start3A_986 = tpu.memref_slice %arg2[%mul3A_886, %dma_start3A_985] : memref<4096x50xi32, #tpu.memory_space<hbm>> -> memref<4x50xi32, #tpu.memory_space<hbm>>
          %dma_start3A_987 = arith.constant 0 : i32
          %dma_start3A_988 = arith.constant 0 : i32
          %dma_start3A_989 = tpu.memref_slice %arg6[%run_scoped3A_887, %dma_start3A_987, %dma_start3A_988] : memref<4x4x50xi32, #tpu.memory_space<vmem>> -> memref<1x4x50xi32, #tpu.memory_space<vmem>>
          %dma_start3A_990 = tpu.memref_squeeze %dma_start3A_989 : memref<1x4x50xi32, #tpu.memory_space<vmem>> -> memref<4x50xi32, #tpu.memory_space<vmem>>
          %dma_start3A_991 = arith.constant 0 : i32
          %dma_start3A_992 = tpu.memref_slice %arg2[%mul3A_886, %dma_start3A_991] : memref<4096x50xi32, #tpu.memory_space<hbm>> -> memref<4x50xi32, #tpu.memory_space<hbm>>
          tpu.enqueue_dma source(%dma_start3A_992 : memref<4x50xi32, #tpu.memory_space<hbm>>) target(%dma_start3A_990 : memref<4x50xi32, #tpu.memory_space<vmem>>) target_semaphore(%run_scoped3A_980 : memref<!tpu.dma_semaphore, #tpu.memory_space<semaphore_mem>>)
          %dma_wait3A_993 = arith.constant 0 : i32
          %dma_wait3A_994 = arith.constant 0 : i32
          %dma_wait3A_995 = tpu.memref_slice %arg6[%run_scoped3A_887, %dma_wait3A_993, %dma_wait3A_994] : memref<4x4x50xi32, #tpu.memory_space<vmem>> -> memref<1x4x50xi32, #tpu.memory_space<vmem>>
          %dma_wait3A_996 = tpu.memref_squeeze %dma_wait3A_995 : memref<1x4x50xi32, #tpu.memory_space<vmem>> -> memref<4x50xi32, #tpu.memory_space<vmem>>
          %dma_wait3A_997 = arith.constant 0 : i32
          %dma_wait3A_998 = tpu.memref_slice %arg2[%mul3A_886, %dma_wait3A_997] : memref<4096x50xi32, #tpu.memory_space<hbm>> -> memref<4x50xi32, #tpu.memory_space<hbm>>
          %dma_wait3A_999 = arith.constant 0 : i32
          %dma_wait3A_1000 = arith.constant 0 : i32
          %dma_wait3A_1001 = tpu.memref_slice %arg6[%run_scoped3A_887, %dma_wait3A_999, %dma_wait3A_1000] : memref<4x4x50xi32, #tpu.memory_space<vmem>> -> memref<1x4x50xi32, #tpu.memory_space<vmem>>
          %dma_wait3A_1002 = tpu.memref_squeeze %dma_wait3A_1001 : memref<1x4x50xi32, #tpu.memory_space<vmem>> -> memref<4x50xi32, #tpu.memory_space<vmem>>
          %dma_wait3A_1003 = arith.constant 0 : i32
          %dma_wait3A_1004 = tpu.memref_slice %arg2[%mul3A_886, %dma_wait3A_1003] : memref<4096x50xi32, #tpu.memory_space<hbm>> -> memref<4x50xi32, #tpu.memory_space<hbm>>
          tpu.wait_dma2 semaphore(%run_scoped3A_980 : memref<!tpu.dma_semaphore, #tpu.memory_space<semaphore_mem>>) src(%dma_wait3A_1004 : memref<4x50xi32, #tpu.memory_space<hbm>>) dst(%dma_wait3A_1002 : memref<4x50xi32, #tpu.memory_space<vmem>>)
          tpu.yield
        }) : () -> ()
        %dma_start3A_888 = arith.constant 1 : i32
        %dma_start3A_889 = arith.constant 0 : i32
        %dma_start3A_890 = arith.constant 1 : i32
        %dma_start3A_891 = arith.constant 0 : i32
        %dma_start3A_892 = arith.constant 0 : i32
        %dma_start3A_893 = arith.constant 0 : i32
        %dma_start3A_894 = arith.constant 0 : i32
        %dma_start3A_895 = tpu.memref_slice %arg7[%dma_start3A_890, %dma_start3A_892, %dma_start3A_893, %dma_start3A_894] : memref<4x4x50x128xf32, #tpu.memory_space<vmem>> -> memref<1x4x50x128xf32, #tpu.memory_space<vmem>>
        %dma_start3A_896 = tpu.memref_squeeze %dma_start3A_895 : memref<1x4x50x128xf32, #tpu.memory_space<vmem>> -> memref<4x50x128xf32, #tpu.memory_space<vmem>>
        %dma_start3A_897 = arith.constant 0 : i32
        %dma_start3A_898 = arith.constant 0 : i32
        %dma_start3A_899 = tpu.memref_slice %dma_start3A_896[%dma_start3A_891, %dma_start3A_897, %dma_start3A_898] : memref<4x50x128xf32, #tpu.memory_space<vmem>> -> memref<1x50x128xf32, #tpu.memory_space<vmem>>
        %dma_start3A_900 = tpu.memref_squeeze %dma_start3A_899 : memref<1x50x128xf32, #tpu.memory_space<vmem>> -> memref<50x128xf32, #tpu.memory_space<vmem>>
        %dma_start3A_901 = arith.constant 0 : i32
        %dma_start3A_902 = arith.constant 0 : i32
        %dma_start3A_903 = tpu.memref_slice %arg6[%dma_start3A_888, %dma_start3A_901, %dma_start3A_902] : memref<4x4x50xi32, #tpu.memory_space<vmem>> -> memref<1x4x50xi32, #tpu.memory_space<vmem>>
        %dma_start3A_904 = tpu.memref_squeeze %dma_start3A_903 : memref<1x4x50xi32, #tpu.memory_space<vmem>> -> memref<4x50xi32, #tpu.memory_space<vmem>>
        %dma_start3A_905 = arith.constant 0 : i32
        %dma_start3A_906 = tpu.memref_slice %dma_start3A_904[%dma_start3A_889, %dma_start3A_905] : memref<4x50xi32, #tpu.memory_space<vmem>> -> memref<1x50xi32, #tpu.memory_space<vmem>>
        %dma_start3A_907 = tpu.memref_squeeze %dma_start3A_906 : memref<1x50xi32, #tpu.memory_space<vmem>> -> memref<50xi32, #tpu.memory_space<vmem>>
        %dma_start3A_908 = arith.constant 0 : i32
        %dma_start3A_909 = arith.constant 0 : i32
        %dma_start3A_910 = tpu.memref_slice %arg3[%dma_start3A_908, %dma_start3A_909] : memref<52000x128xf32, #tpu.memory_space<hbm>> -> memref<52000x128xf32, #tpu.memory_space<hbm>>
        tpu.enqueue_indirect_dma source(%dma_start3A_910 : memref<52000x128xf32, #tpu.memory_space<hbm>>) target(%dma_start3A_900 : memref<50x128xf32, #tpu.memory_space<vmem>>) offsets(%dma_start3A_907 : memref<50xi32, #tpu.memory_space<vmem>>) semaphore(%arg10 : memref<!tpu.dma_semaphore, #tpu.memory_space<semaphore_mem>>)
        %dma_start3A_911 = arith.constant 1 : i32
        %dma_start3A_912 = arith.constant 1 : i32
        %dma_start3A_913 = arith.constant 1 : i32
        %dma_start3A_914 = arith.constant 1 : i32
        %dma_start3A_915 = arith.constant 0 : i32
        %dma_start3A_916 = arith.constant 0 : i32
        %dma_start3A_917 = arith.constant 0 : i32
        %dma_start3A_918 = tpu.memref_slice %arg7[%dma_start3A_913, %dma_start3A_915, %dma_start3A_916, %dma_start3A_917] : memref<4x4x50x128xf32, #tpu.memory_space<vmem>> -> memref<1x4x50x128xf32, #tpu.memory_space<vmem>>
        %dma_start3A_919 = tpu.memref_squeeze %dma_start3A_918 : memref<1x4x50x128xf32, #tpu.memory_space<vmem>> -> memref<4x50x128xf32, #tpu.memory_space<vmem>>
        %dma_start3A_920 = arith.constant 0 : i32
        %dma_start3A_921 = arith.constant 0 : i32
        %dma_start3A_922 = tpu.memref_slice %dma_start3A_919[%dma_start3A_914, %dma_start3A_920, %dma_start3A_921] : memref<4x50x128xf32, #tpu.memory_space<vmem>> -> memref<1x50x128xf32, #tpu.memory_space<vmem>>
        %dma_start3A_923 = tpu.memref_squeeze %dma_start3A_922 : memref<1x50x128xf32, #tpu.memory_space<vmem>> -> memref<50x128xf32, #tpu.memory_space<vmem>>
        %dma_start3A_924 = arith.constant 0 : i32
        %dma_start3A_925 = arith.constant 0 : i32
        %dma_start3A_926 = tpu.memref_slice %arg6[%dma_start3A_911, %dma_start3A_924, %dma_start3A_925] : memref<4x4x50xi32, #tpu.memory_space<vmem>> -> memref<1x4x50xi32, #tpu.memory_space<vmem>>
        %dma_start3A_927 = tpu.memref_squeeze %dma_start3A_926 : memref<1x4x50xi32, #tpu.memory_space<vmem>> -> memref<4x50xi32, #tpu.memory_space<vmem>>
        %dma_start3A_928 = arith.constant 0 : i32
        %dma_start3A_929 = tpu.memref_slice %dma_start3A_927[%dma_start3A_912, %dma_start3A_928] : memref<4x50xi32, #tpu.memory_space<vmem>> -> memref<1x50xi32, #tpu.memory_space<vmem>>
        %dma_start3A_930 = tpu.memref_squeeze %dma_start3A_929 : memref<1x50xi32, #tpu.memory_space<vmem>> -> memref<50xi32, #tpu.memory_space<vmem>>
        %dma_start3A_931 = arith.constant 0 : i32
        %dma_start3A_932 = arith.constant 0 : i32
        %dma_start3A_933 = tpu.memref_slice %arg3[%dma_start3A_931, %dma_start3A_932] : memref<52000x128xf32, #tpu.memory_space<hbm>> -> memref<52000x128xf32, #tpu.memory_space<hbm>>
        tpu.enqueue_indirect_dma source(%dma_start3A_933 : memref<52000x128xf32, #tpu.memory_space<hbm>>) target(%dma_start3A_923 : memref<50x128xf32, #tpu.memory_space<vmem>>) offsets(%dma_start3A_930 : memref<50xi32, #tpu.memory_space<vmem>>) semaphore(%arg10 : memref<!tpu.dma_semaphore, #tpu.memory_space<semaphore_mem>>)
        %dma_start3A_934 = arith.constant 1 : i32
        %dma_start3A_935 = arith.constant 2 : i32
        %dma_start3A_936 = arith.constant 1 : i32
        %dma_start3A_937 = arith.constant 2 : i32
        %dma_start3A_938 = arith.constant 0 : i32
        %dma_start3A_939 = arith.constant 0 : i32
        %dma_start3A_940 = arith.constant 0 : i32
        %dma_start3A_941 = tpu.memref_slice %arg7[%dma_start3A_936, %dma_start3A_938, %dma_start3A_939, %dma_start3A_940] : memref<4x4x50x128xf32, #tpu.memory_space<vmem>> -> memref<1x4x50x128xf32, #tpu.memory_space<vmem>>
        %dma_start3A_942 = tpu.memref_squeeze %dma_start3A_941 : memref<1x4x50x128xf32, #tpu.memory_space<vmem>> -> memref<4x50x128xf32, #tpu.memory_space<vmem>>
        %dma_start3A_943 = arith.constant 0 : i32
        %dma_start3A_944 = arith.constant 0 : i32
        %dma_start3A_945 = tpu.memref_slice %dma_start3A_942[%dma_start3A_937, %dma_start3A_943, %dma_start3A_944] : memref<4x50x128xf32, #tpu.memory_space<vmem>> -> memref<1x50x128xf32, #tpu.memory_space<vmem>>
        %dma_start3A_946 = tpu.memref_squeeze %dma_start3A_945 : memref<1x50x128xf32, #tpu.memory_space<vmem>> -> memref<50x128xf32, #tpu.memory_space<vmem>>
        %dma_start3A_947 = arith.constant 0 : i32
        %dma_start3A_948 = arith.constant 0 : i32
        %dma_start3A_949 = tpu.memref_slice %arg6[%dma_start3A_934, %dma_start3A_947, %dma_start3A_948] : memref<4x4x50xi32, #tpu.memory_space<vmem>> -> memref<1x4x50xi32, #tpu.memory_space<vmem>>
        %dma_start3A_950 = tpu.memref_squeeze %dma_start3A_949 : memref<1x4x50xi32, #tpu.memory_space<vmem>> -> memref<4x50xi32, #tpu.memory_space<vmem>>
        %dma_start3A_951 = arith.constant 0 : i32
        %dma_start3A_952 = tpu.memref_slice %dma_start3A_950[%dma_start3A_935, %dma_start3A_951] : memref<4x50xi32, #tpu.memory_space<vmem>> -> memref<1x50xi32, #tpu.memory_space<vmem>>
        %dma_start3A_953 = tpu.memref_squeeze %dma_start3A_952 : memref<1x50xi32, #tpu.memory_space<vmem>> -> memref<50xi32, #tpu.memory_space<vmem>>
        %dma_start3A_954 = arith.constant 0 : i32
        %dma_start3A_955 = arith.constant 0 : i32
        %dma_start3A_956 = tpu.memref_slice %arg3[%dma_start3A_954, %dma_start3A_955] : memref<52000x128xf32, #tpu.memory_space<hbm>> -> memref<52000x128xf32, #tpu.memory_space<hbm>>
        tpu.enqueue_indirect_dma source(%dma_start3A_956 : memref<52000x128xf32, #tpu.memory_space<hbm>>) target(%dma_start3A_946 : memref<50x128xf32, #tpu.memory_space<vmem>>) offsets(%dma_start3A_953 : memref<50xi32, #tpu.memory_space<vmem>>) semaphore(%arg10 : memref<!tpu.dma_semaphore, #tpu.memory_space<semaphore_mem>>)
        %dma_start3A_957 = arith.constant 1 : i32
        %dma_start3A_958 = arith.constant 3 : i32
        %dma_start3A_959 = arith.constant 1 : i32
        %dma_start3A_960 = arith.constant 3 : i32
        %dma_start3A_961 = arith.constant 0 : i32
        %dma_start3A_962 = arith.constant 0 : i32
        %dma_start3A_963 = arith.constant 0 : i32
        %dma_start3A_964 = tpu.memref_slice %arg7[%dma_start3A_959, %dma_start3A_961, %dma_start3A_962, %dma_start3A_963] : memref<4x4x50x128xf32, #tpu.memory_space<vmem>> -> memref<1x4x50x128xf32, #tpu.memory_space<vmem>>
        %dma_start3A_965 = tpu.memref_squeeze %dma_start3A_964 : memref<1x4x50x128xf32, #tpu.memory_space<vmem>> -> memref<4x50x128xf32, #tpu.memory_space<vmem>>
        %dma_start3A_966 = arith.constant 0 : i32
        %dma_start3A_967 = arith.constant 0 : i32
        %dma_start3A_968 = tpu.memref_slice %dma_start3A_965[%dma_start3A_960, %dma_start3A_966, %dma_start3A_967] : memref<4x50x128xf32, #tpu.memory_space<vmem>> -> memref<1x50x128xf32, #tpu.memory_space<vmem>>
        %dma_start3A_969 = tpu.memref_squeeze %dma_start3A_968 : memref<1x50x128xf32, #tpu.memory_space<vmem>> -> memref<50x128xf32, #tpu.memory_space<vmem>>
        %dma_start3A_970 = arith.constant 0 : i32
        %dma_start3A_971 = arith.constant 0 : i32
        %dma_start3A_972 = tpu.memref_slice %arg6[%dma_start3A_957, %dma_start3A_970, %dma_start3A_971] : memref<4x4x50xi32, #tpu.memory_space<vmem>> -> memref<1x4x50xi32, #tpu.memory_space<vmem>>
        %dma_start3A_973 = tpu.memref_squeeze %dma_start3A_972 : memref<1x4x50xi32, #tpu.memory_space<vmem>> -> memref<4x50xi32, #tpu.memory_space<vmem>>
        %dma_start3A_974 = arith.constant 0 : i32
        %dma_start3A_975 = tpu.memref_slice %dma_start3A_973[%dma_start3A_958, %dma_start3A_974] : memref<4x50xi32, #tpu.memory_space<vmem>> -> memref<1x50xi32, #tpu.memory_space<vmem>>
        %dma_start3A_976 = tpu.memref_squeeze %dma_start3A_975 : memref<1x50xi32, #tpu.memory_space<vmem>> -> memref<50xi32, #tpu.memory_space<vmem>>
        %dma_start3A_977 = arith.constant 0 : i32
        %dma_start3A_978 = arith.constant 0 : i32
        %dma_start3A_979 = tpu.memref_slice %arg3[%dma_start3A_977, %dma_start3A_978] : memref<52000x128xf32, #tpu.memory_space<hbm>> -> memref<52000x128xf32, #tpu.memory_space<hbm>>
        tpu.enqueue_indirect_dma source(%dma_start3A_979 : memref<52000x128xf32, #tpu.memory_space<hbm>>) target(%dma_start3A_969 : memref<50x128xf32, #tpu.memory_space<vmem>>) offsets(%dma_start3A_976 : memref<50xi32, #tpu.memory_space<vmem>>) semaphore(%arg10 : memref<!tpu.dma_semaphore, #tpu.memory_space<semaphore_mem>>)
      } else {
      }
      %mul3A_752 = arith.constant 4 : i32
      %mul3A_753 = arith.muli %scan3A_372, %mul3A_752 : i32
      %add3A_754 = arith.constant 3 : i32
      %add3A_755 = arith.addi %mul3A_753, %add3A_754 : i32
      %add3A_756 = arith.addi %mul3A_2, %add3A_755 : i32
      %mul3A_757 = arith.constant 4 : i32
      %mul3A_758 = arith.muli %add3A_756, %mul3A_757 : i32
      %dma_wait3A_759 = arith.constant 3 : i32
      %dma_wait3A_760 = arith.constant 0 : i32
      %dma_wait3A_761 = arith.constant 3 : i32
      %dma_wait3A_762 = arith.constant 0 : i32
      %dma_wait3A_763 = arith.constant 0 : i32
      %dma_wait3A_764 = arith.constant 0 : i32
      %dma_wait3A_765 = arith.constant 0 : i32
      %dma_wait3A_766 = tpu.memref_slice %arg7[%dma_wait3A_761, %dma_wait3A_763, %dma_wait3A_764, %dma_wait3A_765] : memref<4x4x50x128xf32, #tpu.memory_space<vmem>> -> memref<1x4x50x128xf32, #tpu.memory_space<vmem>>
      %dma_wait3A_767 = tpu.memref_squeeze %dma_wait3A_766 : memref<1x4x50x128xf32, #tpu.memory_space<vmem>> -> memref<4x50x128xf32, #tpu.memory_space<vmem>>
      %dma_wait3A_768 = arith.constant 0 : i32
      %dma_wait3A_769 = arith.constant 0 : i32
      %dma_wait3A_770 = tpu.memref_slice %dma_wait3A_767[%dma_wait3A_762, %dma_wait3A_768, %dma_wait3A_769] : memref<4x50x128xf32, #tpu.memory_space<vmem>> -> memref<1x50x128xf32, #tpu.memory_space<vmem>>
      %dma_wait3A_771 = tpu.memref_squeeze %dma_wait3A_770 : memref<1x50x128xf32, #tpu.memory_space<vmem>> -> memref<50x128xf32, #tpu.memory_space<vmem>>
      %dma_wait3A_772 = arith.constant 0 : i32
      %dma_wait3A_773 = arith.constant 0 : i32
      %dma_wait3A_774 = tpu.memref_slice %arg6[%dma_wait3A_759, %dma_wait3A_772, %dma_wait3A_773] : memref<4x4x50xi32, #tpu.memory_space<vmem>> -> memref<1x4x50xi32, #tpu.memory_space<vmem>>
      %dma_wait3A_775 = tpu.memref_squeeze %dma_wait3A_774 : memref<1x4x50xi32, #tpu.memory_space<vmem>> -> memref<4x50xi32, #tpu.memory_space<vmem>>
      %dma_wait3A_776 = arith.constant 0 : i32
      %dma_wait3A_777 = tpu.memref_slice %dma_wait3A_775[%dma_wait3A_760, %dma_wait3A_776] : memref<4x50xi32, #tpu.memory_space<vmem>> -> memref<1x50xi32, #tpu.memory_space<vmem>>
      %dma_wait3A_778 = tpu.memref_squeeze %dma_wait3A_777 : memref<1x50xi32, #tpu.memory_space<vmem>> -> memref<50xi32, #tpu.memory_space<vmem>>
      %dma_wait3A_779 = arith.constant 0 : i32
      %dma_wait3A_780 = arith.constant 0 : i32
      %dma_wait3A_781 = tpu.memref_slice %arg3[%dma_wait3A_779, %dma_wait3A_780] : memref<52000x128xf32, #tpu.memory_space<hbm>> -> memref<52000x128xf32, #tpu.memory_space<hbm>>
      tpu.wait_indirect_dma semaphore(%arg12 : memref<!tpu.dma_semaphore, #tpu.memory_space<semaphore_mem>>) src(%dma_wait3A_781 : memref<52000x128xf32, #tpu.memory_space<hbm>>) dst(%dma_wait3A_771 : memref<50x128xf32, #tpu.memory_space<vmem>>)
      %dma_wait3A_782 = arith.constant 3 : i32
      %dma_wait3A_783 = arith.constant 1 : i32
      %dma_wait3A_784 = arith.constant 3 : i32
      %dma_wait3A_785 = arith.constant 1 : i32
      %dma_wait3A_786 = arith.constant 0 : i32
      %dma_wait3A_787 = arith.constant 0 : i32
      %dma_wait3A_788 = arith.constant 0 : i32
      %dma_wait3A_789 = tpu.memref_slice %arg7[%dma_wait3A_784, %dma_wait3A_786, %dma_wait3A_787, %dma_wait3A_788] : memref<4x4x50x128xf32, #tpu.memory_space<vmem>> -> memref<1x4x50x128xf32, #tpu.memory_space<vmem>>
      %dma_wait3A_790 = tpu.memref_squeeze %dma_wait3A_789 : memref<1x4x50x128xf32, #tpu.memory_space<vmem>> -> memref<4x50x128xf32, #tpu.memory_space<vmem>>
      %dma_wait3A_791 = arith.constant 0 : i32
      %dma_wait3A_792 = arith.constant 0 : i32
      %dma_wait3A_793 = tpu.memref_slice %dma_wait3A_790[%dma_wait3A_785, %dma_wait3A_791, %dma_wait3A_792] : memref<4x50x128xf32, #tpu.memory_space<vmem>> -> memref<1x50x128xf32, #tpu.memory_space<vmem>>
      %dma_wait3A_794 = tpu.memref_squeeze %dma_wait3A_793 : memref<1x50x128xf32, #tpu.memory_space<vmem>> -> memref<50x128xf32, #tpu.memory_space<vmem>>
      %dma_wait3A_795 = arith.constant 0 : i32
      %dma_wait3A_796 = arith.constant 0 : i32
      %dma_wait3A_797 = tpu.memref_slice %arg6[%dma_wait3A_782, %dma_wait3A_795, %dma_wait3A_796] : memref<4x4x50xi32, #tpu.memory_space<vmem>> -> memref<1x4x50xi32, #tpu.memory_space<vmem>>
      %dma_wait3A_798 = tpu.memref_squeeze %dma_wait3A_797 : memref<1x4x50xi32, #tpu.memory_space<vmem>> -> memref<4x50xi32, #tpu.memory_space<vmem>>
      %dma_wait3A_799 = arith.constant 0 : i32
      %dma_wait3A_800 = tpu.memref_slice %dma_wait3A_798[%dma_wait3A_783, %dma_wait3A_799] : memref<4x50xi32, #tpu.memory_space<vmem>> -> memref<1x50xi32, #tpu.memory_space<vmem>>
      %dma_wait3A_801 = tpu.memref_squeeze %dma_wait3A_800 : memref<1x50xi32, #tpu.memory_space<vmem>> -> memref<50xi32, #tpu.memory_space<vmem>>
      %dma_wait3A_802 = arith.constant 0 : i32
      %dma_wait3A_803 = arith.constant 0 : i32
      %dma_wait3A_804 = tpu.memref_slice %arg3[%dma_wait3A_802, %dma_wait3A_803] : memref<52000x128xf32, #tpu.memory_space<hbm>> -> memref<52000x128xf32, #tpu.memory_space<hbm>>
      tpu.wait_indirect_dma semaphore(%arg12 : memref<!tpu.dma_semaphore, #tpu.memory_space<semaphore_mem>>) src(%dma_wait3A_804 : memref<52000x128xf32, #tpu.memory_space<hbm>>) dst(%dma_wait3A_794 : memref<50x128xf32, #tpu.memory_space<vmem>>)
      %dma_wait3A_805 = arith.constant 3 : i32
      %dma_wait3A_806 = arith.constant 2 : i32
      %dma_wait3A_807 = arith.constant 3 : i32
      %dma_wait3A_808 = arith.constant 2 : i32
      %dma_wait3A_809 = arith.constant 0 : i32
      %dma_wait3A_810 = arith.constant 0 : i32
      %dma_wait3A_811 = arith.constant 0 : i32
      %dma_wait3A_812 = tpu.memref_slice %arg7[%dma_wait3A_807, %dma_wait3A_809, %dma_wait3A_810, %dma_wait3A_811] : memref<4x4x50x128xf32, #tpu.memory_space<vmem>> -> memref<1x4x50x128xf32, #tpu.memory_space<vmem>>
      %dma_wait3A_813 = tpu.memref_squeeze %dma_wait3A_812 : memref<1x4x50x128xf32, #tpu.memory_space<vmem>> -> memref<4x50x128xf32, #tpu.memory_space<vmem>>
      %dma_wait3A_814 = arith.constant 0 : i32
      %dma_wait3A_815 = arith.constant 0 : i32
      %dma_wait3A_816 = tpu.memref_slice %dma_wait3A_813[%dma_wait3A_808, %dma_wait3A_814, %dma_wait3A_815] : memref<4x50x128xf32, #tpu.memory_space<vmem>> -> memref<1x50x128xf32, #tpu.memory_space<vmem>>
      %dma_wait3A_817 = tpu.memref_squeeze %dma_wait3A_816 : memref<1x50x128xf32, #tpu.memory_space<vmem>> -> memref<50x128xf32, #tpu.memory_space<vmem>>
      %dma_wait3A_818 = arith.constant 0 : i32
      %dma_wait3A_819 = arith.constant 0 : i32
      %dma_wait3A_820 = tpu.memref_slice %arg6[%dma_wait3A_805, %dma_wait3A_818, %dma_wait3A_819] : memref<4x4x50xi32, #tpu.memory_space<vmem>> -> memref<1x4x50xi32, #tpu.memory_space<vmem>>
      %dma_wait3A_821 = tpu.memref_squeeze %dma_wait3A_820 : memref<1x4x50xi32, #tpu.memory_space<vmem>> -> memref<4x50xi32, #tpu.memory_space<vmem>>
      %dma_wait3A_822 = arith.constant 0 : i32
      %dma_wait3A_823 = tpu.memref_slice %dma_wait3A_821[%dma_wait3A_806, %dma_wait3A_822] : memref<4x50xi32, #tpu.memory_space<vmem>> -> memref<1x50xi32, #tpu.memory_space<vmem>>
      %dma_wait3A_824 = tpu.memref_squeeze %dma_wait3A_823 : memref<1x50xi32, #tpu.memory_space<vmem>> -> memref<50xi32, #tpu.memory_space<vmem>>
      %dma_wait3A_825 = arith.constant 0 : i32
      %dma_wait3A_826 = arith.constant 0 : i32
      %dma_wait3A_827 = tpu.memref_slice %arg3[%dma_wait3A_825, %dma_wait3A_826] : memref<52000x128xf32, #tpu.memory_space<hbm>> -> memref<52000x128xf32, #tpu.memory_space<hbm>>
      tpu.wait_indirect_dma semaphore(%arg12 : memref<!tpu.dma_semaphore, #tpu.memory_space<semaphore_mem>>) src(%dma_wait3A_827 : memref<52000x128xf32, #tpu.memory_space<hbm>>) dst(%dma_wait3A_817 : memref<50x128xf32, #tpu.memory_space<vmem>>)
      %dma_wait3A_828 = arith.constant 3 : i32
      %dma_wait3A_829 = arith.constant 3 : i32
      %dma_wait3A_830 = arith.constant 3 : i32
      %dma_wait3A_831 = arith.constant 3 : i32
      %dma_wait3A_832 = arith.constant 0 : i32
      %dma_wait3A_833 = arith.constant 0 : i32
      %dma_wait3A_834 = arith.constant 0 : i32
      %dma_wait3A_835 = tpu.memref_slice %arg7[%dma_wait3A_830, %dma_wait3A_832, %dma_wait3A_833, %dma_wait3A_834] : memref<4x4x50x128xf32, #tpu.memory_space<vmem>> -> memref<1x4x50x128xf32, #tpu.memory_space<vmem>>
      %dma_wait3A_836 = tpu.memref_squeeze %dma_wait3A_835 : memref<1x4x50x128xf32, #tpu.memory_space<vmem>> -> memref<4x50x128xf32, #tpu.memory_space<vmem>>
      %dma_wait3A_837 = arith.constant 0 : i32
      %dma_wait3A_838 = arith.constant 0 : i32
      %dma_wait3A_839 = tpu.memref_slice %dma_wait3A_836[%dma_wait3A_831, %dma_wait3A_837, %dma_wait3A_838] : memref<4x50x128xf32, #tpu.memory_space<vmem>> -> memref<1x50x128xf32, #tpu.memory_space<vmem>>
      %dma_wait3A_840 = tpu.memref_squeeze %dma_wait3A_839 : memref<1x50x128xf32, #tpu.memory_space<vmem>> -> memref<50x128xf32, #tpu.memory_space<vmem>>
      %dma_wait3A_841 = arith.constant 0 : i32
      %dma_wait3A_842 = arith.constant 0 : i32
      %dma_wait3A_843 = tpu.memref_slice %arg6[%dma_wait3A_828, %dma_wait3A_841, %dma_wait3A_842] : memref<4x4x50xi32, #tpu.memory_space<vmem>> -> memref<1x4x50xi32, #tpu.memory_space<vmem>>
      %dma_wait3A_844 = tpu.memref_squeeze %dma_wait3A_843 : memref<1x4x50xi32, #tpu.memory_space<vmem>> -> memref<4x50xi32, #tpu.memory_space<vmem>>
      %dma_wait3A_845 = arith.constant 0 : i32
      %dma_wait3A_846 = tpu.memref_slice %dma_wait3A_844[%dma_wait3A_829, %dma_wait3A_845] : memref<4x50xi32, #tpu.memory_space<vmem>> -> memref<1x50xi32, #tpu.memory_space<vmem>>
      %dma_wait3A_847 = tpu.memref_squeeze %dma_wait3A_846 : memref<1x50xi32, #tpu.memory_space<vmem>> -> memref<50xi32, #tpu.memory_space<vmem>>
      %dma_wait3A_848 = arith.constant 0 : i32
      %dma_wait3A_849 = arith.constant 0 : i32
      %dma_wait3A_850 = tpu.memref_slice %arg3[%dma_wait3A_848, %dma_wait3A_849] : memref<52000x128xf32, #tpu.memory_space<hbm>> -> memref<52000x128xf32, #tpu.memory_space<hbm>>
      tpu.wait_indirect_dma semaphore(%arg12 : memref<!tpu.dma_semaphore, #tpu.memory_space<semaphore_mem>>) src(%dma_wait3A_850 : memref<52000x128xf32, #tpu.memory_space<hbm>>) dst(%dma_wait3A_840 : memref<50x128xf32, #tpu.memory_space<vmem>>)
      %parallel_loop3A_851 = arith.constant 0 : i32
      %parallel_loop3A_852 = arith.constant 50 : i32
      %parallel_loop3A_853 = arith.constant 1 : i32
      scf.for %parallel_loop3A_880 = %parallel_loop3A_851 to %parallel_loop3A_852 step %parallel_loop3A_853  : i32 {
        %parallel_loop3A_881 = arith.index_cast %parallel_loop3A_880 : i32 to index
        %parallel_loop3A_882 = arith.constant 0 : index
        %parallel_loop3A_883 = tpu.vector_load %arg8[%parallel_loop3A_881, %parallel_loop3A_882] {strides = array<i32>} : memref<50x128xf32, #tpu.memory_space<vmem>>, vector<1x16xf32>,
        %parallel_loop3A_884 = vector.shape_cast %parallel_loop3A_883 : vector<1x16xf32> to vector<16xf32>
        %parallel_loop3A_885 = arith.index_cast %parallel_loop3A_880 : i32 to index
        %parallel_loop3A_886 = arith.constant 16 : index
        %parallel_loop3A_887 = tpu.vector_load %arg8[%parallel_loop3A_885, %parallel_loop3A_886] {strides = array<i32>} : memref<50x128xf32, #tpu.memory_space<vmem>>, vector<1x16xf32>,
        %parallel_loop3A_888 = vector.shape_cast %parallel_loop3A_887 : vector<1x16xf32> to vector<16xf32>
        %parallel_loop3A_889 = arith.index_cast %parallel_loop3A_880 : i32 to index
        %parallel_loop3A_890 = arith.constant 32 : index
        %parallel_loop3A_891 = tpu.vector_load %arg8[%parallel_loop3A_889, %parallel_loop3A_890] {strides = array<i32>} : memref<50x128xf32, #tpu.memory_space<vmem>>, vector<1x16xf32>,
        %parallel_loop3A_892 = vector.shape_cast %parallel_loop3A_891 : vector<1x16xf32> to vector<16xf32>
        %parallel_loop3A_893 = arith.index_cast %parallel_loop3A_880 : i32 to index
        %parallel_loop3A_894 = arith.constant 48 : index
        %parallel_loop3A_895 = tpu.vector_load %arg8[%parallel_loop3A_893, %parallel_loop3A_894] {strides = array<i32>} : memref<50x128xf32, #tpu.memory_space<vmem>>, vector<1x16xf32>,
        %parallel_loop3A_896 = vector.shape_cast %parallel_loop3A_895 : vector<1x16xf32> to vector<16xf32>
        %parallel_loop3A_897 = arith.index_cast %parallel_loop3A_880 : i32 to index
        %parallel_loop3A_898 = arith.constant 64 : index
        %parallel_loop3A_899 = tpu.vector_load %arg8[%parallel_loop3A_897, %parallel_loop3A_898] {strides = array<i32>} : memref<50x128xf32, #tpu.memory_space<vmem>>, vector<1x16xf32>,
        %parallel_loop3A_900 = vector.shape_cast %parallel_loop3A_899 : vector<1x16xf32> to vector<16xf32>
        %parallel_loop3A_901 = arith.index_cast %parallel_loop3A_880 : i32 to index
        %parallel_loop3A_902 = arith.constant 80 : index
        %parallel_loop3A_903 = tpu.vector_load %arg8[%parallel_loop3A_901, %parallel_loop3A_902] {strides = array<i32>} : memref<50x128xf32, #tpu.memory_space<vmem>>, vector<1x16xf32>,
        %parallel_loop3A_904 = vector.shape_cast %parallel_loop3A_903 : vector<1x16xf32> to vector<16xf32>
        %parallel_loop3A_905 = arith.index_cast %parallel_loop3A_880 : i32 to index
        %parallel_loop3A_906 = arith.constant 96 : index
        %parallel_loop3A_907 = tpu.vector_load %arg8[%parallel_loop3A_905, %parallel_loop3A_906] {strides = array<i32>} : memref<50x128xf32, #tpu.memory_space<vmem>>, vector<1x16xf32>,
        %parallel_loop3A_908 = vector.shape_cast %parallel_loop3A_907 : vector<1x16xf32> to vector<16xf32>
        %parallel_loop3A_909 = arith.index_cast %parallel_loop3A_880 : i32 to index
        %parallel_loop3A_910 = arith.constant 112 : index
        %parallel_loop3A_911 = tpu.vector_load %arg8[%parallel_loop3A_909, %parallel_loop3A_910] {strides = array<i32>} : memref<50x128xf32, #tpu.memory_space<vmem>>, vector<1x16xf32>,
        %parallel_loop3A_912 = vector.shape_cast %parallel_loop3A_911 : vector<1x16xf32> to vector<16xf32>
        %parallel_loop3A_913 = arith.constant 3 : i32
        %parallel_loop3A_914 = arith.constant 0 : i32
        %parallel_loop3A_915 = arith.index_cast %parallel_loop3A_913 : i32 to index
        %parallel_loop3A_916 = arith.index_cast %parallel_loop3A_914 : i32 to index
        %parallel_loop3A_917 = arith.index_cast %parallel_loop3A_880 : i32 to index
        %parallel_loop3A_918 = arith.constant 0 : index
        %parallel_loop3A_919 = tpu.vector_load %arg7[%parallel_loop3A_915, %parallel_loop3A_916, %parallel_loop3A_917, %parallel_loop3A_918] {strides = array<i32>} : memref<4x4x50x128xf32, #tpu.memory_space<vmem>>, vector<1x1x1x16xf32>,
        %parallel_loop3A_920 = vector.shape_cast %parallel_loop3A_919 : vector<1x1x1x16xf32> to vector<16xf32>
        %parallel_loop3A_921 = arith.addf %parallel_loop3A_920, %parallel_loop3A_884 : vector<16xf32>
        %parallel_loop3A_922 = arith.constant 3 : i32
        %parallel_loop3A_923 = arith.constant 0 : i32
        %parallel_loop3A_924 = arith.index_cast %parallel_loop3A_922 : i32 to index
        %parallel_loop3A_925 = arith.index_cast %parallel_loop3A_923 : i32 to index
        %parallel_loop3A_926 = arith.index_cast %parallel_loop3A_880 : i32 to index
        %parallel_loop3A_927 = arith.constant 0 : index
        %parallel_loop3A_928 = tpu.vector_load %arg7[%parallel_loop3A_924, %parallel_loop3A_925, %parallel_loop3A_926, %parallel_loop3A_927] {strides = array<i32>} : memref<4x4x50x128xf32, #tpu.memory_space<vmem>>, vector<1x1x1x16xf32>,
        %parallel_loop3A_929 = vector.shape_cast %parallel_loop3A_928 : vector<1x1x1x16xf32> to vector<16xf32>
        %parallel_loop3A_930 = vector.shape_cast %parallel_loop3A_921 : vector<16xf32> to vector<1x1x1x16xf32>
        tpu.vector_store %arg7[%parallel_loop3A_924, %parallel_loop3A_925, %parallel_loop3A_926, %parallel_loop3A_927], %parallel_loop3A_930 {strides = array<i32>} : memref<4x4x50x128xf32, #tpu.memory_space<vmem>>, vector<1x1x1x16xf32>,
        %parallel_loop3A_931 = arith.constant 3 : i32
        %parallel_loop3A_932 = arith.constant 0 : i32
        %parallel_loop3A_933 = arith.index_cast %parallel_loop3A_931 : i32 to index
        %parallel_loop3A_934 = arith.index_cast %parallel_loop3A_932 : i32 to index
        %parallel_loop3A_935 = arith.index_cast %parallel_loop3A_880 : i32 to index
        %parallel_loop3A_936 = arith.constant 16 : index
        %parallel_loop3A_937 = tpu.vector_load %arg7[%parallel_loop3A_933, %parallel_loop3A_934, %parallel_loop3A_935, %parallel_loop3A_936] {strides = array<i32>} : memref<4x4x50x128xf32, #tpu.memory_space<vmem>>, vector<1x1x1x16xf32>,
        %parallel_loop3A_938 = vector.shape_cast %parallel_loop3A_937 : vector<1x1x1x16xf32> to vector<16xf32>
        %parallel_loop3A_939 = arith.addf %parallel_loop3A_938, %parallel_loop3A_888 : vector<16xf32>
        %parallel_loop3A_940 = arith.constant 3 : i32
        %parallel_loop3A_941 = arith.constant 0 : i32
        %parallel_loop3A_942 = arith.index_cast %parallel_loop3A_940 : i32 to index
        %parallel_loop3A_943 = arith.index_cast %parallel_loop3A_941 : i32 to index
        %parallel_loop3A_944 = arith.index_cast %parallel_loop3A_880 : i32 to index
        %parallel_loop3A_945 = arith.constant 16 : index
        %parallel_loop3A_946 = tpu.vector_load %arg7[%parallel_loop3A_942, %parallel_loop3A_943, %parallel_loop3A_944, %parallel_loop3A_945] {strides = array<i32>} : memref<4x4x50x128xf32, #tpu.memory_space<vmem>>, vector<1x1x1x16xf32>,
        %parallel_loop3A_947 = vector.shape_cast %parallel_loop3A_946 : vector<1x1x1x16xf32> to vector<16xf32>
        %parallel_loop3A_948 = vector.shape_cast %parallel_loop3A_939 : vector<16xf32> to vector<1x1x1x16xf32>
        tpu.vector_store %arg7[%parallel_loop3A_942, %parallel_loop3A_943, %parallel_loop3A_944, %parallel_loop3A_945], %parallel_loop3A_948 {strides = array<i32>} : memref<4x4x50x128xf32, #tpu.memory_space<vmem>>, vector<1x1x1x16xf32>,
        %parallel_loop3A_949 = arith.constant 3 : i32
        %parallel_loop3A_950 = arith.constant 0 : i32
        %parallel_loop3A_951 = arith.index_cast %parallel_loop3A_949 : i32 to index
        %parallel_loop3A_952 = arith.index_cast %parallel_loop3A_950 : i32 to index
        %parallel_loop3A_953 = arith.index_cast %parallel_loop3A_880 : i32 to index
        %parallel_loop3A_954 = arith.constant 32 : index
        %parallel_loop3A_955 = tpu.vector_load %arg7[%parallel_loop3A_951, %parallel_loop3A_952, %parallel_loop3A_953, %parallel_loop3A_954] {strides = array<i32>} : memref<4x4x50x128xf32, #tpu.memory_space<vmem>>, vector<1x1x1x16xf32>,
        %parallel_loop3A_956 = vector.shape_cast %parallel_loop3A_955 : vector<1x1x1x16xf32> to vector<16xf32>
        %parallel_loop3A_957 = arith.addf %parallel_loop3A_956, %parallel_loop3A_892 : vector<16xf32>
        %parallel_loop3A_958 = arith.constant 3 : i32
        %parallel_loop3A_959 = arith.constant 0 : i32
        %parallel_loop3A_960 = arith.index_cast %parallel_loop3A_958 : i32 to index
        %parallel_loop3A_961 = arith.index_cast %parallel_loop3A_959 : i32 to index
        %parallel_loop3A_962 = arith.index_cast %parallel_loop3A_880 : i32 to index
        %parallel_loop3A_963 = arith.constant 32 : index
        %parallel_loop3A_964 = tpu.vector_load %arg7[%parallel_loop3A_960, %parallel_loop3A_961, %parallel_loop3A_962, %parallel_loop3A_963] {strides = array<i32>} : memref<4x4x50x128xf32, #tpu.memory_space<vmem>>, vector<1x1x1x16xf32>,
        %parallel_loop3A_965 = vector.shape_cast %parallel_loop3A_964 : vector<1x1x1x16xf32> to vector<16xf32>
        %parallel_loop3A_966 = vector.shape_cast %parallel_loop3A_957 : vector<16xf32> to vector<1x1x1x16xf32>
        tpu.vector_store %arg7[%parallel_loop3A_960, %parallel_loop3A_961, %parallel_loop3A_962, %parallel_loop3A_963], %parallel_loop3A_966 {strides = array<i32>} : memref<4x4x50x128xf32, #tpu.memory_space<vmem>>, vector<1x1x1x16xf32>,
        %parallel_loop3A_967 = arith.constant 3 : i32
        %parallel_loop3A_968 = arith.constant 0 : i32
        %parallel_loop3A_969 = arith.index_cast %parallel_loop3A_967 : i32 to index
        %parallel_loop3A_970 = arith.index_cast %parallel_loop3A_968 : i32 to index
        %parallel_loop3A_971 = arith.index_cast %parallel_loop3A_880 : i32 to index
        %parallel_loop3A_972 = arith.constant 48 : index
        %parallel_loop3A_973 = tpu.vector_load %arg7[%parallel_loop3A_969, %parallel_loop3A_970, %parallel_loop3A_971, %parallel_loop3A_972] {strides = array<i32>} : memref<4x4x50x128xf32, #tpu.memory_space<vmem>>, vector<1x1x1x16xf32>,
        %parallel_loop3A_974 = vector.shape_cast %parallel_loop3A_973 : vector<1x1x1x16xf32> to vector<16xf32>
        %parallel_loop3A_975 = arith.addf %parallel_loop3A_974, %parallel_loop3A_896 : vector<16xf32>
        %parallel_loop3A_976 = arith.constant 3 : i32
        %parallel_loop3A_977 = arith.constant 0 : i32
        %parallel_loop3A_978 = arith.index_cast %parallel_loop3A_976 : i32 to index
        %parallel_loop3A_979 = arith.index_cast %parallel_loop3A_977 : i32 to index
        %parallel_loop3A_980 = arith.index_cast %parallel_loop3A_880 : i32 to index
        %parallel_loop3A_981 = arith.constant 48 : index
        %parallel_loop3A_982 = tpu.vector_load %arg7[%parallel_loop3A_978, %parallel_loop3A_979, %parallel_loop3A_980, %parallel_loop3A_981] {strides = array<i32>} : memref<4x4x50x128xf32, #tpu.memory_space<vmem>>, vector<1x1x1x16xf32>,
        %parallel_loop3A_983 = vector.shape_cast %parallel_loop3A_982 : vector<1x1x1x16xf32> to vector<16xf32>
        %parallel_loop3A_984 = vector.shape_cast %parallel_loop3A_975 : vector<16xf32> to vector<1x1x1x16xf32>
        tpu.vector_store %arg7[%parallel_loop3A_978, %parallel_loop3A_979, %parallel_loop3A_980, %parallel_loop3A_981], %parallel_loop3A_984 {strides = array<i32>} : memref<4x4x50x128xf32, #tpu.memory_space<vmem>>, vector<1x1x1x16xf32>,
        %parallel_loop3A_985 = arith.constant 3 : i32
        %parallel_loop3A_986 = arith.constant 0 : i32
        %parallel_loop3A_987 = arith.index_cast %parallel_loop3A_985 : i32 to index
        %parallel_loop3A_988 = arith.index_cast %parallel_loop3A_986 : i32 to index
        %parallel_loop3A_989 = arith.index_cast %parallel_loop3A_880 : i32 to index
        %parallel_loop3A_990 = arith.constant 64 : index
        %parallel_loop3A_991 = tpu.vector_load %arg7[%parallel_loop3A_987, %parallel_loop3A_988, %parallel_loop3A_989, %parallel_loop3A_990] {strides = array<i32>} : memref<4x4x50x128xf32, #tpu.memory_space<vmem>>, vector<1x1x1x16xf32>,
        %parallel_loop3A_992 = vector.shape_cast %parallel_loop3A_991 : vector<1x1x1x16xf32> to vector<16xf32>
        %parallel_loop3A_993 = arith.addf %parallel_loop3A_992, %parallel_loop3A_900 : vector<16xf32>
        %parallel_loop3A_994 = arith.constant 3 : i32
        %parallel_loop3A_995 = arith.constant 0 : i32
        %parallel_loop3A_996 = arith.index_cast %parallel_loop3A_994 : i32 to index
        %parallel_loop3A_997 = arith.index_cast %parallel_loop3A_995 : i32 to index
        %parallel_loop3A_998 = arith.index_cast %parallel_loop3A_880 : i32 to index
        %parallel_loop3A_999 = arith.constant 64 : index
        %parallel_loop3A_1000 = tpu.vector_load %arg7[%parallel_loop3A_996, %parallel_loop3A_997, %parallel_loop3A_998, %parallel_loop3A_999] {strides = array<i32>} : memref<4x4x50x128xf32, #tpu.memory_space<vmem>>, vector<1x1x1x16xf32>,
        %parallel_loop3A_1001 = vector.shape_cast %parallel_loop3A_1000 : vector<1x1x1x16xf32> to vector<16xf32>
        %parallel_loop3A_1002 = vector.shape_cast %parallel_loop3A_993 : vector<16xf32> to vector<1x1x1x16xf32>
        tpu.vector_store %arg7[%parallel_loop3A_996, %parallel_loop3A_997, %parallel_loop3A_998, %parallel_loop3A_999], %parallel_loop3A_1002 {strides = array<i32>} : memref<4x4x50x128xf32, #tpu.memory_space<vmem>>, vector<1x1x1x16xf32>,
        %parallel_loop3A_1003 = arith.constant 3 : i32
        %parallel_loop3A_1004 = arith.constant 0 : i32
        %parallel_loop3A_1005 = arith.index_cast %parallel_loop3A_1003 : i32 to index
        %parallel_loop3A_1006 = arith.index_cast %parallel_loop3A_1004 : i32 to index
        %parallel_loop3A_1007 = arith.index_cast %parallel_loop3A_880 : i32 to index
        %parallel_loop3A_1008 = arith.constant 80 : index
        %parallel_loop3A_1009 = tpu.vector_load %arg7[%parallel_loop3A_1005, %parallel_loop3A_1006, %parallel_loop3A_1007, %parallel_loop3A_1008] {strides = array<i32>} : memref<4x4x50x128xf32, #tpu.memory_space<vmem>>, vector<1x1x1x16xf32>,
        %parallel_loop3A_1010 = vector.shape_cast %parallel_loop3A_1009 : vector<1x1x1x16xf32> to vector<16xf32>
        %parallel_loop3A_1011 = arith.addf %parallel_loop3A_1010, %parallel_loop3A_904 : vector<16xf32>
        %parallel_loop3A_1012 = arith.constant 3 : i32
        %parallel_loop3A_1013 = arith.constant 0 : i32
        %parallel_loop3A_1014 = arith.index_cast %parallel_loop3A_1012 : i32 to index
        %parallel_loop3A_1015 = arith.index_cast %parallel_loop3A_1013 : i32 to index
        %parallel_loop3A_1016 = arith.index_cast %parallel_loop3A_880 : i32 to index
        %parallel_loop3A_1017 = arith.constant 80 : index
        %parallel_loop3A_1018 = tpu.vector_load %arg7[%parallel_loop3A_1014, %parallel_loop3A_1015, %parallel_loop3A_1016, %parallel_loop3A_1017] {strides = array<i32>} : memref<4x4x50x128xf32, #tpu.memory_space<vmem>>, vector<1x1x1x16xf32>,
        %parallel_loop3A_1019 = vector.shape_cast %parallel_loop3A_1018 : vector<1x1x1x16xf32> to vector<16xf32>
        %parallel_loop3A_1020 = vector.shape_cast %parallel_loop3A_1011 : vector<16xf32> to vector<1x1x1x16xf32>
        tpu.vector_store %arg7[%parallel_loop3A_1014, %parallel_loop3A_1015, %parallel_loop3A_1016, %parallel_loop3A_1017], %parallel_loop3A_1020 {strides = array<i32>} : memref<4x4x50x128xf32, #tpu.memory_space<vmem>>, vector<1x1x1x16xf32>,
        %parallel_loop3A_1021 = arith.constant 3 : i32
        %parallel_loop3A_1022 = arith.constant 0 : i32
        %parallel_loop3A_1023 = arith.index_cast %parallel_loop3A_1021 : i32 to index
        %parallel_loop3A_1024 = arith.index_cast %parallel_loop3A_1022 : i32 to index
        %parallel_loop3A_1025 = arith.index_cast %parallel_loop3A_880 : i32 to index
        %parallel_loop3A_1026 = arith.constant 96 : index
        %parallel_loop3A_1027 = tpu.vector_load %arg7[%parallel_loop3A_1023, %parallel_loop3A_1024, %parallel_loop3A_1025, %parallel_loop3A_1026] {strides = array<i32>} : memref<4x4x50x128xf32, #tpu.memory_space<vmem>>, vector<1x1x1x16xf32>,
        %parallel_loop3A_1028 = vector.shape_cast %parallel_loop3A_1027 : vector<1x1x1x16xf32> to vector<16xf32>
        %parallel_loop3A_1029 = arith.addf %parallel_loop3A_1028, %parallel_loop3A_908 : vector<16xf32>
        %parallel_loop3A_1030 = arith.constant 3 : i32
        %parallel_loop3A_1031 = arith.constant 0 : i32
        %parallel_loop3A_1032 = arith.index_cast %parallel_loop3A_1030 : i32 to index
        %parallel_loop3A_1033 = arith.index_cast %parallel_loop3A_1031 : i32 to index
        %parallel_loop3A_1034 = arith.index_cast %parallel_loop3A_880 : i32 to index
        %parallel_loop3A_1035 = arith.constant 96 : index
        %parallel_loop3A_1036 = tpu.vector_load %arg7[%parallel_loop3A_1032, %parallel_loop3A_1033, %parallel_loop3A_1034, %parallel_loop3A_1035] {strides = array<i32>} : memref<4x4x50x128xf32, #tpu.memory_space<vmem>>, vector<1x1x1x16xf32>,
        %parallel_loop3A_1037 = vector.shape_cast %parallel_loop3A_1036 : vector<1x1x1x16xf32> to vector<16xf32>
        %parallel_loop3A_1038 = vector.shape_cast %parallel_loop3A_1029 : vector<16xf32> to vector<1x1x1x16xf32>
        tpu.vector_store %arg7[%parallel_loop3A_1032, %parallel_loop3A_1033, %parallel_loop3A_1034, %parallel_loop3A_1035], %parallel_loop3A_1038 {strides = array<i32>} : memref<4x4x50x128xf32, #tpu.memory_space<vmem>>, vector<1x1x1x16xf32>,
        %parallel_loop3A_1039 = arith.constant 3 : i32
        %parallel_loop3A_1040 = arith.constant 0 : i32
        %parallel_loop3A_1041 = arith.index_cast %parallel_loop3A_1039 : i32 to index
        %parallel_loop3A_1042 = arith.index_cast %parallel_loop3A_1040 : i32 to index
        %parallel_loop3A_1043 = arith.index_cast %parallel_loop3A_880 : i32 to index
        %parallel_loop3A_1044 = arith.constant 112 : index
        %parallel_loop3A_1045 = tpu.vector_load %arg7[%parallel_loop3A_1041, %parallel_loop3A_1042, %parallel_loop3A_1043, %parallel_loop3A_1044] {strides = array<i32>} : memref<4x4x50x128xf32, #tpu.memory_space<vmem>>, vector<1x1x1x16xf32>,
        %parallel_loop3A_1046 = vector.shape_cast %parallel_loop3A_1045 : vector<1x1x1x16xf32> to vector<16xf32>
        %parallel_loop3A_1047 = arith.addf %parallel_loop3A_1046, %parallel_loop3A_912 : vector<16xf32>
        %parallel_loop3A_1048 = arith.constant 3 : i32
        %parallel_loop3A_1049 = arith.constant 0 : i32
        %parallel_loop3A_1050 = arith.index_cast %parallel_loop3A_1048 : i32 to index
        %parallel_loop3A_1051 = arith.index_cast %parallel_loop3A_1049 : i32 to index
        %parallel_loop3A_1052 = arith.index_cast %parallel_loop3A_880 : i32 to index
        %parallel_loop3A_1053 = arith.constant 112 : index
        %parallel_loop3A_1054 = tpu.vector_load %arg7[%parallel_loop3A_1050, %parallel_loop3A_1051, %parallel_loop3A_1052, %parallel_loop3A_1053] {strides = array<i32>} : memref<4x4x50x128xf32, #tpu.memory_space<vmem>>, vector<1x1x1x16xf32>,
        %parallel_loop3A_1055 = vector.shape_cast %parallel_loop3A_1054 : vector<1x1x1x16xf32> to vector<16xf32>
        %parallel_loop3A_1056 = vector.shape_cast %parallel_loop3A_1047 : vector<16xf32> to vector<1x1x1x16xf32>
        tpu.vector_store %arg7[%parallel_loop3A_1050, %parallel_loop3A_1051, %parallel_loop3A_1052, %parallel_loop3A_1053], %parallel_loop3A_1056 {strides = array<i32>} : memref<4x4x50x128xf32, #tpu.memory_space<vmem>>, vector<1x1x1x16xf32>,
        %parallel_loop3A_1057 = arith.constant 3 : i32
        %parallel_loop3A_1058 = arith.constant 1 : i32
        %parallel_loop3A_1059 = arith.index_cast %parallel_loop3A_1057 : i32 to index
        %parallel_loop3A_1060 = arith.index_cast %parallel_loop3A_1058 : i32 to index
        %parallel_loop3A_1061 = arith.index_cast %parallel_loop3A_880 : i32 to index
        %parallel_loop3A_1062 = arith.constant 0 : index
        %parallel_loop3A_1063 = tpu.vector_load %arg7[%parallel_loop3A_1059, %parallel_loop3A_1060, %parallel_loop3A_1061, %parallel_loop3A_1062] {strides = array<i32>} : memref<4x4x50x128xf32, #tpu.memory_space<vmem>>, vector<1x1x1x16xf32>,
        %parallel_loop3A_1064 = vector.shape_cast %parallel_loop3A_1063 : vector<1x1x1x16xf32> to vector<16xf32>
        %parallel_loop3A_1065 = arith.addf %parallel_loop3A_1064, %parallel_loop3A_884 : vector<16xf32>
        %parallel_loop3A_1066 = arith.constant 3 : i32
        %parallel_loop3A_1067 = arith.constant 1 : i32
        %parallel_loop3A_1068 = arith.index_cast %parallel_loop3A_1066 : i32 to index
        %parallel_loop3A_1069 = arith.index_cast %parallel_loop3A_1067 : i32 to index
        %parallel_loop3A_1070 = arith.index_cast %parallel_loop3A_880 : i32 to index
        %parallel_loop3A_1071 = arith.constant 0 : index
        %parallel_loop3A_1072 = tpu.vector_load %arg7[%parallel_loop3A_1068, %parallel_loop3A_1069, %parallel_loop3A_1070, %parallel_loop3A_1071] {strides = array<i32>} : memref<4x4x50x128xf32, #tpu.memory_space<vmem>>, vector<1x1x1x16xf32>,
        %parallel_loop3A_1073 = vector.shape_cast %parallel_loop3A_1072 : vector<1x1x1x16xf32> to vector<16xf32>
        %parallel_loop3A_1074 = vector.shape_cast %parallel_loop3A_1065 : vector<16xf32> to vector<1x1x1x16xf32>
        tpu.vector_store %arg7[%parallel_loop3A_1068, %parallel_loop3A_1069, %parallel_loop3A_1070, %parallel_loop3A_1071], %parallel_loop3A_1074 {strides = array<i32>} : memref<4x4x50x128xf32, #tpu.memory_space<vmem>>, vector<1x1x1x16xf32>,
        %parallel_loop3A_1075 = arith.constant 3 : i32
        %parallel_loop3A_1076 = arith.constant 1 : i32
        %parallel_loop3A_1077 = arith.index_cast %parallel_loop3A_1075 : i32 to index
        %parallel_loop3A_1078 = arith.index_cast %parallel_loop3A_1076 : i32 to index
        %parallel_loop3A_1079 = arith.index_cast %parallel_loop3A_880 : i32 to index
        %parallel_loop3A_1080 = arith.constant 16 : index
        %parallel_loop3A_1081 = tpu.vector_load %arg7[%parallel_loop3A_1077, %parallel_loop3A_1078, %parallel_loop3A_1079, %parallel_loop3A_1080] {strides = array<i32>} : memref<4x4x50x128xf32, #tpu.memory_space<vmem>>, vector<1x1x1x16xf32>,
        %parallel_loop3A_1082 = vector.shape_cast %parallel_loop3A_1081 : vector<1x1x1x16xf32> to vector<16xf32>
        %parallel_loop3A_1083 = arith.addf %parallel_loop3A_1082, %parallel_loop3A_888 : vector<16xf32>
        %parallel_loop3A_1084 = arith.constant 3 : i32
        %parallel_loop3A_1085 = arith.constant 1 : i32
        %parallel_loop3A_1086 = arith.index_cast %parallel_loop3A_1084 : i32 to index
        %parallel_loop3A_1087 = arith.index_cast %parallel_loop3A_1085 : i32 to index
        %parallel_loop3A_1088 = arith.index_cast %parallel_loop3A_880 : i32 to index
        %parallel_loop3A_1089 = arith.constant 16 : index
        %parallel_loop3A_1090 = tpu.vector_load %arg7[%parallel_loop3A_1086, %parallel_loop3A_1087, %parallel_loop3A_1088, %parallel_loop3A_1089] {strides = array<i32>} : memref<4x4x50x128xf32, #tpu.memory_space<vmem>>, vector<1x1x1x16xf32>,
        %parallel_loop3A_1091 = vector.shape_cast %parallel_loop3A_1090 : vector<1x1x1x16xf32> to vector<16xf32>
        %parallel_loop3A_1092 = vector.shape_cast %parallel_loop3A_1083 : vector<16xf32> to vector<1x1x1x16xf32>
        tpu.vector_store %arg7[%parallel_loop3A_1086, %parallel_loop3A_1087, %parallel_loop3A_1088, %parallel_loop3A_1089], %parallel_loop3A_1092 {strides = array<i32>} : memref<4x4x50x128xf32, #tpu.memory_space<vmem>>, vector<1x1x1x16xf32>,
        %parallel_loop3A_1093 = arith.constant 3 : i32
        %parallel_loop3A_1094 = arith.constant 1 : i32
        %parallel_loop3A_1095 = arith.index_cast %parallel_loop3A_1093 : i32 to index
        %parallel_loop3A_1096 = arith.index_cast %parallel_loop3A_1094 : i32 to index
        %parallel_loop3A_1097 = arith.index_cast %parallel_loop3A_880 : i32 to index
        %parallel_loop3A_1098 = arith.constant 32 : index
        %parallel_loop3A_1099 = tpu.vector_load %arg7[%parallel_loop3A_1095, %parallel_loop3A_1096, %parallel_loop3A_1097, %parallel_loop3A_1098] {strides = array<i32>} : memref<4x4x50x128xf32, #tpu.memory_space<vmem>>, vector<1x1x1x16xf32>,
        %parallel_loop3A_1100 = vector.shape_cast %parallel_loop3A_1099 : vector<1x1x1x16xf32> to vector<16xf32>
        %parallel_loop3A_1101 = arith.addf %parallel_loop3A_1100, %parallel_loop3A_892 : vector<16xf32>
        %parallel_loop3A_1102 = arith.constant 3 : i32
        %parallel_loop3A_1103 = arith.constant 1 : i32
        %parallel_loop3A_1104 = arith.index_cast %parallel_loop3A_1102 : i32 to index
        %parallel_loop3A_1105 = arith.index_cast %parallel_loop3A_1103 : i32 to index
        %parallel_loop3A_1106 = arith.index_cast %parallel_loop3A_880 : i32 to index
        %parallel_loop3A_1107 = arith.constant 32 : index
        %parallel_loop3A_1108 = tpu.vector_load %arg7[%parallel_loop3A_1104, %parallel_loop3A_1105, %parallel_loop3A_1106, %parallel_loop3A_1107] {strides = array<i32>} : memref<4x4x50x128xf32, #tpu.memory_space<vmem>>, vector<1x1x1x16xf32>,
        %parallel_loop3A_1109 = vector.shape_cast %parallel_loop3A_1108 : vector<1x1x1x16xf32> to vector<16xf32>
        %parallel_loop3A_1110 = vector.shape_cast %parallel_loop3A_1101 : vector<16xf32> to vector<1x1x1x16xf32>
        tpu.vector_store %arg7[%parallel_loop3A_1104, %parallel_loop3A_1105, %parallel_loop3A_1106, %parallel_loop3A_1107], %parallel_loop3A_1110 {strides = array<i32>} : memref<4x4x50x128xf32, #tpu.memory_space<vmem>>, vector<1x1x1x16xf32>,
        %parallel_loop3A_1111 = arith.constant 3 : i32
        %parallel_loop3A_1112 = arith.constant 1 : i32
        %parallel_loop3A_1113 = arith.index_cast %parallel_loop3A_1111 : i32 to index
        %parallel_loop3A_1114 = arith.index_cast %parallel_loop3A_1112 : i32 to index
        %parallel_loop3A_1115 = arith.index_cast %parallel_loop3A_880 : i32 to index
        %parallel_loop3A_1116 = arith.constant 48 : index
        %parallel_loop3A_1117 = tpu.vector_load %arg7[%parallel_loop3A_1113, %parallel_loop3A_1114, %parallel_loop3A_1115, %parallel_loop3A_1116] {strides = array<i32>} : memref<4x4x50x128xf32, #tpu.memory_space<vmem>>, vector<1x1x1x16xf32>,
        %parallel_loop3A_1118 = vector.shape_cast %parallel_loop3A_1117 : vector<1x1x1x16xf32> to vector<16xf32>
        %parallel_loop3A_1119 = arith.addf %parallel_loop3A_1118, %parallel_loop3A_896 : vector<16xf32>
        %parallel_loop3A_1120 = arith.constant 3 : i32
        %parallel_loop3A_1121 = arith.constant 1 : i32
        %parallel_loop3A_1122 = arith.index_cast %parallel_loop3A_1120 : i32 to index
        %parallel_loop3A_1123 = arith.index_cast %parallel_loop3A_1121 : i32 to index
        %parallel_loop3A_1124 = arith.index_cast %parallel_loop3A_880 : i32 to index
        %parallel_loop3A_1125 = arith.constant 48 : index
        %parallel_loop3A_1126 = tpu.vector_load %arg7[%parallel_loop3A_1122, %parallel_loop3A_1123, %parallel_loop3A_1124, %parallel_loop3A_1125] {strides = array<i32>} : memref<4x4x50x128xf32, #tpu.memory_space<vmem>>, vector<1x1x1x16xf32>,
        %parallel_loop3A_1127 = vector.shape_cast %parallel_loop3A_1126 : vector<1x1x1x16xf32> to vector<16xf32>
        %parallel_loop3A_1128 = vector.shape_cast %parallel_loop3A_1119 : vector<16xf32> to vector<1x1x1x16xf32>
        tpu.vector_store %arg7[%parallel_loop3A_1122, %parallel_loop3A_1123, %parallel_loop3A_1124, %parallel_loop3A_1125], %parallel_loop3A_1128 {strides = array<i32>} : memref<4x4x50x128xf32, #tpu.memory_space<vmem>>, vector<1x1x1x16xf32>,
        %parallel_loop3A_1129 = arith.constant 3 : i32
        %parallel_loop3A_1130 = arith.constant 1 : i32
        %parallel_loop3A_1131 = arith.index_cast %parallel_loop3A_1129 : i32 to index
        %parallel_loop3A_1132 = arith.index_cast %parallel_loop3A_1130 : i32 to index
        %parallel_loop3A_1133 = arith.index_cast %parallel_loop3A_880 : i32 to index
        %parallel_loop3A_1134 = arith.constant 64 : index
        %parallel_loop3A_1135 = tpu.vector_load %arg7[%parallel_loop3A_1131, %parallel_loop3A_1132, %parallel_loop3A_1133, %parallel_loop3A_1134] {strides = array<i32>} : memref<4x4x50x128xf32, #tpu.memory_space<vmem>>, vector<1x1x1x16xf32>,
        %parallel_loop3A_1136 = vector.shape_cast %parallel_loop3A_1135 : vector<1x1x1x16xf32> to vector<16xf32>
        %parallel_loop3A_1137 = arith.addf %parallel_loop3A_1136, %parallel_loop3A_900 : vector<16xf32>
        %parallel_loop3A_1138 = arith.constant 3 : i32
        %parallel_loop3A_1139 = arith.constant 1 : i32
        %parallel_loop3A_1140 = arith.index_cast %parallel_loop3A_1138 : i32 to index
        %parallel_loop3A_1141 = arith.index_cast %parallel_loop3A_1139 : i32 to index
        %parallel_loop3A_1142 = arith.index_cast %parallel_loop3A_880 : i32 to index
        %parallel_loop3A_1143 = arith.constant 64 : index
        %parallel_loop3A_1144 = tpu.vector_load %arg7[%parallel_loop3A_1140, %parallel_loop3A_1141, %parallel_loop3A_1142, %parallel_loop3A_1143] {strides = array<i32>} : memref<4x4x50x128xf32, #tpu.memory_space<vmem>>, vector<1x1x1x16xf32>,
        %parallel_loop3A_1145 = vector.shape_cast %parallel_loop3A_1144 : vector<1x1x1x16xf32> to vector<16xf32>
        %parallel_loop3A_1146 = vector.shape_cast %parallel_loop3A_1137 : vector<16xf32> to vector<1x1x1x16xf32>
        tpu.vector_store %arg7[%parallel_loop3A_1140, %parallel_loop3A_1141, %parallel_loop3A_1142, %parallel_loop3A_1143], %parallel_loop3A_1146 {strides = array<i32>} : memref<4x4x50x128xf32, #tpu.memory_space<vmem>>, vector<1x1x1x16xf32>,
        %parallel_loop3A_1147 = arith.constant 3 : i32
        %parallel_loop3A_1148 = arith.constant 1 : i32
        %parallel_loop3A_1149 = arith.index_cast %parallel_loop3A_1147 : i32 to index
        %parallel_loop3A_1150 = arith.index_cast %parallel_loop3A_1148 : i32 to index
        %parallel_loop3A_1151 = arith.index_cast %parallel_loop3A_880 : i32 to index
        %parallel_loop3A_1152 = arith.constant 80 : index
        %parallel_loop3A_1153 = tpu.vector_load %arg7[%parallel_loop3A_1149, %parallel_loop3A_1150, %parallel_loop3A_1151, %parallel_loop3A_1152] {strides = array<i32>} : memref<4x4x50x128xf32, #tpu.memory_space<vmem>>, vector<1x1x1x16xf32>,
        %parallel_loop3A_1154 = vector.shape_cast %parallel_loop3A_1153 : vector<1x1x1x16xf32> to vector<16xf32>
        %parallel_loop3A_1155 = arith.addf %parallel_loop3A_1154, %parallel_loop3A_904 : vector<16xf32>
        %parallel_loop3A_1156 = arith.constant 3 : i32
        %parallel_loop3A_1157 = arith.constant 1 : i32
        %parallel_loop3A_1158 = arith.index_cast %parallel_loop3A_1156 : i32 to index
        %parallel_loop3A_1159 = arith.index_cast %parallel_loop3A_1157 : i32 to index
        %parallel_loop3A_1160 = arith.index_cast %parallel_loop3A_880 : i32 to index
        %parallel_loop3A_1161 = arith.constant 80 : index
        %parallel_loop3A_1162 = tpu.vector_load %arg7[%parallel_loop3A_1158, %parallel_loop3A_1159, %parallel_loop3A_1160, %parallel_loop3A_1161] {strides = array<i32>} : memref<4x4x50x128xf32, #tpu.memory_space<vmem>>, vector<1x1x1x16xf32>,
        %parallel_loop3A_1163 = vector.shape_cast %parallel_loop3A_1162 : vector<1x1x1x16xf32> to vector<16xf32>
        %parallel_loop3A_1164 = vector.shape_cast %parallel_loop3A_1155 : vector<16xf32> to vector<1x1x1x16xf32>
        tpu.vector_store %arg7[%parallel_loop3A_1158, %parallel_loop3A_1159, %parallel_loop3A_1160, %parallel_loop3A_1161], %parallel_loop3A_1164 {strides = array<i32>} : memref<4x4x50x128xf32, #tpu.memory_space<vmem>>, vector<1x1x1x16xf32>,
        %parallel_loop3A_1165 = arith.constant 3 : i32
        %parallel_loop3A_1166 = arith.constant 1 : i32
        %parallel_loop3A_1167 = arith.index_cast %parallel_loop3A_1165 : i32 to index
        %parallel_loop3A_1168 = arith.index_cast %parallel_loop3A_1166 : i32 to index
        %parallel_loop3A_1169 = arith.index_cast %parallel_loop3A_880 : i32 to index
        %parallel_loop3A_1170 = arith.constant 96 : index
        %parallel_loop3A_1171 = tpu.vector_load %arg7[%parallel_loop3A_1167, %parallel_loop3A_1168, %parallel_loop3A_1169, %parallel_loop3A_1170] {strides = array<i32>} : memref<4x4x50x128xf32, #tpu.memory_space<vmem>>, vector<1x1x1x16xf32>,
        %parallel_loop3A_1172 = vector.shape_cast %parallel_loop3A_1171 : vector<1x1x1x16xf32> to vector<16xf32>
        %parallel_loop3A_1173 = arith.addf %parallel_loop3A_1172, %parallel_loop3A_908 : vector<16xf32>
        %parallel_loop3A_1174 = arith.constant 3 : i32
        %parallel_loop3A_1175 = arith.constant 1 : i32
        %parallel_loop3A_1176 = arith.index_cast %parallel_loop3A_1174 : i32 to index
        %parallel_loop3A_1177 = arith.index_cast %parallel_loop3A_1175 : i32 to index
        %parallel_loop3A_1178 = arith.index_cast %parallel_loop3A_880 : i32 to index
        %parallel_loop3A_1179 = arith.constant 96 : index
        %parallel_loop3A_1180 = tpu.vector_load %arg7[%parallel_loop3A_1176, %parallel_loop3A_1177, %parallel_loop3A_1178, %parallel_loop3A_1179] {strides = array<i32>} : memref<4x4x50x128xf32, #tpu.memory_space<vmem>>, vector<1x1x1x16xf32>,
        %parallel_loop3A_1181 = vector.shape_cast %parallel_loop3A_1180 : vector<1x1x1x16xf32> to vector<16xf32>
        %parallel_loop3A_1182 = vector.shape_cast %parallel_loop3A_1173 : vector<16xf32> to vector<1x1x1x16xf32>
        tpu.vector_store %arg7[%parallel_loop3A_1176, %parallel_loop3A_1177, %parallel_loop3A_1178, %parallel_loop3A_1179], %parallel_loop3A_1182 {strides = array<i32>} : memref<4x4x50x128xf32, #tpu.memory_space<vmem>>, vector<1x1x1x16xf32>,
        %parallel_loop3A_1183 = arith.constant 3 : i32
        %parallel_loop3A_1184 = arith.constant 1 : i32
        %parallel_loop3A_1185 = arith.index_cast %parallel_loop3A_1183 : i32 to index
        %parallel_loop3A_1186 = arith.index_cast %parallel_loop3A_1184 : i32 to index
        %parallel_loop3A_1187 = arith.index_cast %parallel_loop3A_880 : i32 to index
        %parallel_loop3A_1188 = arith.constant 112 : index
        %parallel_loop3A_1189 = tpu.vector_load %arg7[%parallel_loop3A_1185, %parallel_loop3A_1186, %parallel_loop3A_1187, %parallel_loop3A_1188] {strides = array<i32>} : memref<4x4x50x128xf32, #tpu.memory_space<vmem>>, vector<1x1x1x16xf32>,
        %parallel_loop3A_1190 = vector.shape_cast %parallel_loop3A_1189 : vector<1x1x1x16xf32> to vector<16xf32>
        %parallel_loop3A_1191 = arith.addf %parallel_loop3A_1190, %parallel_loop3A_912 : vector<16xf32>
        %parallel_loop3A_1192 = arith.constant 3 : i32
        %parallel_loop3A_1193 = arith.constant 1 : i32
        %parallel_loop3A_1194 = arith.index_cast %parallel_loop3A_1192 : i32 to index
        %parallel_loop3A_1195 = arith.index_cast %parallel_loop3A_1193 : i32 to index
        %parallel_loop3A_1196 = arith.index_cast %parallel_loop3A_880 : i32 to index
        %parallel_loop3A_1197 = arith.constant 112 : index
        %parallel_loop3A_1198 = tpu.vector_load %arg7[%parallel_loop3A_1194, %parallel_loop3A_1195, %parallel_loop3A_1196, %parallel_loop3A_1197] {strides = array<i32>} : memref<4x4x50x128xf32, #tpu.memory_space<vmem>>, vector<1x1x1x16xf32>,
        %parallel_loop3A_1199 = vector.shape_cast %parallel_loop3A_1198 : vector<1x1x1x16xf32> to vector<16xf32>
        %parallel_loop3A_1200 = vector.shape_cast %parallel_loop3A_1191 : vector<16xf32> to vector<1x1x1x16xf32>
        tpu.vector_store %arg7[%parallel_loop3A_1194, %parallel_loop3A_1195, %parallel_loop3A_1196, %parallel_loop3A_1197], %parallel_loop3A_1200 {strides = array<i32>} : memref<4x4x50x128xf32, #tpu.memory_space<vmem>>, vector<1x1x1x16xf32>,
        %parallel_loop3A_1201 = arith.constant 3 : i32
        %parallel_loop3A_1202 = arith.constant 2 : i32
        %parallel_loop3A_1203 = arith.index_cast %parallel_loop3A_1201 : i32 to index
        %parallel_loop3A_1204 = arith.index_cast %parallel_loop3A_1202 : i32 to index
        %parallel_loop3A_1205 = arith.index_cast %parallel_loop3A_880 : i32 to index
        %parallel_loop3A_1206 = arith.constant 0 : index
        %parallel_loop3A_1207 = tpu.vector_load %arg7[%parallel_loop3A_1203, %parallel_loop3A_1204, %parallel_loop3A_1205, %parallel_loop3A_1206] {strides = array<i32>} : memref<4x4x50x128xf32, #tpu.memory_space<vmem>>, vector<1x1x1x16xf32>,
        %parallel_loop3A_1208 = vector.shape_cast %parallel_loop3A_1207 : vector<1x1x1x16xf32> to vector<16xf32>
        %parallel_loop3A_1209 = arith.addf %parallel_loop3A_1208, %parallel_loop3A_884 : vector<16xf32>
        %parallel_loop3A_1210 = arith.constant 3 : i32
        %parallel_loop3A_1211 = arith.constant 2 : i32
        %parallel_loop3A_1212 = arith.index_cast %parallel_loop3A_1210 : i32 to index
        %parallel_loop3A_1213 = arith.index_cast %parallel_loop3A_1211 : i32 to index
        %parallel_loop3A_1214 = arith.index_cast %parallel_loop3A_880 : i32 to index
        %parallel_loop3A_1215 = arith.constant 0 : index
        %parallel_loop3A_1216 = tpu.vector_load %arg7[%parallel_loop3A_1212, %parallel_loop3A_1213, %parallel_loop3A_1214, %parallel_loop3A_1215] {strides = array<i32>} : memref<4x4x50x128xf32, #tpu.memory_space<vmem>>, vector<1x1x1x16xf32>,
        %parallel_loop3A_1217 = vector.shape_cast %parallel_loop3A_1216 : vector<1x1x1x16xf32> to vector<16xf32>
        %parallel_loop3A_1218 = vector.shape_cast %parallel_loop3A_1209 : vector<16xf32> to vector<1x1x1x16xf32>
        tpu.vector_store %arg7[%parallel_loop3A_1212, %parallel_loop3A_1213, %parallel_loop3A_1214, %parallel_loop3A_1215], %parallel_loop3A_1218 {strides = array<i32>} : memref<4x4x50x128xf32, #tpu.memory_space<vmem>>, vector<1x1x1x16xf32>,
        %parallel_loop3A_1219 = arith.constant 3 : i32
        %parallel_loop3A_1220 = arith.constant 2 : i32
        %parallel_loop3A_1221 = arith.index_cast %parallel_loop3A_1219 : i32 to index
        %parallel_loop3A_1222 = arith.index_cast %parallel_loop3A_1220 : i32 to index
        %parallel_loop3A_1223 = arith.index_cast %parallel_loop3A_880 : i32 to index
        %parallel_loop3A_1224 = arith.constant 16 : index
        %parallel_loop3A_1225 = tpu.vector_load %arg7[%parallel_loop3A_1221, %parallel_loop3A_1222, %parallel_loop3A_1223, %parallel_loop3A_1224] {strides = array<i32>} : memref<4x4x50x128xf32, #tpu.memory_space<vmem>>, vector<1x1x1x16xf32>,
        %parallel_loop3A_1226 = vector.shape_cast %parallel_loop3A_1225 : vector<1x1x1x16xf32> to vector<16xf32>
        %parallel_loop3A_1227 = arith.addf %parallel_loop3A_1226, %parallel_loop3A_888 : vector<16xf32>
        %parallel_loop3A_1228 = arith.constant 3 : i32
        %parallel_loop3A_1229 = arith.constant 2 : i32
        %parallel_loop3A_1230 = arith.index_cast %parallel_loop3A_1228 : i32 to index
        %parallel_loop3A_1231 = arith.index_cast %parallel_loop3A_1229 : i32 to index
        %parallel_loop3A_1232 = arith.index_cast %parallel_loop3A_880 : i32 to index
        %parallel_loop3A_1233 = arith.constant 16 : index
        %parallel_loop3A_1234 = tpu.vector_load %arg7[%parallel_loop3A_1230, %parallel_loop3A_1231, %parallel_loop3A_1232, %parallel_loop3A_1233] {strides = array<i32>} : memref<4x4x50x128xf32, #tpu.memory_space<vmem>>, vector<1x1x1x16xf32>,
        %parallel_loop3A_1235 = vector.shape_cast %parallel_loop3A_1234 : vector<1x1x1x16xf32> to vector<16xf32>
        %parallel_loop3A_1236 = vector.shape_cast %parallel_loop3A_1227 : vector<16xf32> to vector<1x1x1x16xf32>
        tpu.vector_store %arg7[%parallel_loop3A_1230, %parallel_loop3A_1231, %parallel_loop3A_1232, %parallel_loop3A_1233], %parallel_loop3A_1236 {strides = array<i32>} : memref<4x4x50x128xf32, #tpu.memory_space<vmem>>, vector<1x1x1x16xf32>,
        %parallel_loop3A_1237 = arith.constant 3 : i32
        %parallel_loop3A_1238 = arith.constant 2 : i32
        %parallel_loop3A_1239 = arith.index_cast %parallel_loop3A_1237 : i32 to index
        %parallel_loop3A_1240 = arith.index_cast %parallel_loop3A_1238 : i32 to index
        %parallel_loop3A_1241 = arith.index_cast %parallel_loop3A_880 : i32 to index
        %parallel_loop3A_1242 = arith.constant 32 : index
        %parallel_loop3A_1243 = tpu.vector_load %arg7[%parallel_loop3A_1239, %parallel_loop3A_1240, %parallel_loop3A_1241, %parallel_loop3A_1242] {strides = array<i32>} : memref<4x4x50x128xf32, #tpu.memory_space<vmem>>, vector<1x1x1x16xf32>,
        %parallel_loop3A_1244 = vector.shape_cast %parallel_loop3A_1243 : vector<1x1x1x16xf32> to vector<16xf32>
        %parallel_loop3A_1245 = arith.addf %parallel_loop3A_1244, %parallel_loop3A_892 : vector<16xf32>
        %parallel_loop3A_1246 = arith.constant 3 : i32
        %parallel_loop3A_1247 = arith.constant 2 : i32
        %parallel_loop3A_1248 = arith.index_cast %parallel_loop3A_1246 : i32 to index
        %parallel_loop3A_1249 = arith.index_cast %parallel_loop3A_1247 : i32 to index
        %parallel_loop3A_1250 = arith.index_cast %parallel_loop3A_880 : i32 to index
        %parallel_loop3A_1251 = arith.constant 32 : index
        %parallel_loop3A_1252 = tpu.vector_load %arg7[%parallel_loop3A_1248, %parallel_loop3A_1249, %parallel_loop3A_1250, %parallel_loop3A_1251] {strides = array<i32>} : memref<4x4x50x128xf32, #tpu.memory_space<vmem>>, vector<1x1x1x16xf32>,
        %parallel_loop3A_1253 = vector.shape_cast %parallel_loop3A_1252 : vector<1x1x1x16xf32> to vector<16xf32>
        %parallel_loop3A_1254 = vector.shape_cast %parallel_loop3A_1245 : vector<16xf32> to vector<1x1x1x16xf32>
        tpu.vector_store %arg7[%parallel_loop3A_1248, %parallel_loop3A_1249, %parallel_loop3A_1250, %parallel_loop3A_1251], %parallel_loop3A_1254 {strides = array<i32>} : memref<4x4x50x128xf32, #tpu.memory_space<vmem>>, vector<1x1x1x16xf32>,
        %parallel_loop3A_1255 = arith.constant 3 : i32
        %parallel_loop3A_1256 = arith.constant 2 : i32
        %parallel_loop3A_1257 = arith.index_cast %parallel_loop3A_1255 : i32 to index
        %parallel_loop3A_1258 = arith.index_cast %parallel_loop3A_1256 : i32 to index
        %parallel_loop3A_1259 = arith.index_cast %parallel_loop3A_880 : i32 to index
        %parallel_loop3A_1260 = arith.constant 48 : index
        %parallel_loop3A_1261 = tpu.vector_load %arg7[%parallel_loop3A_1257, %parallel_loop3A_1258, %parallel_loop3A_1259, %parallel_loop3A_1260] {strides = array<i32>} : memref<4x4x50x128xf32, #tpu.memory_space<vmem>>, vector<1x1x1x16xf32>,
        %parallel_loop3A_1262 = vector.shape_cast %parallel_loop3A_1261 : vector<1x1x1x16xf32> to vector<16xf32>
        %parallel_loop3A_1263 = arith.addf %parallel_loop3A_1262, %parallel_loop3A_896 : vector<16xf32>
        %parallel_loop3A_1264 = arith.constant 3 : i32
        %parallel_loop3A_1265 = arith.constant 2 : i32
        %parallel_loop3A_1266 = arith.index_cast %parallel_loop3A_1264 : i32 to index
        %parallel_loop3A_1267 = arith.index_cast %parallel_loop3A_1265 : i32 to index
        %parallel_loop3A_1268 = arith.index_cast %parallel_loop3A_880 : i32 to index
        %parallel_loop3A_1269 = arith.constant 48 : index
        %parallel_loop3A_1270 = tpu.vector_load %arg7[%parallel_loop3A_1266, %parallel_loop3A_1267, %parallel_loop3A_1268, %parallel_loop3A_1269] {strides = array<i32>} : memref<4x4x50x128xf32, #tpu.memory_space<vmem>>, vector<1x1x1x16xf32>,
        %parallel_loop3A_1271 = vector.shape_cast %parallel_loop3A_1270 : vector<1x1x1x16xf32> to vector<16xf32>
        %parallel_loop3A_1272 = vector.shape_cast %parallel_loop3A_1263 : vector<16xf32> to vector<1x1x1x16xf32>
        tpu.vector_store %arg7[%parallel_loop3A_1266, %parallel_loop3A_1267, %parallel_loop3A_1268, %parallel_loop3A_1269], %parallel_loop3A_1272 {strides = array<i32>} : memref<4x4x50x128xf32, #tpu.memory_space<vmem>>, vector<1x1x1x16xf32>,
        %parallel_loop3A_1273 = arith.constant 3 : i32
        %parallel_loop3A_1274 = arith.constant 2 : i32
        %parallel_loop3A_1275 = arith.index_cast %parallel_loop3A_1273 : i32 to index
        %parallel_loop3A_1276 = arith.index_cast %parallel_loop3A_1274 : i32 to index
        %parallel_loop3A_1277 = arith.index_cast %parallel_loop3A_880 : i32 to index
        %parallel_loop3A_1278 = arith.constant 64 : index
        %parallel_loop3A_1279 = tpu.vector_load %arg7[%parallel_loop3A_1275, %parallel_loop3A_1276, %parallel_loop3A_1277, %parallel_loop3A_1278] {strides = array<i32>} : memref<4x4x50x128xf32, #tpu.memory_space<vmem>>, vector<1x1x1x16xf32>,
        %parallel_loop3A_1280 = vector.shape_cast %parallel_loop3A_1279 : vector<1x1x1x16xf32> to vector<16xf32>
        %parallel_loop3A_1281 = arith.addf %parallel_loop3A_1280, %parallel_loop3A_900 : vector<16xf32>
        %parallel_loop3A_1282 = arith.constant 3 : i32
        %parallel_loop3A_1283 = arith.constant 2 : i32
        %parallel_loop3A_1284 = arith.index_cast %parallel_loop3A_1282 : i32 to index
        %parallel_loop3A_1285 = arith.index_cast %parallel_loop3A_1283 : i32 to index
        %parallel_loop3A_1286 = arith.index_cast %parallel_loop3A_880 : i32 to index
        %parallel_loop3A_1287 = arith.constant 64 : index
        %parallel_loop3A_1288 = tpu.vector_load %arg7[%parallel_loop3A_1284, %parallel_loop3A_1285, %parallel_loop3A_1286, %parallel_loop3A_1287] {strides = array<i32>} : memref<4x4x50x128xf32, #tpu.memory_space<vmem>>, vector<1x1x1x16xf32>,
        %parallel_loop3A_1289 = vector.shape_cast %parallel_loop3A_1288 : vector<1x1x1x16xf32> to vector<16xf32>
        %parallel_loop3A_1290 = vector.shape_cast %parallel_loop3A_1281 : vector<16xf32> to vector<1x1x1x16xf32>
        tpu.vector_store %arg7[%parallel_loop3A_1284, %parallel_loop3A_1285, %parallel_loop3A_1286, %parallel_loop3A_1287], %parallel_loop3A_1290 {strides = array<i32>} : memref<4x4x50x128xf32, #tpu.memory_space<vmem>>, vector<1x1x1x16xf32>,
        %parallel_loop3A_1291 = arith.constant 3 : i32
        %parallel_loop3A_1292 = arith.constant 2 : i32
        %parallel_loop3A_1293 = arith.index_cast %parallel_loop3A_1291 : i32 to index
        %parallel_loop3A_1294 = arith.index_cast %parallel_loop3A_1292 : i32 to index
        %parallel_loop3A_1295 = arith.index_cast %parallel_loop3A_880 : i32 to index
        %parallel_loop3A_1296 = arith.constant 80 : index
        %parallel_loop3A_1297 = tpu.vector_load %arg7[%parallel_loop3A_1293, %parallel_loop3A_1294, %parallel_loop3A_1295, %parallel_loop3A_1296] {strides = array<i32>} : memref<4x4x50x128xf32, #tpu.memory_space<vmem>>, vector<1x1x1x16xf32>,
        %parallel_loop3A_1298 = vector.shape_cast %parallel_loop3A_1297 : vector<1x1x1x16xf32> to vector<16xf32>
        %parallel_loop3A_1299 = arith.addf %parallel_loop3A_1298, %parallel_loop3A_904 : vector<16xf32>
        %parallel_loop3A_1300 = arith.constant 3 : i32
        %parallel_loop3A_1301 = arith.constant 2 : i32
        %parallel_loop3A_1302 = arith.index_cast %parallel_loop3A_1300 : i32 to index
        %parallel_loop3A_1303 = arith.index_cast %parallel_loop3A_1301 : i32 to index
        %parallel_loop3A_1304 = arith.index_cast %parallel_loop3A_880 : i32 to index
        %parallel_loop3A_1305 = arith.constant 80 : index
        %parallel_loop3A_1306 = tpu.vector_load %arg7[%parallel_loop3A_1302, %parallel_loop3A_1303, %parallel_loop3A_1304, %parallel_loop3A_1305] {strides = array<i32>} : memref<4x4x50x128xf32, #tpu.memory_space<vmem>>, vector<1x1x1x16xf32>,
        %parallel_loop3A_1307 = vector.shape_cast %parallel_loop3A_1306 : vector<1x1x1x16xf32> to vector<16xf32>
        %parallel_loop3A_1308 = vector.shape_cast %parallel_loop3A_1299 : vector<16xf32> to vector<1x1x1x16xf32>
        tpu.vector_store %arg7[%parallel_loop3A_1302, %parallel_loop3A_1303, %parallel_loop3A_1304, %parallel_loop3A_1305], %parallel_loop3A_1308 {strides = array<i32>} : memref<4x4x50x128xf32, #tpu.memory_space<vmem>>, vector<1x1x1x16xf32>,
        %parallel_loop3A_1309 = arith.constant 3 : i32
        %parallel_loop3A_1310 = arith.constant 2 : i32
        %parallel_loop3A_1311 = arith.index_cast %parallel_loop3A_1309 : i32 to index
        %parallel_loop3A_1312 = arith.index_cast %parallel_loop3A_1310 : i32 to index
        %parallel_loop3A_1313 = arith.index_cast %parallel_loop3A_880 : i32 to index
        %parallel_loop3A_1314 = arith.constant 96 : index
        %parallel_loop3A_1315 = tpu.vector_load %arg7[%parallel_loop3A_1311, %parallel_loop3A_1312, %parallel_loop3A_1313, %parallel_loop3A_1314] {strides = array<i32>} : memref<4x4x50x128xf32, #tpu.memory_space<vmem>>, vector<1x1x1x16xf32>,
        %parallel_loop3A_1316 = vector.shape_cast %parallel_loop3A_1315 : vector<1x1x1x16xf32> to vector<16xf32>
        %parallel_loop3A_1317 = arith.addf %parallel_loop3A_1316, %parallel_loop3A_908 : vector<16xf32>
        %parallel_loop3A_1318 = arith.constant 3 : i32
        %parallel_loop3A_1319 = arith.constant 2 : i32
        %parallel_loop3A_1320 = arith.index_cast %parallel_loop3A_1318 : i32 to index
        %parallel_loop3A_1321 = arith.index_cast %parallel_loop3A_1319 : i32 to index
        %parallel_loop3A_1322 = arith.index_cast %parallel_loop3A_880 : i32 to index
        %parallel_loop3A_1323 = arith.constant 96 : index
        %parallel_loop3A_1324 = tpu.vector_load %arg7[%parallel_loop3A_1320, %parallel_loop3A_1321, %parallel_loop3A_1322, %parallel_loop3A_1323] {strides = array<i32>} : memref<4x4x50x128xf32, #tpu.memory_space<vmem>>, vector<1x1x1x16xf32>,
        %parallel_loop3A_1325 = vector.shape_cast %parallel_loop3A_1324 : vector<1x1x1x16xf32> to vector<16xf32>
        %parallel_loop3A_1326 = vector.shape_cast %parallel_loop3A_1317 : vector<16xf32> to vector<1x1x1x16xf32>
        tpu.vector_store %arg7[%parallel_loop3A_1320, %parallel_loop3A_1321, %parallel_loop3A_1322, %parallel_loop3A_1323], %parallel_loop3A_1326 {strides = array<i32>} : memref<4x4x50x128xf32, #tpu.memory_space<vmem>>, vector<1x1x1x16xf32>,
        %parallel_loop3A_1327 = arith.constant 3 : i32
        %parallel_loop3A_1328 = arith.constant 2 : i32
        %parallel_loop3A_1329 = arith.index_cast %parallel_loop3A_1327 : i32 to index
        %parallel_loop3A_1330 = arith.index_cast %parallel_loop3A_1328 : i32 to index
        %parallel_loop3A_1331 = arith.index_cast %parallel_loop3A_880 : i32 to index
        %parallel_loop3A_1332 = arith.constant 112 : index
        %parallel_loop3A_1333 = tpu.vector_load %arg7[%parallel_loop3A_1329, %parallel_loop3A_1330, %parallel_loop3A_1331, %parallel_loop3A_1332] {strides = array<i32>} : memref<4x4x50x128xf32, #tpu.memory_space<vmem>>, vector<1x1x1x16xf32>,
        %parallel_loop3A_1334 = vector.shape_cast %parallel_loop3A_1333 : vector<1x1x1x16xf32> to vector<16xf32>
        %parallel_loop3A_1335 = arith.addf %parallel_loop3A_1334, %parallel_loop3A_912 : vector<16xf32>
        %parallel_loop3A_1336 = arith.constant 3 : i32
        %parallel_loop3A_1337 = arith.constant 2 : i32
        %parallel_loop3A_1338 = arith.index_cast %parallel_loop3A_1336 : i32 to index
        %parallel_loop3A_1339 = arith.index_cast %parallel_loop3A_1337 : i32 to index
        %parallel_loop3A_1340 = arith.index_cast %parallel_loop3A_880 : i32 to index
        %parallel_loop3A_1341 = arith.constant 112 : index
        %parallel_loop3A_1342 = tpu.vector_load %arg7[%parallel_loop3A_1338, %parallel_loop3A_1339, %parallel_loop3A_1340, %parallel_loop3A_1341] {strides = array<i32>} : memref<4x4x50x128xf32, #tpu.memory_space<vmem>>, vector<1x1x1x16xf32>,
        %parallel_loop3A_1343 = vector.shape_cast %parallel_loop3A_1342 : vector<1x1x1x16xf32> to vector<16xf32>
        %parallel_loop3A_1344 = vector.shape_cast %parallel_loop3A_1335 : vector<16xf32> to vector<1x1x1x16xf32>
        tpu.vector_store %arg7[%parallel_loop3A_1338, %parallel_loop3A_1339, %parallel_loop3A_1340, %parallel_loop3A_1341], %parallel_loop3A_1344 {strides = array<i32>} : memref<4x4x50x128xf32, #tpu.memory_space<vmem>>, vector<1x1x1x16xf32>,
        %parallel_loop3A_1345 = arith.constant 3 : i32
        %parallel_loop3A_1346 = arith.constant 3 : i32
        %parallel_loop3A_1347 = arith.index_cast %parallel_loop3A_1345 : i32 to index
        %parallel_loop3A_1348 = arith.index_cast %parallel_loop3A_1346 : i32 to index
        %parallel_loop3A_1349 = arith.index_cast %parallel_loop3A_880 : i32 to index
        %parallel_loop3A_1350 = arith.constant 0 : index
        %parallel_loop3A_1351 = tpu.vector_load %arg7[%parallel_loop3A_1347, %parallel_loop3A_1348, %parallel_loop3A_1349, %parallel_loop3A_1350] {strides = array<i32>} : memref<4x4x50x128xf32, #tpu.memory_space<vmem>>, vector<1x1x1x16xf32>,
        %parallel_loop3A_1352 = vector.shape_cast %parallel_loop3A_1351 : vector<1x1x1x16xf32> to vector<16xf32>
        %parallel_loop3A_1353 = arith.addf %parallel_loop3A_1352, %parallel_loop3A_884 : vector<16xf32>
        %parallel_loop3A_1354 = arith.constant 3 : i32
        %parallel_loop3A_1355 = arith.constant 3 : i32
        %parallel_loop3A_1356 = arith.index_cast %parallel_loop3A_1354 : i32 to index
        %parallel_loop3A_1357 = arith.index_cast %parallel_loop3A_1355 : i32 to index
        %parallel_loop3A_1358 = arith.index_cast %parallel_loop3A_880 : i32 to index
        %parallel_loop3A_1359 = arith.constant 0 : index
        %parallel_loop3A_1360 = tpu.vector_load %arg7[%parallel_loop3A_1356, %parallel_loop3A_1357, %parallel_loop3A_1358, %parallel_loop3A_1359] {strides = array<i32>} : memref<4x4x50x128xf32, #tpu.memory_space<vmem>>, vector<1x1x1x16xf32>,
        %parallel_loop3A_1361 = vector.shape_cast %parallel_loop3A_1360 : vector<1x1x1x16xf32> to vector<16xf32>
        %parallel_loop3A_1362 = vector.shape_cast %parallel_loop3A_1353 : vector<16xf32> to vector<1x1x1x16xf32>
        tpu.vector_store %arg7[%parallel_loop3A_1356, %parallel_loop3A_1357, %parallel_loop3A_1358, %parallel_loop3A_1359], %parallel_loop3A_1362 {strides = array<i32>} : memref<4x4x50x128xf32, #tpu.memory_space<vmem>>, vector<1x1x1x16xf32>,
        %parallel_loop3A_1363 = arith.constant 3 : i32
        %parallel_loop3A_1364 = arith.constant 3 : i32
        %parallel_loop3A_1365 = arith.index_cast %parallel_loop3A_1363 : i32 to index
        %parallel_loop3A_1366 = arith.index_cast %parallel_loop3A_1364 : i32 to index
        %parallel_loop3A_1367 = arith.index_cast %parallel_loop3A_880 : i32 to index
        %parallel_loop3A_1368 = arith.constant 16 : index
        %parallel_loop3A_1369 = tpu.vector_load %arg7[%parallel_loop3A_1365, %parallel_loop3A_1366, %parallel_loop3A_1367, %parallel_loop3A_1368] {strides = array<i32>} : memref<4x4x50x128xf32, #tpu.memory_space<vmem>>, vector<1x1x1x16xf32>,
        %parallel_loop3A_1370 = vector.shape_cast %parallel_loop3A_1369 : vector<1x1x1x16xf32> to vector<16xf32>
        %parallel_loop3A_1371 = arith.addf %parallel_loop3A_1370, %parallel_loop3A_888 : vector<16xf32>
        %parallel_loop3A_1372 = arith.constant 3 : i32
        %parallel_loop3A_1373 = arith.constant 3 : i32
        %parallel_loop3A_1374 = arith.index_cast %parallel_loop3A_1372 : i32 to index
        %parallel_loop3A_1375 = arith.index_cast %parallel_loop3A_1373 : i32 to index
        %parallel_loop3A_1376 = arith.index_cast %parallel_loop3A_880 : i32 to index
        %parallel_loop3A_1377 = arith.constant 16 : index
        %parallel_loop3A_1378 = tpu.vector_load %arg7[%parallel_loop3A_1374, %parallel_loop3A_1375, %parallel_loop3A_1376, %parallel_loop3A_1377] {strides = array<i32>} : memref<4x4x50x128xf32, #tpu.memory_space<vmem>>, vector<1x1x1x16xf32>,
        %parallel_loop3A_1379 = vector.shape_cast %parallel_loop3A_1378 : vector<1x1x1x16xf32> to vector<16xf32>
        %parallel_loop3A_1380 = vector.shape_cast %parallel_loop3A_1371 : vector<16xf32> to vector<1x1x1x16xf32>
        tpu.vector_store %arg7[%parallel_loop3A_1374, %parallel_loop3A_1375, %parallel_loop3A_1376, %parallel_loop3A_1377], %parallel_loop3A_1380 {strides = array<i32>} : memref<4x4x50x128xf32, #tpu.memory_space<vmem>>, vector<1x1x1x16xf32>,
        %parallel_loop3A_1381 = arith.constant 3 : i32
        %parallel_loop3A_1382 = arith.constant 3 : i32
        %parallel_loop3A_1383 = arith.index_cast %parallel_loop3A_1381 : i32 to index
        %parallel_loop3A_1384 = arith.index_cast %parallel_loop3A_1382 : i32 to index
        %parallel_loop3A_1385 = arith.index_cast %parallel_loop3A_880 : i32 to index
        %parallel_loop3A_1386 = arith.constant 32 : index
        %parallel_loop3A_1387 = tpu.vector_load %arg7[%parallel_loop3A_1383, %parallel_loop3A_1384, %parallel_loop3A_1385, %parallel_loop3A_1386] {strides = array<i32>} : memref<4x4x50x128xf32, #tpu.memory_space<vmem>>, vector<1x1x1x16xf32>,
        %parallel_loop3A_1388 = vector.shape_cast %parallel_loop3A_1387 : vector<1x1x1x16xf32> to vector<16xf32>
        %parallel_loop3A_1389 = arith.addf %parallel_loop3A_1388, %parallel_loop3A_892 : vector<16xf32>
        %parallel_loop3A_1390 = arith.constant 3 : i32
        %parallel_loop3A_1391 = arith.constant 3 : i32
        %parallel_loop3A_1392 = arith.index_cast %parallel_loop3A_1390 : i32 to index
        %parallel_loop3A_1393 = arith.index_cast %parallel_loop3A_1391 : i32 to index
        %parallel_loop3A_1394 = arith.index_cast %parallel_loop3A_880 : i32 to index
        %parallel_loop3A_1395 = arith.constant 32 : index
        %parallel_loop3A_1396 = tpu.vector_load %arg7[%parallel_loop3A_1392, %parallel_loop3A_1393, %parallel_loop3A_1394, %parallel_loop3A_1395] {strides = array<i32>} : memref<4x4x50x128xf32, #tpu.memory_space<vmem>>, vector<1x1x1x16xf32>,
        %parallel_loop3A_1397 = vector.shape_cast %parallel_loop3A_1396 : vector<1x1x1x16xf32> to vector<16xf32>
        %parallel_loop3A_1398 = vector.shape_cast %parallel_loop3A_1389 : vector<16xf32> to vector<1x1x1x16xf32>
        tpu.vector_store %arg7[%parallel_loop3A_1392, %parallel_loop3A_1393, %parallel_loop3A_1394, %parallel_loop3A_1395], %parallel_loop3A_1398 {strides = array<i32>} : memref<4x4x50x128xf32, #tpu.memory_space<vmem>>, vector<1x1x1x16xf32>,
        %parallel_loop3A_1399 = arith.constant 3 : i32
        %parallel_loop3A_1400 = arith.constant 3 : i32
        %parallel_loop3A_1401 = arith.index_cast %parallel_loop3A_1399 : i32 to index
        %parallel_loop3A_1402 = arith.index_cast %parallel_loop3A_1400 : i32 to index
        %parallel_loop3A_1403 = arith.index_cast %parallel_loop3A_880 : i32 to index
        %parallel_loop3A_1404 = arith.constant 48 : index
        %parallel_loop3A_1405 = tpu.vector_load %arg7[%parallel_loop3A_1401, %parallel_loop3A_1402, %parallel_loop3A_1403, %parallel_loop3A_1404] {strides = array<i32>} : memref<4x4x50x128xf32, #tpu.memory_space<vmem>>, vector<1x1x1x16xf32>,
        %parallel_loop3A_1406 = vector.shape_cast %parallel_loop3A_1405 : vector<1x1x1x16xf32> to vector<16xf32>
        %parallel_loop3A_1407 = arith.addf %parallel_loop3A_1406, %parallel_loop3A_896 : vector<16xf32>
        %parallel_loop3A_1408 = arith.constant 3 : i32
        %parallel_loop3A_1409 = arith.constant 3 : i32
        %parallel_loop3A_1410 = arith.index_cast %parallel_loop3A_1408 : i32 to index
        %parallel_loop3A_1411 = arith.index_cast %parallel_loop3A_1409 : i32 to index
        %parallel_loop3A_1412 = arith.index_cast %parallel_loop3A_880 : i32 to index
        %parallel_loop3A_1413 = arith.constant 48 : index
        %parallel_loop3A_1414 = tpu.vector_load %arg7[%parallel_loop3A_1410, %parallel_loop3A_1411, %parallel_loop3A_1412, %parallel_loop3A_1413] {strides = array<i32>} : memref<4x4x50x128xf32, #tpu.memory_space<vmem>>, vector<1x1x1x16xf32>,
        %parallel_loop3A_1415 = vector.shape_cast %parallel_loop3A_1414 : vector<1x1x1x16xf32> to vector<16xf32>
        %parallel_loop3A_1416 = vector.shape_cast %parallel_loop3A_1407 : vector<16xf32> to vector<1x1x1x16xf32>
        tpu.vector_store %arg7[%parallel_loop3A_1410, %parallel_loop3A_1411, %parallel_loop3A_1412, %parallel_loop3A_1413], %parallel_loop3A_1416 {strides = array<i32>} : memref<4x4x50x128xf32, #tpu.memory_space<vmem>>, vector<1x1x1x16xf32>,
        %parallel_loop3A_1417 = arith.constant 3 : i32
        %parallel_loop3A_1418 = arith.constant 3 : i32
        %parallel_loop3A_1419 = arith.index_cast %parallel_loop3A_1417 : i32 to index
        %parallel_loop3A_1420 = arith.index_cast %parallel_loop3A_1418 : i32 to index
        %parallel_loop3A_1421 = arith.index_cast %parallel_loop3A_880 : i32 to index
        %parallel_loop3A_1422 = arith.constant 64 : index
        %parallel_loop3A_1423 = tpu.vector_load %arg7[%parallel_loop3A_1419, %parallel_loop3A_1420, %parallel_loop3A_1421, %parallel_loop3A_1422] {strides = array<i32>} : memref<4x4x50x128xf32, #tpu.memory_space<vmem>>, vector<1x1x1x16xf32>,
        %parallel_loop3A_1424 = vector.shape_cast %parallel_loop3A_1423 : vector<1x1x1x16xf32> to vector<16xf32>
        %parallel_loop3A_1425 = arith.addf %parallel_loop3A_1424, %parallel_loop3A_900 : vector<16xf32>
        %parallel_loop3A_1426 = arith.constant 3 : i32
        %parallel_loop3A_1427 = arith.constant 3 : i32
        %parallel_loop3A_1428 = arith.index_cast %parallel_loop3A_1426 : i32 to index
        %parallel_loop3A_1429 = arith.index_cast %parallel_loop3A_1427 : i32 to index
        %parallel_loop3A_1430 = arith.index_cast %parallel_loop3A_880 : i32 to index
        %parallel_loop3A_1431 = arith.constant 64 : index
        %parallel_loop3A_1432 = tpu.vector_load %arg7[%parallel_loop3A_1428, %parallel_loop3A_1429, %parallel_loop3A_1430, %parallel_loop3A_1431] {strides = array<i32>} : memref<4x4x50x128xf32, #tpu.memory_space<vmem>>, vector<1x1x1x16xf32>,
        %parallel_loop3A_1433 = vector.shape_cast %parallel_loop3A_1432 : vector<1x1x1x16xf32> to vector<16xf32>
        %parallel_loop3A_1434 = vector.shape_cast %parallel_loop3A_1425 : vector<16xf32> to vector<1x1x1x16xf32>
        tpu.vector_store %arg7[%parallel_loop3A_1428, %parallel_loop3A_1429, %parallel_loop3A_1430, %parallel_loop3A_1431], %parallel_loop3A_1434 {strides = array<i32>} : memref<4x4x50x128xf32, #tpu.memory_space<vmem>>, vector<1x1x1x16xf32>,
        %parallel_loop3A_1435 = arith.constant 3 : i32
        %parallel_loop3A_1436 = arith.constant 3 : i32
        %parallel_loop3A_1437 = arith.index_cast %parallel_loop3A_1435 : i32 to index
        %parallel_loop3A_1438 = arith.index_cast %parallel_loop3A_1436 : i32 to index
        %parallel_loop3A_1439 = arith.index_cast %parallel_loop3A_880 : i32 to index
        %parallel_loop3A_1440 = arith.constant 80 : index
        %parallel_loop3A_1441 = tpu.vector_load %arg7[%parallel_loop3A_1437, %parallel_loop3A_1438, %parallel_loop3A_1439, %parallel_loop3A_1440] {strides = array<i32>} : memref<4x4x50x128xf32, #tpu.memory_space<vmem>>, vector<1x1x1x16xf32>,
        %parallel_loop3A_1442 = vector.shape_cast %parallel_loop3A_1441 : vector<1x1x1x16xf32> to vector<16xf32>
        %parallel_loop3A_1443 = arith.addf %parallel_loop3A_1442, %parallel_loop3A_904 : vector<16xf32>
        %parallel_loop3A_1444 = arith.constant 3 : i32
        %parallel_loop3A_1445 = arith.constant 3 : i32
        %parallel_loop3A_1446 = arith.index_cast %parallel_loop3A_1444 : i32 to index
        %parallel_loop3A_1447 = arith.index_cast %parallel_loop3A_1445 : i32 to index
        %parallel_loop3A_1448 = arith.index_cast %parallel_loop3A_880 : i32 to index
        %parallel_loop3A_1449 = arith.constant 80 : index
        %parallel_loop3A_1450 = tpu.vector_load %arg7[%parallel_loop3A_1446, %parallel_loop3A_1447, %parallel_loop3A_1448, %parallel_loop3A_1449] {strides = array<i32>} : memref<4x4x50x128xf32, #tpu.memory_space<vmem>>, vector<1x1x1x16xf32>,
        %parallel_loop3A_1451 = vector.shape_cast %parallel_loop3A_1450 : vector<1x1x1x16xf32> to vector<16xf32>
        %parallel_loop3A_1452 = vector.shape_cast %parallel_loop3A_1443 : vector<16xf32> to vector<1x1x1x16xf32>
        tpu.vector_store %arg7[%parallel_loop3A_1446, %parallel_loop3A_1447, %parallel_loop3A_1448, %parallel_loop3A_1449], %parallel_loop3A_1452 {strides = array<i32>} : memref<4x4x50x128xf32, #tpu.memory_space<vmem>>, vector<1x1x1x16xf32>,
        %parallel_loop3A_1453 = arith.constant 3 : i32
        %parallel_loop3A_1454 = arith.constant 3 : i32
        %parallel_loop3A_1455 = arith.index_cast %parallel_loop3A_1453 : i32 to index
        %parallel_loop3A_1456 = arith.index_cast %parallel_loop3A_1454 : i32 to index
        %parallel_loop3A_1457 = arith.index_cast %parallel_loop3A_880 : i32 to index
        %parallel_loop3A_1458 = arith.constant 96 : index
        %parallel_loop3A_1459 = tpu.vector_load %arg7[%parallel_loop3A_1455, %parallel_loop3A_1456, %parallel_loop3A_1457, %parallel_loop3A_1458] {strides = array<i32>} : memref<4x4x50x128xf32, #tpu.memory_space<vmem>>, vector<1x1x1x16xf32>,
        %parallel_loop3A_1460 = vector.shape_cast %parallel_loop3A_1459 : vector<1x1x1x16xf32> to vector<16xf32>
        %parallel_loop3A_1461 = arith.addf %parallel_loop3A_1460, %parallel_loop3A_908 : vector<16xf32>
        %parallel_loop3A_1462 = arith.constant 3 : i32
        %parallel_loop3A_1463 = arith.constant 3 : i32
        %parallel_loop3A_1464 = arith.index_cast %parallel_loop3A_1462 : i32 to index
        %parallel_loop3A_1465 = arith.index_cast %parallel_loop3A_1463 : i32 to index
        %parallel_loop3A_1466 = arith.index_cast %parallel_loop3A_880 : i32 to index
        %parallel_loop3A_1467 = arith.constant 96 : index
        %parallel_loop3A_1468 = tpu.vector_load %arg7[%parallel_loop3A_1464, %parallel_loop3A_1465, %parallel_loop3A_1466, %parallel_loop3A_1467] {strides = array<i32>} : memref<4x4x50x128xf32, #tpu.memory_space<vmem>>, vector<1x1x1x16xf32>,
        %parallel_loop3A_1469 = vector.shape_cast %parallel_loop3A_1468 : vector<1x1x1x16xf32> to vector<16xf32>
        %parallel_loop3A_1470 = vector.shape_cast %parallel_loop3A_1461 : vector<16xf32> to vector<1x1x1x16xf32>
        tpu.vector_store %arg7[%parallel_loop3A_1464, %parallel_loop3A_1465, %parallel_loop3A_1466, %parallel_loop3A_1467], %parallel_loop3A_1470 {strides = array<i32>} : memref<4x4x50x128xf32, #tpu.memory_space<vmem>>, vector<1x1x1x16xf32>,
        %parallel_loop3A_1471 = arith.constant 3 : i32
        %parallel_loop3A_1472 = arith.constant 3 : i32
        %parallel_loop3A_1473 = arith.index_cast %parallel_loop3A_1471 : i32 to index
        %parallel_loop3A_1474 = arith.index_cast %parallel_loop3A_1472 : i32 to index
        %parallel_loop3A_1475 = arith.index_cast %parallel_loop3A_880 : i32 to index
        %parallel_loop3A_1476 = arith.constant 112 : index
        %parallel_loop3A_1477 = tpu.vector_load %arg7[%parallel_loop3A_1473, %parallel_loop3A_1474, %parallel_loop3A_1475, %parallel_loop3A_1476] {strides = array<i32>} : memref<4x4x50x128xf32, #tpu.memory_space<vmem>>, vector<1x1x1x16xf32>,
        %parallel_loop3A_1478 = vector.shape_cast %parallel_loop3A_1477 : vector<1x1x1x16xf32> to vector<16xf32>
        %parallel_loop3A_1479 = arith.addf %parallel_loop3A_1478, %parallel_loop3A_912 : vector<16xf32>
        %parallel_loop3A_1480 = arith.constant 3 : i32
        %parallel_loop3A_1481 = arith.constant 3 : i32
        %parallel_loop3A_1482 = arith.index_cast %parallel_loop3A_1480 : i32 to index
        %parallel_loop3A_1483 = arith.index_cast %parallel_loop3A_1481 : i32 to index
        %parallel_loop3A_1484 = arith.index_cast %parallel_loop3A_880 : i32 to index
        %parallel_loop3A_1485 = arith.constant 112 : index
        %parallel_loop3A_1486 = tpu.vector_load %arg7[%parallel_loop3A_1482, %parallel_loop3A_1483, %parallel_loop3A_1484, %parallel_loop3A_1485] {strides = array<i32>} : memref<4x4x50x128xf32, #tpu.memory_space<vmem>>, vector<1x1x1x16xf32>,
        %parallel_loop3A_1487 = vector.shape_cast %parallel_loop3A_1486 : vector<1x1x1x16xf32> to vector<16xf32>
        %parallel_loop3A_1488 = vector.shape_cast %parallel_loop3A_1479 : vector<16xf32> to vector<1x1x1x16xf32>
        tpu.vector_store %arg7[%parallel_loop3A_1482, %parallel_loop3A_1483, %parallel_loop3A_1484, %parallel_loop3A_1485], %parallel_loop3A_1488 {strides = array<i32>} : memref<4x4x50x128xf32, #tpu.memory_space<vmem>>, vector<1x1x1x16xf32>,
      } {sc.loop_unroll_factor = 2 : i64, sc.parallel_access}
      %dma_start3A_854 = arith.constant 3 : i32
      %dma_start3A_855 = arith.constant 0 : i32
      %dma_start3A_856 = arith.constant 0 : i32
      %dma_start3A_857 = arith.constant 0 : i32
      %dma_start3A_858 = tpu.memref_slice %arg7[%dma_start3A_854, %dma_start3A_855, %dma_start3A_856, %dma_start3A_857] : memref<4x4x50x128xf32, #tpu.memory_space<vmem>> -> memref<1x4x50x128xf32, #tpu.memory_space<vmem>>
      %dma_start3A_859 = tpu.memref_squeeze %dma_start3A_858 : memref<1x4x50x128xf32, #tpu.memory_space<vmem>> -> memref<4x50x128xf32, #tpu.memory_space<vmem>>
      %dma_start3A_860 = arith.constant 0 : i32
      %dma_start3A_861 = arith.constant 0 : i32
      %dma_start3A_862 = tpu.memref_slice %arg5[%mul3A_758, %dma_start3A_860, %dma_start3A_861] : memref<4096x50x128xf32, #tpu.memory_space<hbm>> -> memref<4x50x128xf32, #tpu.memory_space<hbm>>
      %dma_start3A_863 = arith.constant 0 : i32
      %dma_start3A_864 = arith.constant 0 : i32
      %dma_start3A_865 = tpu.memref_slice %arg5[%mul3A_758, %dma_start3A_863, %dma_start3A_864] : memref<4096x50x128xf32, #tpu.memory_space<hbm>> -> memref<4x50x128xf32, #tpu.memory_space<hbm>>
      %dma_start3A_866 = arith.constant 0 : i32
      %dma_start3A_867 = arith.constant 0 : i32
      %dma_start3A_868 = arith.constant 0 : i32
      %dma_start3A_869 = tpu.memref_slice %arg7[%dma_start3A_854, %dma_start3A_866, %dma_start3A_867, %dma_start3A_868] : memref<4x4x50x128xf32, #tpu.memory_space<vmem>> -> memref<1x4x50x128xf32, #tpu.memory_space<vmem>>
      %dma_start3A_870 = tpu.memref_squeeze %dma_start3A_869 : memref<1x4x50x128xf32, #tpu.memory_space<vmem>> -> memref<4x50x128xf32, #tpu.memory_space<vmem>>
      tpu.enqueue_dma source(%dma_start3A_870 : memref<4x50x128xf32, #tpu.memory_space<vmem>>) target(%dma_start3A_865 : memref<4x50x128xf32, #tpu.memory_space<hbm>>) target_semaphore(%arg16 : memref<!tpu.dma_semaphore, #tpu.memory_space<semaphore_mem>>)
      %add3A_871 = arith.constant 4 : i32
      %add3A_872 = arith.addi %add3A_755, %add3A_871 : i32
      %sub3A_873 = arith.constant 1 : i32
      %sub3A_874 = arith.subi %add3A_872, %sub3A_873 : i32
      %lt3A_875 = arith.constant 32 : i32
      %lt3A_876 = arith.cmpi slt, %sub3A_874, %lt3A_875 : i32
      %convert_element_type3A_877 = arith.extui %lt3A_876 : i1 to i32
      %cond3A_878 = arith.constant 0 : i32
      %cond3A_879 = arith.cmpi ne, %convert_element_type3A_877, %cond3A_878 : i32
      scf.if %cond3A_879 {
        %ge3A = arith.constant 1 : i32
        %ge3A_880 = arith.cmpi sge, %add3A_755, %ge3A : i32
        %convert_element_type3A_881 = arith.extui %ge3A_880 : i1 to i32
        %cond3A_882 = arith.constant 0 : i32
        %cond3A_883 = arith.cmpi ne, %convert_element_type3A_881, %cond3A_882 : i32
        scf.if %cond3A_883 {
          %dma_wait3A_980 = arith.constant 2 : i32
          %dma_wait3A_981 = arith.constant 0 : i32
          %dma_wait3A_982 = arith.constant 0 : i32
          %dma_wait3A_983 = arith.constant 0 : i32
          %dma_wait3A_984 = tpu.memref_slice %arg7[%dma_wait3A_980, %dma_wait3A_981, %dma_wait3A_982, %dma_wait3A_983] : memref<4x4x50x128xf32, #tpu.memory_space<vmem>> -> memref<1x4x50x128xf32, #tpu.memory_space<vmem>>
          %dma_wait3A_985 = tpu.memref_squeeze %dma_wait3A_984 : memref<1x4x50x128xf32, #tpu.memory_space<vmem>> -> memref<4x50x128xf32, #tpu.memory_space<vmem>>
          %dma_wait3A_986 = arith.constant 0 : i32
          %dma_wait3A_987 = arith.constant 0 : i32
          %dma_wait3A_988 = arith.constant 0 : i32
          %dma_wait3A_989 = tpu.memref_slice %arg5[%dma_wait3A_986, %dma_wait3A_987, %dma_wait3A_988] : memref<4096x50x128xf32, #tpu.memory_space<hbm>> -> memref<4x50x128xf32, #tpu.memory_space<hbm>>
          %dma_wait3A_990 = arith.constant 0 : i32
          %dma_wait3A_991 = arith.constant 0 : i32
          %dma_wait3A_992 = arith.constant 0 : i32
          %dma_wait3A_993 = tpu.memref_slice %arg5[%dma_wait3A_990, %dma_wait3A_991, %dma_wait3A_992] : memref<4096x50x128xf32, #tpu.memory_space<hbm>> -> memref<4x50x128xf32, #tpu.memory_space<hbm>>
          %dma_wait3A_994 = arith.constant 0 : i32
          %dma_wait3A_995 = arith.constant 0 : i32
          %dma_wait3A_996 = arith.constant 0 : i32
          %dma_wait3A_997 = tpu.memref_slice %arg7[%dma_wait3A_980, %dma_wait3A_994, %dma_wait3A_995, %dma_wait3A_996] : memref<4x4x50x128xf32, #tpu.memory_space<vmem>> -> memref<1x4x50x128xf32, #tpu.memory_space<vmem>>
          %dma_wait3A_998 = tpu.memref_squeeze %dma_wait3A_997 : memref<1x4x50x128xf32, #tpu.memory_space<vmem>> -> memref<4x50x128xf32, #tpu.memory_space<vmem>>
          tpu.wait_dma2 semaphore(%arg15 : memref<!tpu.dma_semaphore, #tpu.memory_space<semaphore_mem>>) src(%dma_wait3A_998 : memref<4x50x128xf32, #tpu.memory_space<vmem>>) dst(%dma_wait3A_993 : memref<4x50x128xf32, #tpu.memory_space<hbm>>)
        } else {
        }
        %add3A_884 = arith.addi %mul3A_2, %sub3A_874 : i32
        %mul3A_885 = arith.constant 4 : i32
        %mul3A_886 = arith.muli %add3A_884, %mul3A_885 : i32
        %run_scoped3A_887 = arith.constant 2 : i32
        "tpu.region"() ({
          %run_scoped3A_980 = tpu.sem_alloc : memref<!tpu.dma_semaphore, #tpu.memory_space<semaphore_mem>>
          %dma_start3A_981 = arith.constant 0 : i32
          %dma_start3A_982 = arith.constant 0 : i32
          %dma_start3A_983 = tpu.memref_slice %arg6[%run_scoped3A_887, %dma_start3A_981, %dma_start3A_982] : memref<4x4x50xi32, #tpu.memory_space<vmem>> -> memref<1x4x50xi32, #tpu.memory_space<vmem>>
          %dma_start3A_984 = tpu.memref_squeeze %dma_start3A_983 : memref<1x4x50xi32, #tpu.memory_space<vmem>> -> memref<4x50xi32, #tpu.memory_space<vmem>>
          %dma_start3A_985 = arith.constant 0 : i32
          %dma_start3A_986 = tpu.memref_slice %arg2[%mul3A_886, %dma_start3A_985] : memref<4096x50xi32, #tpu.memory_space<hbm>> -> memref<4x50xi32, #tpu.memory_space<hbm>>
          %dma_start3A_987 = arith.constant 0 : i32
          %dma_start3A_988 = arith.constant 0 : i32
          %dma_start3A_989 = tpu.memref_slice %arg6[%run_scoped3A_887, %dma_start3A_987, %dma_start3A_988] : memref<4x4x50xi32, #tpu.memory_space<vmem>> -> memref<1x4x50xi32, #tpu.memory_space<vmem>>
          %dma_start3A_990 = tpu.memref_squeeze %dma_start3A_989 : memref<1x4x50xi32, #tpu.memory_space<vmem>> -> memref<4x50xi32, #tpu.memory_space<vmem>>
          %dma_start3A_991 = arith.constant 0 : i32
          %dma_start3A_992 = tpu.memref_slice %arg2[%mul3A_886, %dma_start3A_991] : memref<4096x50xi32, #tpu.memory_space<hbm>> -> memref<4x50xi32, #tpu.memory_space<hbm>>
          tpu.enqueue_dma source(%dma_start3A_992 : memref<4x50xi32, #tpu.memory_space<hbm>>) target(%dma_start3A_990 : memref<4x50xi32, #tpu.memory_space<vmem>>) target_semaphore(%run_scoped3A_980 : memref<!tpu.dma_semaphore, #tpu.memory_space<semaphore_mem>>)
          %dma_wait3A_993 = arith.constant 0 : i32
          %dma_wait3A_994 = arith.constant 0 : i32
          %dma_wait3A_995 = tpu.memref_slice %arg6[%run_scoped3A_887, %dma_wait3A_993, %dma_wait3A_994] : memref<4x4x50xi32, #tpu.memory_space<vmem>> -> memref<1x4x50xi32, #tpu.memory_space<vmem>>
          %dma_wait3A_996 = tpu.memref_squeeze %dma_wait3A_995 : memref<1x4x50xi32, #tpu.memory_space<vmem>> -> memref<4x50xi32, #tpu.memory_space<vmem>>
          %dma_wait3A_997 = arith.constant 0 : i32
          %dma_wait3A_998 = tpu.memref_slice %arg2[%mul3A_886, %dma_wait3A_997] : memref<4096x50xi32, #tpu.memory_space<hbm>> -> memref<4x50xi32, #tpu.memory_space<hbm>>
          %dma_wait3A_999 = arith.constant 0 : i32
          %dma_wait3A_1000 = arith.constant 0 : i32
          %dma_wait3A_1001 = tpu.memref_slice %arg6[%run_scoped3A_887, %dma_wait3A_999, %dma_wait3A_1000] : memref<4x4x50xi32, #tpu.memory_space<vmem>> -> memref<1x4x50xi32, #tpu.memory_space<vmem>>
          %dma_wait3A_1002 = tpu.memref_squeeze %dma_wait3A_1001 : memref<1x4x50xi32, #tpu.memory_space<vmem>> -> memref<4x50xi32, #tpu.memory_space<vmem>>
          %dma_wait3A_1003 = arith.constant 0 : i32
          %dma_wait3A_1004 = tpu.memref_slice %arg2[%mul3A_886, %dma_wait3A_1003] : memref<4096x50xi32, #tpu.memory_space<hbm>> -> memref<4x50xi32, #tpu.memory_space<hbm>>
          tpu.wait_dma2 semaphore(%run_scoped3A_980 : memref<!tpu.dma_semaphore, #tpu.memory_space<semaphore_mem>>) src(%dma_wait3A_1004 : memref<4x50xi32, #tpu.memory_space<hbm>>) dst(%dma_wait3A_1002 : memref<4x50xi32, #tpu.memory_space<vmem>>)
          tpu.yield
        }) : () -> ()
        %dma_start3A_888 = arith.constant 2 : i32
        %dma_start3A_889 = arith.constant 0 : i32
        %dma_start3A_890 = arith.constant 2 : i32
        %dma_start3A_891 = arith.constant 0 : i32
        %dma_start3A_892 = arith.constant 0 : i32
        %dma_start3A_893 = arith.constant 0 : i32
        %dma_start3A_894 = arith.constant 0 : i32
        %dma_start3A_895 = tpu.memref_slice %arg7[%dma_start3A_890, %dma_start3A_892, %dma_start3A_893, %dma_start3A_894] : memref<4x4x50x128xf32, #tpu.memory_space<vmem>> -> memref<1x4x50x128xf32, #tpu.memory_space<vmem>>
        %dma_start3A_896 = tpu.memref_squeeze %dma_start3A_895 : memref<1x4x50x128xf32, #tpu.memory_space<vmem>> -> memref<4x50x128xf32, #tpu.memory_space<vmem>>
        %dma_start3A_897 = arith.constant 0 : i32
        %dma_start3A_898 = arith.constant 0 : i32
        %dma_start3A_899 = tpu.memref_slice %dma_start3A_896[%dma_start3A_891, %dma_start3A_897, %dma_start3A_898] : memref<4x50x128xf32, #tpu.memory_space<vmem>> -> memref<1x50x128xf32, #tpu.memory_space<vmem>>
        %dma_start3A_900 = tpu.memref_squeeze %dma_start3A_899 : memref<1x50x128xf32, #tpu.memory_space<vmem>> -> memref<50x128xf32, #tpu.memory_space<vmem>>
        %dma_start3A_901 = arith.constant 0 : i32
        %dma_start3A_902 = arith.constant 0 : i32
        %dma_start3A_903 = tpu.memref_slice %arg6[%dma_start3A_888, %dma_start3A_901, %dma_start3A_902] : memref<4x4x50xi32, #tpu.memory_space<vmem>> -> memref<1x4x50xi32, #tpu.memory_space<vmem>>
        %dma_start3A_904 = tpu.memref_squeeze %dma_start3A_903 : memref<1x4x50xi32, #tpu.memory_space<vmem>> -> memref<4x50xi32, #tpu.memory_space<vmem>>
        %dma_start3A_905 = arith.constant 0 : i32
        %dma_start3A_906 = tpu.memref_slice %dma_start3A_904[%dma_start3A_889, %dma_start3A_905] : memref<4x50xi32, #tpu.memory_space<vmem>> -> memref<1x50xi32, #tpu.memory_space<vmem>>
        %dma_start3A_907 = tpu.memref_squeeze %dma_start3A_906 : memref<1x50xi32, #tpu.memory_space<vmem>> -> memref<50xi32, #tpu.memory_space<vmem>>
        %dma_start3A_908 = arith.constant 0 : i32
        %dma_start3A_909 = arith.constant 0 : i32
        %dma_start3A_910 = tpu.memref_slice %arg3[%dma_start3A_908, %dma_start3A_909] : memref<52000x128xf32, #tpu.memory_space<hbm>> -> memref<52000x128xf32, #tpu.memory_space<hbm>>
        tpu.enqueue_indirect_dma source(%dma_start3A_910 : memref<52000x128xf32, #tpu.memory_space<hbm>>) target(%dma_start3A_900 : memref<50x128xf32, #tpu.memory_space<vmem>>) offsets(%dma_start3A_907 : memref<50xi32, #tpu.memory_space<vmem>>) semaphore(%arg11 : memref<!tpu.dma_semaphore, #tpu.memory_space<semaphore_mem>>)
        %dma_start3A_911 = arith.constant 2 : i32
        %dma_start3A_912 = arith.constant 1 : i32
        %dma_start3A_913 = arith.constant 2 : i32
        %dma_start3A_914 = arith.constant 1 : i32
        %dma_start3A_915 = arith.constant 0 : i32
        %dma_start3A_916 = arith.constant 0 : i32
        %dma_start3A_917 = arith.constant 0 : i32
        %dma_start3A_918 = tpu.memref_slice %arg7[%dma_start3A_913, %dma_start3A_915, %dma_start3A_916, %dma_start3A_917] : memref<4x4x50x128xf32, #tpu.memory_space<vmem>> -> memref<1x4x50x128xf32, #tpu.memory_space<vmem>>
        %dma_start3A_919 = tpu.memref_squeeze %dma_start3A_918 : memref<1x4x50x128xf32, #tpu.memory_space<vmem>> -> memref<4x50x128xf32, #tpu.memory_space<vmem>>
        %dma_start3A_920 = arith.constant 0 : i32
        %dma_start3A_921 = arith.constant 0 : i32
        %dma_start3A_922 = tpu.memref_slice %dma_start3A_919[%dma_start3A_914, %dma_start3A_920, %dma_start3A_921] : memref<4x50x128xf32, #tpu.memory_space<vmem>> -> memref<1x50x128xf32, #tpu.memory_space<vmem>>
        %dma_start3A_923 = tpu.memref_squeeze %dma_start3A_922 : memref<1x50x128xf32, #tpu.memory_space<vmem>> -> memref<50x128xf32, #tpu.memory_space<vmem>>
        %dma_start3A_924 = arith.constant 0 : i32
        %dma_start3A_925 = arith.constant 0 : i32
        %dma_start3A_926 = tpu.memref_slice %arg6[%dma_start3A_911, %dma_start3A_924, %dma_start3A_925] : memref<4x4x50xi32, #tpu.memory_space<vmem>> -> memref<1x4x50xi32, #tpu.memory_space<vmem>>
        %dma_start3A_927 = tpu.memref_squeeze %dma_start3A_926 : memref<1x4x50xi32, #tpu.memory_space<vmem>> -> memref<4x50xi32, #tpu.memory_space<vmem>>
        %dma_start3A_928 = arith.constant 0 : i32
        %dma_start3A_929 = tpu.memref_slice %dma_start3A_927[%dma_start3A_912, %dma_start3A_928] : memref<4x50xi32, #tpu.memory_space<vmem>> -> memref<1x50xi32, #tpu.memory_space<vmem>>
        %dma_start3A_930 = tpu.memref_squeeze %dma_start3A_929 : memref<1x50xi32, #tpu.memory_space<vmem>> -> memref<50xi32, #tpu.memory_space<vmem>>
        %dma_start3A_931 = arith.constant 0 : i32
        %dma_start3A_932 = arith.constant 0 : i32
        %dma_start3A_933 = tpu.memref_slice %arg3[%dma_start3A_931, %dma_start3A_932] : memref<52000x128xf32, #tpu.memory_space<hbm>> -> memref<52000x128xf32, #tpu.memory_space<hbm>>
        tpu.enqueue_indirect_dma source(%dma_start3A_933 : memref<52000x128xf32, #tpu.memory_space<hbm>>) target(%dma_start3A_923 : memref<50x128xf32, #tpu.memory_space<vmem>>) offsets(%dma_start3A_930 : memref<50xi32, #tpu.memory_space<vmem>>) semaphore(%arg11 : memref<!tpu.dma_semaphore, #tpu.memory_space<semaphore_mem>>)
        %dma_start3A_934 = arith.constant 2 : i32
        %dma_start3A_935 = arith.constant 2 : i32
        %dma_start3A_936 = arith.constant 2 : i32
        %dma_start3A_937 = arith.constant 2 : i32
        %dma_start3A_938 = arith.constant 0 : i32
        %dma_start3A_939 = arith.constant 0 : i32
        %dma_start3A_940 = arith.constant 0 : i32
        %dma_start3A_941 = tpu.memref_slice %arg7[%dma_start3A_936, %dma_start3A_938, %dma_start3A_939, %dma_start3A_940] : memref<4x4x50x128xf32, #tpu.memory_space<vmem>> -> memref<1x4x50x128xf32, #tpu.memory_space<vmem>>
        %dma_start3A_942 = tpu.memref_squeeze %dma_start3A_941 : memref<1x4x50x128xf32, #tpu.memory_space<vmem>> -> memref<4x50x128xf32, #tpu.memory_space<vmem>>
        %dma_start3A_943 = arith.constant 0 : i32
        %dma_start3A_944 = arith.constant 0 : i32
        %dma_start3A_945 = tpu.memref_slice %dma_start3A_942[%dma_start3A_937, %dma_start3A_943, %dma_start3A_944] : memref<4x50x128xf32, #tpu.memory_space<vmem>> -> memref<1x50x128xf32, #tpu.memory_space<vmem>>
        %dma_start3A_946 = tpu.memref_squeeze %dma_start3A_945 : memref<1x50x128xf32, #tpu.memory_space<vmem>> -> memref<50x128xf32, #tpu.memory_space<vmem>>
        %dma_start3A_947 = arith.constant 0 : i32
        %dma_start3A_948 = arith.constant 0 : i32
        %dma_start3A_949 = tpu.memref_slice %arg6[%dma_start3A_934, %dma_start3A_947, %dma_start3A_948] : memref<4x4x50xi32, #tpu.memory_space<vmem>> -> memref<1x4x50xi32, #tpu.memory_space<vmem>>
        %dma_start3A_950 = tpu.memref_squeeze %dma_start3A_949 : memref<1x4x50xi32, #tpu.memory_space<vmem>> -> memref<4x50xi32, #tpu.memory_space<vmem>>
        %dma_start3A_951 = arith.constant 0 : i32
        %dma_start3A_952 = tpu.memref_slice %dma_start3A_950[%dma_start3A_935, %dma_start3A_951] : memref<4x50xi32, #tpu.memory_space<vmem>> -> memref<1x50xi32, #tpu.memory_space<vmem>>
        %dma_start3A_953 = tpu.memref_squeeze %dma_start3A_952 : memref<1x50xi32, #tpu.memory_space<vmem>> -> memref<50xi32, #tpu.memory_space<vmem>>
        %dma_start3A_954 = arith.constant 0 : i32
        %dma_start3A_955 = arith.constant 0 : i32
        %dma_start3A_956 = tpu.memref_slice %arg3[%dma_start3A_954, %dma_start3A_955] : memref<52000x128xf32, #tpu.memory_space<hbm>> -> memref<52000x128xf32, #tpu.memory_space<hbm>>
        tpu.enqueue_indirect_dma source(%dma_start3A_956 : memref<52000x128xf32, #tpu.memory_space<hbm>>) target(%dma_start3A_946 : memref<50x128xf32, #tpu.memory_space<vmem>>) offsets(%dma_start3A_953 : memref<50xi32, #tpu.memory_space<vmem>>) semaphore(%arg11 : memref<!tpu.dma_semaphore, #tpu.memory_space<semaphore_mem>>)
        %dma_start3A_957 = arith.constant 2 : i32
        %dma_start3A_958 = arith.constant 3 : i32
        %dma_start3A_959 = arith.constant 2 : i32
        %dma_start3A_960 = arith.constant 3 : i32
        %dma_start3A_961 = arith.constant 0 : i32
        %dma_start3A_962 = arith.constant 0 : i32
        %dma_start3A_963 = arith.constant 0 : i32
        %dma_start3A_964 = tpu.memref_slice %arg7[%dma_start3A_959, %dma_start3A_961, %dma_start3A_962, %dma_start3A_963] : memref<4x4x50x128xf32, #tpu.memory_space<vmem>> -> memref<1x4x50x128xf32, #tpu.memory_space<vmem>>
        %dma_start3A_965 = tpu.memref_squeeze %dma_start3A_964 : memref<1x4x50x128xf32, #tpu.memory_space<vmem>> -> memref<4x50x128xf32, #tpu.memory_space<vmem>>
        %dma_start3A_966 = arith.constant 0 : i32
        %dma_start3A_967 = arith.constant 0 : i32
        %dma_start3A_968 = tpu.memref_slice %dma_start3A_965[%dma_start3A_960, %dma_start3A_966, %dma_start3A_967] : memref<4x50x128xf32, #tpu.memory_space<vmem>> -> memref<1x50x128xf32, #tpu.memory_space<vmem>>
        %dma_start3A_969 = tpu.memref_squeeze %dma_start3A_968 : memref<1x50x128xf32, #tpu.memory_space<vmem>> -> memref<50x128xf32, #tpu.memory_space<vmem>>
        %dma_start3A_970 = arith.constant 0 : i32
        %dma_start3A_971 = arith.constant 0 : i32
        %dma_start3A_972 = tpu.memref_slice %arg6[%dma_start3A_957, %dma_start3A_970, %dma_start3A_971] : memref<4x4x50xi32, #tpu.memory_space<vmem>> -> memref<1x4x50xi32, #tpu.memory_space<vmem>>
        %dma_start3A_973 = tpu.memref_squeeze %dma_start3A_972 : memref<1x4x50xi32, #tpu.memory_space<vmem>> -> memref<4x50xi32, #tpu.memory_space<vmem>>
        %dma_start3A_974 = arith.constant 0 : i32
        %dma_start3A_975 = tpu.memref_slice %dma_start3A_973[%dma_start3A_958, %dma_start3A_974] : memref<4x50xi32, #tpu.memory_space<vmem>> -> memref<1x50xi32, #tpu.memory_space<vmem>>
        %dma_start3A_976 = tpu.memref_squeeze %dma_start3A_975 : memref<1x50xi32, #tpu.memory_space<vmem>> -> memref<50xi32, #tpu.memory_space<vmem>>
        %dma_start3A_977 = arith.constant 0 : i32
        %dma_start3A_978 = arith.constant 0 : i32
        %dma_start3A_979 = tpu.memref_slice %arg3[%dma_start3A_977, %dma_start3A_978] : memref<52000x128xf32, #tpu.memory_space<hbm>> -> memref<52000x128xf32, #tpu.memory_space<hbm>>
        tpu.enqueue_indirect_dma source(%dma_start3A_979 : memref<52000x128xf32, #tpu.memory_space<hbm>>) target(%dma_start3A_969 : memref<50x128xf32, #tpu.memory_space<vmem>>) offsets(%dma_start3A_976 : memref<50xi32, #tpu.memory_space<vmem>>) semaphore(%arg11 : memref<!tpu.dma_semaphore, #tpu.memory_space<semaphore_mem>>)
      } else {
      }
    }
    %scan3A_296 = arith.constant 8 : i32
    %dma_wait3A = arith.constant 0 : i32
    %dma_wait3A_297 = arith.constant 0 : i32
    %dma_wait3A_298 = arith.constant 0 : i32
    %dma_wait3A_299 = arith.constant 0 : i32
    %dma_wait3A_300 = tpu.memref_slice %arg7[%dma_wait3A, %dma_wait3A_297, %dma_wait3A_298, %dma_wait3A_299] : memref<4x4x50x128xf32, #tpu.memory_space<vmem>> -> memref<1x4x50x128xf32, #tpu.memory_space<vmem>>
    %dma_wait3A_301 = tpu.memref_squeeze %dma_wait3A_300 : memref<1x4x50x128xf32, #tpu.memory_space<vmem>> -> memref<4x50x128xf32, #tpu.memory_space<vmem>>
    %dma_wait3A_302 = arith.constant 0 : i32
    %dma_wait3A_303 = arith.constant 0 : i32
    %dma_wait3A_304 = arith.constant 0 : i32
    %dma_wait3A_305 = tpu.memref_slice %arg5[%dma_wait3A_302, %dma_wait3A_303, %dma_wait3A_304] : memref<4096x50x128xf32, #tpu.memory_space<hbm>> -> memref<4x50x128xf32, #tpu.memory_space<hbm>>
    %dma_wait3A_306 = arith.constant 0 : i32
    %dma_wait3A_307 = arith.constant 0 : i32
    %dma_wait3A_308 = arith.constant 0 : i32
    %dma_wait3A_309 = tpu.memref_slice %arg5[%dma_wait3A_306, %dma_wait3A_307, %dma_wait3A_308] : memref<4096x50x128xf32, #tpu.memory_space<hbm>> -> memref<4x50x128xf32, #tpu.memory_space<hbm>>
    %dma_wait3A_310 = arith.constant 0 : i32
    %dma_wait3A_311 = arith.constant 0 : i32
    %dma_wait3A_312 = arith.constant 0 : i32
    %dma_wait3A_313 = tpu.memref_slice %arg7[%dma_wait3A, %dma_wait3A_310, %dma_wait3A_311, %dma_wait3A_312] : memref<4x4x50x128xf32, #tpu.memory_space<vmem>> -> memref<1x4x50x128xf32, #tpu.memory_space<vmem>>
    %dma_wait3A_314 = tpu.memref_squeeze %dma_wait3A_313 : memref<1x4x50x128xf32, #tpu.memory_space<vmem>> -> memref<4x50x128xf32, #tpu.memory_space<vmem>>
    tpu.wait_dma2 semaphore(%arg13 : memref<!tpu.dma_semaphore, #tpu.memory_space<semaphore_mem>>) src(%dma_wait3A_314 : memref<4x50x128xf32, #tpu.memory_space<vmem>>) dst(%dma_wait3A_309 : memref<4x50x128xf32, #tpu.memory_space<hbm>>)
    %dma_wait3A_315 = arith.constant 1 : i32
    %dma_wait3A_316 = arith.constant 0 : i32
    %dma_wait3A_317 = arith.constant 0 : i32
    %dma_wait3A_318 = arith.constant 0 : i32
    %dma_wait3A_319 = tpu.memref_slice %arg7[%dma_wait3A_315, %dma_wait3A_316, %dma_wait3A_317, %dma_wait3A_318] : memref<4x4x50x128xf32, #tpu.memory_space<vmem>> -> memref<1x4x50x128xf32, #tpu.memory_space<vmem>>
    %dma_wait3A_320 = tpu.memref_squeeze %dma_wait3A_319 : memref<1x4x50x128xf32, #tpu.memory_space<vmem>> -> memref<4x50x128xf32, #tpu.memory_space<vmem>>
    %dma_wait3A_321 = arith.constant 0 : i32
    %dma_wait3A_322 = arith.constant 0 : i32
    %dma_wait3A_323 = arith.constant 0 : i32
    %dma_wait3A_324 = tpu.memref_slice %arg5[%dma_wait3A_321, %dma_wait3A_322, %dma_wait3A_323] : memref<4096x50x128xf32, #tpu.memory_space<hbm>> -> memref<4x50x128xf32, #tpu.memory_space<hbm>>
    %dma_wait3A_325 = arith.constant 0 : i32
    %dma_wait3A_326 = arith.constant 0 : i32
    %dma_wait3A_327 = arith.constant 0 : i32
    %dma_wait3A_328 = tpu.memref_slice %arg5[%dma_wait3A_325, %dma_wait3A_326, %dma_wait3A_327] : memref<4096x50x128xf32, #tpu.memory_space<hbm>> -> memref<4x50x128xf32, #tpu.memory_space<hbm>>
    %dma_wait3A_329 = arith.constant 0 : i32
    %dma_wait3A_330 = arith.constant 0 : i32
    %dma_wait3A_331 = arith.constant 0 : i32
    %dma_wait3A_332 = tpu.memref_slice %arg7[%dma_wait3A_315, %dma_wait3A_329, %dma_wait3A_330, %dma_wait3A_331] : memref<4x4x50x128xf32, #tpu.memory_space<vmem>> -> memref<1x4x50x128xf32, #tpu.memory_space<vmem>>
    %dma_wait3A_333 = tpu.memref_squeeze %dma_wait3A_332 : memref<1x4x50x128xf32, #tpu.memory_space<vmem>> -> memref<4x50x128xf32, #tpu.memory_space<vmem>>
    tpu.wait_dma2 semaphore(%arg14 : memref<!tpu.dma_semaphore, #tpu.memory_space<semaphore_mem>>) src(%dma_wait3A_333 : memref<4x50x128xf32, #tpu.memory_space<vmem>>) dst(%dma_wait3A_328 : memref<4x50x128xf32, #tpu.memory_space<hbm>>)
    %dma_wait3A_334 = arith.constant 2 : i32
    %dma_wait3A_335 = arith.constant 0 : i32
    %dma_wait3A_336 = arith.constant 0 : i32
    %dma_wait3A_337 = arith.constant 0 : i32
    %dma_wait3A_338 = tpu.memref_slice %arg7[%dma_wait3A_334, %dma_wait3A_335, %dma_wait3A_336, %dma_wait3A_337] : memref<4x4x50x128xf32, #tpu.memory_space<vmem>> -> memref<1x4x50x128xf32, #tpu.memory_space<vmem>>
    %dma_wait3A_339 = tpu.memref_squeeze %dma_wait3A_338 : memref<1x4x50x128xf32, #tpu.memory_space<vmem>> -> memref<4x50x128xf32, #tpu.memory_space<vmem>>
    %dma_wait3A_340 = arith.constant 0 : i32
    %dma_wait3A_341 = arith.constant 0 : i32
    %dma_wait3A_342 = arith.constant 0 : i32
    %dma_wait3A_343 = tpu.memref_slice %arg5[%dma_wait3A_340, %dma_wait3A_341, %dma_wait3A_342] : memref<4096x50x128xf32, #tpu.memory_space<hbm>> -> memref<4x50x128xf32, #tpu.memory_space<hbm>>
    %dma_wait3A_344 = arith.constant 0 : i32
    %dma_wait3A_345 = arith.constant 0 : i32
    %dma_wait3A_346 = arith.constant 0 : i32
    %dma_wait3A_347 = tpu.memref_slice %arg5[%dma_wait3A_344, %dma_wait3A_345, %dma_wait3A_346] : memref<4096x50x128xf32, #tpu.memory_space<hbm>> -> memref<4x50x128xf32, #tpu.memory_space<hbm>>
    %dma_wait3A_348 = arith.constant 0 : i32
    %dma_wait3A_349 = arith.constant 0 : i32
    %dma_wait3A_350 = arith.constant 0 : i32
    %dma_wait3A_351 = tpu.memref_slice %arg7[%dma_wait3A_334, %dma_wait3A_348, %dma_wait3A_349, %dma_wait3A_350] : memref<4x4x50x128xf32, #tpu.memory_space<vmem>> -> memref<1x4x50x128xf32, #tpu.memory_space<vmem>>
    %dma_wait3A_352 = tpu.memref_squeeze %dma_wait3A_351 : memref<1x4x50x128xf32, #tpu.memory_space<vmem>> -> memref<4x50x128xf32, #tpu.memory_space<vmem>>
    tpu.wait_dma2 semaphore(%arg15 : memref<!tpu.dma_semaphore, #tpu.memory_space<semaphore_mem>>) src(%dma_wait3A_352 : memref<4x50x128xf32, #tpu.memory_space<vmem>>) dst(%dma_wait3A_347 : memref<4x50x128xf32, #tpu.memory_space<hbm>>)
    %dma_wait3A_353 = arith.constant 3 : i32
    %dma_wait3A_354 = arith.constant 0 : i32
    %dma_wait3A_355 = arith.constant 0 : i32
    %dma_wait3A_356 = arith.constant 0 : i32
    %dma_wait3A_357 = tpu.memref_slice %arg7[%dma_wait3A_353, %dma_wait3A_354, %dma_wait3A_355, %dma_wait3A_356] : memref<4x4x50x128xf32, #tpu.memory_space<vmem>> -> memref<1x4x50x128xf32, #tpu.memory_space<vmem>>
    %dma_wait3A_358 = tpu.memref_squeeze %dma_wait3A_357 : memref<1x4x50x128xf32, #tpu.memory_space<vmem>> -> memref<4x50x128xf32, #tpu.memory_space<vmem>>
    %dma_wait3A_359 = arith.constant 0 : i32
    %dma_wait3A_360 = arith.constant 0 : i32
    %dma_wait3A_361 = arith.constant 0 : i32
    %dma_wait3A_362 = tpu.memref_slice %arg5[%dma_wait3A_359, %dma_wait3A_360, %dma_wait3A_361] : memref<4096x50x128xf32, #tpu.memory_space<hbm>> -> memref<4x50x128xf32, #tpu.memory_space<hbm>>
    %dma_wait3A_363 = arith.constant 0 : i32
    %dma_wait3A_364 = arith.constant 0 : i32
    %dma_wait3A_365 = arith.constant 0 : i32
    %dma_wait3A_366 = tpu.memref_slice %arg5[%dma_wait3A_363, %dma_wait3A_364, %dma_wait3A_365] : memref<4096x50x128xf32, #tpu.memory_space<hbm>> -> memref<4x50x128xf32, #tpu.memory_space<hbm>>
    %dma_wait3A_367 = arith.constant 0 : i32
    %dma_wait3A_368 = arith.constant 0 : i32
    %dma_wait3A_369 = arith.constant 0 : i32
    %dma_wait3A_370 = tpu.memref_slice %arg7[%dma_wait3A_353, %dma_wait3A_367, %dma_wait3A_368, %dma_wait3A_369] : memref<4x4x50x128xf32, #tpu.memory_space<vmem>> -> memref<1x4x50x128xf32, #tpu.memory_space<vmem>>
    %dma_wait3A_371 = tpu.memref_squeeze %dma_wait3A_370 : memref<1x4x50x128xf32, #tpu.memory_space<vmem>> -> memref<4x50x128xf32, #tpu.memory_space<vmem>>
    tpu.wait_dma2 semaphore(%arg16 : memref<!tpu.dma_semaphore, #tpu.memory_space<semaphore_mem>>) src(%dma_wait3A_371 : memref<4x50x128xf32, #tpu.memory_space<vmem>>) dst(%dma_wait3A_366 : memref<4x50x128xf32, #tpu.memory_space<hbm>>)
    return
  }
}

</mosaic_0001>

<sc_bundles>
// kernel: kernel.3.cloned.1.call-start
scs
__scs_entry_jumppad:
0x0: {  	(pc) =	sbr.rel $0x88, $3  }
0x1: {  	(tag) =	ssettag $0x0;
	lr =	simm.s32 $0x1  }
0x2: {  	[smem:$0x3F9E] =	sst lr;
	_ =	strace $0xD0000000  }
0x3: {  	_ = 	snop  }
0x4: {  	_ = 	snop  }
0x5: {  	_ = 	snop  }
0x6: {  	_ = 	snop  }
0x7: {  	_ = 	snop  }
__scs_overlays_trampoline_lowered:
0x8: {  	[smem:$0x3FAD] =	sst s0  }
0x9: {  	[smem:$0x3FAE] =	sst s1  }
0xa: {  	[smem:$0x3FAF] =	sst s2  }
0xb: {  	[smem:$0x3FB0] =	sst s3  }
0xc: {  	[smem:$0x3FB1] =	sst s4  }
0xd: {  	[smem:$0x3FB2] =	sst s5  }
0xe: {  	[smem:$0x3FB3] =	sst s6  }
0xf: {  	[smem:$0x3FB4] =	sst s7  }
0x10: {  	[smem:$0x3FB5] =	sst s8  }
0x11: {  	[smem:$0x3FB6] =	sst s9;
	s0 =	simm.s32 @!p0 $0x0  }
0x12: {  	s1 =	sld [smem:$0x3F9C];
	s0 =	simm.s32 @p0 $0x1  }
0x13: {  	[smem:$0x3FB7] =	sst s0;
	s0 =	simm.s32 @!p1 $0x0  }
0x14: {  	s2 =	sld [smem:$0x3F9B];
	s0 =	simm.s32 @p1 $0x1  }
0x15: {  	[smem:$0x3FB8] =	sst s0;
	s0 =	simm.s32 @!p2 $0x0  }
0x16: {  	s3 =	sld [smem:$0x3FDB];
	s0 =	simm.s32 @p2 $0x1  }
0x17: {  	s4 =	simm.s32 $0x1BF5;
	[smem:$0x3FBA] =	sst s0  }
0x18: {  	s0 =	sld [smem:$0x3F9D];
	_ =	swait.ge [sflag:s4], $0x0  }
0x19: {  	s7 =	sld [smem:$0x3F9E]  }
0x1a: {  	s8 =	sadd.s32 $0xFFFFE003, lr  }
0x1b: {  	s9 =	sadd.s32 $0xFFFFFEF7, lr;
	s5 =	simm.s32 $0xFFFFFFFF;
	p2 =	slt.u32 s8, $0xFFFFF086  }
0x1c: {  	p1 =	slt.u32 s9, $0xF7A;
	s5 =	simm.s32 @!p2 $0x0  }
0x1d: {  	s5 =	simm.s32 @p1 $0x1;
	p0 =	seq.s32 s7, s2  }
0x1e: {  	s7 =	smul.u32 @!p0 $0xF7A, s2;
	p2 =	seq.s32 @!p0 s5, $0x0  }
0x1f: {  	s9 =	smul.u32 $0xF7A, s1;
	s8 =	simm.s32 @!p0 $0x1BF5;
	p2 =	por !p2, p0  }
0x20: {  	[sflag:s8] =	ssyncset.s32 @!p0 $0xFFFFF086;
	s6 =	sadd.s32 @!p0 s3, s7;
	s7 =	simm.s32 @!p0 $0x108  }
0x21: {  	s3 =	sadd.s32 s3, s9;
	s6 =	sadd.s32 @!p0 $0x88, s6;
	s7 =	simm.s32 @p2 $0x1082  }
0x22: {  	[simem:s7], [sflag:s8] =	dma.local @!p0 [hbm:s6], $0xF7A  }
0x23: {  	s9 =	sor.u32 $0xD0000000, s2;
	s6 =	simm.s32 $0x108;
	_ =	swait.ge @!p0 [sflag:s8], $0x0  }
0x24: {  	s3 =	sadd.s32 $0x88, s3;
	s6 =	simm.s32 @!p1 $0x1082;
	[sflag:s4] =	ssyncset.s32 $0xFFFFF086  }
0x25: {  	[simem:s6], [sflag:s4] =	dma.local [hbm:s3], $0xF7A  }
0x26: {  	[smem:$0x3F9E] =	sst s1;
	(tag) =	ssettag s2;
	_ =	strace s9  }
0x27: {  	s1 =	sld [smem:$0x3FAE]  }
0x28: {  	s2 =	sld [smem:$0x3FAF]  }
0x29: {  	s4 =	sld [smem:$0x3FB1]  }
0x2a: {  	p0 =	seq.s32 s5, $0x0;
	s5 =	sld [smem:$0x3FB2]  }
0x2b: {  	s6 =	sld [smem:$0x3FB3]  }
0x2c: {  	s7 =	sld [smem:$0x3FB4]  }
0x2d: {  	s3 =	simm.s32 $0x108;
	s8 =	sld [smem:$0x3FB5]  }
0x2e: {  	s3 =	simm.s32 @!p0 $0x1082;
	s9 =	sld [smem:$0x3FB6]  }
0x2f: {  	lr =	sadd.s32 s0, s3;
	s0 =	sld [smem:$0x3FAD]  }
0x30: {  	s3 =	sld [smem:$0x3FB0]  }
0x31: {  	[smem:$0x3FB9] =	sst s10  }
0x32: {  	s10 =	sld [smem:$0x3FB7];
	_ =	sdelay $0x3  }
0x33: {  	p0 =	seq.s32 s10, $0x1;
	s10 =	sld [smem:$0x3FB9];
	_ =	sdelay $0x3  }
0x34: {  	[smem:$0x3FB9] =	sst s10  }
0x35: {  	s10 =	sld [smem:$0x3FB8];
	_ =	sdelay $0x3  }
0x36: {  	p1 =	seq.s32 s10, $0x1;
	s10 =	sld [smem:$0x3FB9];
	_ =	sdelay $0x3  }
0x37: {  	[smem:$0x3FB9] =	sst s10  }
0x38: {  	s10 =	sld [smem:$0x3FBA]  }
0x39: {  	_ = 	snop;
	(pc) =	sbr.ind lr, $3  }
0x3a: {  	_ = 	snop  }
0x3b: {  	_ = 	snop  }
0x3c: {  	p2 =	seq.s32 s10, $0x1;
	s10 =	sld [smem:$0x3FB9]  }
0x3d: {  	_ =	shalt  }
0x3e: {  	_ =	shalt  }
0x3f: {  	_ =	shalt  }
0x40: {  	_ =	shalt  }
0x41: {  	_ =	shalt  }
0x42: {  	_ =	shalt  }
0x43: {  	_ =	shalt  }
0x44: {  	_ =	shalt  }
0x45: {  	_ =	shalt  }
0x46: {  	_ =	shalt  }
0x47: {  	_ =	shalt  }
0x48: {  	_ =	shalt  }
0x49: {  	_ =	shalt  }
0x4a: {  	_ =	shalt  }
0x4b: {  	_ =	shalt  }
0x4c: {  	_ =	shalt  }
0x4d: {  	_ =	shalt  }
0x4e: {  	_ =	shalt  }
0x4f: {  	_ =	shalt  }
0x50: {  	_ =	shalt  }
0x51: {  	_ =	shalt  }
0x52: {  	_ =	shalt  }
0x53: {  	_ =	shalt  }
0x54: {  	_ =	shalt  }
0x55: {  	_ =	shalt  }
0x56: {  	_ =	shalt  }
0x57: {  	_ =	shalt  }
0x58: {  	_ =	shalt  }
0x59: {  	_ =	shalt  }
0x5a: {  	_ =	shalt  }
0x5b: {  	_ =	shalt  }
0x5c: {  	_ =	shalt  }
0x5d: {  	_ =	shalt  }
0x5e: {  	_ =	shalt  }
0x5f: {  	_ =	shalt  }
0x60: {  	_ =	shalt  }
0x61: {  	_ =	shalt  }
0x62: {  	_ =	shalt  }
0x63: {  	_ =	shalt  }
0x64: {  	_ =	shalt  }
0x65: {  	_ =	shalt  }
0x66: {  	_ =	shalt  }
0x67: {  	_ =	shalt  }
0x68: {  	_ =	shalt  }
0x69: {  	_ =	shalt  }
0x6a: {  	_ =	shalt  }
0x6b: {  	_ =	shalt  }
0x6c: {  	_ =	shalt  }
0x6d: {  	_ =	shalt  }
0x6e: {  	_ =	shalt  }
0x6f: {  	_ =	shalt  }
0x70: {  	_ =	shalt  }
0x71: {  	_ =	shalt  }
0x72: {  	_ =	shalt  }
0x73: {  	_ =	shalt  }
0x74: {  	_ =	shalt  }
0x75: {  	_ =	shalt  }
0x76: {  	_ =	shalt  }
0x77: {  	_ =	shalt  }
0x78: {  	_ =	shalt  }
0x79: {  	_ =	shalt  }
0x7a: {  	_ =	shalt  }
0x7b: {  	_ =	shalt  }
0x7c: {  	_ =	shalt  }
0x7d: {  	_ =	shalt  }
0x7e: {  	_ =	shalt  }
0x7f: {  	_ =	shalt  }
0x80: {  	_ =	shalt  }
0x81: {  	_ =	shalt  }
0x82: {  	_ =	shalt  }
0x83: {  	_ =	shalt  }
0x84: {  	_ =	shalt  }
0x85: {  	_ =	shalt  }
0x86: {  	_ =	shalt  }
0x87: {  	_ =	shalt  }
.Lfunc_end0:
.L_simem_size_0:
called_computation_lowered:
.L_overlay_start_0:
0x88: {  	s2 =	sld [smem:$0x3FD9]  }
0x89: {  	s3 =	sld [smem:$0x3FFE];
	_ =	sdelay $0x1  }
0x8a: {  	s1 =	srdreg.scid  }
0x8b: {  	s0 =	sand.u32 $0x1, s1  }
0x8c: {  	s17 =	sshll.u32 s0, $0xA;
	s2 =	sadd.s32 s3, s2  }
0x8d: {  	s2 =	sadd.s32 s2, s17  }
0x8e: {  	[smem:$0x3FC5] =	sst s2  }
0x8f: {  	_ = 	snop  }
0x90: {  	s2 =	sld [smem:$0x3FC8]  }
0x91: {  	s18 =	sld [smem:$0x3FC7]  }
0x92: {  	s4 =	sld [smem:$0x3FD0];
	(tm) =	ssettm $0x1  }
0x93: {  	s5 =	sld [smem:$0x3FFB];
	_ =	sdelay $0x3  }
0x94: {  	_ =	strace s5  }
0x95: {  	s5 =	sld [smem:$0x3FFC];
	_ =	sdelay $0x3  }
0x96: {  	_ =	strace s5  }
0x97: {  	s5 =	sld [smem:$0x3FFD];
	_ =	sdelay $0x3  }
0x98: {  	_ =	strace s5  }
0x99: {  	_ =	strace $0x8FFFFFFF  }
0x9a: {  	s19 =	sld [smem:$0x3FDB];
	_ =	sdelay $0x1  }
0x9b: {  	s6 =	simm.s32 $_scs_section_size  }
0x9c: {  	s7 =	simm.s32 $_size__tile_overlayer_lowered;
	s8 =	simm.s32 $_tile_overlayer_lowered  }
0x9d: {  	s22 =	simm.s32 $0x1BFF;
	s21 =	sshll.u32 s8, $0x1;
	s5 =	sadd.s32 s6, s19  }
0x9e: {  	s9 =	simm.s32 $0x0;
	s20 =	sshll.u32 s7, $0x1;
	s7 =	sadd.s32 s21, s5  }
0x9f: {  	[timem:s9], [sflag:s22] =	dma.local [hbm:s7], s20  }
0xa0: {  	_ =	swait.ge [sflag:s22], s20  }
0xa1: {  	s6 =	ssub.s32 $0x0, s20;
	[sflag:s22] =	ssyncset.done $0x0  }
0xa2: {  	[sflag:s22] =	ssyncadd.s32 s6;
	_ =	sdelay $0x1  }
0xa3: {  	s23 =	simm.s32 $0x1B8B  }
0xa4: {  	_ =	swait.ge [sflag:s23], $0x1  }
0xa5: {  	[sflag:s23] =	ssyncset.done $0x0  }
0xa6: {  	s25 =	simm.s32 $0x1B8E;
	s24 =	sld [smem:$0x3FFE];
	[sflag:s23] =	ssyncadd.s32 $0xFFFFFFFF  }
0xa7: {  	s26 =	simm.s32 $execute0_lowered;
	[smem:$0x3FD2] =	sst s25  }
0xa8: {  	s7 =	sshll.u32 s26, $0x1;
	_ =	strace $0x80000046;
	[dreg:$0x1] =	wrdreg $0xFFFFFFFF  }
0xa9: {  	s28 =	simm.s32 $_size_execute0_lowered;
	s5 =	sadd.s32 s5, s7;
	[dreg:$0x0] =	wrdreg $0x0  }
0xaa: {  	s7 =	sshll.u32 s28, $0x1;
	[dreg:$0x2] =	wrdreg s5  }
0xab: {  	[dreg:$0x3] =	wrdreg s7  }
0xac: {  	[dreg:$0x4] =	wrdreg $0xC0  }
0xad: {  	_ =	task [dreg:s9], $0x5FFFF  }
0xae: {  	[dreg:$0x1] =	wrdreg $0xFFFFFFFF  }
0xaf: {  	[dreg:$0x0] =	wrdreg $0x60  }
0xb0: {  	[dreg:$0x2] =	wrdreg s4  }
0xb1: {  	[dreg:$0x3] =	wrdreg s2  }
0xb2: {  	[dreg:$0x4] =	wrdreg s18  }
0xb3: {  	[dreg:$0x5] =	wrdreg s24  }
0xb4: {  	[dreg:$0x6] =	wrdreg $0x9  }
0xb5: {  	_ =	task.clear_ibuf [dreg:s9], $0x7FFFF;
	_ =	strace $0x90000046  }
0xb6: {  	s29 =	simm.s32 $0x9;
	_ =	strace $0x80000048  }
0xb7: {  	_ =	swait.ge [sflag:s29], $0x1  }
0xb8: {  	[sflag:s29] =	ssyncadd.s32 $0xFFFFFFFF  }
0xb9: {  	_ =	strace $0x90000048  }
0xba: {  	_ =	sfence  }
0xbb: {  	s30 =	sld [smem:$0x0];
	_ =	sdelay $0x2  }
0xbc: {  	s31 =	sshll.u32 s1, $0xD;
	s1 =	sshrl.u32 s1, $0x2  }
0xbd: {  	s3 =	sand.u32 $0x4000, s31;
	s1 =	sadd.s32 s1, s30  }
0xbe: {  	s0 =	sor.u32 s3, s0;
	s1 =	sshll.u32 s1, $0x11  }
0xbf: {  	s0 =	sor.u32 s1, s0  }
0xc0: {  	s0 =	sadd.s32 $0x8F2B, s0  }
0xc1: {  	[sflag:s0] =	ssyncadd.remote.s32 $0x1  }
0xc2: {  	_ =	sfence.sel $0xFFFF  }
0xc3: {  	[dreg:$0x0] =	wrdreg $0xFFFFFFFF;
	(pc) =	sbr.abs _section_cstart, $3  }
0xc4: {  	[dreg:$0x1] =	wrdreg $0xFFFFFFFF  }
0xc5: {  	_ =	task.clear_ibuf [dreg:s9], $0x2FFFF;
	_ =	strace $0x9FFFFFFF  }
0xc6: {  	(tm) =	ssettm $0x7FFFFFFF  }
0xc7: {  	_ =	shalt  }
tec
execute0_lowered:
.L_overlay_start_1:
0x0: {  	(tag) =	ssettag $0x1  }
0x1: {  	s1 =	rddreg [dreg:$0x0]  }
0x2: {  	s2 =	rddreg [dreg:$0x1]  }
0x3: {  	s0 =	rddreg [dreg:$0x3]  }
0x4: {  	s3 =	srdreg.scid;
	s4 =	stileid.u32;
	s5 =	simm.s32 $0x0  }
0x5: {  	s17 =	simm.s32 $0x9;
	s18 =	simm.s32 $0x32;
	s16 =	simm.s32 $0x400  }
0x6: {  	s20 =	simm.s32 $0xE800;
	s31 =	simm.s32 $0x12000;
	s9 =	simm.s32 $0x1  }
0x7: {  	s10 =	simm.s32 $0x600;
	s14 =	simm.s32 $0x15800;
	s29 =	simm.s32 $0x1AC00  }
0x8: {  	s19 =	simm.s32 $0x3;
	s11 =	simm.s32 $0x0;
	s3 =	sand.u32 $0x1, s3  }
0x9: {  	s4 =	sshll.u32 s4, $0x1;
	[smem:$0x7FF] =	sst s5;
	s7 =	ssub.s32 $0x2, s3  }
0xa: {  	s6 =	sadd.s32 $0x400, s0;
	s3 =	sor.u32 s3, s4;
	s21 =	sshrl.u32 s7, $0x1  }
0xb: {  	_ =	strace $0x80000047;
	s8 =	sshll.u32 s3, $0xB;
	s22 =	ssub.s32 s7, s21  }
0xc: {  	s23 =	sadd.s32 s1, s8;
	s8 =	sshll.u32 s3, $0x5;
	s3 =	simm.s32 $0x19000  }
0xd: {  	s7 =	simm.s32 $0x2;
	s24 =	sadd.s32 $0x40, s23;
	[dreg:$0x5] =	wrdreg s23  }
0xe: {  	s21 =	simm.s32 $0x4;
	s25 =	sadd.s32 $0x80, s23;
	[dreg:$0x6] =	wrdreg s24  }
.Ltmp0:
0xf: {  	s26 =	sor.u32 $0x4, s8;
	[dreg:$0x7] =	wrdreg s25;
	(pc) =	sbr.rel .LBB2_1-.Ltmp0, $4  }
0x10: {  	s28 =	sor.u32 $0x5, s8;
	s30 =	sor.u32 $0x6, s8;
	[dreg:$0x8] =	wrdreg s26  }
0x11: {  	s0 =	smax.u32 s22, $0x1;
	s15 =	sor.u32 $0x3, s8;
	[dreg:$0x9] =	wrdreg s28  }
0x12: {  	s22 =	simm.s32 $0x17400;
	s23 =	simm.s32 $0x7;
	[dreg:$0xa] =	wrdreg s30  }
0x13: {  	[dreg:$0xb] =	wrdreg s0;
	s24 =	simm.s32 $0x10400;
	s26 =	simm.s32 $0x13C00  }
.LBB2_12:
0x14: {  	s0 =	simm.s32 $0x5  }
0x15: {  	_ =	swait.ge [sflag:s0], $0x6400  }
0x16: {  	[sflag:s0] =	ssyncset.done $0x0  }
0x17: {  	s28 =	simm.s32 $0x6;
	[sflag:s0] =	ssyncadd.s32 $0xFFFF9C00  }
0x18: {  	_ =	swait.ge [sflag:s28], $0x6400  }
0x19: {  	[sflag:s28] =	ssyncset.done $0x0  }
0x1a: {  	[sflag:s28] =	ssyncadd.s32 $0xFFFF9C00  }
0x1b: {  	_ =	swait.ge [sflag:s23], $0x6400  }
0x1c: {  	[sflag:s23] =	ssyncset.done $0x0  }
0x1d: {  	s4 =	simm.s32 $0x8;
	[sflag:s23] =	ssyncadd.s32 $0xFFFF9C00  }
0x1e: {  	_ =	swait.ge [sflag:s4], $0x6400  }
0x1f: {  	s11 =	rddreg [dreg:$0xc]  }
0x20: {  	s30 =	rddreg [dreg:$0xb];
	s11 =	sadd.s32 $0x1, s11  }
0x21: {  	p0 =	sne.s32 s11, s30  }
.Ltmp1:
0x22: {  	_ = 	snop;
	(pc) =	sbr.rel @!p0 .LBB2_13-.Ltmp1, $3  }
0x23: {  	_ =	sdelay $0x1  }
0x24: {  	[sflag:s4] =	ssyncset.done $0x0  }
0x25: {  	[sflag:s4] =	ssyncadd.s32 $0xFFFF9C00  }
.LBB2_1:
0x26: {  	[dreg:$0xc] =	wrdreg s11  }
0x27: {  	s0 =	rddreg [dreg:$0x2];
	s4 =	simm.s32 $0x1C800  }
0x28: {  	[tilespmem:s4], [sflag:$0x9] =	stream.linear.gather [hbm4b:s0+s5], $0x1900, $0x38;
	[tilespmem:$0x1E400] =	vst v63  }
0x29: {  	_ =	swait.ge [sflag:s17], $0x1900  }
0x2a: {  	[sflag:s17] =	ssyncset.done $0x0  }
0x2b: {  	s30 =	rddreg [dreg:$0x5];
	[sflag:s17] =	ssyncadd.s32 $0xFFFFE700  }
0x2c: {  	[tilespmem:s5], [sflag:$0x9] =	stream.linear.gather [hbm4b:s30+s5], $0x200, $0x38;
	[tilespmem:$0x1E400] =	vst v63  }
0x2d: {  	_ =	swait.ge [sflag:s17], $0x200  }
0x2e: {  	[sflag:s17] =	ssyncset.done $0x0  }
0x2f: {  	s4 =	simm.s32 $0x800;
	[sflag:s17] =	ssyncadd.s32 $0xFFFFFE00  }
0x30: {  	[tilespmem:s4], [sflag:$0x1] =	stream.indirect.gather [hbm4b:s2+s18], $0x80, s5, s18, $0xb8;
	[tilespmem:$0x1E400] =	vst v63  }
0x31: {  	s11 =	simm.s32 $0x80;
	s12 =	simm.s32 $0x2400  }
0x32: {  	[tilespmem:s12], [sflag:$0x1] =	stream.indirect.gather [hbm4b:s2+s18], $0x80, s11, s18, $0xb8;
	[tilespmem:$0x1E400] =	vst v63  }
0x33: {  	s13 =	simm.s32 $0x100;
	s25 =	simm.s32 $0x4000  }
0x34: {  	[tilespmem:s25], [sflag:$0x1] =	stream.indirect.gather [hbm4b:s2+s18], $0x80, s13, s18, $0xb8;
	[tilespmem:$0x1E400] =	vst v63  }
0x35: {  	s28 =	simm.s32 $0x180;
	s30 =	simm.s32 $0x5C00  }
0x36: {  	[tilespmem:s30], [sflag:$0x1] =	stream.indirect.gather [hbm4b:s2+s18], $0x80, s28, s18, $0xb8;
	[tilespmem:$0x1E400] =	vst v63  }
0x37: {  	s4 =	rddreg [dreg:$0x6];
	s11 =	simm.s32 $0x200  }
0x38: {  	[tilespmem:s11], [sflag:$0x9] =	stream.linear.gather [hbm4b:s4+s5], $0x200, $0x38;
	[tilespmem:$0x1E400] =	vst v63  }
0x39: {  	_ =	swait.ge [sflag:s17], $0x200  }
0x3a: {  	[sflag:s17] =	ssyncset.done $0x0  }
0x3b: {  	s12 =	simm.s32 $0x7800;
	[sflag:s17] =	ssyncadd.s32 $0xFFFFFE00  }
0x3c: {  	[tilespmem:s12], [sflag:$0x2] =	stream.indirect.gather [hbm4b:s2+s18], $0x80, s11, s18, $0xb8;
	[tilespmem:$0x1E400] =	vst v63  }
0x3d: {  	s13 =	simm.s32 $0x280;
	s25 =	simm.s32 $0x9400  }
0x3e: {  	[tilespmem:s25], [sflag:$0x2] =	stream.indirect.gather [hbm4b:s2+s18], $0x80, s13, s18, $0xb8;
	[tilespmem:$0x1E400] =	vst v63  }
0x3f: {  	s28 =	simm.s32 $0x300;
	s30 =	simm.s32 $0xB000  }
0x40: {  	[tilespmem:s30], [sflag:$0x2] =	stream.indirect.gather [hbm4b:s2+s18], $0x80, s28, s18, $0xb8;
	[tilespmem:$0x1E400] =	vst v63  }
0x41: {  	s11 =	simm.s32 $0x380;
	s12 =	simm.s32 $0xCC00  }
0x42: {  	[tilespmem:s12], [sflag:$0x2] =	stream.indirect.gather [hbm4b:s2+s18], $0x80, s11, s18, $0xb8;
	[tilespmem:$0x1E400] =	vst v63  }
0x43: {  	s13 =	rddreg [dreg:$0x7]  }
0x44: {  	[tilespmem:s16], [sflag:$0x9] =	stream.linear.gather [hbm4b:s13+s5], $0x200, $0x38;
	[tilespmem:$0x1E400] =	vst v63  }
0x45: {  	_ =	swait.ge [sflag:s17], $0x200  }
0x46: {  	[sflag:s17] =	ssyncset.done $0x0  }
0x47: {  	[sflag:s17] =	ssyncadd.s32 $0xFFFFFE00  }
0x48: {  	[tilespmem:s20], [sflag:$0x3] =	stream.indirect.gather [hbm4b:s2+s18], $0x80, s16, s18, $0xb8;
	[tilespmem:$0x1E400] =	vst v63  }
0x49: {  	s25 =	simm.s32 $0x480  }
0x4a: {  	[tilespmem:s24], [sflag:$0x3] =	stream.indirect.gather [hbm4b:s2+s18], $0x80, s25, s18, $0xb8;
	[tilespmem:$0x1E400] =	vst v63  }
0x4b: {  	s28 =	simm.s32 $0x500  }
0x4c: {  	[tilespmem:s31], [sflag:$0x3] =	stream.indirect.gather [hbm4b:s2+s18], $0x80, s28, s18, $0xb8;
	[tilespmem:$0x1E400] =	vst v63  }
0x4d: {  	s30 =	simm.s32 $0x580;
	s25 =	simm.s32 $0x0  }
0x4e: {  	[tilespmem:s26], [sflag:$0x3] =	stream.indirect.gather [hbm4b:s2+s18], $0x80, s30, s18, $0xb8;
	[tilespmem:$0x1E400] =	vst v63  }
.LBB2_2:
0x4f: {  	_ =	swait.ge [sflag:s9], $0x1900  }
0x50: {  	[sflag:s9] =	ssyncset.done $0x0  }
0x51: {  	[sflag:s9] =	ssyncadd.s32 $0xFFFFE700  }
0x52: {  	_ =	swait.ge [sflag:s9], $0x1900  }
0x53: {  	[sflag:s9] =	ssyncset.done $0x0  }
0x54: {  	[sflag:s9] =	ssyncadd.s32 $0xFFFFE700  }
0x55: {  	_ =	swait.ge [sflag:s9], $0x1900  }
0x56: {  	[sflag:s9] =	ssyncset.done $0x0  }
0x57: {  	[sflag:s9] =	ssyncadd.s32 $0xFFFFE700  }
0x58: {  	_ =	swait.ge [sflag:s9], $0x1900  }
0x59: {  	[sflag:s9] =	ssyncset.done $0x0  }
0x5a: {  	s0 =	simm.s32 $0x0;
	[sflag:s9] =	ssyncadd.s32 $0xFFFFE700  }
0x5b: {  	v15 =	vld [tilespmem:s0+$0x1C800]  }
0x5c: {  	v13 =	vld [tilespmem:s0+$0x1C810]  }
0x5d: {  	v12 =	vld [tilespmem:s0+$0x1C820]  }
0x5e: {  	v11 =	vld [tilespmem:s0+$0x1C830]  }
0x5f: {  	v10 =	vld [tilespmem:s0+$0x1C840]  }
0x60: {  	v8 =	vld [tilespmem:s0+$0x1C850]  }
0x61: {  	v7 =	vld [tilespmem:s0+$0x1C860]  }
0x62: {  	v6 =	vld [tilespmem:s0+$0x1C870]  }
0x63: {  	v0 =	vld [tilespmem:s0+$0x800]  }
0x64: {  	v1 =	vld [tilespmem:s0+$0x810]  }
0x65: {  	v2 =	vld [tilespmem:s0+$0x820]  }
0x66: {  	v3 =	vld [tilespmem:s0+$0x830]  }
0x67: {  	v4 =	vld [tilespmem:s0+$0x840]  }
0x68: {  	v5 =	vld [tilespmem:s0+$0x850]  }
0x69: {  	v14 =	vld [tilespmem:s0+$0x860]  }
0x6a: {  	v16 =	vld [tilespmem:s0+$0x2400]  }
0x6b: {  	v17 =	vld [tilespmem:s0+$0x2410]  }
0x6c: {  	v9 =	vld [tilespmem:s0+$0x1C8F0]  }
0x6d: {  	v18 =	vld [tilespmem:s0+$0x2420]  }
0x6e: {  	v19 =	vld [tilespmem:s0+$0x2430]  }
0x6f: {  	v20 =	vld [tilespmem:s0+$0x2440]  }
0x70: {  	v21 =	vld [tilespmem:s0+$0x2450]  }
0x71: {  	v22 =	vld [tilespmem:s0+$0x2460];
	v0 =	vadd.f32 v0, v15  }
0x72: {  	v23 =	vld [tilespmem:s0+$0x880];
	v1 =	vadd.f32 v1, v13  }
0x73: {  	v24 =	vld [tilespmem:s0+$0x890];
	v2 =	vadd.f32 v2, v12;
	[tilespmem:s0+$0x800] =	vst v0  }
0x74: {  	v25 =	vld [tilespmem:s0+$0x8A0];
	v16 =	vadd.f32 v16, v15;
	[tilespmem:s0+$0x810] =	vst v1  }
0x75: {  	v26 =	vld [tilespmem:s0+$0x8B0];
	v17 =	vadd.f32 v17, v13;
	[tilespmem:s0+$0x820] =	vst v2  }
0x76: {  	v27 =	vld [tilespmem:s0+$0x8C0];
	v18 =	vadd.f32 v18, v12;
	[tilespmem:s0+$0x2400] =	vst v16  }
0x77: {  	v28 =	vld [tilespmem:s0+$0x8D0];
	v19 =	vadd.f32 v19, v11;
	[tilespmem:s0+$0x2410] =	vst v17  }
0x78: {  	v57 =	vld [tilespmem:s0+$0x8E0];
	v20 =	vadd.f32 v20, v10;
	[tilespmem:s0+$0x2420] =	vst v18  }
0x79: {  	v59 =	vld [tilespmem:s0+$0x8F0];
	v21 =	vadd.f32 v21, v8;
	[tilespmem:s0+$0x2430] =	vst v19  }
0x7a: {  	v58 =	vld [tilespmem:s0+$0x2470];
	v22 =	vadd.f32 v22, v7;
	[tilespmem:s0+$0x2440] =	vst v20  }
0x7b: {  	v40 =	vld [tilespmem:s0+$0x4060];
	v1 =	vadd.f32 v3, v11;
	[tilespmem:s0+$0x2450] =	vst v21  }
0x7c: {  	v56 =	vld [tilespmem:s0+$0x5C60];
	v2 =	vadd.f32 v4, v10;
	[tilespmem:s0+$0x2460] =	vst v22  }
0x7d: {  	v0 =	vld [tilespmem:s0+$0x870];
	v3 =	vadd.f32 v5, v8;
	[tilespmem:s0+$0x830] =	vst v1  }
0x7e: {  	v5 =	vld [tilespmem:s0+$0x1C890];
	v17 =	vadd.f32 v59, v9;
	[tilespmem:s0+$0x840] =	vst v2  }
0x7f: {  	v4 =	vld [tilespmem:s0+$0x1C8A0];
	v2 =	vadd.f32 v14, v7;
	[tilespmem:s0+$0x850] =	vst v3  }
0x80: {  	v63 =	vld [tilespmem:s0+$0x2490];
	[tilespmem:s0+$0x8F0] =	vst v17;
	v17 =	vadd.f32 v40, v7  }
0x81: {  	v33 =	vld [tilespmem:s0+$0x24A0];
	v7 =	vadd.f32 v56, v7;
	[tilespmem:s0+$0x860] =	vst v2  }
0x82: {  	v47 =	vld [tilespmem:s0+$0x4090];
	[tilespmem:s0+$0x4060] =	vst v17;
	v0 =	vadd.f32 v0, v6  }
0x83: {  	v1 =	vld [tilespmem:s0+$0x5CF0];
	[tilespmem:s0+$0x5C60] =	vst v7;
	v24 =	vadd.f32 v24, v5  }
0x84: {  	v14 =	vld [tilespmem:s0+$0x1C880];
	v25 =	vadd.f32 v25, v4;
	[tilespmem:s0+$0x870] =	vst v0  }
0x85: {  	v3 =	vld [tilespmem:s0+$0x1C8B0];
	v19 =	vadd.f32 v63, v5;
	[tilespmem:s0+$0x890] =	vst v24  }
0x86: {  	v60 =	vld [tilespmem:s0+$0x4000];
	v20 =	vadd.f32 v33, v4;
	[tilespmem:s0+$0x8A0] =	vst v25  }
0x87: {  	v61 =	vld [tilespmem:s0+$0x2480];
	v59 =	vadd.f32 v47, v5;
	[tilespmem:s0+$0x2490] =	vst v19  }
0x88: {  	v62 =	vld [tilespmem:s0+$0x4010];
	v1 =	vadd.f32 v1, v9;
	[tilespmem:s0+$0x24A0] =	vst v20  }
0x89: {  	v35 =	vld [tilespmem:s0+$0x24B0];
	v23 =	vadd.f32 v23, v14;
	[tilespmem:s0+$0x4090] =	vst v59  }
0x8a: {  	v44 =	vld [tilespmem:s0+$0x5C00];
	v26 =	vadd.f32 v26, v3;
	[tilespmem:s0+$0x5CF0] =	vst v1  }
0x8b: {  	v46 =	vld [tilespmem:s0+$0x5C10];
	v24 =	vadd.f32 v60, v15;
	[tilespmem:s0+$0x880] =	vst v23  }
0x8c: {  	v49 =	vld [tilespmem:s0+$0x40A0];
	v18 =	vadd.f32 v61, v14;
	[tilespmem:s0+$0x8B0] =	vst v26  }
0x8d: {  	v52 =	vld [tilespmem:s0+$0x5C40];
	v25 =	vadd.f32 v62, v13;
	[tilespmem:s0+$0x4000] =	vst v24  }
0x8e: {  	v2 =	vld [tilespmem:s0+$0x1C8C0];
	v21 =	vadd.f32 v35, v3;
	[tilespmem:s0+$0x2480] =	vst v18  }
0x8f: {  	v32 =	vld [tilespmem:s0+$0x4020];
	v15 =	vadd.f32 v44, v15;
	[tilespmem:s0+$0x4010] =	vst v25  }
0x90: {  	v34 =	vld [tilespmem:s0+$0x4030];
	v13 =	vadd.f32 v46, v13;
	[tilespmem:s0+$0x24B0] =	vst v21  }
0x91: {  	v37 =	vld [tilespmem:s0+$0x24C0];
	v60 =	vadd.f32 v49, v4;
	[tilespmem:s0+$0x5C00] =	vst v15  }
0x92: {  	v42 =	vld [tilespmem:s0+$0x4070];
	v62 =	vadd.f32 v52, v10;
	[tilespmem:s0+$0x5C10] =	vst v13  }
0x93: {  	v43 =	vld [tilespmem:s0+$0x24F0];
	v27 =	vadd.f32 v27, v2;
	[tilespmem:s0+$0x40A0] =	vst v60  }
0x94: {  	v48 =	vld [tilespmem:s0+$0x5C20];
	v23 =	vadd.f32 v58, v6;
	[tilespmem:s0+$0x5C40] =	vst v62  }
0x95: {  	v36 =	vld [tilespmem:s0+$0x4040];
	v26 =	vadd.f32 v32, v12;
	[tilespmem:s0+$0x8C0] =	vst v27  }
0x96: {  	v50 =	vld [tilespmem:s0+$0x5C30];
	v22 =	vadd.f32 v37, v2;
	[tilespmem:s0+$0x2470] =	vst v23  }
0x97: {  	v51 =	vld [tilespmem:s0+$0x40B0];
	v18 =	vadd.f32 v42, v6;
	[tilespmem:s0+$0x4020] =	vst v26  }
0x98: {  	v0 =	vld [tilespmem:s0+$0x1C8E0];
	v25 =	vadd.f32 v43, v9;
	[tilespmem:s0+$0x24C0] =	vst v22  }
0x99: {  	v41 =	vld [tilespmem:s0+$0x24E0];
	v12 =	vadd.f32 v48, v12;
	[tilespmem:s0+$0x4070] =	vst v18  }
0x9a: {  	v45 =	vld [tilespmem:s0+$0x4080];
	v27 =	vadd.f32 v34, v11;
	[tilespmem:s0+$0x24F0] =	vst v25  }
0x9b: {  	v53 =	vld [tilespmem:s0+$0x40C0];
	v11 =	vadd.f32 v50, v11;
	[tilespmem:s0+$0x5C20] =	vst v12  }
0x9c: {  	v54 =	vld [tilespmem:s0+$0x5C50];
	v12 =	vadd.f32 v51, v3;
	[tilespmem:s0+$0x4030] =	vst v27  }
0x9d: {  	v1 =	vld [tilespmem:s0+$0x1C8D0];
	v16 =	vadd.f32 v57, v0;
	[tilespmem:s0+$0x5C30] =	vst v11  }
0x9e: {  	v38 =	vld [tilespmem:s0+$0x4050];
	v24 =	vadd.f32 v41, v0;
	[tilespmem:s0+$0x40B0] =	vst v12  }
0x9f: {  	v39 =	vld [tilespmem:s0+$0x24D0];
	v57 =	vadd.f32 v45, v14;
	[tilespmem:s0+$0x8E0] =	vst v16  }
0xa0: {  	v55 =	vld [tilespmem:s0+$0x40D0];
	v11 =	vadd.f32 v53, v2;
	[tilespmem:s0+$0x24E0] =	vst v24  }
0xa1: {  	v15 =	vld [tilespmem:s0+$0x40E0];
	v12 =	vadd.f32 v54, v8;
	[tilespmem:s0+$0x4080] =	vst v57  }
0xa2: {  	v58 =	vld [tilespmem:s0+$0x5C70];
	v28 =	vadd.f32 v28, v1;
	[tilespmem:s0+$0x40C0] =	vst v11  }
0xa3: {  	v16 =	vadd.f32 v38, v8;
	[tilespmem:s0+$0x5C50] =	vst v12  }
0xa4: {  	v13 =	vld [tilespmem:s0+$0x40F0];
	v23 =	vadd.f32 v39, v1;
	[tilespmem:s0+$0x8D0] =	vst v28  }
0xa5: {  	v61 =	vld [tilespmem:s0+$0x5C80];
	v63 =	vadd.f32 v55, v1;
	[tilespmem:s0+$0x4050] =	vst v16  }
0xa6: {  	v15 =	vadd.f32 v15, v0;
	v28 =	vadd.f32 v36, v10;
	[tilespmem:s0+$0x24D0] =	vst v23;
	v10 =	vld [tilespmem:s0+$0x5C90]  }
0xa7: {  	v8 =	vld [tilespmem:s0+$0x5CA0];
	v6 =	vadd.f32 v58, v6;
	[tilespmem:s0+$0x40D0] =	vst v63  }
0xa8: {  	v11 =	vld [tilespmem:s0+$0x5CB0];
	[tilespmem:s0+$0x40E0] =	vst v15  }
0xa9: {  	v12 =	vld [tilespmem:s0+$0x5CC0];
	[tilespmem:s0+$0x5C70] =	vst v6;
	v6 =	vadd.f32 v13, v9  }
0xaa: {  	s4 =	simm.s32 $0x0;
	s13 =	simm.s32 $0x400;
	v7 =	vld [tilespmem:s0+$0x5CD0];
	v9 =	vadd.f32 v61, v14;
	[tilespmem:s0+$0x4040] =	vst v28  }
.LBB2_3:
0xab: {  	s11 =	sshra.s32 s13, $0x2;
	[tilespmem:s0+$0x40F0] =	vst v6;
	v5 =	vadd.f32 v10, v5;
	v10 =	vld [tilespmem:s0+$0x5CE0]  }
0xac: {  	s4 =	sadd.s32 $0x2, s4;
	v6 =	vld [tilespmem:s11+$0x1C8F0];
	[tilespmem:s0+$0x5C80] =	vst v9;
	v4 =	vadd.f32 v8, v4  }
0xad: {  	p0 =	slt.u32 s4, $0x30;
	v8 =	vld [tilespmem:s11+$0x5CF0];
	[tilespmem:s0+$0x5C90] =	vst v5;
	v5 =	vadd.f32 v11, v3  }
0xae: {  	v3 =	vld [tilespmem:s11+$0x1C800];
	[tilespmem:s0+$0x5CA0] =	vst v4;
	v2 =	vadd.f32 v12, v2  }
0xaf: {  	v4 =	vld [tilespmem:s11+$0x1C810];
	[tilespmem:s0+$0x5CB0] =	vst v5;
	v1 =	vadd.f32 v7, v1  }
0xb0: {  	v5 =	vld [tilespmem:s11+$0x1C820];
	[tilespmem:s0+$0x5CC0] =	vst v2;
	v0 =	vadd.f32 v10, v0  }
0xb1: {  	v7 =	vld [tilespmem:s11+$0x1C830];
	[tilespmem:s0+$0x5CD0] =	vst v1  }
0xb2: {  	v2 =	vld [tilespmem:s11+$0x1C840];
	v9 =	vadd.f32 v8, v6;
	[tilespmem:s0+$0x5CE0] =	vst v0;
	s0 =	smov.u32 s11  }
0xb3: {  	v8 =	vld [tilespmem:s0+$0x1C850]  }
0xb4: {  	v1 =	vld [tilespmem:s0+$0x1C860];
	[tilespmem:s0+$0x5CF0] =	vst v9  }
0xb5: {  	v0 =	vld [tilespmem:s0+$0x1C870]  }
0xb6: {  	v9 =	vld [tilespmem:s0+$0x800]  }
0xb7: {  	v10 =	vld [tilespmem:s0+$0x810]  }
0xb8: {  	v11 =	vld [tilespmem:s0+$0x820]  }
0xb9: {  	v12 =	vld [tilespmem:s0+$0x830]  }
0xba: {  	v13 =	vld [tilespmem:s0+$0x840]  }
0xbb: {  	v9 =	vadd.f32 v9, v3;
	v14 =	vld [tilespmem:s0+$0x850]  }
0xbc: {  	v10 =	vadd.f32 v10, v4;
	v15 =	vld [tilespmem:s0+$0x860]  }
0xbd: {  	[tilespmem:s0+$0x800] =	vst v9;
	v9 =	vadd.f32 v11, v5;
	v11 =	vld [tilespmem:s0+$0x870]  }
0xbe: {  	[tilespmem:s0+$0x810] =	vst v10;
	v10 =	vadd.f32 v12, v7;
	v12 =	vld [tilespmem:s0+$0x2400]  }
0xbf: {  	[tilespmem:s0+$0x820] =	vst v9;
	v9 =	vadd.f32 v13, v2;
	v13 =	vld [tilespmem:s0+$0x2410]  }
0xc0: {  	[tilespmem:s0+$0x830] =	vst v10;
	v10 =	vadd.f32 v14, v8;
	v14 =	vld [tilespmem:s0+$0x2420]  }
0xc1: {  	[tilespmem:s0+$0x840] =	vst v9;
	v9 =	vadd.f32 v15, v1;
	v15 =	vld [tilespmem:s0+$0x2430]  }
0xc2: {  	[tilespmem:s0+$0x850] =	vst v10;
	v10 =	vadd.f32 v11, v0;
	v11 =	vld [tilespmem:s0+$0x2440]  }
0xc3: {  	[tilespmem:s0+$0x860] =	vst v9;
	v9 =	vadd.f32 v12, v3;
	v12 =	vld [tilespmem:s0+$0x2450]  }
0xc4: {  	[tilespmem:s0+$0x870] =	vst v10;
	v10 =	vadd.f32 v13, v4;
	v13 =	vld [tilespmem:s0+$0x2460]  }
0xc5: {  	[tilespmem:s0+$0x2400] =	vst v9;
	v9 =	vadd.f32 v14, v5;
	v14 =	vld [tilespmem:s0+$0x2470]  }
0xc6: {  	[tilespmem:s0+$0x2410] =	vst v10;
	v10 =	vadd.f32 v15, v7;
	v15 =	vld [tilespmem:s0+$0x4000]  }
0xc7: {  	[tilespmem:s0+$0x2420] =	vst v9;
	v9 =	vadd.f32 v11, v2;
	v11 =	vld [tilespmem:s0+$0x4010]  }
0xc8: {  	[tilespmem:s0+$0x2430] =	vst v10;
	v10 =	vadd.f32 v12, v8;
	v12 =	vld [tilespmem:s0+$0x4020]  }
0xc9: {  	[tilespmem:s0+$0x2440] =	vst v9;
	v9 =	vadd.f32 v13, v1;
	v13 =	vld [tilespmem:s0+$0x4030]  }
0xca: {  	[tilespmem:s0+$0x2450] =	vst v10;
	v10 =	vadd.f32 v14, v0;
	v14 =	vld [tilespmem:s0+$0x4040]  }
0xcb: {  	[tilespmem:s0+$0x2460] =	vst v9;
	v9 =	vadd.f32 v15, v3;
	v15 =	vld [tilespmem:s0+$0x4050]  }
0xcc: {  	[tilespmem:s0+$0x2470] =	vst v10;
	v10 =	vadd.f32 v11, v4;
	v11 =	vld [tilespmem:s0+$0x4060]  }
0xcd: {  	[tilespmem:s0+$0x4000] =	vst v9;
	v9 =	vadd.f32 v12, v5;
	v12 =	vld [tilespmem:s0+$0x4070]  }
0xce: {  	[tilespmem:s0+$0x4010] =	vst v10;
	v10 =	vadd.f32 v13, v7;
	v13 =	vld [tilespmem:s0+$0x5C00]  }
0xcf: {  	[tilespmem:s0+$0x4020] =	vst v9;
	v9 =	vadd.f32 v14, v2;
	v14 =	vld [tilespmem:s0+$0x5C10]  }
0xd0: {  	[tilespmem:s0+$0x4030] =	vst v10;
	v10 =	vadd.f32 v15, v8;
	v15 =	vld [tilespmem:s0+$0x5C20]  }
0xd1: {  	[tilespmem:s0+$0x4040] =	vst v9;
	v9 =	vadd.f32 v11, v1;
	v11 =	vld [tilespmem:s0+$0x5C30]  }
0xd2: {  	[tilespmem:s0+$0x4050] =	vst v10;
	v10 =	vadd.f32 v12, v0;
	v12 =	vld [tilespmem:s0+$0x5C40]  }
0xd3: {  	[tilespmem:s0+$0x4060] =	vst v9;
	v3 =	vadd.f32 v13, v3;
	v9 =	vld [tilespmem:s0+$0x5C50]  }
0xd4: {  	[tilespmem:s0+$0x4070] =	vst v10;
	v4 =	vadd.f32 v14, v4;
	v10 =	vld [tilespmem:s0+$0x5C60]  }
0xd5: {  	[tilespmem:s0+$0x5C00] =	vst v3;
	v3 =	vadd.f32 v15, v5;
	v13 =	vld [tilespmem:s0+$0x5C70]  }
0xd6: {  	[tilespmem:s0+$0x5C10] =	vst v4;
	v4 =	vadd.f32 v11, v7;
	v7 =	vld [tilespmem:s0+$0x1C880]  }
0xd7: {  	[tilespmem:s0+$0x5C20] =	vst v3;
	v2 =	vadd.f32 v12, v2;
	v5 =	vld [tilespmem:s0+$0x1C890]  }
0xd8: {  	[tilespmem:s0+$0x5C30] =	vst v4;
	v8 =	vadd.f32 v9, v8;
	v4 =	vld [tilespmem:s0+$0x1C8A0]  }
0xd9: {  	[tilespmem:s0+$0x5C40] =	vst v2;
	v1 =	vadd.f32 v10, v1;
	v3 =	vld [tilespmem:s0+$0x1C8B0]  }
0xda: {  	[tilespmem:s0+$0x5C50] =	vst v8;
	v0 =	vadd.f32 v13, v0;
	v2 =	vld [tilespmem:s0+$0x1C8C0]  }
0xdb: {  	[tilespmem:s0+$0x5C60] =	vst v1;
	v1 =	vld [tilespmem:s0+$0x1C8D0]  }
0xdc: {  	[tilespmem:s0+$0x5C70] =	vst v0;
	v0 =	vld [tilespmem:s0+$0x1C8E0]  }
0xdd: {  	v8 =	vld [tilespmem:s0+$0x880]  }
0xde: {  	v9 =	vld [tilespmem:s0+$0x890]  }
0xdf: {  	v10 =	vld [tilespmem:s0+$0x8A0]  }
0xe0: {  	v11 =	vld [tilespmem:s0+$0x8B0]  }
0xe1: {  	v12 =	vld [tilespmem:s0+$0x8C0]  }
0xe2: {  	v8 =	vadd.f32 v8, v7;
	v13 =	vld [tilespmem:s0+$0x8D0]  }
0xe3: {  	v9 =	vadd.f32 v9, v5;
	v14 =	vld [tilespmem:s0+$0x8E0]  }
0xe4: {  	[tilespmem:s0+$0x880] =	vst v8;
	v8 =	vadd.f32 v10, v4;
	v10 =	vld [tilespmem:s0+$0x8F0]  }
0xe5: {  	[tilespmem:s0+$0x890] =	vst v9;
	v9 =	vadd.f32 v11, v3;
	v11 =	vld [tilespmem:s0+$0x2480]  }
0xe6: {  	[tilespmem:s0+$0x8A0] =	vst v8;
	v8 =	vadd.f32 v12, v2;
	v12 =	vld [tilespmem:s0+$0x2490]  }
0xe7: {  	[tilespmem:s0+$0x8B0] =	vst v9;
	v9 =	vadd.f32 v13, v1;
	v13 =	vld [tilespmem:s0+$0x24A0]  }
0xe8: {  	[tilespmem:s0+$0x8C0] =	vst v8;
	v8 =	vadd.f32 v14, v0;
	v14 =	vld [tilespmem:s0+$0x24B0]  }
0xe9: {  	[tilespmem:s0+$0x8D0] =	vst v9;
	v9 =	vadd.f32 v10, v6;
	v10 =	vld [tilespmem:s0+$0x24C0]  }
0xea: {  	[tilespmem:s0+$0x8E0] =	vst v8;
	v8 =	vadd.f32 v11, v7;
	v11 =	vld [tilespmem:s0+$0x24D0]  }
0xeb: {  	[tilespmem:s0+$0x8F0] =	vst v9;
	v9 =	vadd.f32 v12, v5;
	v12 =	vld [tilespmem:s0+$0x24E0]  }
0xec: {  	[tilespmem:s0+$0x2480] =	vst v8;
	v8 =	vadd.f32 v13, v4;
	v13 =	vld [tilespmem:s0+$0x24F0]  }
0xed: {  	[tilespmem:s0+$0x2490] =	vst v9;
	v9 =	vadd.f32 v14, v3;
	v14 =	vld [tilespmem:s0+$0x4080]  }
0xee: {  	[tilespmem:s0+$0x24A0] =	vst v8;
	v8 =	vadd.f32 v10, v2;
	v10 =	vld [tilespmem:s0+$0x4090]  }
0xef: {  	[tilespmem:s0+$0x24B0] =	vst v9;
	v9 =	vadd.f32 v11, v1;
	v11 =	vld [tilespmem:s0+$0x40A0]  }
0xf0: {  	[tilespmem:s0+$0x24C0] =	vst v8;
	v8 =	vadd.f32 v12, v0;
	v12 =	vld [tilespmem:s0+$0x40B0]  }
0xf1: {  	[tilespmem:s0+$0x24D0] =	vst v9;
	v9 =	vadd.f32 v13, v6;
	v13 =	vld [tilespmem:s0+$0x40C0]  }
0xf2: {  	[tilespmem:s0+$0x24E0] =	vst v8;
	v8 =	vadd.f32 v14, v7;
	v14 =	vld [tilespmem:s0+$0x40D0]  }
0xf3: {  	[tilespmem:s0+$0x24F0] =	vst v9;
	v9 =	vadd.f32 v10, v5;
	v15 =	vld [tilespmem:s0+$0x40E0]  }
0xf4: {  	[tilespmem:s0+$0x4080] =	vst v8;
	v8 =	vadd.f32 v11, v4;
	v16 =	vld [tilespmem:s0+$0x40F0]  }
0xf5: {  	[tilespmem:s0+$0x4090] =	vst v9;
	v9 =	vadd.f32 v12, v3;
	v17 =	vld [tilespmem:s0+$0x5C80]  }
.Ltmp2:
0xf6: {  	[tilespmem:s0+$0x40A0] =	vst v8;
	v11 =	vadd.f32 v13, v2;
	v10 =	vld [tilespmem:s0+$0x5C90];
	(pc) =	sbr.rel @p0 .LBB2_3-.Ltmp2, $4  }
0xf7: {  	[tilespmem:s0+$0x40B0] =	vst v9;
	v9 =	vadd.f32 v14, v1;
	v8 =	vld [tilespmem:s0+$0x5CA0]  }
0xf8: {  	[tilespmem:s0+$0x40C0] =	vst v11;
	v13 =	vadd.f32 v15, v0;
	v11 =	vld [tilespmem:s0+$0x5CB0]  }
0xf9: {  	[tilespmem:s0+$0x40D0] =	vst v9;
	v6 =	vadd.f32 v16, v6;
	v12 =	vld [tilespmem:s0+$0x5CC0]  }
0xfa: {  	s13 =	sadd.s32 $0x400, s13;
	[tilespmem:s0+$0x40E0] =	vst v13;
	v9 =	vadd.f32 v17, v7;
	v7 =	vld [tilespmem:s0+$0x5CD0]  }
0xfb: {  	[tilespmem:s0+$0x40F0] =	vst v6;
	v5 =	vadd.f32 v10, v5;
	v6 =	vld [tilespmem:s0+$0x5CE0]  }
0xfc: {  	[tilespmem:s0+$0x5C80] =	vst v9;
	v4 =	vadd.f32 v8, v4  }
0xfd: {  	[tilespmem:s0+$0x5C90] =	vst v5;
	v3 =	vadd.f32 v11, v3  }
0xfe: {  	s28 =	sshll.u32 s25, $0x2;
	[tilespmem:s0+$0x5CA0] =	vst v4;
	v2 =	vadd.f32 v12, v2  }
0xff: {  	s4 =	sadd.s32 s8, s28;
	[tilespmem:s0+$0x5CB0] =	vst v3;
	v1 =	vadd.f32 v7, v1  }
0x100: {  	s4 =	smul.u32 $0xE00, s4;
	[tilespmem:s0+$0x5CC0] =	vst v2;
	v0 =	vadd.f32 v6, v0  }
0x101: {  	[tilespmem:s0+$0x5CD0] =	vst v1  }
0x102: {  	s12 =	simm.s32 $0x800;
	[tilespmem:s0+$0x5CE0] =	vst v0;
	s0 =	sadd.s32 s6, s4  }
0x103: {  	[hbm4b:s0+s5] =	stream.linear.scatter [tilespmem:s12], [sflag:$0x5], $0x1900, $0x38;
	[tilespmem:$0x1E400] =	vst v63  }
0x104: {  	s11 =	simm.s32 $0x2400;
	s13 =	sadd.s32 $0x380, s0  }
0x105: {  	[hbm4b:s13+s5] =	stream.linear.scatter [tilespmem:s11], [sflag:$0x5], $0x1900, $0x38;
	[tilespmem:$0x1E400] =	vst v63  }
0x106: {  	s12 =	simm.s32 $0x4000;
	s11 =	sadd.s32 $0x700, s0  }
0x107: {  	[hbm4b:s11+s5] =	stream.linear.scatter [tilespmem:s12], [sflag:$0x5], $0x1900, $0x38;
	[tilespmem:$0x1E400] =	vst v63  }
0x108: {  	p0 =	seq.s32 s25, $0x0;
	s0 =	sadd.s32 $0xA80, s0;
	s13 =	simm.s32 $0x5C00  }
0x109: {  	[hbm4b:s0+s5] =	stream.linear.scatter [tilespmem:s13], [sflag:$0x5], $0x1900, $0x38;
	[tilespmem:$0x1E400] =	vst v63  }
0x10a: {  	s30 =	sor.u32 s15, s28;
	s0 =	simm.s32 @!p0 $0x8  }
0x10b: {  	s11 =	sshll.u32 s30, $0x6;
	_ =	swait.ge @!p0 [sflag:s0], $0x6400  }
0x10c: {  	s4 =	sand.u32 $0x1FFFFFC0, s11;
	[sflag:s0] =	ssyncset.done @!p0 $0x0  }
0x10d: {  	s12 =	sadd.s32 s1, s4;
	s13 =	simm.s32 $0x0;
	[sflag:s0] =	ssyncadd.s32 @!p0 $0xFFFF9C00  }
0x10e: {  	[tilespmem:s10], [sflag:$0x9] =	stream.linear.gather [hbm4b:s12+s13], $0x200, $0x38;
	[tilespmem:$0x1E400] =	vst v63  }
0x10f: {  	_ =	swait.ge [sflag:s17], $0x200  }
0x110: {  	[sflag:s17] =	ssyncset.done $0x0  }
0x111: {  	[sflag:s17] =	ssyncadd.s32 $0xFFFFFE00  }
0x112: {  	[tilespmem:s14], [sflag:$0x4] =	stream.indirect.gather [hbm4b:s2+s18], $0x80, s10, s18, $0xb8;
	[tilespmem:$0x1E400] =	vst v63  }
0x113: {  	s11 =	simm.s32 $0x680  }
0x114: {  	[tilespmem:s22], [sflag:$0x4] =	stream.indirect.gather [hbm4b:s2+s18], $0x80, s11, s18, $0xb8;
	[tilespmem:$0x1E400] =	vst v63  }
0x115: {  	s12 =	simm.s32 $0x700  }
0x116: {  	[tilespmem:s3], [sflag:$0x4] =	stream.indirect.gather [hbm4b:s2+s18], $0x80, s12, s18, $0xb8;
	[tilespmem:$0x1E400] =	vst v63  }
0x117: {  	s13 =	simm.s32 $0x780  }
0x118: {  	[tilespmem:s29], [sflag:$0x4] =	stream.indirect.gather [hbm4b:s2+s18], $0x80, s13, s18, $0xb8;
	[tilespmem:$0x1E400] =	vst v63  }
0x119: {  	_ =	swait.ge [sflag:s7], $0x1900  }
0x11a: {  	[sflag:s7] =	ssyncset.done $0x0  }
0x11b: {  	[sflag:s7] =	ssyncadd.s32 $0xFFFFE700  }
0x11c: {  	_ =	swait.ge [sflag:s7], $0x1900  }
0x11d: {  	[sflag:s7] =	ssyncset.done $0x0  }
0x11e: {  	[sflag:s7] =	ssyncadd.s32 $0xFFFFE700  }
0x11f: {  	_ =	swait.ge [sflag:s7], $0x1900  }
0x120: {  	[sflag:s7] =	ssyncset.done $0x0  }
0x121: {  	[sflag:s7] =	ssyncadd.s32 $0xFFFFE700  }
0x122: {  	_ =	swait.ge [sflag:s7], $0x1900  }
0x123: {  	[sflag:s7] =	ssyncset.done $0x0  }
0x124: {  	s4 =	simm.s32 $0x0;
	[sflag:s7] =	ssyncadd.s32 $0xFFFFE700  }
0x125: {  	v15 =	vld [tilespmem:s4+$0x1C800]  }
0x126: {  	v13 =	vld [tilespmem:s4+$0x1C810]  }
0x127: {  	v12 =	vld [tilespmem:s4+$0x1C820]  }
0x128: {  	v11 =	vld [tilespmem:s4+$0x1C830]  }
0x129: {  	v10 =	vld [tilespmem:s4+$0x1C840]  }
0x12a: {  	v8 =	vld [tilespmem:s4+$0x1C850]  }
0x12b: {  	v7 =	vld [tilespmem:s4+$0x1C860]  }
0x12c: {  	v6 =	vld [tilespmem:s4+$0x1C870]  }
0x12d: {  	v0 =	vld [tilespmem:s4+$0x7800]  }
0x12e: {  	v1 =	vld [tilespmem:s4+$0x7810]  }
0x12f: {  	v2 =	vld [tilespmem:s4+$0x7820]  }
0x130: {  	v3 =	vld [tilespmem:s4+$0x7830]  }
0x131: {  	v4 =	vld [tilespmem:s4+$0x7840]  }
0x132: {  	v5 =	vld [tilespmem:s4+$0x7850]  }
0x133: {  	v14 =	vld [tilespmem:s4+$0x7860]  }
0x134: {  	v16 =	vld [tilespmem:s4+$0x9400]  }
0x135: {  	v17 =	vld [tilespmem:s4+$0x9410]  }
0x136: {  	v9 =	vld [tilespmem:s4+$0x1C8F0]  }
0x137: {  	v18 =	vld [tilespmem:s4+$0x9420]  }
0x138: {  	v19 =	vld [tilespmem:s4+$0x9430]  }
0x139: {  	v20 =	vld [tilespmem:s4+$0x9440]  }
0x13a: {  	v21 =	vld [tilespmem:s4+$0x9450]  }
0x13b: {  	v22 =	vld [tilespmem:s4+$0x9460];
	v0 =	vadd.f32 v0, v15  }
0x13c: {  	v23 =	vld [tilespmem:s4+$0x7880];
	v1 =	vadd.f32 v1, v13  }
0x13d: {  	v24 =	vld [tilespmem:s4+$0x7890];
	v2 =	vadd.f32 v2, v12;
	[tilespmem:s4+$0x7800] =	vst v0  }
0x13e: {  	v25 =	vld [tilespmem:s4+$0x78A0];
	v16 =	vadd.f32 v16, v15;
	[tilespmem:s4+$0x7810] =	vst v1  }
0x13f: {  	v26 =	vld [tilespmem:s4+$0x78B0];
	v17 =	vadd.f32 v17, v13;
	[tilespmem:s4+$0x7820] =	vst v2  }
0x140: {  	v27 =	vld [tilespmem:s4+$0x78C0];
	v18 =	vadd.f32 v18, v12;
	[tilespmem:s4+$0x9400] =	vst v16  }
0x141: {  	v28 =	vld [tilespmem:s4+$0x78D0];
	v19 =	vadd.f32 v19, v11;
	[tilespmem:s4+$0x9410] =	vst v17  }
0x142: {  	v57 =	vld [tilespmem:s4+$0x78E0];
	v20 =	vadd.f32 v20, v10;
	[tilespmem:s4+$0x9420] =	vst v18  }
0x143: {  	v59 =	vld [tilespmem:s4+$0x78F0];
	v21 =	vadd.f32 v21, v8;
	[tilespmem:s4+$0x9430] =	vst v19  }
0x144: {  	v58 =	vld [tilespmem:s4+$0x9470];
	v22 =	vadd.f32 v22, v7;
	[tilespmem:s4+$0x9440] =	vst v20  }
0x145: {  	v40 =	vld [tilespmem:s4+$0xB060];
	v1 =	vadd.f32 v3, v11;
	[tilespmem:s4+$0x9450] =	vst v21  }
0x146: {  	v56 =	vld [tilespmem:s4+$0xCC60];
	v2 =	vadd.f32 v4, v10;
	[tilespmem:s4+$0x9460] =	vst v22  }
0x147: {  	v0 =	vld [tilespmem:s4+$0x7870];
	v3 =	vadd.f32 v5, v8;
	[tilespmem:s4+$0x7830] =	vst v1  }
0x148: {  	v5 =	vld [tilespmem:s4+$0x1C890];
	v17 =	vadd.f32 v59, v9;
	[tilespmem:s4+$0x7840] =	vst v2  }
0x149: {  	v4 =	vld [tilespmem:s4+$0x1C8A0];
	v2 =	vadd.f32 v14, v7;
	[tilespmem:s4+$0x7850] =	vst v3  }
0x14a: {  	v63 =	vld [tilespmem:s4+$0x9490];
	[tilespmem:s4+$0x78F0] =	vst v17;
	v17 =	vadd.f32 v40, v7  }
0x14b: {  	v33 =	vld [tilespmem:s4+$0x94A0];
	v7 =	vadd.f32 v56, v7;
	[tilespmem:s4+$0x7860] =	vst v2  }
0x14c: {  	v47 =	vld [tilespmem:s4+$0xB090];
	[tilespmem:s4+$0xB060] =	vst v17;
	v0 =	vadd.f32 v0, v6  }
0x14d: {  	v1 =	vld [tilespmem:s4+$0xCCF0];
	[tilespmem:s4+$0xCC60] =	vst v7;
	v24 =	vadd.f32 v24, v5  }
0x14e: {  	v14 =	vld [tilespmem:s4+$0x1C880];
	v25 =	vadd.f32 v25, v4;
	[tilespmem:s4+$0x7870] =	vst v0  }
0x14f: {  	v3 =	vld [tilespmem:s4+$0x1C8B0];
	v19 =	vadd.f32 v63, v5;
	[tilespmem:s4+$0x7890] =	vst v24  }
0x150: {  	v60 =	vld [tilespmem:s4+$0xB000];
	v20 =	vadd.f32 v33, v4;
	[tilespmem:s4+$0x78A0] =	vst v25  }
0x151: {  	v61 =	vld [tilespmem:s4+$0x9480];
	v59 =	vadd.f32 v47, v5;
	[tilespmem:s4+$0x9490] =	vst v19  }
0x152: {  	v62 =	vld [tilespmem:s4+$0xB010];
	v1 =	vadd.f32 v1, v9;
	[tilespmem:s4+$0x94A0] =	vst v20  }
0x153: {  	v35 =	vld [tilespmem:s4+$0x94B0];
	v23 =	vadd.f32 v23, v14;
	[tilespmem:s4+$0xB090] =	vst v59  }
0x154: {  	v44 =	vld [tilespmem:s4+$0xCC00];
	v26 =	vadd.f32 v26, v3;
	[tilespmem:s4+$0xCCF0] =	vst v1  }
0x155: {  	v46 =	vld [tilespmem:s4+$0xCC10];
	v24 =	vadd.f32 v60, v15;
	[tilespmem:s4+$0x7880] =	vst v23  }
0x156: {  	v49 =	vld [tilespmem:s4+$0xB0A0];
	v18 =	vadd.f32 v61, v14;
	[tilespmem:s4+$0x78B0] =	vst v26  }
0x157: {  	v52 =	vld [tilespmem:s4+$0xCC40];
	v25 =	vadd.f32 v62, v13;
	[tilespmem:s4+$0xB000] =	vst v24  }
0x158: {  	v2 =	vld [tilespmem:s4+$0x1C8C0];
	v21 =	vadd.f32 v35, v3;
	[tilespmem:s4+$0x9480] =	vst v18  }
0x159: {  	v32 =	vld [tilespmem:s4+$0xB020];
	v15 =	vadd.f32 v44, v15;
	[tilespmem:s4+$0xB010] =	vst v25  }
0x15a: {  	v34 =	vld [tilespmem:s4+$0xB030];
	v13 =	vadd.f32 v46, v13;
	[tilespmem:s4+$0x94B0] =	vst v21  }
0x15b: {  	v37 =	vld [tilespmem:s4+$0x94C0];
	v60 =	vadd.f32 v49, v4;
	[tilespmem:s4+$0xCC00] =	vst v15  }
0x15c: {  	v42 =	vld [tilespmem:s4+$0xB070];
	v62 =	vadd.f32 v52, v10;
	[tilespmem:s4+$0xCC10] =	vst v13  }
0x15d: {  	v43 =	vld [tilespmem:s4+$0x94F0];
	v27 =	vadd.f32 v27, v2;
	[tilespmem:s4+$0xB0A0] =	vst v60  }
0x15e: {  	v48 =	vld [tilespmem:s4+$0xCC20];
	v23 =	vadd.f32 v58, v6;
	[tilespmem:s4+$0xCC40] =	vst v62  }
0x15f: {  	v36 =	vld [tilespmem:s4+$0xB040];
	v26 =	vadd.f32 v32, v12;
	[tilespmem:s4+$0x78C0] =	vst v27  }
0x160: {  	v50 =	vld [tilespmem:s4+$0xCC30];
	v22 =	vadd.f32 v37, v2;
	[tilespmem:s4+$0x9470] =	vst v23  }
0x161: {  	v51 =	vld [tilespmem:s4+$0xB0B0];
	v18 =	vadd.f32 v42, v6;
	[tilespmem:s4+$0xB020] =	vst v26  }
0x162: {  	v0 =	vld [tilespmem:s4+$0x1C8E0];
	v25 =	vadd.f32 v43, v9;
	[tilespmem:s4+$0x94C0] =	vst v22  }
0x163: {  	v41 =	vld [tilespmem:s4+$0x94E0];
	v12 =	vadd.f32 v48, v12;
	[tilespmem:s4+$0xB070] =	vst v18  }
0x164: {  	v45 =	vld [tilespmem:s4+$0xB080];
	v27 =	vadd.f32 v34, v11;
	[tilespmem:s4+$0x94F0] =	vst v25  }
0x165: {  	v53 =	vld [tilespmem:s4+$0xB0C0];
	v11 =	vadd.f32 v50, v11;
	[tilespmem:s4+$0xCC20] =	vst v12  }
0x166: {  	v54 =	vld [tilespmem:s4+$0xCC50];
	v12 =	vadd.f32 v51, v3;
	[tilespmem:s4+$0xB030] =	vst v27  }
0x167: {  	v1 =	vld [tilespmem:s4+$0x1C8D0];
	v16 =	vadd.f32 v57, v0;
	[tilespmem:s4+$0xCC30] =	vst v11  }
0x168: {  	v38 =	vld [tilespmem:s4+$0xB050];
	v24 =	vadd.f32 v41, v0;
	[tilespmem:s4+$0xB0B0] =	vst v12  }
0x169: {  	v39 =	vld [tilespmem:s4+$0x94D0];
	v57 =	vadd.f32 v45, v14;
	[tilespmem:s4+$0x78E0] =	vst v16  }
0x16a: {  	v55 =	vld [tilespmem:s4+$0xB0D0];
	v11 =	vadd.f32 v53, v2;
	[tilespmem:s4+$0x94E0] =	vst v24  }
0x16b: {  	v15 =	vld [tilespmem:s4+$0xB0E0];
	v12 =	vadd.f32 v54, v8;
	[tilespmem:s4+$0xB080] =	vst v57  }
0x16c: {  	v58 =	vld [tilespmem:s4+$0xCC70];
	v28 =	vadd.f32 v28, v1;
	[tilespmem:s4+$0xB0C0] =	vst v11  }
0x16d: {  	v16 =	vadd.f32 v38, v8;
	[tilespmem:s4+$0xCC50] =	vst v12  }
0x16e: {  	v13 =	vld [tilespmem:s4+$0xB0F0];
	v23 =	vadd.f32 v39, v1;
	[tilespmem:s4+$0x78D0] =	vst v28  }
0x16f: {  	v61 =	vld [tilespmem:s4+$0xCC80];
	v63 =	vadd.f32 v55, v1;
	[tilespmem:s4+$0xB050] =	vst v16  }
0x170: {  	v15 =	vadd.f32 v15, v0;
	v28 =	vadd.f32 v36, v10;
	[tilespmem:s4+$0x94D0] =	vst v23;
	v10 =	vld [tilespmem:s4+$0xCC90]  }
0x171: {  	v8 =	vld [tilespmem:s4+$0xCCA0];
	v6 =	vadd.f32 v58, v6;
	[tilespmem:s4+$0xB0D0] =	vst v63  }
0x172: {  	v11 =	vld [tilespmem:s4+$0xCCB0];
	[tilespmem:s4+$0xB0E0] =	vst v15  }
0x173: {  	v12 =	vld [tilespmem:s4+$0xCCC0];
	[tilespmem:s4+$0xCC70] =	vst v6;
	v6 =	vadd.f32 v13, v9  }
0x174: {  	s0 =	simm.s32 $0x0;
	s13 =	simm.s32 $0x400;
	v7 =	vld [tilespmem:s4+$0xCCD0];
	v9 =	vadd.f32 v61, v14;
	[tilespmem:s4+$0xB040] =	vst v28  }
.LBB2_5:
0x175: {  	s11 =	sshra.s32 s13, $0x2;
	[tilespmem:s4+$0xB0F0] =	vst v6;
	v5 =	vadd.f32 v10, v5;
	v10 =	vld [tilespmem:s4+$0xCCE0]  }
0x176: {  	s0 =	sadd.s32 $0x2, s0;
	v6 =	vld [tilespmem:s11+$0x1C8F0];
	[tilespmem:s4+$0xCC80] =	vst v9;
	v4 =	vadd.f32 v8, v4  }
0x177: {  	p0 =	slt.u32 s0, $0x30;
	v8 =	vld [tilespmem:s11+$0xCCF0];
	[tilespmem:s4+$0xCC90] =	vst v5;
	v5 =	vadd.f32 v11, v3  }
0x178: {  	v3 =	vld [tilespmem:s11+$0x1C800];
	[tilespmem:s4+$0xCCA0] =	vst v4;
	v2 =	vadd.f32 v12, v2  }
0x179: {  	v4 =	vld [tilespmem:s11+$0x1C810];
	[tilespmem:s4+$0xCCB0] =	vst v5;
	v1 =	vadd.f32 v7, v1  }
0x17a: {  	v5 =	vld [tilespmem:s11+$0x1C820];
	[tilespmem:s4+$0xCCC0] =	vst v2;
	v0 =	vadd.f32 v10, v0  }
0x17b: {  	v7 =	vld [tilespmem:s11+$0x1C830];
	[tilespmem:s4+$0xCCD0] =	vst v1  }
0x17c: {  	v2 =	vld [tilespmem:s11+$0x1C840];
	v9 =	vadd.f32 v8, v6;
	[tilespmem:s4+$0xCCE0] =	vst v0;
	s4 =	smov.u32 s11  }
0x17d: {  	v8 =	vld [tilespmem:s4+$0x1C850]  }
0x17e: {  	v1 =	vld [tilespmem:s4+$0x1C860];
	[tilespmem:s4+$0xCCF0] =	vst v9  }
0x17f: {  	v0 =	vld [tilespmem:s4+$0x1C870]  }
0x180: {  	v9 =	vld [tilespmem:s4+$0x7800]  }
0x181: {  	v10 =	vld [tilespmem:s4+$0x7810]  }
0x182: {  	v11 =	vld [tilespmem:s4+$0x7820]  }
0x183: {  	v12 =	vld [tilespmem:s4+$0x7830]  }
0x184: {  	v13 =	vld [tilespmem:s4+$0x7840]  }
0x185: {  	v9 =	vadd.f32 v9, v3;
	v14 =	vld [tilespmem:s4+$0x7850]  }
0x186: {  	v10 =	vadd.f32 v10, v4;
	v15 =	vld [tilespmem:s4+$0x7860]  }
0x187: {  	[tilespmem:s4+$0x7800] =	vst v9;
	v9 =	vadd.f32 v11, v5;
	v11 =	vld [tilespmem:s4+$0x7870]  }
0x188: {  	[tilespmem:s4+$0x7810] =	vst v10;
	v10 =	vadd.f32 v12, v7;
	v12 =	vld [tilespmem:s4+$0x9400]  }
0x189: {  	[tilespmem:s4+$0x7820] =	vst v9;
	v9 =	vadd.f32 v13, v2;
	v13 =	vld [tilespmem:s4+$0x9410]  }
0x18a: {  	[tilespmem:s4+$0x7830] =	vst v10;
	v10 =	vadd.f32 v14, v8;
	v14 =	vld [tilespmem:s4+$0x9420]  }
0x18b: {  	[tilespmem:s4+$0x7840] =	vst v9;
	v9 =	vadd.f32 v15, v1;
	v15 =	vld [tilespmem:s4+$0x9430]  }
0x18c: {  	[tilespmem:s4+$0x7850] =	vst v10;
	v10 =	vadd.f32 v11, v0;
	v11 =	vld [tilespmem:s4+$0x9440]  }
0x18d: {  	[tilespmem:s4+$0x7860] =	vst v9;
	v9 =	vadd.f32 v12, v3;
	v12 =	vld [tilespmem:s4+$0x9450]  }
0x18e: {  	[tilespmem:s4+$0x7870] =	vst v10;
	v10 =	vadd.f32 v13, v4;
	v13 =	vld [tilespmem:s4+$0x9460]  }
0x18f: {  	[tilespmem:s4+$0x9400] =	vst v9;
	v9 =	vadd.f32 v14, v5;
	v14 =	vld [tilespmem:s4+$0x9470]  }
0x190: {  	[tilespmem:s4+$0x9410] =	vst v10;
	v10 =	vadd.f32 v15, v7;
	v15 =	vld [tilespmem:s4+$0xB000]  }
0x191: {  	[tilespmem:s4+$0x9420] =	vst v9;
	v9 =	vadd.f32 v11, v2;
	v11 =	vld [tilespmem:s4+$0xB010]  }
0x192: {  	[tilespmem:s4+$0x9430] =	vst v10;
	v10 =	vadd.f32 v12, v8;
	v12 =	vld [tilespmem:s4+$0xB020]  }
0x193: {  	[tilespmem:s4+$0x9440] =	vst v9;
	v9 =	vadd.f32 v13, v1;
	v13 =	vld [tilespmem:s4+$0xB030]  }
0x194: {  	[tilespmem:s4+$0x9450] =	vst v10;
	v10 =	vadd.f32 v14, v0;
	v14 =	vld [tilespmem:s4+$0xB040]  }
0x195: {  	[tilespmem:s4+$0x9460] =	vst v9;
	v9 =	vadd.f32 v15, v3;
	v15 =	vld [tilespmem:s4+$0xB050]  }
0x196: {  	[tilespmem:s4+$0x9470] =	vst v10;
	v10 =	vadd.f32 v11, v4;
	v11 =	vld [tilespmem:s4+$0xB060]  }
0x197: {  	[tilespmem:s4+$0xB000] =	vst v9;
	v9 =	vadd.f32 v12, v5;
	v12 =	vld [tilespmem:s4+$0xB070]  }
0x198: {  	[tilespmem:s4+$0xB010] =	vst v10;
	v10 =	vadd.f32 v13, v7;
	v13 =	vld [tilespmem:s4+$0xCC00]  }
0x199: {  	[tilespmem:s4+$0xB020] =	vst v9;
	v9 =	vadd.f32 v14, v2;
	v14 =	vld [tilespmem:s4+$0xCC10]  }
0x19a: {  	[tilespmem:s4+$0xB030] =	vst v10;
	v10 =	vadd.f32 v15, v8;
	v15 =	vld [tilespmem:s4+$0xCC20]  }
0x19b: {  	[tilespmem:s4+$0xB040] =	vst v9;
	v9 =	vadd.f32 v11, v1;
	v11 =	vld [tilespmem:s4+$0xCC30]  }
0x19c: {  	[tilespmem:s4+$0xB050] =	vst v10;
	v10 =	vadd.f32 v12, v0;
	v12 =	vld [tilespmem:s4+$0xCC40]  }
0x19d: {  	[tilespmem:s4+$0xB060] =	vst v9;
	v3 =	vadd.f32 v13, v3;
	v9 =	vld [tilespmem:s4+$0xCC50]  }
0x19e: {  	[tilespmem:s4+$0xB070] =	vst v10;
	v4 =	vadd.f32 v14, v4;
	v10 =	vld [tilespmem:s4+$0xCC60]  }
0x19f: {  	[tilespmem:s4+$0xCC00] =	vst v3;
	v3 =	vadd.f32 v15, v5;
	v13 =	vld [tilespmem:s4+$0xCC70]  }
0x1a0: {  	[tilespmem:s4+$0xCC10] =	vst v4;
	v4 =	vadd.f32 v11, v7;
	v7 =	vld [tilespmem:s4+$0x1C880]  }
0x1a1: {  	[tilespmem:s4+$0xCC20] =	vst v3;
	v2 =	vadd.f32 v12, v2;
	v5 =	vld [tilespmem:s4+$0x1C890]  }
0x1a2: {  	[tilespmem:s4+$0xCC30] =	vst v4;
	v8 =	vadd.f32 v9, v8;
	v4 =	vld [tilespmem:s4+$0x1C8A0]  }
0x1a3: {  	[tilespmem:s4+$0xCC40] =	vst v2;
	v1 =	vadd.f32 v10, v1;
	v3 =	vld [tilespmem:s4+$0x1C8B0]  }
0x1a4: {  	[tilespmem:s4+$0xCC50] =	vst v8;
	v0 =	vadd.f32 v13, v0;
	v2 =	vld [tilespmem:s4+$0x1C8C0]  }
0x1a5: {  	[tilespmem:s4+$0xCC60] =	vst v1;
	v1 =	vld [tilespmem:s4+$0x1C8D0]  }
0x1a6: {  	[tilespmem:s4+$0xCC70] =	vst v0;
	v0 =	vld [tilespmem:s4+$0x1C8E0]  }
0x1a7: {  	v8 =	vld [tilespmem:s4+$0x7880]  }
0x1a8: {  	v9 =	vld [tilespmem:s4+$0x7890]  }
0x1a9: {  	v10 =	vld [tilespmem:s4+$0x78A0]  }
0x1aa: {  	v11 =	vld [tilespmem:s4+$0x78B0]  }
0x1ab: {  	v12 =	vld [tilespmem:s4+$0x78C0]  }
0x1ac: {  	v8 =	vadd.f32 v8, v7;
	v13 =	vld [tilespmem:s4+$0x78D0]  }
0x1ad: {  	v9 =	vadd.f32 v9, v5;
	v14 =	vld [tilespmem:s4+$0x78E0]  }
0x1ae: {  	[tilespmem:s4+$0x7880] =	vst v8;
	v8 =	vadd.f32 v10, v4;
	v10 =	vld [tilespmem:s4+$0x78F0]  }
0x1af: {  	[tilespmem:s4+$0x7890] =	vst v9;
	v9 =	vadd.f32 v11, v3;
	v11 =	vld [tilespmem:s4+$0x9480]  }
0x1b0: {  	[tilespmem:s4+$0x78A0] =	vst v8;
	v8 =	vadd.f32 v12, v2;
	v12 =	vld [tilespmem:s4+$0x9490]  }
0x1b1: {  	[tilespmem:s4+$0x78B0] =	vst v9;
	v9 =	vadd.f32 v13, v1;
	v13 =	vld [tilespmem:s4+$0x94A0]  }
0x1b2: {  	[tilespmem:s4+$0x78C0] =	vst v8;
	v8 =	vadd.f32 v14, v0;
	v14 =	vld [tilespmem:s4+$0x94B0]  }
0x1b3: {  	[tilespmem:s4+$0x78D0] =	vst v9;
	v9 =	vadd.f32 v10, v6;
	v10 =	vld [tilespmem:s4+$0x94C0]  }
0x1b4: {  	[tilespmem:s4+$0x78E0] =	vst v8;
	v8 =	vadd.f32 v11, v7;
	v11 =	vld [tilespmem:s4+$0x94D0]  }
0x1b5: {  	[tilespmem:s4+$0x78F0] =	vst v9;
	v9 =	vadd.f32 v12, v5;
	v12 =	vld [tilespmem:s4+$0x94E0]  }
0x1b6: {  	[tilespmem:s4+$0x9480] =	vst v8;
	v8 =	vadd.f32 v13, v4;
	v13 =	vld [tilespmem:s4+$0x94F0]  }
0x1b7: {  	[tilespmem:s4+$0x9490] =	vst v9;
	v9 =	vadd.f32 v14, v3;
	v14 =	vld [tilespmem:s4+$0xB080]  }
0x1b8: {  	[tilespmem:s4+$0x94A0] =	vst v8;
	v8 =	vadd.f32 v10, v2;
	v10 =	vld [tilespmem:s4+$0xB090]  }
0x1b9: {  	[tilespmem:s4+$0x94B0] =	vst v9;
	v9 =	vadd.f32 v11, v1;
	v11 =	vld [tilespmem:s4+$0xB0A0]  }
0x1ba: {  	[tilespmem:s4+$0x94C0] =	vst v8;
	v8 =	vadd.f32 v12, v0;
	v12 =	vld [tilespmem:s4+$0xB0B0]  }
0x1bb: {  	[tilespmem:s4+$0x94D0] =	vst v9;
	v9 =	vadd.f32 v13, v6;
	v13 =	vld [tilespmem:s4+$0xB0C0]  }
0x1bc: {  	[tilespmem:s4+$0x94E0] =	vst v8;
	v8 =	vadd.f32 v14, v7;
	v14 =	vld [tilespmem:s4+$0xB0D0]  }
0x1bd: {  	[tilespmem:s4+$0x94F0] =	vst v9;
	v9 =	vadd.f32 v10, v5;
	v15 =	vld [tilespmem:s4+$0xB0E0]  }
0x1be: {  	[tilespmem:s4+$0xB080] =	vst v8;
	v8 =	vadd.f32 v11, v4;
	v16 =	vld [tilespmem:s4+$0xB0F0]  }
0x1bf: {  	[tilespmem:s4+$0xB090] =	vst v9;
	v9 =	vadd.f32 v12, v3;
	v17 =	vld [tilespmem:s4+$0xCC80]  }
.Ltmp3:
0x1c0: {  	[tilespmem:s4+$0xB0A0] =	vst v8;
	v11 =	vadd.f32 v13, v2;
	v10 =	vld [tilespmem:s4+$0xCC90];
	(pc) =	sbr.rel @p0 .LBB2_5-.Ltmp3, $4  }
0x1c1: {  	[tilespmem:s4+$0xB0B0] =	vst v9;
	v9 =	vadd.f32 v14, v1;
	v8 =	vld [tilespmem:s4+$0xCCA0]  }
0x1c2: {  	[tilespmem:s4+$0xB0C0] =	vst v11;
	v13 =	vadd.f32 v15, v0;
	v11 =	vld [tilespmem:s4+$0xCCB0]  }
0x1c3: {  	[tilespmem:s4+$0xB0D0] =	vst v9;
	v6 =	vadd.f32 v16, v6;
	v12 =	vld [tilespmem:s4+$0xCCC0]  }
0x1c4: {  	s13 =	sadd.s32 $0x400, s13;
	[tilespmem:s4+$0xB0E0] =	vst v13;
	v9 =	vadd.f32 v17, v7;
	v7 =	vld [tilespmem:s4+$0xCCD0]  }
0x1c5: {  	[tilespmem:s4+$0xB0F0] =	vst v6;
	v5 =	vadd.f32 v10, v5;
	v6 =	vld [tilespmem:s4+$0xCCE0]  }
0x1c6: {  	[tilespmem:s4+$0xCC80] =	vst v9;
	v4 =	vadd.f32 v8, v4  }
0x1c7: {  	[tilespmem:s4+$0xCC90] =	vst v5;
	v3 =	vadd.f32 v11, v3  }
0x1c8: {  	s0 =	sadd.s32 s28, s8;
	[tilespmem:s4+$0xCCA0] =	vst v4;
	v2 =	vadd.f32 v12, v2  }
0x1c9: {  	s0 =	smul.u32 $0xE00, s0;
	[tilespmem:s4+$0xCCB0] =	vst v3;
	v1 =	vadd.f32 v7, v1  }
0x1ca: {  	[tilespmem:s4+$0xCCC0] =	vst v2;
	v0 =	vadd.f32 v6, v0  }
0x1cb: {  	s0 =	sadd.s32 s6, s0;
	[tilespmem:s4+$0xCCD0] =	vst v1  }
0x1cc: {  	s11 =	simm.s32 $0x7800;
	p0 =	seq.s32 s25, $0x7;
	s13 =	sadd.s32 $0xE00, s0;
	[tilespmem:s4+$0xCCE0] =	vst v0  }
0x1cd: {  	[hbm4b:s13+s5] =	stream.linear.scatter [tilespmem:s11], [sflag:$0x6], $0x1900, $0x38;
	[tilespmem:$0x1E400] =	vst v63  }
0x1ce: {  	s12 =	sadd.s32 $0x1180, s0;
	s4 =	simm.s32 @!p0 $0x5;
	s13 =	simm.s32 $0x9400  }
0x1cf: {  	[hbm4b:s12+s5] =	stream.linear.scatter [tilespmem:s13], [sflag:$0x6], $0x1900, $0x38;
	[tilespmem:$0x1E400] =	vst v63  }
0x1d0: {  	s11 =	rddreg [dreg:$0x8];
	s12 =	sadd.s32 $0x1500, s0;
	s13 =	simm.s32 $0xB000  }
0x1d1: {  	[hbm4b:s12+s5] =	stream.linear.scatter [tilespmem:s13], [sflag:$0x6], $0x1900, $0x38;
	[tilespmem:$0x1E400] =	vst v63  }
0x1d2: {  	s11 =	sadd.s32 @!p0 s28, s11;
	s12 =	sadd.s32 $0x1880, s0;
	s13 =	simm.s32 $0xCC00  }
0x1d3: {  	[hbm4b:s12+s5] =	stream.linear.scatter [tilespmem:s13], [sflag:$0x6], $0x1900, $0x38;
	[tilespmem:$0x1E400] =	vst v63  }
0x1d4: {  	s11 =	sshll.u32 @!p0 s11, $0x6;
	_ =	swait.ge @!p0 [sflag:s4], $0x6400  }
0x1d5: {  	s11 =	sand.u32 @!p0 $0x1FFFFF00, s11;
	[sflag:s4] =	ssyncset.done @!p0 $0x0  }
0x1d6: {  	[sflag:s4] =	ssyncadd.s32 @!p0 $0xFFFF9C00;
	s4 =	sadd.s32 @!p0 s1, s11;
	s11 =	simm.s32 @!p0 $0x0  }
0x1d7: {  	[tilespmem:s11], [sflag:$0x9] =	stream.linear.gather @!p0 [hbm4b:s4+s11], $0x200, $0x38;
	[tilespmem:$0x1E400] =	vst v63  }
0x1d8: {  	s4 =	simm.s32 @!p0 $0x9  }
0x1d9: {  	_ =	swait.ge @!p0 [sflag:s4], $0x200  }
0x1da: {  	[sflag:s4] =	ssyncset.done @!p0 $0x0  }
0x1db: {  	s13 =	simm.s32 @!p0 $0x800;
	[sflag:s4] =	ssyncadd.s32 @!p0 $0xFFFFFE00;
	s4 =	simm.s32 @!p0 $0x32  }
0x1dc: {  	[tilespmem:s13], [sflag:$0x1] =	stream.indirect.gather @!p0 [hbm4b:s2+s4], $0x80, s11, s4, $0xb8;
	[tilespmem:$0x1E400] =	vst v63  }
0x1dd: {  	s11 =	simm.s32 @!p0 $0x80;
	s13 =	simm.s32 @!p0 $0x2400  }
0x1de: {  	[tilespmem:s13], [sflag:$0x1] =	stream.indirect.gather @!p0 [hbm4b:s2+s4], $0x80, s11, s4, $0xb8;
	[tilespmem:$0x1E400] =	vst v63  }
0x1df: {  	s11 =	simm.s32 @!p0 $0x100;
	s13 =	simm.s32 @!p0 $0x4000  }
0x1e0: {  	[tilespmem:s13], [sflag:$0x1] =	stream.indirect.gather @!p0 [hbm4b:s2+s4], $0x80, s11, s4, $0xb8;
	[tilespmem:$0x1E400] =	vst v63  }
0x1e1: {  	s11 =	simm.s32 @!p0 $0x180;
	s13 =	simm.s32 @!p0 $0x5C00  }
0x1e2: {  	[tilespmem:s13], [sflag:$0x1] =	stream.indirect.gather @!p0 [hbm4b:s2+s4], $0x80, s11, s4, $0xb8;
	[tilespmem:$0x1E400] =	vst v63  }
0x1e3: {  	_ =	swait.ge [sflag:s19], $0x1900  }
0x1e4: {  	[sflag:s19] =	ssyncset.done $0x0  }
0x1e5: {  	[sflag:s19] =	ssyncadd.s32 $0xFFFFE700  }
0x1e6: {  	_ =	swait.ge [sflag:s19], $0x1900  }
0x1e7: {  	[sflag:s19] =	ssyncset.done $0x0  }
0x1e8: {  	[sflag:s19] =	ssyncadd.s32 $0xFFFFE700  }
0x1e9: {  	_ =	swait.ge [sflag:s19], $0x1900  }
0x1ea: {  	[sflag:s19] =	ssyncset.done $0x0  }
0x1eb: {  	[sflag:s19] =	ssyncadd.s32 $0xFFFFE700  }
0x1ec: {  	_ =	swait.ge [sflag:s19], $0x1900  }
0x1ed: {  	[sflag:s19] =	ssyncset.done $0x0  }
0x1ee: {  	s4 =	simm.s32 $0x0;
	[sflag:s19] =	ssyncadd.s32 $0xFFFFE700  }
0x1ef: {  	v15 =	vld [tilespmem:s4+$0x1C800]  }
0x1f0: {  	v13 =	vld [tilespmem:s4+$0x1C810]  }
0x1f1: {  	v12 =	vld [tilespmem:s4+$0x1C820]  }
0x1f2: {  	v11 =	vld [tilespmem:s4+$0x1C830]  }
0x1f3: {  	v10 =	vld [tilespmem:s4+$0x1C840]  }
0x1f4: {  	v8 =	vld [tilespmem:s4+$0x1C850]  }
0x1f5: {  	v7 =	vld [tilespmem:s4+$0x1C860]  }
0x1f6: {  	v6 =	vld [tilespmem:s4+$0x1C870]  }
0x1f7: {  	v0 =	vld [tilespmem:s4+$0xE800]  }
0x1f8: {  	v1 =	vld [tilespmem:s4+$0xE810]  }
0x1f9: {  	v2 =	vld [tilespmem:s4+$0xE820]  }
0x1fa: {  	v3 =	vld [tilespmem:s4+$0xE830]  }
0x1fb: {  	v4 =	vld [tilespmem:s4+$0xE840]  }
0x1fc: {  	v5 =	vld [tilespmem:s4+$0xE850]  }
0x1fd: {  	v14 =	vld [tilespmem:s4+$0xE860]  }
0x1fe: {  	v16 =	vld [tilespmem:s4+$0x10400]  }
0x1ff: {  	v17 =	vld [tilespmem:s4+$0x10410]  }
0x200: {  	v9 =	vld [tilespmem:s4+$0x1C8F0]  }
0x201: {  	v18 =	vld [tilespmem:s4+$0x10420]  }
0x202: {  	v19 =	vld [tilespmem:s4+$0x10430]  }
0x203: {  	v20 =	vld [tilespmem:s4+$0x10440]  }
0x204: {  	v21 =	vld [tilespmem:s4+$0x10450]  }
0x205: {  	v22 =	vld [tilespmem:s4+$0x10460];
	v0 =	vadd.f32 v0, v15  }
0x206: {  	v23 =	vld [tilespmem:s4+$0xE880];
	v1 =	vadd.f32 v1, v13  }
0x207: {  	v24 =	vld [tilespmem:s4+$0xE890];
	v2 =	vadd.f32 v2, v12;
	[tilespmem:s4+$0xE800] =	vst v0  }
0x208: {  	v25 =	vld [tilespmem:s4+$0xE8A0];
	v16 =	vadd.f32 v16, v15;
	[tilespmem:s4+$0xE810] =	vst v1  }
0x209: {  	v26 =	vld [tilespmem:s4+$0xE8B0];
	v17 =	vadd.f32 v17, v13;
	[tilespmem:s4+$0xE820] =	vst v2  }
0x20a: {  	v27 =	vld [tilespmem:s4+$0xE8C0];
	v18 =	vadd.f32 v18, v12;
	[tilespmem:s4+$0x10400] =	vst v16  }
0x20b: {  	v28 =	vld [tilespmem:s4+$0xE8D0];
	v19 =	vadd.f32 v19, v11;
	[tilespmem:s4+$0x10410] =	vst v17  }
0x20c: {  	v57 =	vld [tilespmem:s4+$0xE8E0];
	v20 =	vadd.f32 v20, v10;
	[tilespmem:s4+$0x10420] =	vst v18  }
0x20d: {  	v59 =	vld [tilespmem:s4+$0xE8F0];
	v21 =	vadd.f32 v21, v8;
	[tilespmem:s4+$0x10430] =	vst v19  }
0x20e: {  	v58 =	vld [tilespmem:s4+$0x10470];
	v22 =	vadd.f32 v22, v7;
	[tilespmem:s4+$0x10440] =	vst v20  }
0x20f: {  	v40 =	vld [tilespmem:s4+$0x12060];
	v1 =	vadd.f32 v3, v11;
	[tilespmem:s4+$0x10450] =	vst v21  }
0x210: {  	v56 =	vld [tilespmem:s4+$0x13C60];
	v2 =	vadd.f32 v4, v10;
	[tilespmem:s4+$0x10460] =	vst v22  }
0x211: {  	v0 =	vld [tilespmem:s4+$0xE870];
	v3 =	vadd.f32 v5, v8;
	[tilespmem:s4+$0xE830] =	vst v1  }
0x212: {  	v5 =	vld [tilespmem:s4+$0x1C890];
	v17 =	vadd.f32 v59, v9;
	[tilespmem:s4+$0xE840] =	vst v2  }
0x213: {  	v4 =	vld [tilespmem:s4+$0x1C8A0];
	v2 =	vadd.f32 v14, v7;
	[tilespmem:s4+$0xE850] =	vst v3  }
0x214: {  	v63 =	vld [tilespmem:s4+$0x10490];
	[tilespmem:s4+$0xE8F0] =	vst v17;
	v17 =	vadd.f32 v40, v7  }
0x215: {  	v33 =	vld [tilespmem:s4+$0x104A0];
	v7 =	vadd.f32 v56, v7;
	[tilespmem:s4+$0xE860] =	vst v2  }
0x216: {  	v47 =	vld [tilespmem:s4+$0x12090];
	[tilespmem:s4+$0x12060] =	vst v17;
	v0 =	vadd.f32 v0, v6  }
0x217: {  	v1 =	vld [tilespmem:s4+$0x13CF0];
	[tilespmem:s4+$0x13C60] =	vst v7;
	v24 =	vadd.f32 v24, v5  }
0x218: {  	v14 =	vld [tilespmem:s4+$0x1C880];
	v25 =	vadd.f32 v25, v4;
	[tilespmem:s4+$0xE870] =	vst v0  }
0x219: {  	v3 =	vld [tilespmem:s4+$0x1C8B0];
	v19 =	vadd.f32 v63, v5;
	[tilespmem:s4+$0xE890] =	vst v24  }
0x21a: {  	v60 =	vld [tilespmem:s4+$0x12000];
	v20 =	vadd.f32 v33, v4;
	[tilespmem:s4+$0xE8A0] =	vst v25  }
0x21b: {  	v61 =	vld [tilespmem:s4+$0x10480];
	v59 =	vadd.f32 v47, v5;
	[tilespmem:s4+$0x10490] =	vst v19  }
0x21c: {  	v62 =	vld [tilespmem:s4+$0x12010];
	v1 =	vadd.f32 v1, v9;
	[tilespmem:s4+$0x104A0] =	vst v20  }
0x21d: {  	v35 =	vld [tilespmem:s4+$0x104B0];
	v23 =	vadd.f32 v23, v14;
	[tilespmem:s4+$0x12090] =	vst v59  }
0x21e: {  	v44 =	vld [tilespmem:s4+$0x13C00];
	v26 =	vadd.f32 v26, v3;
	[tilespmem:s4+$0x13CF0] =	vst v1  }
0x21f: {  	v46 =	vld [tilespmem:s4+$0x13C10];
	v24 =	vadd.f32 v60, v15;
	[tilespmem:s4+$0xE880] =	vst v23  }
0x220: {  	v49 =	vld [tilespmem:s4+$0x120A0];
	v18 =	vadd.f32 v61, v14;
	[tilespmem:s4+$0xE8B0] =	vst v26  }
0x221: {  	v52 =	vld [tilespmem:s4+$0x13C40];
	v25 =	vadd.f32 v62, v13;
	[tilespmem:s4+$0x12000] =	vst v24  }
0x222: {  	v2 =	vld [tilespmem:s4+$0x1C8C0];
	v21 =	vadd.f32 v35, v3;
	[tilespmem:s4+$0x10480] =	vst v18  }
0x223: {  	v32 =	vld [tilespmem:s4+$0x12020];
	v15 =	vadd.f32 v44, v15;
	[tilespmem:s4+$0x12010] =	vst v25  }
0x224: {  	v34 =	vld [tilespmem:s4+$0x12030];
	v13 =	vadd.f32 v46, v13;
	[tilespmem:s4+$0x104B0] =	vst v21  }
0x225: {  	v37 =	vld [tilespmem:s4+$0x104C0];
	v60 =	vadd.f32 v49, v4;
	[tilespmem:s4+$0x13C00] =	vst v15  }
0x226: {  	v42 =	vld [tilespmem:s4+$0x12070];
	v62 =	vadd.f32 v52, v10;
	[tilespmem:s4+$0x13C10] =	vst v13  }
0x227: {  	v43 =	vld [tilespmem:s4+$0x104F0];
	v27 =	vadd.f32 v27, v2;
	[tilespmem:s4+$0x120A0] =	vst v60  }
0x228: {  	v48 =	vld [tilespmem:s4+$0x13C20];
	v23 =	vadd.f32 v58, v6;
	[tilespmem:s4+$0x13C40] =	vst v62  }
0x229: {  	v36 =	vld [tilespmem:s4+$0x12040];
	v26 =	vadd.f32 v32, v12;
	[tilespmem:s4+$0xE8C0] =	vst v27  }
0x22a: {  	v50 =	vld [tilespmem:s4+$0x13C30];
	v22 =	vadd.f32 v37, v2;
	[tilespmem:s4+$0x10470] =	vst v23  }
0x22b: {  	v51 =	vld [tilespmem:s4+$0x120B0];
	v18 =	vadd.f32 v42, v6;
	[tilespmem:s4+$0x12020] =	vst v26  }
0x22c: {  	v0 =	vld [tilespmem:s4+$0x1C8E0];
	v25 =	vadd.f32 v43, v9;
	[tilespmem:s4+$0x104C0] =	vst v22  }
0x22d: {  	v41 =	vld [tilespmem:s4+$0x104E0];
	v12 =	vadd.f32 v48, v12;
	[tilespmem:s4+$0x12070] =	vst v18  }
0x22e: {  	v45 =	vld [tilespmem:s4+$0x12080];
	v27 =	vadd.f32 v34, v11;
	[tilespmem:s4+$0x104F0] =	vst v25  }
0x22f: {  	v53 =	vld [tilespmem:s4+$0x120C0];
	v11 =	vadd.f32 v50, v11;
	[tilespmem:s4+$0x13C20] =	vst v12  }
0x230: {  	v54 =	vld [tilespmem:s4+$0x13C50];
	v12 =	vadd.f32 v51, v3;
	[tilespmem:s4+$0x12030] =	vst v27  }
0x231: {  	v1 =	vld [tilespmem:s4+$0x1C8D0];
	v16 =	vadd.f32 v57, v0;
	[tilespmem:s4+$0x13C30] =	vst v11  }
0x232: {  	v38 =	vld [tilespmem:s4+$0x12050];
	v24 =	vadd.f32 v41, v0;
	[tilespmem:s4+$0x120B0] =	vst v12  }
0x233: {  	v39 =	vld [tilespmem:s4+$0x104D0];
	v57 =	vadd.f32 v45, v14;
	[tilespmem:s4+$0xE8E0] =	vst v16  }
0x234: {  	v55 =	vld [tilespmem:s4+$0x120D0];
	v11 =	vadd.f32 v53, v2;
	[tilespmem:s4+$0x104E0] =	vst v24  }
0x235: {  	v15 =	vld [tilespmem:s4+$0x120E0];
	v12 =	vadd.f32 v54, v8;
	[tilespmem:s4+$0x12080] =	vst v57  }
0x236: {  	v58 =	vld [tilespmem:s4+$0x13C70];
	v28 =	vadd.f32 v28, v1;
	[tilespmem:s4+$0x120C0] =	vst v11  }
0x237: {  	v16 =	vadd.f32 v38, v8;
	[tilespmem:s4+$0x13C50] =	vst v12  }
0x238: {  	v13 =	vld [tilespmem:s4+$0x120F0];
	v23 =	vadd.f32 v39, v1;
	[tilespmem:s4+$0xE8D0] =	vst v28  }
0x239: {  	v61 =	vld [tilespmem:s4+$0x13C80];
	v63 =	vadd.f32 v55, v1;
	[tilespmem:s4+$0x12050] =	vst v16  }
0x23a: {  	v15 =	vadd.f32 v15, v0;
	v28 =	vadd.f32 v36, v10;
	[tilespmem:s4+$0x104D0] =	vst v23;
	v10 =	vld [tilespmem:s4+$0x13C90]  }
0x23b: {  	v8 =	vld [tilespmem:s4+$0x13CA0];
	v6 =	vadd.f32 v58, v6;
	[tilespmem:s4+$0x120D0] =	vst v63  }
0x23c: {  	v11 =	vld [tilespmem:s4+$0x13CB0];
	[tilespmem:s4+$0x120E0] =	vst v15  }
0x23d: {  	v12 =	vld [tilespmem:s4+$0x13CC0];
	[tilespmem:s4+$0x13C70] =	vst v6;
	v6 =	vadd.f32 v13, v9  }
0x23e: {  	s13 =	simm.s32 $0x0;
	s11 =	simm.s32 $0x400;
	v7 =	vld [tilespmem:s4+$0x13CD0];
	v9 =	vadd.f32 v61, v14;
	[tilespmem:s4+$0x12040] =	vst v28  }
.LBB2_7:
0x23f: {  	s12 =	sshra.s32 s11, $0x2;
	[tilespmem:s4+$0x120F0] =	vst v6;
	v5 =	vadd.f32 v10, v5;
	v10 =	vld [tilespmem:s4+$0x13CE0]  }
0x240: {  	s13 =	sadd.s32 $0x2, s13;
	v6 =	vld [tilespmem:s12+$0x1C8F0];
	[tilespmem:s4+$0x13C80] =	vst v9;
	v4 =	vadd.f32 v8, v4  }
0x241: {  	p1 =	slt.u32 s13, $0x30;
	v8 =	vld [tilespmem:s12+$0x13CF0];
	[tilespmem:s4+$0x13C90] =	vst v5;
	v5 =	vadd.f32 v11, v3  }
0x242: {  	v3 =	vld [tilespmem:s12+$0x1C800];
	[tilespmem:s4+$0x13CA0] =	vst v4;
	v2 =	vadd.f32 v12, v2  }
0x243: {  	v4 =	vld [tilespmem:s12+$0x1C810];
	[tilespmem:s4+$0x13CB0] =	vst v5;
	v1 =	vadd.f32 v7, v1  }
0x244: {  	v5 =	vld [tilespmem:s12+$0x1C820];
	[tilespmem:s4+$0x13CC0] =	vst v2;
	v0 =	vadd.f32 v10, v0  }
0x245: {  	v7 =	vld [tilespmem:s12+$0x1C830];
	[tilespmem:s4+$0x13CD0] =	vst v1  }
0x246: {  	v2 =	vld [tilespmem:s12+$0x1C840];
	v9 =	vadd.f32 v8, v6;
	[tilespmem:s4+$0x13CE0] =	vst v0;
	s4 =	smov.u32 s12  }
0x247: {  	v8 =	vld [tilespmem:s4+$0x1C850]  }
0x248: {  	v1 =	vld [tilespmem:s4+$0x1C860];
	[tilespmem:s4+$0x13CF0] =	vst v9  }
0x249: {  	v0 =	vld [tilespmem:s4+$0x1C870]  }
0x24a: {  	v9 =	vld [tilespmem:s4+$0xE800]  }
0x24b: {  	v10 =	vld [tilespmem:s4+$0xE810]  }
0x24c: {  	v11 =	vld [tilespmem:s4+$0xE820]  }
0x24d: {  	v12 =	vld [tilespmem:s4+$0xE830]  }
0x24e: {  	v13 =	vld [tilespmem:s4+$0xE840]  }
0x24f: {  	v9 =	vadd.f32 v9, v3;
	v14 =	vld [tilespmem:s4+$0xE850]  }
0x250: {  	v10 =	vadd.f32 v10, v4;
	v15 =	vld [tilespmem:s4+$0xE860]  }
0x251: {  	[tilespmem:s4+$0xE800] =	vst v9;
	v9 =	vadd.f32 v11, v5;
	v11 =	vld [tilespmem:s4+$0xE870]  }
0x252: {  	[tilespmem:s4+$0xE810] =	vst v10;
	v10 =	vadd.f32 v12, v7;
	v12 =	vld [tilespmem:s4+$0x10400]  }
0x253: {  	[tilespmem:s4+$0xE820] =	vst v9;
	v9 =	vadd.f32 v13, v2;
	v13 =	vld [tilespmem:s4+$0x10410]  }
0x254: {  	[tilespmem:s4+$0xE830] =	vst v10;
	v10 =	vadd.f32 v14, v8;
	v14 =	vld [tilespmem:s4+$0x10420]  }
0x255: {  	[tilespmem:s4+$0xE840] =	vst v9;
	v9 =	vadd.f32 v15, v1;
	v15 =	vld [tilespmem:s4+$0x10430]  }
0x256: {  	[tilespmem:s4+$0xE850] =	vst v10;
	v10 =	vadd.f32 v11, v0;
	v11 =	vld [tilespmem:s4+$0x10440]  }
0x257: {  	[tilespmem:s4+$0xE860] =	vst v9;
	v9 =	vadd.f32 v12, v3;
	v12 =	vld [tilespmem:s4+$0x10450]  }
0x258: {  	[tilespmem:s4+$0xE870] =	vst v10;
	v10 =	vadd.f32 v13, v4;
	v13 =	vld [tilespmem:s4+$0x10460]  }
0x259: {  	[tilespmem:s4+$0x10400] =	vst v9;
	v9 =	vadd.f32 v14, v5;
	v14 =	vld [tilespmem:s4+$0x10470]  }
0x25a: {  	[tilespmem:s4+$0x10410] =	vst v10;
	v10 =	vadd.f32 v15, v7;
	v15 =	vld [tilespmem:s4+$0x12000]  }
0x25b: {  	[tilespmem:s4+$0x10420] =	vst v9;
	v9 =	vadd.f32 v11, v2;
	v11 =	vld [tilespmem:s4+$0x12010]  }
0x25c: {  	[tilespmem:s4+$0x10430] =	vst v10;
	v10 =	vadd.f32 v12, v8;
	v12 =	vld [tilespmem:s4+$0x12020]  }
0x25d: {  	[tilespmem:s4+$0x10440] =	vst v9;
	v9 =	vadd.f32 v13, v1;
	v13 =	vld [tilespmem:s4+$0x12030]  }
0x25e: {  	[tilespmem:s4+$0x10450] =	vst v10;
	v10 =	vadd.f32 v14, v0;
	v14 =	vld [tilespmem:s4+$0x12040]  }
0x25f: {  	[tilespmem:s4+$0x10460] =	vst v9;
	v9 =	vadd.f32 v15, v3;
	v15 =	vld [tilespmem:s4+$0x12050]  }
0x260: {  	[tilespmem:s4+$0x10470] =	vst v10;
	v10 =	vadd.f32 v11, v4;
	v11 =	vld [tilespmem:s4+$0x12060]  }
0x261: {  	[tilespmem:s4+$0x12000] =	vst v9;
	v9 =	vadd.f32 v12, v5;
	v12 =	vld [tilespmem:s4+$0x12070]  }
0x262: {  	[tilespmem:s4+$0x12010] =	vst v10;
	v10 =	vadd.f32 v13, v7;
	v13 =	vld [tilespmem:s4+$0x13C00]  }
0x263: {  	[tilespmem:s4+$0x12020] =	vst v9;
	v9 =	vadd.f32 v14, v2;
	v14 =	vld [tilespmem:s4+$0x13C10]  }
0x264: {  	[tilespmem:s4+$0x12030] =	vst v10;
	v10 =	vadd.f32 v15, v8;
	v15 =	vld [tilespmem:s4+$0x13C20]  }
0x265: {  	[tilespmem:s4+$0x12040] =	vst v9;
	v9 =	vadd.f32 v11, v1;
	v11 =	vld [tilespmem:s4+$0x13C30]  }
0x266: {  	[tilespmem:s4+$0x12050] =	vst v10;
	v10 =	vadd.f32 v12, v0;
	v12 =	vld [tilespmem:s4+$0x13C40]  }
0x267: {  	[tilespmem:s4+$0x12060] =	vst v9;
	v3 =	vadd.f32 v13, v3;
	v9 =	vld [tilespmem:s4+$0x13C50]  }
0x268: {  	[tilespmem:s4+$0x12070] =	vst v10;
	v4 =	vadd.f32 v14, v4;
	v10 =	vld [tilespmem:s4+$0x13C60]  }
0x269: {  	[tilespmem:s4+$0x13C00] =	vst v3;
	v3 =	vadd.f32 v15, v5;
	v13 =	vld [tilespmem:s4+$0x13C70]  }
0x26a: {  	[tilespmem:s4+$0x13C10] =	vst v4;
	v4 =	vadd.f32 v11, v7;
	v7 =	vld [tilespmem:s4+$0x1C880]  }
0x26b: {  	[tilespmem:s4+$0x13C20] =	vst v3;
	v2 =	vadd.f32 v12, v2;
	v5 =	vld [tilespmem:s4+$0x1C890]  }
0x26c: {  	[tilespmem:s4+$0x13C30] =	vst v4;
	v8 =	vadd.f32 v9, v8;
	v4 =	vld [tilespmem:s4+$0x1C8A0]  }
0x26d: {  	[tilespmem:s4+$0x13C40] =	vst v2;
	v1 =	vadd.f32 v10, v1;
	v3 =	vld [tilespmem:s4+$0x1C8B0]  }
0x26e: {  	[tilespmem:s4+$0x13C50] =	vst v8;
	v0 =	vadd.f32 v13, v0;
	v2 =	vld [tilespmem:s4+$0x1C8C0]  }
0x26f: {  	[tilespmem:s4+$0x13C60] =	vst v1;
	v1 =	vld [tilespmem:s4+$0x1C8D0]  }
0x270: {  	[tilespmem:s4+$0x13C70] =	vst v0;
	v0 =	vld [tilespmem:s4+$0x1C8E0]  }
0x271: {  	v8 =	vld [tilespmem:s4+$0xE880]  }
0x272: {  	v9 =	vld [tilespmem:s4+$0xE890]  }
0x273: {  	v10 =	vld [tilespmem:s4+$0xE8A0]  }
0x274: {  	v11 =	vld [tilespmem:s4+$0xE8B0]  }
0x275: {  	v12 =	vld [tilespmem:s4+$0xE8C0]  }
0x276: {  	v8 =	vadd.f32 v8, v7;
	v13 =	vld [tilespmem:s4+$0xE8D0]  }
0x277: {  	v9 =	vadd.f32 v9, v5;
	v14 =	vld [tilespmem:s4+$0xE8E0]  }
0x278: {  	[tilespmem:s4+$0xE880] =	vst v8;
	v8 =	vadd.f32 v10, v4;
	v10 =	vld [tilespmem:s4+$0xE8F0]  }
0x279: {  	[tilespmem:s4+$0xE890] =	vst v9;
	v9 =	vadd.f32 v11, v3;
	v11 =	vld [tilespmem:s4+$0x10480]  }
0x27a: {  	[tilespmem:s4+$0xE8A0] =	vst v8;
	v8 =	vadd.f32 v12, v2;
	v12 =	vld [tilespmem:s4+$0x10490]  }
0x27b: {  	[tilespmem:s4+$0xE8B0] =	vst v9;
	v9 =	vadd.f32 v13, v1;
	v13 =	vld [tilespmem:s4+$0x104A0]  }
0x27c: {  	[tilespmem:s4+$0xE8C0] =	vst v8;
	v8 =	vadd.f32 v14, v0;
	v14 =	vld [tilespmem:s4+$0x104B0]  }
0x27d: {  	[tilespmem:s4+$0xE8D0] =	vst v9;
	v9 =	vadd.f32 v10, v6;
	v10 =	vld [tilespmem:s4+$0x104C0]  }
0x27e: {  	[tilespmem:s4+$0xE8E0] =	vst v8;
	v8 =	vadd.f32 v11, v7;
	v11 =	vld [tilespmem:s4+$0x104D0]  }
0x27f: {  	[tilespmem:s4+$0xE8F0] =	vst v9;
	v9 =	vadd.f32 v12, v5;
	v12 =	vld [tilespmem:s4+$0x104E0]  }
0x280: {  	[tilespmem:s4+$0x10480] =	vst v8;
	v8 =	vadd.f32 v13, v4;
	v13 =	vld [tilespmem:s4+$0x104F0]  }
0x281: {  	[tilespmem:s4+$0x10490] =	vst v9;
	v9 =	vadd.f32 v14, v3;
	v14 =	vld [tilespmem:s4+$0x12080]  }
0x282: {  	[tilespmem:s4+$0x104A0] =	vst v8;
	v8 =	vadd.f32 v10, v2;
	v10 =	vld [tilespmem:s4+$0x12090]  }
0x283: {  	[tilespmem:s4+$0x104B0] =	vst v9;
	v9 =	vadd.f32 v11, v1;
	v11 =	vld [tilespmem:s4+$0x120A0]  }
0x284: {  	[tilespmem:s4+$0x104C0] =	vst v8;
	v8 =	vadd.f32 v12, v0;
	v12 =	vld [tilespmem:s4+$0x120B0]  }
0x285: {  	[tilespmem:s4+$0x104D0] =	vst v9;
	v9 =	vadd.f32 v13, v6;
	v13 =	vld [tilespmem:s4+$0x120C0]  }
0x286: {  	[tilespmem:s4+$0x104E0] =	vst v8;
	v8 =	vadd.f32 v14, v7;
	v14 =	vld [tilespmem:s4+$0x120D0]  }
0x287: {  	[tilespmem:s4+$0x104F0] =	vst v9;
	v9 =	vadd.f32 v10, v5;
	v15 =	vld [tilespmem:s4+$0x120E0]  }
0x288: {  	[tilespmem:s4+$0x12080] =	vst v8;
	v8 =	vadd.f32 v11, v4;
	v16 =	vld [tilespmem:s4+$0x120F0]  }
0x289: {  	[tilespmem:s4+$0x12090] =	vst v9;
	v9 =	vadd.f32 v12, v3;
	v17 =	vld [tilespmem:s4+$0x13C80]  }
.Ltmp4:
0x28a: {  	[tilespmem:s4+$0x120A0] =	vst v8;
	v11 =	vadd.f32 v13, v2;
	v10 =	vld [tilespmem:s4+$0x13C90];
	(pc) =	sbr.rel @p1 .LBB2_7-.Ltmp4, $4  }
0x28b: {  	[tilespmem:s4+$0x120B0] =	vst v9;
	v9 =	vadd.f32 v14, v1;
	v8 =	vld [tilespmem:s4+$0x13CA0]  }
0x28c: {  	[tilespmem:s4+$0x120C0] =	vst v11;
	v13 =	vadd.f32 v15, v0;
	v11 =	vld [tilespmem:s4+$0x13CB0]  }
0x28d: {  	[tilespmem:s4+$0x120D0] =	vst v9;
	v6 =	vadd.f32 v16, v6;
	v12 =	vld [tilespmem:s4+$0x13CC0]  }
0x28e: {  	s11 =	sadd.s32 $0x400, s11;
	[tilespmem:s4+$0x120E0] =	vst v13;
	v9 =	vadd.f32 v17, v7;
	v7 =	vld [tilespmem:s4+$0x13CD0]  }
0x28f: {  	[tilespmem:s4+$0x120F0] =	vst v6;
	v5 =	vadd.f32 v10, v5;
	v6 =	vld [tilespmem:s4+$0x13CE0]  }
0x290: {  	[tilespmem:s4+$0x13C80] =	vst v9;
	v4 =	vadd.f32 v8, v4  }
0x291: {  	[tilespmem:s4+$0x13C90] =	vst v5;
	v3 =	vadd.f32 v11, v3  }
0x292: {  	[tilespmem:s4+$0x13CA0] =	vst v4;
	v2 =	vadd.f32 v12, v2  }
0x293: {  	[tilespmem:s4+$0x13CB0] =	vst v3;
	v1 =	vadd.f32 v7, v1  }
0x294: {  	[tilespmem:s4+$0x13CC0] =	vst v2;
	v0 =	vadd.f32 v6, v0  }
0x295: {  	[tilespmem:s4+$0x13CD0] =	vst v1  }
0x296: {  	s13 =	sadd.s32 $0x1C00, s0;
	[tilespmem:s4+$0x13CE0] =	vst v0  }
0x297: {  	[hbm4b:s13+s5] =	stream.linear.scatter [tilespmem:s20], [sflag:$0x7], $0x1900, $0x38;
	[tilespmem:$0x1E400] =	vst v63  }
0x298: {  	s11 =	sadd.s32 $0x1F80, s0  }
0x299: {  	[hbm4b:s11+s5] =	stream.linear.scatter [tilespmem:s24], [sflag:$0x7], $0x1900, $0x38;
	[tilespmem:$0x1E400] =	vst v63  }
0x29a: {  	s12 =	sadd.s32 $0x2300, s0  }
0x29b: {  	[hbm4b:s12+s5] =	stream.linear.scatter [tilespmem:s31], [sflag:$0x7], $0x1900, $0x38;
	[tilespmem:$0x1E400] =	vst v63  }
0x29c: {  	s13 =	sadd.s32 $0x2680, s0;
	s0 =	simm.s32 @!p0 $0x6  }
0x29d: {  	[hbm4b:s13+s5] =	stream.linear.scatter [tilespmem:s26], [sflag:$0x7], $0x1900, $0x38;
	[tilespmem:$0x1E400] =	vst v63  }
0x29e: {  	_ =	swait.ge @!p0 [sflag:s0], $0x6400  }
0x29f: {  	s4 =	rddreg [dreg:$0x9]  }
0x2a0: {  	s4 =	sadd.s32 @!p0 s28, s4  }
0x2a1: {  	[sflag:s0] =	ssyncset.done @!p0 $0x0;
	s4 =	sshll.u32 @!p0 s4, $0x6  }
0x2a2: {  	[sflag:s0] =	ssyncadd.s32 @!p0 $0xFFFF9C00;
	s0 =	sand.u32 @!p0 $0x1FFFFF40, s4  }
0x2a3: {  	s11 =	simm.s32 @!p0 $0x200;
	s4 =	simm.s32 @!p0 $0x0;
	s0 =	sadd.s32 @!p0 s1, s0  }
0x2a4: {  	[tilespmem:s11], [sflag:$0x9] =	stream.linear.gather @!p0 [hbm4b:s0+s4], $0x200, $0x38;
	[tilespmem:$0x1E400] =	vst v63  }
0x2a5: {  	s0 =	simm.s32 @!p0 $0x9  }
0x2a6: {  	_ =	swait.ge @!p0 [sflag:s0], $0x200  }
0x2a7: {  	[sflag:s0] =	ssyncset.done @!p0 $0x0  }
0x2a8: {  	s4 =	simm.s32 @!p0 $0x7800;
	[sflag:s0] =	ssyncadd.s32 @!p0 $0xFFFFFE00;
	s0 =	simm.s32 @!p0 $0x32  }
0x2a9: {  	[tilespmem:s4], [sflag:$0x2] =	stream.indirect.gather @!p0 [hbm4b:s2+s0], $0x80, s11, s0, $0xb8;
	[tilespmem:$0x1E400] =	vst v63  }
0x2aa: {  	s4 =	simm.s32 @!p0 $0x280;
	s11 =	simm.s32 @!p0 $0x9400  }
0x2ab: {  	[tilespmem:s11], [sflag:$0x2] =	stream.indirect.gather @!p0 [hbm4b:s2+s0], $0x80, s4, s0, $0xb8;
	[tilespmem:$0x1E400] =	vst v63  }
0x2ac: {  	s4 =	simm.s32 @!p0 $0x300;
	s11 =	simm.s32 @!p0 $0xB000  }
0x2ad: {  	[tilespmem:s11], [sflag:$0x2] =	stream.indirect.gather @!p0 [hbm4b:s2+s0], $0x80, s4, s0, $0xb8;
	[tilespmem:$0x1E400] =	vst v63  }
0x2ae: {  	s4 =	simm.s32 @!p0 $0x380;
	s11 =	simm.s32 @!p0 $0xCC00  }
0x2af: {  	[tilespmem:s11], [sflag:$0x2] =	stream.indirect.gather @!p0 [hbm4b:s2+s0], $0x80, s4, s0, $0xb8;
	[tilespmem:$0x1E400] =	vst v63  }
0x2b0: {  	_ =	swait.ge [sflag:s21], $0x1900  }
0x2b1: {  	[sflag:s21] =	ssyncset.done $0x0  }
0x2b2: {  	[sflag:s21] =	ssyncadd.s32 $0xFFFFE700  }
0x2b3: {  	_ =	swait.ge [sflag:s21], $0x1900  }
0x2b4: {  	[sflag:s21] =	ssyncset.done $0x0  }
0x2b5: {  	[sflag:s21] =	ssyncadd.s32 $0xFFFFE700  }
0x2b6: {  	_ =	swait.ge [sflag:s21], $0x1900  }
0x2b7: {  	[sflag:s21] =	ssyncset.done $0x0  }
0x2b8: {  	[sflag:s21] =	ssyncadd.s32 $0xFFFFE700  }
0x2b9: {  	_ =	swait.ge [sflag:s21], $0x1900  }
0x2ba: {  	[sflag:s21] =	ssyncset.done $0x0  }
0x2bb: {  	s0 =	simm.s32 $0x0;
	[sflag:s21] =	ssyncadd.s32 $0xFFFFE700  }
0x2bc: {  	v15 =	vld [tilespmem:s0+$0x1C800]  }
0x2bd: {  	v13 =	vld [tilespmem:s0+$0x1C810]  }
0x2be: {  	v12 =	vld [tilespmem:s0+$0x1C820]  }
0x2bf: {  	v11 =	vld [tilespmem:s0+$0x1C830]  }
0x2c0: {  	v10 =	vld [tilespmem:s0+$0x1C840]  }
0x2c1: {  	v8 =	vld [tilespmem:s0+$0x1C850]  }
0x2c2: {  	v7 =	vld [tilespmem:s0+$0x1C860]  }
0x2c3: {  	v6 =	vld [tilespmem:s0+$0x1C870]  }
0x2c4: {  	v0 =	vld [tilespmem:s0+$0x15800]  }
0x2c5: {  	v1 =	vld [tilespmem:s0+$0x15810]  }
0x2c6: {  	v2 =	vld [tilespmem:s0+$0x15820]  }
0x2c7: {  	v3 =	vld [tilespmem:s0+$0x15830]  }
0x2c8: {  	v4 =	vld [tilespmem:s0+$0x15840]  }
0x2c9: {  	v5 =	vld [tilespmem:s0+$0x15850]  }
0x2ca: {  	v14 =	vld [tilespmem:s0+$0x15860]  }
0x2cb: {  	v16 =	vld [tilespmem:s0+$0x17400]  }
0x2cc: {  	v17 =	vld [tilespmem:s0+$0x17410]  }
0x2cd: {  	v9 =	vld [tilespmem:s0+$0x1C8F0]  }
0x2ce: {  	v18 =	vld [tilespmem:s0+$0x17420]  }
0x2cf: {  	v19 =	vld [tilespmem:s0+$0x17430]  }
0x2d0: {  	v20 =	vld [tilespmem:s0+$0x17440]  }
0x2d1: {  	v21 =	vld [tilespmem:s0+$0x17450]  }
0x2d2: {  	v22 =	vld [tilespmem:s0+$0x17460];
	v0 =	vadd.f32 v0, v15  }
0x2d3: {  	v23 =	vld [tilespmem:s0+$0x15880];
	v1 =	vadd.f32 v1, v13  }
0x2d4: {  	v24 =	vld [tilespmem:s0+$0x15890];
	v2 =	vadd.f32 v2, v12;
	[tilespmem:s0+$0x15800] =	vst v0  }
0x2d5: {  	v25 =	vld [tilespmem:s0+$0x158A0];
	v16 =	vadd.f32 v16, v15;
	[tilespmem:s0+$0x15810] =	vst v1  }
0x2d6: {  	v26 =	vld [tilespmem:s0+$0x158B0];
	v17 =	vadd.f32 v17, v13;
	[tilespmem:s0+$0x15820] =	vst v2  }
0x2d7: {  	v27 =	vld [tilespmem:s0+$0x158C0];
	v18 =	vadd.f32 v18, v12;
	[tilespmem:s0+$0x17400] =	vst v16  }
0x2d8: {  	v28 =	vld [tilespmem:s0+$0x158D0];
	v19 =	vadd.f32 v19, v11;
	[tilespmem:s0+$0x17410] =	vst v17  }
0x2d9: {  	v57 =	vld [tilespmem:s0+$0x158E0];
	v20 =	vadd.f32 v20, v10;
	[tilespmem:s0+$0x17420] =	vst v18  }
0x2da: {  	v59 =	vld [tilespmem:s0+$0x158F0];
	v21 =	vadd.f32 v21, v8;
	[tilespmem:s0+$0x17430] =	vst v19  }
0x2db: {  	v58 =	vld [tilespmem:s0+$0x17470];
	v22 =	vadd.f32 v22, v7;
	[tilespmem:s0+$0x17440] =	vst v20  }
0x2dc: {  	v40 =	vld [tilespmem:s0+$0x19060];
	v1 =	vadd.f32 v3, v11;
	[tilespmem:s0+$0x17450] =	vst v21  }
0x2dd: {  	v56 =	vld [tilespmem:s0+$0x1AC60];
	v2 =	vadd.f32 v4, v10;
	[tilespmem:s0+$0x17460] =	vst v22  }
0x2de: {  	v0 =	vld [tilespmem:s0+$0x15870];
	v3 =	vadd.f32 v5, v8;
	[tilespmem:s0+$0x15830] =	vst v1  }
0x2df: {  	v5 =	vld [tilespmem:s0+$0x1C890];
	v17 =	vadd.f32 v59, v9;
	[tilespmem:s0+$0x15840] =	vst v2  }
0x2e0: {  	v4 =	vld [tilespmem:s0+$0x1C8A0];
	v2 =	vadd.f32 v14, v7;
	[tilespmem:s0+$0x15850] =	vst v3  }
0x2e1: {  	v63 =	vld [tilespmem:s0+$0x17490];
	[tilespmem:s0+$0x158F0] =	vst v17;
	v17 =	vadd.f32 v40, v7  }
0x2e2: {  	v33 =	vld [tilespmem:s0+$0x174A0];
	v7 =	vadd.f32 v56, v7;
	[tilespmem:s0+$0x15860] =	vst v2  }
0x2e3: {  	v47 =	vld [tilespmem:s0+$0x19090];
	[tilespmem:s0+$0x19060] =	vst v17;
	v0 =	vadd.f32 v0, v6  }
0x2e4: {  	v1 =	vld [tilespmem:s0+$0x1ACF0];
	[tilespmem:s0+$0x1AC60] =	vst v7;
	v24 =	vadd.f32 v24, v5  }
0x2e5: {  	v14 =	vld [tilespmem:s0+$0x1C880];
	v25 =	vadd.f32 v25, v4;
	[tilespmem:s0+$0x15870] =	vst v0  }
0x2e6: {  	v3 =	vld [tilespmem:s0+$0x1C8B0];
	v19 =	vadd.f32 v63, v5;
	[tilespmem:s0+$0x15890] =	vst v24  }
0x2e7: {  	v60 =	vld [tilespmem:s0+$0x19000];
	v20 =	vadd.f32 v33, v4;
	[tilespmem:s0+$0x158A0] =	vst v25  }
0x2e8: {  	v61 =	vld [tilespmem:s0+$0x17480];
	v59 =	vadd.f32 v47, v5;
	[tilespmem:s0+$0x17490] =	vst v19  }
0x2e9: {  	v62 =	vld [tilespmem:s0+$0x19010];
	v1 =	vadd.f32 v1, v9;
	[tilespmem:s0+$0x174A0] =	vst v20  }
0x2ea: {  	v35 =	vld [tilespmem:s0+$0x174B0];
	v23 =	vadd.f32 v23, v14;
	[tilespmem:s0+$0x19090] =	vst v59  }
0x2eb: {  	v44 =	vld [tilespmem:s0+$0x1AC00];
	v26 =	vadd.f32 v26, v3;
	[tilespmem:s0+$0x1ACF0] =	vst v1  }
0x2ec: {  	v46 =	vld [tilespmem:s0+$0x1AC10];
	v24 =	vadd.f32 v60, v15;
	[tilespmem:s0+$0x15880] =	vst v23  }
0x2ed: {  	v49 =	vld [tilespmem:s0+$0x190A0];
	v18 =	vadd.f32 v61, v14;
	[tilespmem:s0+$0x158B0] =	vst v26  }
0x2ee: {  	v52 =	vld [tilespmem:s0+$0x1AC40];
	v25 =	vadd.f32 v62, v13;
	[tilespmem:s0+$0x19000] =	vst v24  }
0x2ef: {  	v2 =	vld [tilespmem:s0+$0x1C8C0];
	v21 =	vadd.f32 v35, v3;
	[tilespmem:s0+$0x17480] =	vst v18  }
0x2f0: {  	v32 =	vld [tilespmem:s0+$0x19020];
	v15 =	vadd.f32 v44, v15;
	[tilespmem:s0+$0x19010] =	vst v25  }
0x2f1: {  	v34 =	vld [tilespmem:s0+$0x19030];
	v13 =	vadd.f32 v46, v13;
	[tilespmem:s0+$0x174B0] =	vst v21  }
0x2f2: {  	v37 =	vld [tilespmem:s0+$0x174C0];
	v60 =	vadd.f32 v49, v4;
	[tilespmem:s0+$0x1AC00] =	vst v15  }
0x2f3: {  	v42 =	vld [tilespmem:s0+$0x19070];
	v62 =	vadd.f32 v52, v10;
	[tilespmem:s0+$0x1AC10] =	vst v13  }
0x2f4: {  	v43 =	vld [tilespmem:s0+$0x174F0];
	v27 =	vadd.f32 v27, v2;
	[tilespmem:s0+$0x190A0] =	vst v60  }
0x2f5: {  	v48 =	vld [tilespmem:s0+$0x1AC20];
	v23 =	vadd.f32 v58, v6;
	[tilespmem:s0+$0x1AC40] =	vst v62  }
0x2f6: {  	v36 =	vld [tilespmem:s0+$0x19040];
	v26 =	vadd.f32 v32, v12;
	[tilespmem:s0+$0x158C0] =	vst v27  }
0x2f7: {  	v50 =	vld [tilespmem:s0+$0x1AC30];
	v22 =	vadd.f32 v37, v2;
	[tilespmem:s0+$0x17470] =	vst v23  }
0x2f8: {  	v51 =	vld [tilespmem:s0+$0x190B0];
	v18 =	vadd.f32 v42, v6;
	[tilespmem:s0+$0x19020] =	vst v26  }
0x2f9: {  	v0 =	vld [tilespmem:s0+$0x1C8E0];
	v25 =	vadd.f32 v43, v9;
	[tilespmem:s0+$0x174C0] =	vst v22  }
0x2fa: {  	v41 =	vld [tilespmem:s0+$0x174E0];
	v12 =	vadd.f32 v48, v12;
	[tilespmem:s0+$0x19070] =	vst v18  }
0x2fb: {  	v45 =	vld [tilespmem:s0+$0x19080];
	v27 =	vadd.f32 v34, v11;
	[tilespmem:s0+$0x174F0] =	vst v25  }
0x2fc: {  	v53 =	vld [tilespmem:s0+$0x190C0];
	v11 =	vadd.f32 v50, v11;
	[tilespmem:s0+$0x1AC20] =	vst v12  }
0x2fd: {  	v54 =	vld [tilespmem:s0+$0x1AC50];
	v12 =	vadd.f32 v51, v3;
	[tilespmem:s0+$0x19030] =	vst v27  }
0x2fe: {  	v1 =	vld [tilespmem:s0+$0x1C8D0];
	v16 =	vadd.f32 v57, v0;
	[tilespmem:s0+$0x1AC30] =	vst v11  }
0x2ff: {  	v38 =	vld [tilespmem:s0+$0x19050];
	v24 =	vadd.f32 v41, v0;
	[tilespmem:s0+$0x190B0] =	vst v12  }
0x300: {  	v39 =	vld [tilespmem:s0+$0x174D0];
	v57 =	vadd.f32 v45, v14;
	[tilespmem:s0+$0x158E0] =	vst v16  }
0x301: {  	v55 =	vld [tilespmem:s0+$0x190D0];
	v11 =	vadd.f32 v53, v2;
	[tilespmem:s0+$0x174E0] =	vst v24  }
0x302: {  	v15 =	vld [tilespmem:s0+$0x190E0];
	v12 =	vadd.f32 v54, v8;
	[tilespmem:s0+$0x19080] =	vst v57  }
0x303: {  	v58 =	vld [tilespmem:s0+$0x1AC70];
	v28 =	vadd.f32 v28, v1;
	[tilespmem:s0+$0x190C0] =	vst v11  }
0x304: {  	v16 =	vadd.f32 v38, v8;
	[tilespmem:s0+$0x1AC50] =	vst v12  }
0x305: {  	v13 =	vld [tilespmem:s0+$0x190F0];
	v23 =	vadd.f32 v39, v1;
	[tilespmem:s0+$0x158D0] =	vst v28  }
0x306: {  	v61 =	vld [tilespmem:s0+$0x1AC80];
	v63 =	vadd.f32 v55, v1;
	[tilespmem:s0+$0x19050] =	vst v16  }
0x307: {  	v15 =	vadd.f32 v15, v0;
	v28 =	vadd.f32 v36, v10;
	[tilespmem:s0+$0x174D0] =	vst v23;
	v10 =	vld [tilespmem:s0+$0x1AC90]  }
0x308: {  	v8 =	vld [tilespmem:s0+$0x1ACA0];
	v6 =	vadd.f32 v58, v6;
	[tilespmem:s0+$0x190D0] =	vst v63  }
0x309: {  	v11 =	vld [tilespmem:s0+$0x1ACB0];
	[tilespmem:s0+$0x190E0] =	vst v15  }
0x30a: {  	v12 =	vld [tilespmem:s0+$0x1ACC0];
	[tilespmem:s0+$0x1AC70] =	vst v6;
	v6 =	vadd.f32 v13, v9  }
0x30b: {  	s4 =	simm.s32 $0x0;
	s11 =	simm.s32 $0x400;
	v7 =	vld [tilespmem:s0+$0x1ACD0];
	v9 =	vadd.f32 v61, v14;
	[tilespmem:s0+$0x19040] =	vst v28  }
.LBB2_9:
0x30c: {  	s12 =	sshra.s32 s11, $0x2;
	[tilespmem:s0+$0x190F0] =	vst v6;
	v5 =	vadd.f32 v10, v5;
	v10 =	vld [tilespmem:s0+$0x1ACE0]  }
0x30d: {  	s4 =	sadd.s32 $0x2, s4;
	v6 =	vld [tilespmem:s12+$0x1C8F0];
	[tilespmem:s0+$0x1AC80] =	vst v9;
	v4 =	vadd.f32 v8, v4  }
0x30e: {  	p1 =	slt.u32 s4, $0x30;
	v8 =	vld [tilespmem:s12+$0x1ACF0];
	[tilespmem:s0+$0x1AC90] =	vst v5;
	v5 =	vadd.f32 v11, v3  }
0x30f: {  	v3 =	vld [tilespmem:s12+$0x1C800];
	[tilespmem:s0+$0x1ACA0] =	vst v4;
	v2 =	vadd.f32 v12, v2  }
0x310: {  	v4 =	vld [tilespmem:s12+$0x1C810];
	[tilespmem:s0+$0x1ACB0] =	vst v5;
	v1 =	vadd.f32 v7, v1  }
0x311: {  	v5 =	vld [tilespmem:s12+$0x1C820];
	[tilespmem:s0+$0x1ACC0] =	vst v2;
	v0 =	vadd.f32 v10, v0  }
0x312: {  	v7 =	vld [tilespmem:s12+$0x1C830];
	[tilespmem:s0+$0x1ACD0] =	vst v1  }
0x313: {  	v2 =	vld [tilespmem:s12+$0x1C840];
	v9 =	vadd.f32 v8, v6;
	[tilespmem:s0+$0x1ACE0] =	vst v0;
	s0 =	smov.u32 s12  }
0x314: {  	v8 =	vld [tilespmem:s0+$0x1C850]  }
0x315: {  	v1 =	vld [tilespmem:s0+$0x1C860];
	[tilespmem:s0+$0x1ACF0] =	vst v9  }
0x316: {  	v0 =	vld [tilespmem:s0+$0x1C870]  }
0x317: {  	v9 =	vld [tilespmem:s0+$0x15800]  }
0x318: {  	v10 =	vld [tilespmem:s0+$0x15810]  }
0x319: {  	v11 =	vld [tilespmem:s0+$0x15820]  }
0x31a: {  	v12 =	vld [tilespmem:s0+$0x15830]  }
0x31b: {  	v13 =	vld [tilespmem:s0+$0x15840]  }
0x31c: {  	v9 =	vadd.f32 v9, v3;
	v14 =	vld [tilespmem:s0+$0x15850]  }
0x31d: {  	v10 =	vadd.f32 v10, v4;
	v15 =	vld [tilespmem:s0+$0x15860]  }
0x31e: {  	[tilespmem:s0+$0x15800] =	vst v9;
	v9 =	vadd.f32 v11, v5;
	v11 =	vld [tilespmem:s0+$0x15870]  }
0x31f: {  	[tilespmem:s0+$0x15810] =	vst v10;
	v10 =	vadd.f32 v12, v7;
	v12 =	vld [tilespmem:s0+$0x17400]  }
0x320: {  	[tilespmem:s0+$0x15820] =	vst v9;
	v9 =	vadd.f32 v13, v2;
	v13 =	vld [tilespmem:s0+$0x17410]  }
0x321: {  	[tilespmem:s0+$0x15830] =	vst v10;
	v10 =	vadd.f32 v14, v8;
	v14 =	vld [tilespmem:s0+$0x17420]  }
0x322: {  	[tilespmem:s0+$0x15840] =	vst v9;
	v9 =	vadd.f32 v15, v1;
	v15 =	vld [tilespmem:s0+$0x17430]  }
0x323: {  	[tilespmem:s0+$0x15850] =	vst v10;
	v10 =	vadd.f32 v11, v0;
	v11 =	vld [tilespmem:s0+$0x17440]  }
0x324: {  	[tilespmem:s0+$0x15860] =	vst v9;
	v9 =	vadd.f32 v12, v3;
	v12 =	vld [tilespmem:s0+$0x17450]  }
0x325: {  	[tilespmem:s0+$0x15870] =	vst v10;
	v10 =	vadd.f32 v13, v4;
	v13 =	vld [tilespmem:s0+$0x17460]  }
0x326: {  	[tilespmem:s0+$0x17400] =	vst v9;
	v9 =	vadd.f32 v14, v5;
	v14 =	vld [tilespmem:s0+$0x17470]  }
0x327: {  	[tilespmem:s0+$0x17410] =	vst v10;
	v10 =	vadd.f32 v15, v7;
	v15 =	vld [tilespmem:s0+$0x19000]  }
0x328: {  	[tilespmem:s0+$0x17420] =	vst v9;
	v9 =	vadd.f32 v11, v2;
	v11 =	vld [tilespmem:s0+$0x19010]  }
0x329: {  	[tilespmem:s0+$0x17430] =	vst v10;
	v10 =	vadd.f32 v12, v8;
	v12 =	vld [tilespmem:s0+$0x19020]  }
0x32a: {  	[tilespmem:s0+$0x17440] =	vst v9;
	v9 =	vadd.f32 v13, v1;
	v13 =	vld [tilespmem:s0+$0x19030]  }
0x32b: {  	[tilespmem:s0+$0x17450] =	vst v10;
	v10 =	vadd.f32 v14, v0;
	v14 =	vld [tilespmem:s0+$0x19040]  }
0x32c: {  	[tilespmem:s0+$0x17460] =	vst v9;
	v9 =	vadd.f32 v15, v3;
	v15 =	vld [tilespmem:s0+$0x19050]  }
0x32d: {  	[tilespmem:s0+$0x17470] =	vst v10;
	v10 =	vadd.f32 v11, v4;
	v11 =	vld [tilespmem:s0+$0x19060]  }
0x32e: {  	[tilespmem:s0+$0x19000] =	vst v9;
	v9 =	vadd.f32 v12, v5;
	v12 =	vld [tilespmem:s0+$0x19070]  }
0x32f: {  	[tilespmem:s0+$0x19010] =	vst v10;
	v10 =	vadd.f32 v13, v7;
	v13 =	vld [tilespmem:s0+$0x1AC00]  }
0x330: {  	[tilespmem:s0+$0x19020] =	vst v9;
	v9 =	vadd.f32 v14, v2;
	v14 =	vld [tilespmem:s0+$0x1AC10]  }
0x331: {  	[tilespmem:s0+$0x19030] =	vst v10;
	v10 =	vadd.f32 v15, v8;
	v15 =	vld [tilespmem:s0+$0x1AC20]  }
0x332: {  	[tilespmem:s0+$0x19040] =	vst v9;
	v9 =	vadd.f32 v11, v1;
	v11 =	vld [tilespmem:s0+$0x1AC30]  }
0x333: {  	[tilespmem:s0+$0x19050] =	vst v10;
	v10 =	vadd.f32 v12, v0;
	v12 =	vld [tilespmem:s0+$0x1AC40]  }
0x334: {  	[tilespmem:s0+$0x19060] =	vst v9;
	v3 =	vadd.f32 v13, v3;
	v9 =	vld [tilespmem:s0+$0x1AC50]  }
0x335: {  	[tilespmem:s0+$0x19070] =	vst v10;
	v4 =	vadd.f32 v14, v4;
	v10 =	vld [tilespmem:s0+$0x1AC60]  }
0x336: {  	[tilespmem:s0+$0x1AC00] =	vst v3;
	v3 =	vadd.f32 v15, v5;
	v13 =	vld [tilespmem:s0+$0x1AC70]  }
0x337: {  	[tilespmem:s0+$0x1AC10] =	vst v4;
	v4 =	vadd.f32 v11, v7;
	v7 =	vld [tilespmem:s0+$0x1C880]  }
0x338: {  	[tilespmem:s0+$0x1AC20] =	vst v3;
	v2 =	vadd.f32 v12, v2;
	v5 =	vld [tilespmem:s0+$0x1C890]  }
0x339: {  	[tilespmem:s0+$0x1AC30] =	vst v4;
	v8 =	vadd.f32 v9, v8;
	v4 =	vld [tilespmem:s0+$0x1C8A0]  }
0x33a: {  	[tilespmem:s0+$0x1AC40] =	vst v2;
	v1 =	vadd.f32 v10, v1;
	v3 =	vld [tilespmem:s0+$0x1C8B0]  }
0x33b: {  	[tilespmem:s0+$0x1AC50] =	vst v8;
	v0 =	vadd.f32 v13, v0;
	v2 =	vld [tilespmem:s0+$0x1C8C0]  }
0x33c: {  	[tilespmem:s0+$0x1AC60] =	vst v1;
	v1 =	vld [tilespmem:s0+$0x1C8D0]  }
0x33d: {  	[tilespmem:s0+$0x1AC70] =	vst v0;
	v0 =	vld [tilespmem:s0+$0x1C8E0]  }
0x33e: {  	v8 =	vld [tilespmem:s0+$0x15880]  }
0x33f: {  	v9 =	vld [tilespmem:s0+$0x15890]  }
0x340: {  	v10 =	vld [tilespmem:s0+$0x158A0]  }
0x341: {  	v11 =	vld [tilespmem:s0+$0x158B0]  }
0x342: {  	v12 =	vld [tilespmem:s0+$0x158C0]  }
0x343: {  	v8 =	vadd.f32 v8, v7;
	v13 =	vld [tilespmem:s0+$0x158D0]  }
0x344: {  	v9 =	vadd.f32 v9, v5;
	v14 =	vld [tilespmem:s0+$0x158E0]  }
0x345: {  	[tilespmem:s0+$0x15880] =	vst v8;
	v8 =	vadd.f32 v10, v4;
	v10 =	vld [tilespmem:s0+$0x158F0]  }
0x346: {  	[tilespmem:s0+$0x15890] =	vst v9;
	v9 =	vadd.f32 v11, v3;
	v11 =	vld [tilespmem:s0+$0x17480]  }
0x347: {  	[tilespmem:s0+$0x158A0] =	vst v8;
	v8 =	vadd.f32 v12, v2;
	v12 =	vld [tilespmem:s0+$0x17490]  }
0x348: {  	[tilespmem:s0+$0x158B0] =	vst v9;
	v9 =	vadd.f32 v13, v1;
	v13 =	vld [tilespmem:s0+$0x174A0]  }
0x349: {  	[tilespmem:s0+$0x158C0] =	vst v8;
	v8 =	vadd.f32 v14, v0;
	v14 =	vld [tilespmem:s0+$0x174B0]  }
0x34a: {  	[tilespmem:s0+$0x158D0] =	vst v9;
	v9 =	vadd.f32 v10, v6;
	v10 =	vld [tilespmem:s0+$0x174C0]  }
0x34b: {  	[tilespmem:s0+$0x158E0] =	vst v8;
	v8 =	vadd.f32 v11, v7;
	v11 =	vld [tilespmem:s0+$0x174D0]  }
0x34c: {  	[tilespmem:s0+$0x158F0] =	vst v9;
	v9 =	vadd.f32 v12, v5;
	v12 =	vld [tilespmem:s0+$0x174E0]  }
0x34d: {  	[tilespmem:s0+$0x17480] =	vst v8;
	v8 =	vadd.f32 v13, v4;
	v13 =	vld [tilespmem:s0+$0x174F0]  }
0x34e: {  	[tilespmem:s0+$0x17490] =	vst v9;
	v9 =	vadd.f32 v14, v3;
	v14 =	vld [tilespmem:s0+$0x19080]  }
0x34f: {  	[tilespmem:s0+$0x174A0] =	vst v8;
	v8 =	vadd.f32 v10, v2;
	v10 =	vld [tilespmem:s0+$0x19090]  }
0x350: {  	[tilespmem:s0+$0x174B0] =	vst v9;
	v9 =	vadd.f32 v11, v1;
	v11 =	vld [tilespmem:s0+$0x190A0]  }
0x351: {  	[tilespmem:s0+$0x174C0] =	vst v8;
	v8 =	vadd.f32 v12, v0;
	v12 =	vld [tilespmem:s0+$0x190B0]  }
0x352: {  	[tilespmem:s0+$0x174D0] =	vst v9;
	v9 =	vadd.f32 v13, v6;
	v13 =	vld [tilespmem:s0+$0x190C0]  }
0x353: {  	[tilespmem:s0+$0x174E0] =	vst v8;
	v8 =	vadd.f32 v14, v7;
	v14 =	vld [tilespmem:s0+$0x190D0]  }
0x354: {  	[tilespmem:s0+$0x174F0] =	vst v9;
	v9 =	vadd.f32 v10, v5;
	v15 =	vld [tilespmem:s0+$0x190E0]  }
0x355: {  	[tilespmem:s0+$0x19080] =	vst v8;
	v8 =	vadd.f32 v11, v4;
	v16 =	vld [tilespmem:s0+$0x190F0]  }
0x356: {  	[tilespmem:s0+$0x19090] =	vst v9;
	v9 =	vadd.f32 v12, v3;
	v17 =	vld [tilespmem:s0+$0x1AC80]  }
.Ltmp5:
0x357: {  	[tilespmem:s0+$0x190A0] =	vst v8;
	v11 =	vadd.f32 v13, v2;
	v10 =	vld [tilespmem:s0+$0x1AC90];
	(pc) =	sbr.rel @p1 .LBB2_9-.Ltmp5, $4  }
0x358: {  	[tilespmem:s0+$0x190B0] =	vst v9;
	v9 =	vadd.f32 v14, v1;
	v8 =	vld [tilespmem:s0+$0x1ACA0]  }
0x359: {  	[tilespmem:s0+$0x190C0] =	vst v11;
	v13 =	vadd.f32 v15, v0;
	v11 =	vld [tilespmem:s0+$0x1ACB0]  }
0x35a: {  	[tilespmem:s0+$0x190D0] =	vst v9;
	v6 =	vadd.f32 v16, v6;
	v12 =	vld [tilespmem:s0+$0x1ACC0]  }
0x35b: {  	s11 =	sadd.s32 $0x400, s11;
	[tilespmem:s0+$0x190E0] =	vst v13;
	v9 =	vadd.f32 v17, v7;
	v7 =	vld [tilespmem:s0+$0x1ACD0]  }
0x35c: {  	[tilespmem:s0+$0x190F0] =	vst v6;
	v5 =	vadd.f32 v10, v5;
	v63 =	vld [tilespmem:s0+$0x1ACE0]  }
0x35d: {  	[tilespmem:s0+$0x1AC80] =	vst v9;
	v4 =	vadd.f32 v8, v4  }
0x35e: {  	[tilespmem:s0+$0x1AC90] =	vst v5;
	v3 =	vadd.f32 v11, v3  }
0x35f: {  	[tilespmem:s0+$0x1ACA0] =	vst v4;
	v2 =	vadd.f32 v12, v2  }
0x360: {  	[tilespmem:s0+$0x1ACB0] =	vst v3;
	v1 =	vadd.f32 v7, v1  }
0x361: {  	s4 =	smul.u32 $0xE00, s30;
	[tilespmem:s0+$0x1ACC0] =	vst v2;
	v0 =	vadd.f32 v63, v0  }
0x362: {  	[tilespmem:s0+$0x1ACD0] =	vst v1  }
0x363: {  	s13 =	sadd.s32 s6, s4;
	[tilespmem:s0+$0x1ACE0] =	vst v0  }
0x364: {  	[hbm4b:s13+s5] =	stream.linear.scatter [tilespmem:s14], [sflag:$0x8], $0x1900, $0x38;
	[tilespmem:$0x1E400] =	vst v63  }
0x365: {  	s4 =	sadd.s32 $0x380, s13  }
0x366: {  	[hbm4b:s4+s5] =	stream.linear.scatter [tilespmem:s22], [sflag:$0x8], $0x1900, $0x38;
	[tilespmem:$0x1E400] =	vst v63  }
.Ltmp6:
0x367: {  	_ = 	snop;
	(pc) =	sbr.rel @p0 .LBB2_12-.Ltmp6, $4  }
0x368: {  	s30 =	sadd.s32 $0x700, s13  }
0x369: {  	[hbm4b:s30+s5] =	stream.linear.scatter [tilespmem:s3], [sflag:$0x8], $0x1900, $0x38;
	[tilespmem:$0x1E400] =	vst v63  }
0x36a: {  	s0 =	sadd.s32 $0xA80, s13  }
0x36b: {  	[hbm4b:s0+s5] =	stream.linear.scatter [tilespmem:s29], [sflag:$0x8], $0x1900, $0x38;
	[tilespmem:$0x1E400] =	vst v63  }
0x36c: {  	s0 =	rddreg [dreg:$0xa]  }
0x36d: {  	s0 =	sadd.s32 s28, s0  }
0x36e: {  	_ =	swait.ge [sflag:s23], $0x6400;
	s0 =	sshll.u32 s0, $0x6  }
0x36f: {  	[sflag:s23] =	ssyncset.done $0x0;
	s0 =	sand.u32 $0x1FFFFF80, s0  }
0x370: {  	[sflag:s23] =	ssyncadd.s32 $0xFFFF9C00;
	s0 =	sadd.s32 s1, s0  }
0x371: {  	[tilespmem:s16], [sflag:$0x9] =	stream.linear.gather [hbm4b:s0+s5], $0x200, $0x38;
	[tilespmem:$0x1E400] =	vst v63  }
0x372: {  	_ =	swait.ge [sflag:s17], $0x200  }
0x373: {  	[sflag:s17] =	ssyncset.done $0x0  }
0x374: {  	[sflag:s17] =	ssyncadd.s32 $0xFFFFFE00  }
0x375: {  	[tilespmem:s20], [sflag:$0x3] =	stream.indirect.gather [hbm4b:s2+s18], $0x80, s16, s18, $0xb8;
	[tilespmem:$0x1E400] =	vst v63  }
0x376: {  	s13 =	simm.s32 $0x480  }
0x377: {  	[tilespmem:s24], [sflag:$0x3] =	stream.indirect.gather [hbm4b:s2+s18], $0x80, s13, s18, $0xb8;
	[tilespmem:$0x1E400] =	vst v63  }
.Ltmp7:
0x378: {  	_ = 	snop;
	(pc) =	sbr.rel .LBB2_2-.Ltmp7, $4  }
0x379: {  	s28 =	simm.s32 $0x500  }
0x37a: {  	[tilespmem:s31], [sflag:$0x3] =	stream.indirect.gather [hbm4b:s2+s18], $0x80, s28, s18, $0xb8;
	[tilespmem:$0x1E400] =	vst v63  }
0x37b: {  	s30 =	simm.s32 $0x580;
	s25 =	sadd.s32 $0x1, s25  }
0x37c: {  	[tilespmem:s26], [sflag:$0x3] =	stream.indirect.gather [hbm4b:s2+s18], $0x80, s30, s18, $0xb8;
	[tilespmem:$0x1E400] =	vst v63  }
.LBB2_13:
0x37d: {  	_ =	sfence.sel $0x180000  }
0x37e: {  	[bflag:$0x0] =	sbarrier.arrive $0xFFFF  }
0x37f: {  	_ =	strace $0x90000047  }
0x380: {  	s0 =	stileid.u32;
	[bflag:$0x2] =	sbarrier.arrive $0xFFFF  }
0x381: {  	p0 =	sne.s32 s0, $0x0;
	s0 =	rddreg [dreg:$0x4]  }
0x382: {  	s0 =	sadd.s32 @!p0 $0x100000, s0  }
0x383: {  	[sflag:s0] =	ssyncadd.tile.s32 @!p0 $0x1;
	_ =	shalt  }
.Lfunc_end2:
_tile_overlayer_lowered:
.L_overlay_start_2:
0x384: {  	(tag) =	ssettag $0x2  }
0x385: {  	s0 =	rddreg [dreg:$0x0];
	s2 =	stileid.u32  }
0x386: {  	s1 =	rddreg [dreg:$0x1];
	p0 =	sne.s32 s2, $0x0  }
0x387: {  	s3 =	rddreg [dreg:$0x2];
	[bflag:$0x3] =	sbarrier.arrive $0xFFFF;
	s2 =	simm.s32 @!p0 $0x1C09  }
0x388: {  	[timem:s3], [sflag:s2] =	dma.local @!p0 [hbm:s0], s1  }
0x389: {  	s0 =	simm.s32 @!p0 $0x9  }
0x38a: {  	_ =	swait.ge @!p0 [sflag:s0], s1  }
0x38b: {  	s1 =	ssub.s32 @!p0 $0x0, s1;
	[sflag:s0] =	ssyncset.done @!p0 $0x0  }
0x38c: {  	[sflag:s0] =	ssyncadd.s32 @!p0 s1  }
0x38d: {  	[bflag:$0x3] =	sbarrier.arrive $0xFFFF  }
0x38e: {  	_ =	shalt  }

</sc_bundles>
